<compile_context>
chip_gen: v7x
topology: tpu7x:2x2x1
jax: 0.10.2.dev20260603
libtpu: 0.0.44.dev20260713+nightly
codegen_flags: <defaults>
</compile_context>

<pallas_src>
import functools

import jax
import jax.numpy as jnp
from jax import lax
from jax.experimental import pallas as pl
from jax.experimental.pallas import tpu as pltpu
from jax.experimental.pallas import tpu_sc as plsc

N = 10000
E = 320000
F_IN = 128
H = 128
C = 40
CP = 48
NPAD = 10240
NTILE = 32
K = 128
CHUNKS = 80
KM1, CM1, NBUF1 = 48, 216, 4
KM2, CM2, NBUF2 = 96, 108, 4
RPT = NPAD // 16

_SC_PARAMS = pltpu.CompilerParams(use_tc_tiling_on_sc=False)


@functools.cache
def _mesh():
    return plsc.VectorSubcoreMesh(core_axis_name="c", subcore_axis_name="s")


def _zero_rows(buf, nrows, ncols):
    def zb(r, carry):
        for c in range(ncols // 16):
            buf[r, pl.ds(c * 16, 16)] = jnp.zeros((16,), jnp.float32)
        return carry

    lax.fori_loop(0, nrows, zb, 0)


def _pipeline(nchunks, srcv, dstv, tab_hbm, acc, bufs, gsems, ssems):
    NBUF = len(bufs)
    assert nchunks % NBUF == 0 and nchunks >= 3 * NBUF

    def g_start(j, p):
        pltpu.async_copy(tab_hbm.at[srcv.at[j]], bufs[p], gsems[p])

    def g_wait(j, p):
        pltpu.make_async_copy(tab_hbm.at[srcv.at[j]], bufs[p],
                              gsems[p]).wait()

    def s_start(j, p):
        pltpu.async_copy(bufs[p], acc.at[dstv.at[j]], ssems[p], add=True)

    def s_wait(j, p):
        pltpu.make_async_copy(bufs[p], acc.at[dstv.at[j]], ssems[p]).wait()

    LA = NBUF - 1

    def iter_full(j, p):
        g_wait(j, p)
        s_wait(j - 1, (p - 1) % NBUF)
        s_start(j, p)
        g_start(j + LA, (p + LA) % NBUF)

    for p in range(LA):
        g_start(p, p)
    g_wait(0, 0); s_start(0, 0); g_start(LA, LA)
    for j in range(1, NBUF):
        iter_full(j, j % NBUF)

    def step(g, carry):
        j0 = NBUF * g
        for r in range(NBUF):
            iter_full(j0 + r, r)
        return carry

    lax.fori_loop(1, nchunks // NBUF - 2, step, 0)
    for j in range(nchunks - 2 * NBUF, nchunks):
        p = j % NBUF
        if j + LA < nchunks:
            iter_full(j, p)
        else:
            g_wait(j, p); s_wait(j - 1, (p - 1) % NBUF); s_start(j, p)
    s_wait(nchunks - 1, (nchunks - 1) % NBUF)


def _degrees_call(src_t, dst_t):

    def body(src_hbm, dst_hbm, degi_hbm, dego_hbm, srcv, dstv, onesv, zbuf,
             acc_i, acc_o, *sems):
        semi = sems[:4]
        semo = sems[4:]
        cid = lax.axis_index("c")
        sid = lax.axis_index("s")
        wid = cid * 16 + sid
        pltpu.sync_copy(src_hbm.at[wid], srcv)
        pltpu.sync_copy(dst_hbm.at[wid], dstv)
        for i in range(K // 16):
            onesv[pl.ds(i * 16, 16)] = jnp.full((16,), 1.0, jnp.float32)

        def zb(i, carry):
            zbuf[pl.ds(i * 16, 16)] = jnp.zeros((16,), jnp.float32)
            return carry

        lax.fori_loop(0, RPT // 16, zb, 0)
        pltpu.sync_copy(zbuf, acc_i.at[pl.ds(sid * RPT, RPT)])
        pltpu.sync_copy(zbuf, acc_o.at[pl.ds(sid * RPT, RPT)])
        plsc.subcore_barrier()

        def di_start(j, r):
            pltpu.async_copy(onesv, acc_i.at[dstv.at[j]], semi[r], add=True)

        def di_wait(j, r):
            pltpu.make_async_copy(onesv, acc_i.at[dstv.at[j]],
                                  semi[r]).wait()

        def do_start(j, r):
            pltpu.async_copy(onesv, acc_o.at[srcv.at[j]], semo[r], add=True)

        def do_wait(j, r):
            pltpu.make_async_copy(onesv, acc_o.at[srcv.at[j]],
                                  semo[r]).wait()

        for r in range(4):
            di_start(r, r)
            do_start(r, r)

        def chunk(g, carry):
            j0 = 4 * g
            for r in range(4):
                di_wait(j0 + r - 4, r)
                do_wait(j0 + r - 4, r)
                di_start(j0 + r, r)
                do_start(j0 + r, r)
            return carry

        lax.fori_loop(1, CHUNKS // 4, chunk, 0)
        for r in range(4):
            di_wait(CHUNKS - 4 + r, r)
            do_wait(CHUNKS - 4 + r, r)
        plsc.subcore_barrier()
        sl = pl.ds(sid * RPT, RPT)
        pltpu.sync_copy(acc_i.at[sl], zbuf)
        pltpu.sync_copy(zbuf, degi_hbm.at[cid, sl])
        pltpu.sync_copy(acc_o.at[sl], zbuf)
        pltpu.sync_copy(zbuf, dego_hbm.at[cid, sl])

    f = pl.kernel(
        body,
        out_type=(jax.ShapeDtypeStruct((2, NPAD), jnp.float32),
                  jax.ShapeDtypeStruct((2, NPAD), jnp.float32)),
        mesh=_mesh(),
        scratch_types=[
            pltpu.VMEM((CHUNKS, K), jnp.int32),
            pltpu.VMEM((CHUNKS, K), jnp.int32),
            pltpu.VMEM((K,), jnp.float32),
            pltpu.VMEM((RPT,), jnp.float32),
            pltpu.VMEM_SHARED((NPAD,), jnp.float32),
            pltpu.VMEM_SHARED((NPAD,), jnp.float32),
        ] + [pltpu.SemaphoreType.DMA] * 8,
    )
    return f(src_t, dst_t)


def _msgpass_edge_split(tab, src_t, dst_t, width, km, cm, nbuf, params):

    ex_chunks = [(t * km, km) for t in range(RPT // km)]
    if RPT % km:
        ex_chunks.append((RPT - RPT % km, RPT % km))

    def body(tab_hbm, src_hbm, dst_hbm, out_hbm, srcv, dstv, *rest):
        bufs = rest[:nbuf]
        acc = rest[nbuf]
        gsems = rest[nbuf + 1:2 * nbuf + 1]
        ssems = rest[2 * nbuf + 1:]
        b0 = bufs[0]
        cid = lax.axis_index("c")
        sid = lax.axis_index("s")
        wid = cid * 16 + sid
        pltpu.sync_copy(src_hbm.at[wid], srcv)
        pltpu.sync_copy(dst_hbm.at[wid], dstv)
        _zero_rows(b0, km, width)
        for t0, n in ex_chunks:
            pltpu.sync_copy(b0.at[pl.ds(0, n)],
                            acc.at[pl.ds(sid * RPT + t0, n)])
        plsc.subcore_barrier()
        _pipeline(cm, srcv, dstv, tab_hbm, acc, bufs, gsems, ssems)
        plsc.subcore_barrier()
        for t0, n in ex_chunks:
            sl = pl.ds(sid * RPT + t0, n)
            pltpu.sync_copy(acc.at[sl], b0.at[pl.ds(0, n)])
            pltpu.sync_copy(b0.at[pl.ds(0, n)], out_hbm.at[cid, sl])

    f = pl.kernel(
        body,
        out_type=jax.ShapeDtypeStruct((2, NPAD, width), jnp.float32),
        mesh=_mesh(),
        scratch_types=(
            [pltpu.VMEM((cm, km), jnp.int32),
             pltpu.VMEM((cm, km), jnp.int32)]
            + [pltpu.VMEM((km, width), jnp.float32)] * nbuf
            + [pltpu.VMEM_SHARED((NPAD, width), jnp.float32)]
            + [pltpu.SemaphoreType.DMA] * (2 * nbuf)
        ),
        compiler_params=params,
    )
    return f(tab, src_t, dst_t)


def _mm_scale(x_pad, W1, dego0, dego1):

    def body(x_ref, w_ref, d0, d1, o_ref):
        dinv = lax.rsqrt(d0[...] + d1[...] + 1.0)
        o_ref[...] = jnp.dot(x_ref[...], w_ref[...],
                             preferred_element_type=jnp.float32) * dinv

    return pl.pallas_call(
        body,
        grid=(NPAD // 1024,),
        in_specs=[
            pl.BlockSpec((1024, F_IN), lambda i: (i, 0)),
            pl.BlockSpec((F_IN, H), lambda i: (0, 0)),
            pl.BlockSpec((1024, 1), lambda i: (i, 0)),
            pl.BlockSpec((1024, 1), lambda i: (i, 0)),
        ],
        out_specs=pl.BlockSpec((1024, H), lambda i: (i, 0)),
        out_shape=jax.ShapeDtypeStruct((NPAD, H), jnp.float32),
    )(x_pad, W1, dego0, dego1)


def _mid(p0, p1, degi0, degi1, dego0, dego1, b1, W2p):

    def body(p0_ref, p1_ref, di0, di1, do0, do1, b_ref, w_ref, o_ref):
        dinv_i = lax.rsqrt(di0[...] + di1[...] + 1.0)
        a = (p0_ref[...] + p1_ref[...]) * dinv_i + b_ref[...]
        h = jnp.maximum(a, 0.0)
        dinv_o = lax.rsqrt(do0[...] + do1[...] + 1.0)
        o_ref[...] = jnp.dot(h, w_ref[...],
                             preferred_element_type=jnp.float32) * dinv_o

    return pl.pallas_call(
        body,
        grid=(NPAD // 1024,),
        in_specs=[
            pl.BlockSpec((1024, H), lambda i: (i, 0)),
            pl.BlockSpec((1024, H), lambda i: (i, 0)),
            pl.BlockSpec((1024, 1), lambda i: (i, 0)),
            pl.BlockSpec((1024, 1), lambda i: (i, 0)),
            pl.BlockSpec((1024, 1), lambda i: (i, 0)),
            pl.BlockSpec((1024, 1), lambda i: (i, 0)),
            pl.BlockSpec((1, H), lambda i: (0, 0)),
            pl.BlockSpec((H, CP), lambda i: (0, 0)),
        ],
        out_specs=pl.BlockSpec((1024, CP), lambda i: (i, 0)),
        out_shape=jax.ShapeDtypeStruct((NPAD, CP), jnp.float32),
    )(p0, p1, degi0, degi1, dego0, dego1, b1, W2p)


def _final(q0, q1, degi0, degi1, b2):

    def body(q0_ref, q1_ref, di0, di1, b_ref, o_ref):
        dinv_i = lax.rsqrt(di0[...] + di1[...] + 1.0)
        z = (q0_ref[...] + q1_ref[...])[:, :C] * dinv_i + b_ref[...]
        m = jnp.max(z, axis=1, keepdims=True)
        e = jnp.exp(z - m)
        s = jnp.sum(e, axis=1, keepdims=True)
        o_ref[...] = z - m - jnp.log(s)

    return pl.pallas_call(
        body,
        grid=(10,),
        in_specs=[
            pl.BlockSpec((1000, CP), lambda i: (i, 0)),
            pl.BlockSpec((1000, CP), lambda i: (i, 0)),
            pl.BlockSpec((1000, 1), lambda i: (i, 0)),
            pl.BlockSpec((1000, 1), lambda i: (i, 0)),
            pl.BlockSpec((1, C), lambda i: (0, 0)),
        ],
        out_specs=pl.BlockSpec((1000, C), lambda i: (i, 0)),
        out_shape=jax.ShapeDtypeStruct((N, C), jnp.float32),
    )(q0, q1, degi0, degi1, b2)


def kernel(x, adj, nodes, epoch, W1, b1, W2, b2):
    src = adj[0]
    dst = adj[1]
    ept = E // NTILE

    def shard(idx, chunks, k):
        npad_e = chunks * k - ept
        pad = (jnp.arange(npad_e, dtype=jnp.int32) % (NPAD - N) + N)[None, :]
        pad = jnp.broadcast_to(pad, (NTILE, npad_e))
        t = jnp.concatenate([idx.reshape(NTILE, ept), pad], axis=1)
        return t.reshape(NTILE, chunks, k)

    src_t = shard(src, CHUNKS, K)
    dst_t = shard(dst, CHUNKS, K)
    src_m1 = shard(src, CM1, KM1)
    dst_m1 = shard(dst, CM1, KM1)
    src_m2 = shard(src, CM2, KM2)
    dst_m2 = shard(dst, CM2, KM2)

    x_pad = jnp.pad(x, ((0, NPAD - N), (0, 0)))
    W2p = jnp.pad(W2, ((0, 0), (0, CP - C)))

    degi_p, dego_p = _degrees_call(src_t, dst_t)
    degi0 = degi_p[0].reshape(NPAD, 1)
    degi1 = degi_p[1].reshape(NPAD, 1)
    dego0 = dego_p[0].reshape(NPAD, 1)
    dego1 = dego_p[1].reshape(NPAD, 1)

    h1s = _mm_scale(x_pad, W1, dego0, dego1)
    p = _msgpass_edge_split(h1s, src_m1, dst_m1, H, KM1, CM1, NBUF1,
                            _SC_PARAMS)
    h2s = _mid(p[0], p[1], degi0, degi1, dego0, dego1, b1, W2p)
    q = _msgpass_edge_split(h2s, src_m2, dst_m2, CP, KM2, CM2, NBUF2,
                            _SC_PARAMS)
    return _final(q[0], q[1], degi0, degi1, b2)

# --- scband reference (transcript-rebuilt; emitter-appended) ---
"""Pipeline reference for scband-gcn-75917841924646 (READ-ONLY COPY).

The authoritative reference and input builder live on the scoring server;
editing this copy changes nothing except your own understanding.
"""

import jax, jax.numpy as jnp
import numpy as np

N = 10000
E = 320000
F_IN = 128
H = 128
C = 40

def _xavier(key, shape):
    fan_in, fan_out = shape[0], shape[-1]
    std = float(np.sqrt(2.0 / (fan_in + fan_out)))
    return jax.random.normal(key, shape, dtype=jnp.float32) * std

def setup_inputs(seed: int = 0) -> dict:
    key = jax.random.key(seed)
    ks = jax.random.split(key, 6)
    x = jax.random.normal(ks[0], (N, F_IN), dtype=jnp.float32)
    adj = jax.random.randint(ks[1], (2, E), 0, N, dtype=jnp.int32)
    nodes = jnp.arange(N, dtype=jnp.int32)
    epoch = 0
    W1 = _xavier(ks[2], (F_IN, H))
    b1 = _xavier(ks[3], (1, H))
    W2 = _xavier(ks[4], (H, C))
    b2 = _xavier(ks[5], (1, C))
    return {"x": x, "adj": adj, "nodes": nodes, "epoch": epoch,
            "W1": W1, "b1": b1, "W2": W2, "b2": b2}

def reference(x, adj, nodes, epoch, W1, b1, W2, b2):
    src = adj[0]
    dst = adj[1]
    ones = jnp.ones((E,), dtype=jnp.float32)
    deg_in = jax.ops.segment_sum(ones, dst, num_segments=N) + 1.0
    deg_out = jax.ops.segment_sum(ones, src, num_segments=N) + 1.0
    norm = jax.lax.rsqrt(deg_out[src] * deg_in[dst])

    # Layer 1: GraphConvolution(nfeat -> nhid[0]) with ReLU
    h = x @ W1
    msg = h[src] * norm[:, None]
    agg = jax.ops.segment_sum(msg, dst, num_segments=N)
    h = jax.nn.relu(agg + b1)

    # Layer 2: GraphConvolution(nhid[0] -> nclass)
    h = h @ W2
    msg = h[src] * norm[:, None]
    agg = jax.ops.segment_sum(msg, dst, num_segments=N)
    h = agg + b2

    return jax.nn.log_softmax(h, axis=1)

if __name__ == "__main__":
    import jax
    _d = setup_inputs()
    print(jax.jit(kernel)(*tuple(_d.values())))

</pallas_src>

<mosaic_0001>
#map = affine_map<(d0, d1) -> (0, 0)>
#map1 = affine_map<(d0, d1) -> (0, 0, 0)>
module attributes {stable_mosaic.version = 14 : i64} {
  func.func @body(%arg0: i32, %arg1: i32, %arg2: memref<10240x128xf32, #tpu.memory_space<hbm>>, %arg3: memref<32x216x48xi32, #tpu.memory_space<hbm>>, %arg4: memref<32x216x48xi32, #tpu.memory_space<hbm>>, %arg5: memref<2x10240x128xf32, #tpu.memory_space<hbm>>, %arg6: memref<216x48xi32, #tpu.memory_space<vmem>>, %arg7: memref<216x48xi32, #tpu.memory_space<vmem>>, %arg8: memref<48x128xf32, #tpu.memory_space<vmem>>, %arg9: memref<48x128xf32, #tpu.memory_space<vmem>>, %arg10: memref<48x128xf32, #tpu.memory_space<vmem>>, %arg11: memref<48x128xf32, #tpu.memory_space<vmem>>, %arg12: memref<10240x128xf32, #tpu.memory_space<vmem_shared>>, %arg13: memref<!tpu.dma_semaphore, #tpu.memory_space<semaphore_mem>>, %arg14: memref<!tpu.dma_semaphore, #tpu.memory_space<semaphore_mem>>, %arg15: memref<!tpu.dma_semaphore, #tpu.memory_space<semaphore_mem>>, %arg16: memref<!tpu.dma_semaphore, #tpu.memory_space<semaphore_mem>>, %arg17: memref<!tpu.dma_semaphore, #tpu.memory_space<semaphore_mem>>, %arg18: memref<!tpu.dma_semaphore, #tpu.memory_space<semaphore_mem>>, %arg19: memref<!tpu.dma_semaphore, #tpu.memory_space<semaphore_mem>>, %arg20: memref<!tpu.dma_semaphore, #tpu.memory_space<semaphore_mem>>) attributes {dimension_semantics = [#tpu.dimension_semantics<core_parallel>, #tpu.dimension_semantics<subcore_parallel>], iteration_bounds = array<i64: 2, 16>, scalar_prefetch = 0 : i64, scratch_operands = 15 : i64, tpu.core_type = #tpu.core_type<sc_vector_subcore>, window_params = [{transform_indices = #map}, {transform_indices = #map1}, {transform_indices = #map1}, {transform_indices = #map1}]} {
    %mul3A = arith.constant 16 : i32
    %mul3A_0 = arith.muli %arg0, %mul3A : i32
    %add3A = arith.addi %mul3A_0, %arg1 : i32
    "tpu.region"() ({
      %run_scoped3A = tpu.sem_alloc : memref<!tpu.dma_semaphore, #tpu.memory_space<semaphore_mem>>
      %dma_start3A_459 = arith.constant 0 : i32
      %dma_start3A_460 = arith.constant 0 : i32
      %dma_start3A_461 = tpu.memref_slice %arg3[%add3A, %dma_start3A_459, %dma_start3A_460] : memref<32x216x48xi32, #tpu.memory_space<hbm>> -> memref<1x216x48xi32, #tpu.memory_space<hbm>>
      %dma_start3A_462 = tpu.memref_squeeze %dma_start3A_461 : memref<1x216x48xi32, #tpu.memory_space<hbm>> -> memref<216x48xi32, #tpu.memory_space<hbm>>
      %dma_start3A_463 = arith.constant 0 : i32
      %dma_start3A_464 = arith.constant 0 : i32
      %dma_start3A_465 = tpu.memref_slice %arg3[%add3A, %dma_start3A_463, %dma_start3A_464] : memref<32x216x48xi32, #tpu.memory_space<hbm>> -> memref<1x216x48xi32, #tpu.memory_space<hbm>>
      %dma_start3A_466 = tpu.memref_squeeze %dma_start3A_465 : memref<1x216x48xi32, #tpu.memory_space<hbm>> -> memref<216x48xi32, #tpu.memory_space<hbm>>
      tpu.enqueue_dma source(%dma_start3A_466 : memref<216x48xi32, #tpu.memory_space<hbm>>) target(%arg6 : memref<216x48xi32, #tpu.memory_space<vmem>>) target_semaphore(%run_scoped3A : memref<!tpu.dma_semaphore, #tpu.memory_space<semaphore_mem>>)
      %dma_wait3A_467 = arith.constant 0 : i32
      %dma_wait3A_468 = arith.constant 0 : i32
      %dma_wait3A_469 = tpu.memref_slice %arg3[%add3A, %dma_wait3A_467, %dma_wait3A_468] : memref<32x216x48xi32, #tpu.memory_space<hbm>> -> memref<1x216x48xi32, #tpu.memory_space<hbm>>
      %dma_wait3A_470 = tpu.memref_squeeze %dma_wait3A_469 : memref<1x216x48xi32, #tpu.memory_space<hbm>> -> memref<216x48xi32, #tpu.memory_space<hbm>>
      %dma_wait3A_471 = arith.constant 0 : i32
      %dma_wait3A_472 = arith.constant 0 : i32
      %dma_wait3A_473 = tpu.memref_slice %arg3[%add3A, %dma_wait3A_471, %dma_wait3A_472] : memref<32x216x48xi32, #tpu.memory_space<hbm>> -> memref<1x216x48xi32, #tpu.memory_space<hbm>>
      %dma_wait3A_474 = tpu.memref_squeeze %dma_wait3A_473 : memref<1x216x48xi32, #tpu.memory_space<hbm>> -> memref<216x48xi32, #tpu.memory_space<hbm>>
      tpu.wait_dma2 semaphore(%run_scoped3A : memref<!tpu.dma_semaphore, #tpu.memory_space<semaphore_mem>>) src(%dma_wait3A_474 : memref<216x48xi32, #tpu.memory_space<hbm>>) dst(%arg6 : memref<216x48xi32, #tpu.memory_space<vmem>>)
      tpu.yield
    }) : () -> ()
    "tpu.region"() ({
      %run_scoped3A = tpu.sem_alloc : memref<!tpu.dma_semaphore, #tpu.memory_space<semaphore_mem>>
      %dma_start3A_459 = arith.constant 0 : i32
      %dma_start3A_460 = arith.constant 0 : i32
      %dma_start3A_461 = tpu.memref_slice %arg4[%add3A, %dma_start3A_459, %dma_start3A_460] : memref<32x216x48xi32, #tpu.memory_space<hbm>> -> memref<1x216x48xi32, #tpu.memory_space<hbm>>
      %dma_start3A_462 = tpu.memref_squeeze %dma_start3A_461 : memref<1x216x48xi32, #tpu.memory_space<hbm>> -> memref<216x48xi32, #tpu.memory_space<hbm>>
      %dma_start3A_463 = arith.constant 0 : i32
      %dma_start3A_464 = arith.constant 0 : i32
      %dma_start3A_465 = tpu.memref_slice %arg4[%add3A, %dma_start3A_463, %dma_start3A_464] : memref<32x216x48xi32, #tpu.memory_space<hbm>> -> memref<1x216x48xi32, #tpu.memory_space<hbm>>
      %dma_start3A_466 = tpu.memref_squeeze %dma_start3A_465 : memref<1x216x48xi32, #tpu.memory_space<hbm>> -> memref<216x48xi32, #tpu.memory_space<hbm>>
      tpu.enqueue_dma source(%dma_start3A_466 : memref<216x48xi32, #tpu.memory_space<hbm>>) target(%arg7 : memref<216x48xi32, #tpu.memory_space<vmem>>) target_semaphore(%run_scoped3A : memref<!tpu.dma_semaphore, #tpu.memory_space<semaphore_mem>>)
      %dma_wait3A_467 = arith.constant 0 : i32
      %dma_wait3A_468 = arith.constant 0 : i32
      %dma_wait3A_469 = tpu.memref_slice %arg4[%add3A, %dma_wait3A_467, %dma_wait3A_468] : memref<32x216x48xi32, #tpu.memory_space<hbm>> -> memref<1x216x48xi32, #tpu.memory_space<hbm>>
      %dma_wait3A_470 = tpu.memref_squeeze %dma_wait3A_469 : memref<1x216x48xi32, #tpu.memory_space<hbm>> -> memref<216x48xi32, #tpu.memory_space<hbm>>
      %dma_wait3A_471 = arith.constant 0 : i32
      %dma_wait3A_472 = arith.constant 0 : i32
      %dma_wait3A_473 = tpu.memref_slice %arg4[%add3A, %dma_wait3A_471, %dma_wait3A_472] : memref<32x216x48xi32, #tpu.memory_space<hbm>> -> memref<1x216x48xi32, #tpu.memory_space<hbm>>
      %dma_wait3A_474 = tpu.memref_squeeze %dma_wait3A_473 : memref<1x216x48xi32, #tpu.memory_space<hbm>> -> memref<216x48xi32, #tpu.memory_space<hbm>>
      tpu.wait_dma2 semaphore(%run_scoped3A : memref<!tpu.dma_semaphore, #tpu.memory_space<semaphore_mem>>) src(%dma_wait3A_474 : memref<216x48xi32, #tpu.memory_space<hbm>>) dst(%arg7 : memref<216x48xi32, #tpu.memory_space<vmem>>)
      tpu.yield
    }) : () -> ()
    %scan3A = arith.constant 0 : i32
    %scan3A_1 = arith.constant 0 : i32
    %scan3A_2 = arith.constant 48 : i32
    %scan3A_3 = arith.addi %scan3A_1, %scan3A_2 : i32
    %scan3A_4 = arith.constant 1 : i32
    scf.for %scan3A_459 = %scan3A_1 to %scan3A_3 step %scan3A_4  : i32 {
      %broadcast_in_dim3A = arith.constant 0.000000e+00 : f32
      %broadcast_in_dim3A_460 = vector.broadcast %broadcast_in_dim3A : f32 to vector<16xf32>
      %swap3A = arith.index_cast %scan3A_459 : i32 to index
      %swap3A_461 = arith.constant 0 : index
      %swap3A_462 = tpu.vector_load %arg8[%swap3A, %swap3A_461] {strides = array<i32>} : memref<48x128xf32, #tpu.memory_space<vmem>>, vector<1x16xf32>,
      %swap3A_463 = vector.shape_cast %swap3A_462 : vector<1x16xf32> to vector<16xf32>
      %swap3A_464 = vector.shape_cast %broadcast_in_dim3A_460 : vector<16xf32> to vector<1x16xf32>
      tpu.vector_store %arg8[%swap3A, %swap3A_461], %swap3A_464 {strides = array<i32>} : memref<48x128xf32, #tpu.memory_space<vmem>>, vector<1x16xf32>,
      %broadcast_in_dim3A_465 = arith.constant 0.000000e+00 : f32
      %broadcast_in_dim3A_466 = vector.broadcast %broadcast_in_dim3A_465 : f32 to vector<16xf32>
      %swap3A_467 = arith.index_cast %scan3A_459 : i32 to index
      %swap3A_468 = arith.constant 16 : index
      %swap3A_469 = tpu.vector_load %arg8[%swap3A_467, %swap3A_468] {strides = array<i32>} : memref<48x128xf32, #tpu.memory_space<vmem>>, vector<1x16xf32>,
      %swap3A_470 = vector.shape_cast %swap3A_469 : vector<1x16xf32> to vector<16xf32>
      %swap3A_471 = vector.shape_cast %broadcast_in_dim3A_466 : vector<16xf32> to vector<1x16xf32>
      tpu.vector_store %arg8[%swap3A_467, %swap3A_468], %swap3A_471 {strides = array<i32>} : memref<48x128xf32, #tpu.memory_space<vmem>>, vector<1x16xf32>,
      %broadcast_in_dim3A_472 = arith.constant 0.000000e+00 : f32
      %broadcast_in_dim3A_473 = vector.broadcast %broadcast_in_dim3A_472 : f32 to vector<16xf32>
      %swap3A_474 = arith.index_cast %scan3A_459 : i32 to index
      %swap3A_475 = arith.constant 32 : index
      %swap3A_476 = tpu.vector_load %arg8[%swap3A_474, %swap3A_475] {strides = array<i32>} : memref<48x128xf32, #tpu.memory_space<vmem>>, vector<1x16xf32>,
      %swap3A_477 = vector.shape_cast %swap3A_476 : vector<1x16xf32> to vector<16xf32>
      %swap3A_478 = vector.shape_cast %broadcast_in_dim3A_473 : vector<16xf32> to vector<1x16xf32>
      tpu.vector_store %arg8[%swap3A_474, %swap3A_475], %swap3A_478 {strides = array<i32>} : memref<48x128xf32, #tpu.memory_space<vmem>>, vector<1x16xf32>,
      %broadcast_in_dim3A_479 = arith.constant 0.000000e+00 : f32
      %broadcast_in_dim3A_480 = vector.broadcast %broadcast_in_dim3A_479 : f32 to vector<16xf32>
      %swap3A_481 = arith.index_cast %scan3A_459 : i32 to index
      %swap3A_482 = arith.constant 48 : index
      %swap3A_483 = tpu.vector_load %arg8[%swap3A_481, %swap3A_482] {strides = array<i32>} : memref<48x128xf32, #tpu.memory_space<vmem>>, vector<1x16xf32>,
      %swap3A_484 = vector.shape_cast %swap3A_483 : vector<1x16xf32> to vector<16xf32>
      %swap3A_485 = vector.shape_cast %broadcast_in_dim3A_480 : vector<16xf32> to vector<1x16xf32>
      tpu.vector_store %arg8[%swap3A_481, %swap3A_482], %swap3A_485 {strides = array<i32>} : memref<48x128xf32, #tpu.memory_space<vmem>>, vector<1x16xf32>,
      %broadcast_in_dim3A_486 = arith.constant 0.000000e+00 : f32
      %broadcast_in_dim3A_487 = vector.broadcast %broadcast_in_dim3A_486 : f32 to vector<16xf32>
      %swap3A_488 = arith.index_cast %scan3A_459 : i32 to index
      %swap3A_489 = arith.constant 64 : index
      %swap3A_490 = tpu.vector_load %arg8[%swap3A_488, %swap3A_489] {strides = array<i32>} : memref<48x128xf32, #tpu.memory_space<vmem>>, vector<1x16xf32>,
      %swap3A_491 = vector.shape_cast %swap3A_490 : vector<1x16xf32> to vector<16xf32>
      %swap3A_492 = vector.shape_cast %broadcast_in_dim3A_487 : vector<16xf32> to vector<1x16xf32>
      tpu.vector_store %arg8[%swap3A_488, %swap3A_489], %swap3A_492 {strides = array<i32>} : memref<48x128xf32, #tpu.memory_space<vmem>>, vector<1x16xf32>,
      %broadcast_in_dim3A_493 = arith.constant 0.000000e+00 : f32
      %broadcast_in_dim3A_494 = vector.broadcast %broadcast_in_dim3A_493 : f32 to vector<16xf32>
      %swap3A_495 = arith.index_cast %scan3A_459 : i32 to index
      %swap3A_496 = arith.constant 80 : index
      %swap3A_497 = tpu.vector_load %arg8[%swap3A_495, %swap3A_496] {strides = array<i32>} : memref<48x128xf32, #tpu.memory_space<vmem>>, vector<1x16xf32>,
      %swap3A_498 = vector.shape_cast %swap3A_497 : vector<1x16xf32> to vector<16xf32>
      %swap3A_499 = vector.shape_cast %broadcast_in_dim3A_494 : vector<16xf32> to vector<1x16xf32>
      tpu.vector_store %arg8[%swap3A_495, %swap3A_496], %swap3A_499 {strides = array<i32>} : memref<48x128xf32, #tpu.memory_space<vmem>>, vector<1x16xf32>,
      %broadcast_in_dim3A_500 = arith.constant 0.000000e+00 : f32
      %broadcast_in_dim3A_501 = vector.broadcast %broadcast_in_dim3A_500 : f32 to vector<16xf32>
      %swap3A_502 = arith.index_cast %scan3A_459 : i32 to index
      %swap3A_503 = arith.constant 96 : index
      %swap3A_504 = tpu.vector_load %arg8[%swap3A_502, %swap3A_503] {strides = array<i32>} : memref<48x128xf32, #tpu.memory_space<vmem>>, vector<1x16xf32>,
      %swap3A_505 = vector.shape_cast %swap3A_504 : vector<1x16xf32> to vector<16xf32>
      %swap3A_506 = vector.shape_cast %broadcast_in_dim3A_501 : vector<16xf32> to vector<1x16xf32>
      tpu.vector_store %arg8[%swap3A_502, %swap3A_503], %swap3A_506 {strides = array<i32>} : memref<48x128xf32, #tpu.memory_space<vmem>>, vector<1x16xf32>,
      %broadcast_in_dim3A_507 = arith.constant 0.000000e+00 : f32
      %broadcast_in_dim3A_508 = vector.broadcast %broadcast_in_dim3A_507 : f32 to vector<16xf32>
      %swap3A_509 = arith.index_cast %scan3A_459 : i32 to index
      %swap3A_510 = arith.constant 112 : index
      %swap3A_511 = tpu.vector_load %arg8[%swap3A_509, %swap3A_510] {strides = array<i32>} : memref<48x128xf32, #tpu.memory_space<vmem>>, vector<1x16xf32>,
      %swap3A_512 = vector.shape_cast %swap3A_511 : vector<1x16xf32> to vector<16xf32>
      %swap3A_513 = vector.shape_cast %broadcast_in_dim3A_508 : vector<16xf32> to vector<1x16xf32>
      tpu.vector_store %arg8[%swap3A_509, %swap3A_510], %swap3A_513 {strides = array<i32>} : memref<48x128xf32, #tpu.memory_space<vmem>>, vector<1x16xf32>,
    }
    %scan3A_5 = arith.constant 48 : i32
    %mul3A_6 = arith.constant 640 : i32
    %mul3A_7 = arith.muli %arg1, %mul3A_6 : i32
    %add3A_8 = arith.constant 0 : i32
    %add3A_9 = arith.addi %mul3A_7, %add3A_8 : i32
    "tpu.region"() ({
      %run_scoped3A = tpu.sem_alloc : memref<!tpu.dma_semaphore, #tpu.memory_space<semaphore_mem>>
      %dma_start3A_459 = arith.constant 0 : i32
      %dma_start3A_460 = arith.constant 0 : i32
      %dma_start3A_461 = tpu.memref_slice %arg8[%dma_start3A_459, %dma_start3A_460] : memref<48x128xf32, #tpu.memory_space<vmem>> -> memref<48x128xf32, #tpu.memory_space<vmem>>
      %dma_start3A_462 = arith.constant 0 : i32
      %dma_start3A_463 = tpu.memref_slice %arg12[%add3A_9, %dma_start3A_462] : memref<10240x128xf32, #tpu.memory_space<vmem_shared>> -> memref<48x128xf32, #tpu.memory_space<vmem_shared>>
      %dma_start3A_464 = arith.constant 0 : i32
      %dma_start3A_465 = tpu.memref_slice %arg12[%add3A_9, %dma_start3A_464] : memref<10240x128xf32, #tpu.memory_space<vmem_shared>> -> memref<48x128xf32, #tpu.memory_space<vmem_shared>>
      %dma_start3A_466 = arith.constant 0 : i32
      %dma_start3A_467 = arith.constant 0 : i32
      %dma_start3A_468 = tpu.memref_slice %arg8[%dma_start3A_466, %dma_start3A_467] : memref<48x128xf32, #tpu.memory_space<vmem>> -> memref<48x128xf32, #tpu.memory_space<vmem>>
      tpu.enqueue_dma source(%dma_start3A_468 : memref<48x128xf32, #tpu.memory_space<vmem>>) target(%dma_start3A_465 : memref<48x128xf32, #tpu.memory_space<vmem_shared>>) target_semaphore(%run_scoped3A : memref<!tpu.dma_semaphore, #tpu.memory_space<semaphore_mem>>)
      %dma_wait3A_469 = arith.constant 0 : i32
      %dma_wait3A_470 = arith.constant 0 : i32
      %dma_wait3A_471 = tpu.memref_slice %arg8[%dma_wait3A_469, %dma_wait3A_470] : memref<48x128xf32, #tpu.memory_space<vmem>> -> memref<48x128xf32, #tpu.memory_space<vmem>>
      %dma_wait3A_472 = arith.constant 0 : i32
      %dma_wait3A_473 = tpu.memref_slice %arg12[%add3A_9, %dma_wait3A_472] : memref<10240x128xf32, #tpu.memory_space<vmem_shared>> -> memref<48x128xf32, #tpu.memory_space<vmem_shared>>
      %dma_wait3A_474 = arith.constant 0 : i32
      %dma_wait3A_475 = tpu.memref_slice %arg12[%add3A_9, %dma_wait3A_474] : memref<10240x128xf32, #tpu.memory_space<vmem_shared>> -> memref<48x128xf32, #tpu.memory_space<vmem_shared>>
      %dma_wait3A_476 = arith.constant 0 : i32
      %dma_wait3A_477 = arith.constant 0 : i32
      %dma_wait3A_478 = tpu.memref_slice %arg8[%dma_wait3A_476, %dma_wait3A_477] : memref<48x128xf32, #tpu.memory_space<vmem>> -> memref<48x128xf32, #tpu.memory_space<vmem>>
      tpu.wait_dma2 semaphore(%run_scoped3A : memref<!tpu.dma_semaphore, #tpu.memory_space<semaphore_mem>>) src(%dma_wait3A_478 : memref<48x128xf32, #tpu.memory_space<vmem>>) dst(%dma_wait3A_475 : memref<48x128xf32, #tpu.memory_space<vmem_shared>>)
      tpu.yield
    }) : () -> ()
    %mul3A_10 = arith.constant 640 : i32
    %mul3A_11 = arith.muli %arg1, %mul3A_10 : i32
    %add3A_12 = arith.constant 48 : i32
    %add3A_13 = arith.addi %mul3A_11, %add3A_12 : i32
    "tpu.region"() ({
      %run_scoped3A = tpu.sem_alloc : memref<!tpu.dma_semaphore, #tpu.memory_space<semaphore_mem>>
      %dma_start3A_459 = arith.constant 0 : i32
      %dma_start3A_460 = arith.constant 0 : i32
      %dma_start3A_461 = tpu.memref_slice %arg8[%dma_start3A_459, %dma_start3A_460] : memref<48x128xf32, #tpu.memory_space<vmem>> -> memref<48x128xf32, #tpu.memory_space<vmem>>
      %dma_start3A_462 = arith.constant 0 : i32
      %dma_start3A_463 = tpu.memref_slice %arg12[%add3A_13, %dma_start3A_462] : memref<10240x128xf32, #tpu.memory_space<vmem_shared>> -> memref<48x128xf32, #tpu.memory_space<vmem_shared>>
      %dma_start3A_464 = arith.constant 0 : i32
      %dma_start3A_465 = tpu.memref_slice %arg12[%add3A_13, %dma_start3A_464] : memref<10240x128xf32, #tpu.memory_space<vmem_shared>> -> memref<48x128xf32, #tpu.memory_space<vmem_shared>>
      %dma_start3A_466 = arith.constant 0 : i32
      %dma_start3A_467 = arith.constant 0 : i32
      %dma_start3A_468 = tpu.memref_slice %arg8[%dma_start3A_466, %dma_start3A_467] : memref<48x128xf32, #tpu.memory_space<vmem>> -> memref<48x128xf32, #tpu.memory_space<vmem>>
      tpu.enqueue_dma source(%dma_start3A_468 : memref<48x128xf32, #tpu.memory_space<vmem>>) target(%dma_start3A_465 : memref<48x128xf32, #tpu.memory_space<vmem_shared>>) target_semaphore(%run_scoped3A : memref<!tpu.dma_semaphore, #tpu.memory_space<semaphore_mem>>)
      %dma_wait3A_469 = arith.constant 0 : i32
      %dma_wait3A_470 = arith.constant 0 : i32
      %dma_wait3A_471 = tpu.memref_slice %arg8[%dma_wait3A_469, %dma_wait3A_470] : memref<48x128xf32, #tpu.memory_space<vmem>> -> memref<48x128xf32, #tpu.memory_space<vmem>>
      %dma_wait3A_472 = arith.constant 0 : i32
      %dma_wait3A_473 = tpu.memref_slice %arg12[%add3A_13, %dma_wait3A_472] : memref<10240x128xf32, #tpu.memory_space<vmem_shared>> -> memref<48x128xf32, #tpu.memory_space<vmem_shared>>
      %dma_wait3A_474 = arith.constant 0 : i32
      %dma_wait3A_475 = tpu.memref_slice %arg12[%add3A_13, %dma_wait3A_474] : memref<10240x128xf32, #tpu.memory_space<vmem_shared>> -> memref<48x128xf32, #tpu.memory_space<vmem_shared>>
      %dma_wait3A_476 = arith.constant 0 : i32
      %dma_wait3A_477 = arith.constant 0 : i32
      %dma_wait3A_478 = tpu.memref_slice %arg8[%dma_wait3A_476, %dma_wait3A_477] : memref<48x128xf32, #tpu.memory_space<vmem>> -> memref<48x128xf32, #tpu.memory_space<vmem>>
      tpu.wait_dma2 semaphore(%run_scoped3A : memref<!tpu.dma_semaphore, #tpu.memory_space<semaphore_mem>>) src(%dma_wait3A_478 : memref<48x128xf32, #tpu.memory_space<vmem>>) dst(%dma_wait3A_475 : memref<48x128xf32, #tpu.memory_space<vmem_shared>>)
      tpu.yield
    }) : () -> ()
    %mul3A_14 = arith.constant 640 : i32
    %mul3A_15 = arith.muli %arg1, %mul3A_14 : i32
    %add3A_16 = arith.constant 96 : i32
    %add3A_17 = arith.addi %mul3A_15, %add3A_16 : i32
    "tpu.region"() ({
      %run_scoped3A = tpu.sem_alloc : memref<!tpu.dma_semaphore, #tpu.memory_space<semaphore_mem>>
      %dma_start3A_459 = arith.constant 0 : i32
      %dma_start3A_460 = arith.constant 0 : i32
      %dma_start3A_461 = tpu.memref_slice %arg8[%dma_start3A_459, %dma_start3A_460] : memref<48x128xf32, #tpu.memory_space<vmem>> -> memref<48x128xf32, #tpu.memory_space<vmem>>
      %dma_start3A_462 = arith.constant 0 : i32
      %dma_start3A_463 = tpu.memref_slice %arg12[%add3A_17, %dma_start3A_462] : memref<10240x128xf32, #tpu.memory_space<vmem_shared>> -> memref<48x128xf32, #tpu.memory_space<vmem_shared>>
      %dma_start3A_464 = arith.constant 0 : i32
      %dma_start3A_465 = tpu.memref_slice %arg12[%add3A_17, %dma_start3A_464] : memref<10240x128xf32, #tpu.memory_space<vmem_shared>> -> memref<48x128xf32, #tpu.memory_space<vmem_shared>>
      %dma_start3A_466 = arith.constant 0 : i32
      %dma_start3A_467 = arith.constant 0 : i32
      %dma_start3A_468 = tpu.memref_slice %arg8[%dma_start3A_466, %dma_start3A_467] : memref<48x128xf32, #tpu.memory_space<vmem>> -> memref<48x128xf32, #tpu.memory_space<vmem>>
      tpu.enqueue_dma source(%dma_start3A_468 : memref<48x128xf32, #tpu.memory_space<vmem>>) target(%dma_start3A_465 : memref<48x128xf32, #tpu.memory_space<vmem_shared>>) target_semaphore(%run_scoped3A : memref<!tpu.dma_semaphore, #tpu.memory_space<semaphore_mem>>)
      %dma_wait3A_469 = arith.constant 0 : i32
      %dma_wait3A_470 = arith.constant 0 : i32
      %dma_wait3A_471 = tpu.memref_slice %arg8[%dma_wait3A_469, %dma_wait3A_470] : memref<48x128xf32, #tpu.memory_space<vmem>> -> memref<48x128xf32, #tpu.memory_space<vmem>>
      %dma_wait3A_472 = arith.constant 0 : i32
      %dma_wait3A_473 = tpu.memref_slice %arg12[%add3A_17, %dma_wait3A_472] : memref<10240x128xf32, #tpu.memory_space<vmem_shared>> -> memref<48x128xf32, #tpu.memory_space<vmem_shared>>
      %dma_wait3A_474 = arith.constant 0 : i32
      %dma_wait3A_475 = tpu.memref_slice %arg12[%add3A_17, %dma_wait3A_474] : memref<10240x128xf32, #tpu.memory_space<vmem_shared>> -> memref<48x128xf32, #tpu.memory_space<vmem_shared>>
      %dma_wait3A_476 = arith.constant 0 : i32
      %dma_wait3A_477 = arith.constant 0 : i32
      %dma_wait3A_478 = tpu.memref_slice %arg8[%dma_wait3A_476, %dma_wait3A_477] : memref<48x128xf32, #tpu.memory_space<vmem>> -> memref<48x128xf32, #tpu.memory_space<vmem>>
      tpu.wait_dma2 semaphore(%run_scoped3A : memref<!tpu.dma_semaphore, #tpu.memory_space<semaphore_mem>>) src(%dma_wait3A_478 : memref<48x128xf32, #tpu.memory_space<vmem>>) dst(%dma_wait3A_475 : memref<48x128xf32, #tpu.memory_space<vmem_shared>>)
      tpu.yield
    }) : () -> ()
    %mul3A_18 = arith.constant 640 : i32
    %mul3A_19 = arith.muli %arg1, %mul3A_18 : i32
    %add3A_20 = arith.constant 144 : i32
    %add3A_21 = arith.addi %mul3A_19, %add3A_20 : i32
    "tpu.region"() ({
      %run_scoped3A = tpu.sem_alloc : memref<!tpu.dma_semaphore, #tpu.memory_space<semaphore_mem>>
      %dma_start3A_459 = arith.constant 0 : i32
      %dma_start3A_460 = arith.constant 0 : i32
      %dma_start3A_461 = tpu.memref_slice %arg8[%dma_start3A_459, %dma_start3A_460] : memref<48x128xf32, #tpu.memory_space<vmem>> -> memref<48x128xf32, #tpu.memory_space<vmem>>
      %dma_start3A_462 = arith.constant 0 : i32
      %dma_start3A_463 = tpu.memref_slice %arg12[%add3A_21, %dma_start3A_462] : memref<10240x128xf32, #tpu.memory_space<vmem_shared>> -> memref<48x128xf32, #tpu.memory_space<vmem_shared>>
      %dma_start3A_464 = arith.constant 0 : i32
      %dma_start3A_465 = tpu.memref_slice %arg12[%add3A_21, %dma_start3A_464] : memref<10240x128xf32, #tpu.memory_space<vmem_shared>> -> memref<48x128xf32, #tpu.memory_space<vmem_shared>>
      %dma_start3A_466 = arith.constant 0 : i32
      %dma_start3A_467 = arith.constant 0 : i32
      %dma_start3A_468 = tpu.memref_slice %arg8[%dma_start3A_466, %dma_start3A_467] : memref<48x128xf32, #tpu.memory_space<vmem>> -> memref<48x128xf32, #tpu.memory_space<vmem>>
      tpu.enqueue_dma source(%dma_start3A_468 : memref<48x128xf32, #tpu.memory_space<vmem>>) target(%dma_start3A_465 : memref<48x128xf32, #tpu.memory_space<vmem_shared>>) target_semaphore(%run_scoped3A : memref<!tpu.dma_semaphore, #tpu.memory_space<semaphore_mem>>)
      %dma_wait3A_469 = arith.constant 0 : i32
      %dma_wait3A_470 = arith.constant 0 : i32
      %dma_wait3A_471 = tpu.memref_slice %arg8[%dma_wait3A_469, %dma_wait3A_470] : memref<48x128xf32, #tpu.memory_space<vmem>> -> memref<48x128xf32, #tpu.memory_space<vmem>>
      %dma_wait3A_472 = arith.constant 0 : i32
      %dma_wait3A_473 = tpu.memref_slice %arg12[%add3A_21, %dma_wait3A_472] : memref<10240x128xf32, #tpu.memory_space<vmem_shared>> -> memref<48x128xf32, #tpu.memory_space<vmem_shared>>
      %dma_wait3A_474 = arith.constant 0 : i32
      %dma_wait3A_475 = tpu.memref_slice %arg12[%add3A_21, %dma_wait3A_474] : memref<10240x128xf32, #tpu.memory_space<vmem_shared>> -> memref<48x128xf32, #tpu.memory_space<vmem_shared>>
      %dma_wait3A_476 = arith.constant 0 : i32
      %dma_wait3A_477 = arith.constant 0 : i32
      %dma_wait3A_478 = tpu.memref_slice %arg8[%dma_wait3A_476, %dma_wait3A_477] : memref<48x128xf32, #tpu.memory_space<vmem>> -> memref<48x128xf32, #tpu.memory_space<vmem>>
      tpu.wait_dma2 semaphore(%run_scoped3A : memref<!tpu.dma_semaphore, #tpu.memory_space<semaphore_mem>>) src(%dma_wait3A_478 : memref<48x128xf32, #tpu.memory_space<vmem>>) dst(%dma_wait3A_475 : memref<48x128xf32, #tpu.memory_space<vmem_shared>>)
      tpu.yield
    }) : () -> ()
    %mul3A_22 = arith.constant 640 : i32
    %mul3A_23 = arith.muli %arg1, %mul3A_22 : i32
    %add3A_24 = arith.constant 192 : i32
    %add3A_25 = arith.addi %mul3A_23, %add3A_24 : i32
    "tpu.region"() ({
      %run_scoped3A = tpu.sem_alloc : memref<!tpu.dma_semaphore, #tpu.memory_space<semaphore_mem>>
      %dma_start3A_459 = arith.constant 0 : i32
      %dma_start3A_460 = arith.constant 0 : i32
      %dma_start3A_461 = tpu.memref_slice %arg8[%dma_start3A_459, %dma_start3A_460] : memref<48x128xf32, #tpu.memory_space<vmem>> -> memref<48x128xf32, #tpu.memory_space<vmem>>
      %dma_start3A_462 = arith.constant 0 : i32
      %dma_start3A_463 = tpu.memref_slice %arg12[%add3A_25, %dma_start3A_462] : memref<10240x128xf32, #tpu.memory_space<vmem_shared>> -> memref<48x128xf32, #tpu.memory_space<vmem_shared>>
      %dma_start3A_464 = arith.constant 0 : i32
      %dma_start3A_465 = tpu.memref_slice %arg12[%add3A_25, %dma_start3A_464] : memref<10240x128xf32, #tpu.memory_space<vmem_shared>> -> memref<48x128xf32, #tpu.memory_space<vmem_shared>>
      %dma_start3A_466 = arith.constant 0 : i32
      %dma_start3A_467 = arith.constant 0 : i32
      %dma_start3A_468 = tpu.memref_slice %arg8[%dma_start3A_466, %dma_start3A_467] : memref<48x128xf32, #tpu.memory_space<vmem>> -> memref<48x128xf32, #tpu.memory_space<vmem>>
      tpu.enqueue_dma source(%dma_start3A_468 : memref<48x128xf32, #tpu.memory_space<vmem>>) target(%dma_start3A_465 : memref<48x128xf32, #tpu.memory_space<vmem_shared>>) target_semaphore(%run_scoped3A : memref<!tpu.dma_semaphore, #tpu.memory_space<semaphore_mem>>)
      %dma_wait3A_469 = arith.constant 0 : i32
      %dma_wait3A_470 = arith.constant 0 : i32
      %dma_wait3A_471 = tpu.memref_slice %arg8[%dma_wait3A_469, %dma_wait3A_470] : memref<48x128xf32, #tpu.memory_space<vmem>> -> memref<48x128xf32, #tpu.memory_space<vmem>>
      %dma_wait3A_472 = arith.constant 0 : i32
      %dma_wait3A_473 = tpu.memref_slice %arg12[%add3A_25, %dma_wait3A_472] : memref<10240x128xf32, #tpu.memory_space<vmem_shared>> -> memref<48x128xf32, #tpu.memory_space<vmem_shared>>
      %dma_wait3A_474 = arith.constant 0 : i32
      %dma_wait3A_475 = tpu.memref_slice %arg12[%add3A_25, %dma_wait3A_474] : memref<10240x128xf32, #tpu.memory_space<vmem_shared>> -> memref<48x128xf32, #tpu.memory_space<vmem_shared>>
      %dma_wait3A_476 = arith.constant 0 : i32
      %dma_wait3A_477 = arith.constant 0 : i32
      %dma_wait3A_478 = tpu.memref_slice %arg8[%dma_wait3A_476, %dma_wait3A_477] : memref<48x128xf32, #tpu.memory_space<vmem>> -> memref<48x128xf32, #tpu.memory_space<vmem>>
      tpu.wait_dma2 semaphore(%run_scoped3A : memref<!tpu.dma_semaphore, #tpu.memory_space<semaphore_mem>>) src(%dma_wait3A_478 : memref<48x128xf32, #tpu.memory_space<vmem>>) dst(%dma_wait3A_475 : memref<48x128xf32, #tpu.memory_space<vmem_shared>>)
      tpu.yield
    }) : () -> ()
    %mul3A_26 = arith.constant 640 : i32
    %mul3A_27 = arith.muli %arg1, %mul3A_26 : i32
    %add3A_28 = arith.constant 240 : i32
    %add3A_29 = arith.addi %mul3A_27, %add3A_28 : i32
    "tpu.region"() ({
      %run_scoped3A = tpu.sem_alloc : memref<!tpu.dma_semaphore, #tpu.memory_space<semaphore_mem>>
      %dma_start3A_459 = arith.constant 0 : i32
      %dma_start3A_460 = arith.constant 0 : i32
      %dma_start3A_461 = tpu.memref_slice %arg8[%dma_start3A_459, %dma_start3A_460] : memref<48x128xf32, #tpu.memory_space<vmem>> -> memref<48x128xf32, #tpu.memory_space<vmem>>
      %dma_start3A_462 = arith.constant 0 : i32
      %dma_start3A_463 = tpu.memref_slice %arg12[%add3A_29, %dma_start3A_462] : memref<10240x128xf32, #tpu.memory_space<vmem_shared>> -> memref<48x128xf32, #tpu.memory_space<vmem_shared>>
      %dma_start3A_464 = arith.constant 0 : i32
      %dma_start3A_465 = tpu.memref_slice %arg12[%add3A_29, %dma_start3A_464] : memref<10240x128xf32, #tpu.memory_space<vmem_shared>> -> memref<48x128xf32, #tpu.memory_space<vmem_shared>>
      %dma_start3A_466 = arith.constant 0 : i32
      %dma_start3A_467 = arith.constant 0 : i32
      %dma_start3A_468 = tpu.memref_slice %arg8[%dma_start3A_466, %dma_start3A_467] : memref<48x128xf32, #tpu.memory_space<vmem>> -> memref<48x128xf32, #tpu.memory_space<vmem>>
      tpu.enqueue_dma source(%dma_start3A_468 : memref<48x128xf32, #tpu.memory_space<vmem>>) target(%dma_start3A_465 : memref<48x128xf32, #tpu.memory_space<vmem_shared>>) target_semaphore(%run_scoped3A : memref<!tpu.dma_semaphore, #tpu.memory_space<semaphore_mem>>)
      %dma_wait3A_469 = arith.constant 0 : i32
      %dma_wait3A_470 = arith.constant 0 : i32
      %dma_wait3A_471 = tpu.memref_slice %arg8[%dma_wait3A_469, %dma_wait3A_470] : memref<48x128xf32, #tpu.memory_space<vmem>> -> memref<48x128xf32, #tpu.memory_space<vmem>>
      %dma_wait3A_472 = arith.constant 0 : i32
      %dma_wait3A_473 = tpu.memref_slice %arg12[%add3A_29, %dma_wait3A_472] : memref<10240x128xf32, #tpu.memory_space<vmem_shared>> -> memref<48x128xf32, #tpu.memory_space<vmem_shared>>
      %dma_wait3A_474 = arith.constant 0 : i32
      %dma_wait3A_475 = tpu.memref_slice %arg12[%add3A_29, %dma_wait3A_474] : memref<10240x128xf32, #tpu.memory_space<vmem_shared>> -> memref<48x128xf32, #tpu.memory_space<vmem_shared>>
      %dma_wait3A_476 = arith.constant 0 : i32
      %dma_wait3A_477 = arith.constant 0 : i32
      %dma_wait3A_478 = tpu.memref_slice %arg8[%dma_wait3A_476, %dma_wait3A_477] : memref<48x128xf32, #tpu.memory_space<vmem>> -> memref<48x128xf32, #tpu.memory_space<vmem>>
      tpu.wait_dma2 semaphore(%run_scoped3A : memref<!tpu.dma_semaphore, #tpu.memory_space<semaphore_mem>>) src(%dma_wait3A_478 : memref<48x128xf32, #tpu.memory_space<vmem>>) dst(%dma_wait3A_475 : memref<48x128xf32, #tpu.memory_space<vmem_shared>>)
      tpu.yield
    }) : () -> ()
    %mul3A_30 = arith.constant 640 : i32
    %mul3A_31 = arith.muli %arg1, %mul3A_30 : i32
    %add3A_32 = arith.constant 288 : i32
    %add3A_33 = arith.addi %mul3A_31, %add3A_32 : i32
    "tpu.region"() ({
      %run_scoped3A = tpu.sem_alloc : memref<!tpu.dma_semaphore, #tpu.memory_space<semaphore_mem>>
      %dma_start3A_459 = arith.constant 0 : i32
      %dma_start3A_460 = arith.constant 0 : i32
      %dma_start3A_461 = tpu.memref_slice %arg8[%dma_start3A_459, %dma_start3A_460] : memref<48x128xf32, #tpu.memory_space<vmem>> -> memref<48x128xf32, #tpu.memory_space<vmem>>
      %dma_start3A_462 = arith.constant 0 : i32
      %dma_start3A_463 = tpu.memref_slice %arg12[%add3A_33, %dma_start3A_462] : memref<10240x128xf32, #tpu.memory_space<vmem_shared>> -> memref<48x128xf32, #tpu.memory_space<vmem_shared>>
      %dma_start3A_464 = arith.constant 0 : i32
      %dma_start3A_465 = tpu.memref_slice %arg12[%add3A_33, %dma_start3A_464] : memref<10240x128xf32, #tpu.memory_space<vmem_shared>> -> memref<48x128xf32, #tpu.memory_space<vmem_shared>>
      %dma_start3A_466 = arith.constant 0 : i32
      %dma_start3A_467 = arith.constant 0 : i32
      %dma_start3A_468 = tpu.memref_slice %arg8[%dma_start3A_466, %dma_start3A_467] : memref<48x128xf32, #tpu.memory_space<vmem>> -> memref<48x128xf32, #tpu.memory_space<vmem>>
      tpu.enqueue_dma source(%dma_start3A_468 : memref<48x128xf32, #tpu.memory_space<vmem>>) target(%dma_start3A_465 : memref<48x128xf32, #tpu.memory_space<vmem_shared>>) target_semaphore(%run_scoped3A : memref<!tpu.dma_semaphore, #tpu.memory_space<semaphore_mem>>)
      %dma_wait3A_469 = arith.constant 0 : i32
      %dma_wait3A_470 = arith.constant 0 : i32
      %dma_wait3A_471 = tpu.memref_slice %arg8[%dma_wait3A_469, %dma_wait3A_470] : memref<48x128xf32, #tpu.memory_space<vmem>> -> memref<48x128xf32, #tpu.memory_space<vmem>>
      %dma_wait3A_472 = arith.constant 0 : i32
      %dma_wait3A_473 = tpu.memref_slice %arg12[%add3A_33, %dma_wait3A_472] : memref<10240x128xf32, #tpu.memory_space<vmem_shared>> -> memref<48x128xf32, #tpu.memory_space<vmem_shared>>
      %dma_wait3A_474 = arith.constant 0 : i32
      %dma_wait3A_475 = tpu.memref_slice %arg12[%add3A_33, %dma_wait3A_474] : memref<10240x128xf32, #tpu.memory_space<vmem_shared>> -> memref<48x128xf32, #tpu.memory_space<vmem_shared>>
      %dma_wait3A_476 = arith.constant 0 : i32
      %dma_wait3A_477 = arith.constant 0 : i32
      %dma_wait3A_478 = tpu.memref_slice %arg8[%dma_wait3A_476, %dma_wait3A_477] : memref<48x128xf32, #tpu.memory_space<vmem>> -> memref<48x128xf32, #tpu.memory_space<vmem>>
      tpu.wait_dma2 semaphore(%run_scoped3A : memref<!tpu.dma_semaphore, #tpu.memory_space<semaphore_mem>>) src(%dma_wait3A_478 : memref<48x128xf32, #tpu.memory_space<vmem>>) dst(%dma_wait3A_475 : memref<48x128xf32, #tpu.memory_space<vmem_shared>>)
      tpu.yield
    }) : () -> ()
    %mul3A_34 = arith.constant 640 : i32
    %mul3A_35 = arith.muli %arg1, %mul3A_34 : i32
    %add3A_36 = arith.constant 336 : i32
    %add3A_37 = arith.addi %mul3A_35, %add3A_36 : i32
    "tpu.region"() ({
      %run_scoped3A = tpu.sem_alloc : memref<!tpu.dma_semaphore, #tpu.memory_space<semaphore_mem>>
      %dma_start3A_459 = arith.constant 0 : i32
      %dma_start3A_460 = arith.constant 0 : i32
      %dma_start3A_461 = tpu.memref_slice %arg8[%dma_start3A_459, %dma_start3A_460] : memref<48x128xf32, #tpu.memory_space<vmem>> -> memref<48x128xf32, #tpu.memory_space<vmem>>
      %dma_start3A_462 = arith.constant 0 : i32
      %dma_start3A_463 = tpu.memref_slice %arg12[%add3A_37, %dma_start3A_462] : memref<10240x128xf32, #tpu.memory_space<vmem_shared>> -> memref<48x128xf32, #tpu.memory_space<vmem_shared>>
      %dma_start3A_464 = arith.constant 0 : i32
      %dma_start3A_465 = tpu.memref_slice %arg12[%add3A_37, %dma_start3A_464] : memref<10240x128xf32, #tpu.memory_space<vmem_shared>> -> memref<48x128xf32, #tpu.memory_space<vmem_shared>>
      %dma_start3A_466 = arith.constant 0 : i32
      %dma_start3A_467 = arith.constant 0 : i32
      %dma_start3A_468 = tpu.memref_slice %arg8[%dma_start3A_466, %dma_start3A_467] : memref<48x128xf32, #tpu.memory_space<vmem>> -> memref<48x128xf32, #tpu.memory_space<vmem>>
      tpu.enqueue_dma source(%dma_start3A_468 : memref<48x128xf32, #tpu.memory_space<vmem>>) target(%dma_start3A_465 : memref<48x128xf32, #tpu.memory_space<vmem_shared>>) target_semaphore(%run_scoped3A : memref<!tpu.dma_semaphore, #tpu.memory_space<semaphore_mem>>)
      %dma_wait3A_469 = arith.constant 0 : i32
      %dma_wait3A_470 = arith.constant 0 : i32
      %dma_wait3A_471 = tpu.memref_slice %arg8[%dma_wait3A_469, %dma_wait3A_470] : memref<48x128xf32, #tpu.memory_space<vmem>> -> memref<48x128xf32, #tpu.memory_space<vmem>>
      %dma_wait3A_472 = arith.constant 0 : i32
      %dma_wait3A_473 = tpu.memref_slice %arg12[%add3A_37, %dma_wait3A_472] : memref<10240x128xf32, #tpu.memory_space<vmem_shared>> -> memref<48x128xf32, #tpu.memory_space<vmem_shared>>
      %dma_wait3A_474 = arith.constant 0 : i32
      %dma_wait3A_475 = tpu.memref_slice %arg12[%add3A_37, %dma_wait3A_474] : memref<10240x128xf32, #tpu.memory_space<vmem_shared>> -> memref<48x128xf32, #tpu.memory_space<vmem_shared>>
      %dma_wait3A_476 = arith.constant 0 : i32
      %dma_wait3A_477 = arith.constant 0 : i32
      %dma_wait3A_478 = tpu.memref_slice %arg8[%dma_wait3A_476, %dma_wait3A_477] : memref<48x128xf32, #tpu.memory_space<vmem>> -> memref<48x128xf32, #tpu.memory_space<vmem>>
      tpu.wait_dma2 semaphore(%run_scoped3A : memref<!tpu.dma_semaphore, #tpu.memory_space<semaphore_mem>>) src(%dma_wait3A_478 : memref<48x128xf32, #tpu.memory_space<vmem>>) dst(%dma_wait3A_475 : memref<48x128xf32, #tpu.memory_space<vmem_shared>>)
      tpu.yield
    }) : () -> ()
    %mul3A_38 = arith.constant 640 : i32
    %mul3A_39 = arith.muli %arg1, %mul3A_38 : i32
    %add3A_40 = arith.constant 384 : i32
    %add3A_41 = arith.addi %mul3A_39, %add3A_40 : i32
    "tpu.region"() ({
      %run_scoped3A = tpu.sem_alloc : memref<!tpu.dma_semaphore, #tpu.memory_space<semaphore_mem>>
      %dma_start3A_459 = arith.constant 0 : i32
      %dma_start3A_460 = arith.constant 0 : i32
      %dma_start3A_461 = tpu.memref_slice %arg8[%dma_start3A_459, %dma_start3A_460] : memref<48x128xf32, #tpu.memory_space<vmem>> -> memref<48x128xf32, #tpu.memory_space<vmem>>
      %dma_start3A_462 = arith.constant 0 : i32
      %dma_start3A_463 = tpu.memref_slice %arg12[%add3A_41, %dma_start3A_462] : memref<10240x128xf32, #tpu.memory_space<vmem_shared>> -> memref<48x128xf32, #tpu.memory_space<vmem_shared>>
      %dma_start3A_464 = arith.constant 0 : i32
      %dma_start3A_465 = tpu.memref_slice %arg12[%add3A_41, %dma_start3A_464] : memref<10240x128xf32, #tpu.memory_space<vmem_shared>> -> memref<48x128xf32, #tpu.memory_space<vmem_shared>>
      %dma_start3A_466 = arith.constant 0 : i32
      %dma_start3A_467 = arith.constant 0 : i32
      %dma_start3A_468 = tpu.memref_slice %arg8[%dma_start3A_466, %dma_start3A_467] : memref<48x128xf32, #tpu.memory_space<vmem>> -> memref<48x128xf32, #tpu.memory_space<vmem>>
      tpu.enqueue_dma source(%dma_start3A_468 : memref<48x128xf32, #tpu.memory_space<vmem>>) target(%dma_start3A_465 : memref<48x128xf32, #tpu.memory_space<vmem_shared>>) target_semaphore(%run_scoped3A : memref<!tpu.dma_semaphore, #tpu.memory_space<semaphore_mem>>)
      %dma_wait3A_469 = arith.constant 0 : i32
      %dma_wait3A_470 = arith.constant 0 : i32
      %dma_wait3A_471 = tpu.memref_slice %arg8[%dma_wait3A_469, %dma_wait3A_470] : memref<48x128xf32, #tpu.memory_space<vmem>> -> memref<48x128xf32, #tpu.memory_space<vmem>>
      %dma_wait3A_472 = arith.constant 0 : i32
      %dma_wait3A_473 = tpu.memref_slice %arg12[%add3A_41, %dma_wait3A_472] : memref<10240x128xf32, #tpu.memory_space<vmem_shared>> -> memref<48x128xf32, #tpu.memory_space<vmem_shared>>
      %dma_wait3A_474 = arith.constant 0 : i32
      %dma_wait3A_475 = tpu.memref_slice %arg12[%add3A_41, %dma_wait3A_474] : memref<10240x128xf32, #tpu.memory_space<vmem_shared>> -> memref<48x128xf32, #tpu.memory_space<vmem_shared>>
      %dma_wait3A_476 = arith.constant 0 : i32
      %dma_wait3A_477 = arith.constant 0 : i32
      %dma_wait3A_478 = tpu.memref_slice %arg8[%dma_wait3A_476, %dma_wait3A_477] : memref<48x128xf32, #tpu.memory_space<vmem>> -> memref<48x128xf32, #tpu.memory_space<vmem>>
      tpu.wait_dma2 semaphore(%run_scoped3A : memref<!tpu.dma_semaphore, #tpu.memory_space<semaphore_mem>>) src(%dma_wait3A_478 : memref<48x128xf32, #tpu.memory_space<vmem>>) dst(%dma_wait3A_475 : memref<48x128xf32, #tpu.memory_space<vmem_shared>>)
      tpu.yield
    }) : () -> ()
    %mul3A_42 = arith.constant 640 : i32
    %mul3A_43 = arith.muli %arg1, %mul3A_42 : i32
    %add3A_44 = arith.constant 432 : i32
    %add3A_45 = arith.addi %mul3A_43, %add3A_44 : i32
    "tpu.region"() ({
      %run_scoped3A = tpu.sem_alloc : memref<!tpu.dma_semaphore, #tpu.memory_space<semaphore_mem>>
      %dma_start3A_459 = arith.constant 0 : i32
      %dma_start3A_460 = arith.constant 0 : i32
      %dma_start3A_461 = tpu.memref_slice %arg8[%dma_start3A_459, %dma_start3A_460] : memref<48x128xf32, #tpu.memory_space<vmem>> -> memref<48x128xf32, #tpu.memory_space<vmem>>
      %dma_start3A_462 = arith.constant 0 : i32
      %dma_start3A_463 = tpu.memref_slice %arg12[%add3A_45, %dma_start3A_462] : memref<10240x128xf32, #tpu.memory_space<vmem_shared>> -> memref<48x128xf32, #tpu.memory_space<vmem_shared>>
      %dma_start3A_464 = arith.constant 0 : i32
      %dma_start3A_465 = tpu.memref_slice %arg12[%add3A_45, %dma_start3A_464] : memref<10240x128xf32, #tpu.memory_space<vmem_shared>> -> memref<48x128xf32, #tpu.memory_space<vmem_shared>>
      %dma_start3A_466 = arith.constant 0 : i32
      %dma_start3A_467 = arith.constant 0 : i32
      %dma_start3A_468 = tpu.memref_slice %arg8[%dma_start3A_466, %dma_start3A_467] : memref<48x128xf32, #tpu.memory_space<vmem>> -> memref<48x128xf32, #tpu.memory_space<vmem>>
      tpu.enqueue_dma source(%dma_start3A_468 : memref<48x128xf32, #tpu.memory_space<vmem>>) target(%dma_start3A_465 : memref<48x128xf32, #tpu.memory_space<vmem_shared>>) target_semaphore(%run_scoped3A : memref<!tpu.dma_semaphore, #tpu.memory_space<semaphore_mem>>)
      %dma_wait3A_469 = arith.constant 0 : i32
      %dma_wait3A_470 = arith.constant 0 : i32
      %dma_wait3A_471 = tpu.memref_slice %arg8[%dma_wait3A_469, %dma_wait3A_470] : memref<48x128xf32, #tpu.memory_space<vmem>> -> memref<48x128xf32, #tpu.memory_space<vmem>>
      %dma_wait3A_472 = arith.constant 0 : i32
      %dma_wait3A_473 = tpu.memref_slice %arg12[%add3A_45, %dma_wait3A_472] : memref<10240x128xf32, #tpu.memory_space<vmem_shared>> -> memref<48x128xf32, #tpu.memory_space<vmem_shared>>
      %dma_wait3A_474 = arith.constant 0 : i32
      %dma_wait3A_475 = tpu.memref_slice %arg12[%add3A_45, %dma_wait3A_474] : memref<10240x128xf32, #tpu.memory_space<vmem_shared>> -> memref<48x128xf32, #tpu.memory_space<vmem_shared>>
      %dma_wait3A_476 = arith.constant 0 : i32
      %dma_wait3A_477 = arith.constant 0 : i32
      %dma_wait3A_478 = tpu.memref_slice %arg8[%dma_wait3A_476, %dma_wait3A_477] : memref<48x128xf32, #tpu.memory_space<vmem>> -> memref<48x128xf32, #tpu.memory_space<vmem>>
      tpu.wait_dma2 semaphore(%run_scoped3A : memref<!tpu.dma_semaphore, #tpu.memory_space<semaphore_mem>>) src(%dma_wait3A_478 : memref<48x128xf32, #tpu.memory_space<vmem>>) dst(%dma_wait3A_475 : memref<48x128xf32, #tpu.memory_space<vmem_shared>>)
      tpu.yield
    }) : () -> ()
    %mul3A_46 = arith.constant 640 : i32
    %mul3A_47 = arith.muli %arg1, %mul3A_46 : i32
    %add3A_48 = arith.constant 480 : i32
    %add3A_49 = arith.addi %mul3A_47, %add3A_48 : i32
    "tpu.region"() ({
      %run_scoped3A = tpu.sem_alloc : memref<!tpu.dma_semaphore, #tpu.memory_space<semaphore_mem>>
      %dma_start3A_459 = arith.constant 0 : i32
      %dma_start3A_460 = arith.constant 0 : i32
      %dma_start3A_461 = tpu.memref_slice %arg8[%dma_start3A_459, %dma_start3A_460] : memref<48x128xf32, #tpu.memory_space<vmem>> -> memref<48x128xf32, #tpu.memory_space<vmem>>
      %dma_start3A_462 = arith.constant 0 : i32
      %dma_start3A_463 = tpu.memref_slice %arg12[%add3A_49, %dma_start3A_462] : memref<10240x128xf32, #tpu.memory_space<vmem_shared>> -> memref<48x128xf32, #tpu.memory_space<vmem_shared>>
      %dma_start3A_464 = arith.constant 0 : i32
      %dma_start3A_465 = tpu.memref_slice %arg12[%add3A_49, %dma_start3A_464] : memref<10240x128xf32, #tpu.memory_space<vmem_shared>> -> memref<48x128xf32, #tpu.memory_space<vmem_shared>>
      %dma_start3A_466 = arith.constant 0 : i32
      %dma_start3A_467 = arith.constant 0 : i32
      %dma_start3A_468 = tpu.memref_slice %arg8[%dma_start3A_466, %dma_start3A_467] : memref<48x128xf32, #tpu.memory_space<vmem>> -> memref<48x128xf32, #tpu.memory_space<vmem>>
      tpu.enqueue_dma source(%dma_start3A_468 : memref<48x128xf32, #tpu.memory_space<vmem>>) target(%dma_start3A_465 : memref<48x128xf32, #tpu.memory_space<vmem_shared>>) target_semaphore(%run_scoped3A : memref<!tpu.dma_semaphore, #tpu.memory_space<semaphore_mem>>)
      %dma_wait3A_469 = arith.constant 0 : i32
      %dma_wait3A_470 = arith.constant 0 : i32
      %dma_wait3A_471 = tpu.memref_slice %arg8[%dma_wait3A_469, %dma_wait3A_470] : memref<48x128xf32, #tpu.memory_space<vmem>> -> memref<48x128xf32, #tpu.memory_space<vmem>>
      %dma_wait3A_472 = arith.constant 0 : i32
      %dma_wait3A_473 = tpu.memref_slice %arg12[%add3A_49, %dma_wait3A_472] : memref<10240x128xf32, #tpu.memory_space<vmem_shared>> -> memref<48x128xf32, #tpu.memory_space<vmem_shared>>
      %dma_wait3A_474 = arith.constant 0 : i32
      %dma_wait3A_475 = tpu.memref_slice %arg12[%add3A_49, %dma_wait3A_474] : memref<10240x128xf32, #tpu.memory_space<vmem_shared>> -> memref<48x128xf32, #tpu.memory_space<vmem_shared>>
      %dma_wait3A_476 = arith.constant 0 : i32
      %dma_wait3A_477 = arith.constant 0 : i32
      %dma_wait3A_478 = tpu.memref_slice %arg8[%dma_wait3A_476, %dma_wait3A_477] : memref<48x128xf32, #tpu.memory_space<vmem>> -> memref<48x128xf32, #tpu.memory_space<vmem>>
      tpu.wait_dma2 semaphore(%run_scoped3A : memref<!tpu.dma_semaphore, #tpu.memory_space<semaphore_mem>>) src(%dma_wait3A_478 : memref<48x128xf32, #tpu.memory_space<vmem>>) dst(%dma_wait3A_475 : memref<48x128xf32, #tpu.memory_space<vmem_shared>>)
      tpu.yield
    }) : () -> ()
    %mul3A_50 = arith.constant 640 : i32
    %mul3A_51 = arith.muli %arg1, %mul3A_50 : i32
    %add3A_52 = arith.constant 528 : i32
    %add3A_53 = arith.addi %mul3A_51, %add3A_52 : i32
    "tpu.region"() ({
      %run_scoped3A = tpu.sem_alloc : memref<!tpu.dma_semaphore, #tpu.memory_space<semaphore_mem>>
      %dma_start3A_459 = arith.constant 0 : i32
      %dma_start3A_460 = arith.constant 0 : i32
      %dma_start3A_461 = tpu.memref_slice %arg8[%dma_start3A_459, %dma_start3A_460] : memref<48x128xf32, #tpu.memory_space<vmem>> -> memref<48x128xf32, #tpu.memory_space<vmem>>
      %dma_start3A_462 = arith.constant 0 : i32
      %dma_start3A_463 = tpu.memref_slice %arg12[%add3A_53, %dma_start3A_462] : memref<10240x128xf32, #tpu.memory_space<vmem_shared>> -> memref<48x128xf32, #tpu.memory_space<vmem_shared>>
      %dma_start3A_464 = arith.constant 0 : i32
      %dma_start3A_465 = tpu.memref_slice %arg12[%add3A_53, %dma_start3A_464] : memref<10240x128xf32, #tpu.memory_space<vmem_shared>> -> memref<48x128xf32, #tpu.memory_space<vmem_shared>>
      %dma_start3A_466 = arith.constant 0 : i32
      %dma_start3A_467 = arith.constant 0 : i32
      %dma_start3A_468 = tpu.memref_slice %arg8[%dma_start3A_466, %dma_start3A_467] : memref<48x128xf32, #tpu.memory_space<vmem>> -> memref<48x128xf32, #tpu.memory_space<vmem>>
      tpu.enqueue_dma source(%dma_start3A_468 : memref<48x128xf32, #tpu.memory_space<vmem>>) target(%dma_start3A_465 : memref<48x128xf32, #tpu.memory_space<vmem_shared>>) target_semaphore(%run_scoped3A : memref<!tpu.dma_semaphore, #tpu.memory_space<semaphore_mem>>)
      %dma_wait3A_469 = arith.constant 0 : i32
      %dma_wait3A_470 = arith.constant 0 : i32
      %dma_wait3A_471 = tpu.memref_slice %arg8[%dma_wait3A_469, %dma_wait3A_470] : memref<48x128xf32, #tpu.memory_space<vmem>> -> memref<48x128xf32, #tpu.memory_space<vmem>>
      %dma_wait3A_472 = arith.constant 0 : i32
      %dma_wait3A_473 = tpu.memref_slice %arg12[%add3A_53, %dma_wait3A_472] : memref<10240x128xf32, #tpu.memory_space<vmem_shared>> -> memref<48x128xf32, #tpu.memory_space<vmem_shared>>
      %dma_wait3A_474 = arith.constant 0 : i32
      %dma_wait3A_475 = tpu.memref_slice %arg12[%add3A_53, %dma_wait3A_474] : memref<10240x128xf32, #tpu.memory_space<vmem_shared>> -> memref<48x128xf32, #tpu.memory_space<vmem_shared>>
      %dma_wait3A_476 = arith.constant 0 : i32
      %dma_wait3A_477 = arith.constant 0 : i32
      %dma_wait3A_478 = tpu.memref_slice %arg8[%dma_wait3A_476, %dma_wait3A_477] : memref<48x128xf32, #tpu.memory_space<vmem>> -> memref<48x128xf32, #tpu.memory_space<vmem>>
      tpu.wait_dma2 semaphore(%run_scoped3A : memref<!tpu.dma_semaphore, #tpu.memory_space<semaphore_mem>>) src(%dma_wait3A_478 : memref<48x128xf32, #tpu.memory_space<vmem>>) dst(%dma_wait3A_475 : memref<48x128xf32, #tpu.memory_space<vmem_shared>>)
      tpu.yield
    }) : () -> ()
    %mul3A_54 = arith.constant 640 : i32
    %mul3A_55 = arith.muli %arg1, %mul3A_54 : i32
    %add3A_56 = arith.constant 576 : i32
    %add3A_57 = arith.addi %mul3A_55, %add3A_56 : i32
    "tpu.region"() ({
      %run_scoped3A = tpu.sem_alloc : memref<!tpu.dma_semaphore, #tpu.memory_space<semaphore_mem>>
      %dma_start3A_459 = arith.constant 0 : i32
      %dma_start3A_460 = arith.constant 0 : i32
      %dma_start3A_461 = tpu.memref_slice %arg8[%dma_start3A_459, %dma_start3A_460] : memref<48x128xf32, #tpu.memory_space<vmem>> -> memref<48x128xf32, #tpu.memory_space<vmem>>
      %dma_start3A_462 = arith.constant 0 : i32
      %dma_start3A_463 = tpu.memref_slice %arg12[%add3A_57, %dma_start3A_462] : memref<10240x128xf32, #tpu.memory_space<vmem_shared>> -> memref<48x128xf32, #tpu.memory_space<vmem_shared>>
      %dma_start3A_464 = arith.constant 0 : i32
      %dma_start3A_465 = tpu.memref_slice %arg12[%add3A_57, %dma_start3A_464] : memref<10240x128xf32, #tpu.memory_space<vmem_shared>> -> memref<48x128xf32, #tpu.memory_space<vmem_shared>>
      %dma_start3A_466 = arith.constant 0 : i32
      %dma_start3A_467 = arith.constant 0 : i32
      %dma_start3A_468 = tpu.memref_slice %arg8[%dma_start3A_466, %dma_start3A_467] : memref<48x128xf32, #tpu.memory_space<vmem>> -> memref<48x128xf32, #tpu.memory_space<vmem>>
      tpu.enqueue_dma source(%dma_start3A_468 : memref<48x128xf32, #tpu.memory_space<vmem>>) target(%dma_start3A_465 : memref<48x128xf32, #tpu.memory_space<vmem_shared>>) target_semaphore(%run_scoped3A : memref<!tpu.dma_semaphore, #tpu.memory_space<semaphore_mem>>)
      %dma_wait3A_469 = arith.constant 0 : i32
      %dma_wait3A_470 = arith.constant 0 : i32
      %dma_wait3A_471 = tpu.memref_slice %arg8[%dma_wait3A_469, %dma_wait3A_470] : memref<48x128xf32, #tpu.memory_space<vmem>> -> memref<48x128xf32, #tpu.memory_space<vmem>>
      %dma_wait3A_472 = arith.constant 0 : i32
      %dma_wait3A_473 = tpu.memref_slice %arg12[%add3A_57, %dma_wait3A_472] : memref<10240x128xf32, #tpu.memory_space<vmem_shared>> -> memref<48x128xf32, #tpu.memory_space<vmem_shared>>
      %dma_wait3A_474 = arith.constant 0 : i32
      %dma_wait3A_475 = tpu.memref_slice %arg12[%add3A_57, %dma_wait3A_474] : memref<10240x128xf32, #tpu.memory_space<vmem_shared>> -> memref<48x128xf32, #tpu.memory_space<vmem_shared>>
      %dma_wait3A_476 = arith.constant 0 : i32
      %dma_wait3A_477 = arith.constant 0 : i32
      %dma_wait3A_478 = tpu.memref_slice %arg8[%dma_wait3A_476, %dma_wait3A_477] : memref<48x128xf32, #tpu.memory_space<vmem>> -> memref<48x128xf32, #tpu.memory_space<vmem>>
      tpu.wait_dma2 semaphore(%run_scoped3A : memref<!tpu.dma_semaphore, #tpu.memory_space<semaphore_mem>>) src(%dma_wait3A_478 : memref<48x128xf32, #tpu.memory_space<vmem>>) dst(%dma_wait3A_475 : memref<48x128xf32, #tpu.memory_space<vmem_shared>>)
      tpu.yield
    }) : () -> ()
    %mul3A_58 = arith.constant 640 : i32
    %mul3A_59 = arith.muli %arg1, %mul3A_58 : i32
    %add3A_60 = arith.constant 624 : i32
    %add3A_61 = arith.addi %mul3A_59, %add3A_60 : i32
    "tpu.region"() ({
      %run_scoped3A = tpu.sem_alloc : memref<!tpu.dma_semaphore, #tpu.memory_space<semaphore_mem>>
      %dma_start3A_459 = arith.constant 0 : i32
      %dma_start3A_460 = arith.constant 0 : i32
      %dma_start3A_461 = tpu.memref_slice %arg8[%dma_start3A_459, %dma_start3A_460] : memref<48x128xf32, #tpu.memory_space<vmem>> -> memref<16x128xf32, #tpu.memory_space<vmem>>
      %dma_start3A_462 = arith.constant 0 : i32
      %dma_start3A_463 = tpu.memref_slice %arg12[%add3A_61, %dma_start3A_462] : memref<10240x128xf32, #tpu.memory_space<vmem_shared>> -> memref<16x128xf32, #tpu.memory_space<vmem_shared>>
      %dma_start3A_464 = arith.constant 0 : i32
      %dma_start3A_465 = tpu.memref_slice %arg12[%add3A_61, %dma_start3A_464] : memref<10240x128xf32, #tpu.memory_space<vmem_shared>> -> memref<16x128xf32, #tpu.memory_space<vmem_shared>>
      %dma_start3A_466 = arith.constant 0 : i32
      %dma_start3A_467 = arith.constant 0 : i32
      %dma_start3A_468 = tpu.memref_slice %arg8[%dma_start3A_466, %dma_start3A_467] : memref<48x128xf32, #tpu.memory_space<vmem>> -> memref<16x128xf32, #tpu.memory_space<vmem>>
      tpu.enqueue_dma source(%dma_start3A_468 : memref<16x128xf32, #tpu.memory_space<vmem>>) target(%dma_start3A_465 : memref<16x128xf32, #tpu.memory_space<vmem_shared>>) target_semaphore(%run_scoped3A : memref<!tpu.dma_semaphore, #tpu.memory_space<semaphore_mem>>)
      %dma_wait3A_469 = arith.constant 0 : i32
      %dma_wait3A_470 = arith.constant 0 : i32
      %dma_wait3A_471 = tpu.memref_slice %arg8[%dma_wait3A_469, %dma_wait3A_470] : memref<48x128xf32, #tpu.memory_space<vmem>> -> memref<16x128xf32, #tpu.memory_space<vmem>>
      %dma_wait3A_472 = arith.constant 0 : i32
      %dma_wait3A_473 = tpu.memref_slice %arg12[%add3A_61, %dma_wait3A_472] : memref<10240x128xf32, #tpu.memory_space<vmem_shared>> -> memref<16x128xf32, #tpu.memory_space<vmem_shared>>
      %dma_wait3A_474 = arith.constant 0 : i32
      %dma_wait3A_475 = tpu.memref_slice %arg12[%add3A_61, %dma_wait3A_474] : memref<10240x128xf32, #tpu.memory_space<vmem_shared>> -> memref<16x128xf32, #tpu.memory_space<vmem_shared>>
      %dma_wait3A_476 = arith.constant 0 : i32
      %dma_wait3A_477 = arith.constant 0 : i32
      %dma_wait3A_478 = tpu.memref_slice %arg8[%dma_wait3A_476, %dma_wait3A_477] : memref<48x128xf32, #tpu.memory_space<vmem>> -> memref<16x128xf32, #tpu.memory_space<vmem>>
      tpu.wait_dma2 semaphore(%run_scoped3A : memref<!tpu.dma_semaphore, #tpu.memory_space<semaphore_mem>>) src(%dma_wait3A_478 : memref<16x128xf32, #tpu.memory_space<vmem>>) dst(%dma_wait3A_475 : memref<16x128xf32, #tpu.memory_space<vmem_shared>>)
      tpu.yield
    }) : () -> ()
    %barrier3A = arith.constant 0 : index
    tpu.barrier barrier_id(%barrier3A)
    %dma_start3A = arith.constant 0 : i32
    %dma_start3A_62 = arith.constant 0 : i32
    %dma_start3A_63 = tpu.memref_slice %arg6[%dma_start3A, %dma_start3A_62] : memref<216x48xi32, #tpu.memory_space<vmem>> -> memref<1x48xi32, #tpu.memory_space<vmem>>
    %dma_start3A_64 = tpu.memref_squeeze %dma_start3A_63 : memref<1x48xi32, #tpu.memory_space<vmem>> -> memref<48xi32, #tpu.memory_space<vmem>>
    %dma_start3A_65 = arith.constant 0 : i32
    %dma_start3A_66 = arith.constant 0 : i32
    %dma_start3A_67 = tpu.memref_slice %arg2[%dma_start3A_65, %dma_start3A_66] : memref<10240x128xf32, #tpu.memory_space<hbm>> -> memref<10240x128xf32, #tpu.memory_space<hbm>>
    tpu.enqueue_indirect_dma source(%dma_start3A_67 : memref<10240x128xf32, #tpu.memory_space<hbm>>) target(%arg8 : memref<48x128xf32, #tpu.memory_space<vmem>>) offsets(%dma_start3A_64 : memref<48xi32, #tpu.memory_space<vmem>>) semaphore(%arg13 : memref<!tpu.dma_semaphore, #tpu.memory_space<semaphore_mem>>)
    %dma_start3A_68 = arith.constant 1 : i32
    %dma_start3A_69 = arith.constant 0 : i32
    %dma_start3A_70 = tpu.memref_slice %arg6[%dma_start3A_68, %dma_start3A_69] : memref<216x48xi32, #tpu.memory_space<vmem>> -> memref<1x48xi32, #tpu.memory_space<vmem>>
    %dma_start3A_71 = tpu.memref_squeeze %dma_start3A_70 : memref<1x48xi32, #tpu.memory_space<vmem>> -> memref<48xi32, #tpu.memory_space<vmem>>
    %dma_start3A_72 = arith.constant 0 : i32
    %dma_start3A_73 = arith.constant 0 : i32
    %dma_start3A_74 = tpu.memref_slice %arg2[%dma_start3A_72, %dma_start3A_73] : memref<10240x128xf32, #tpu.memory_space<hbm>> -> memref<10240x128xf32, #tpu.memory_space<hbm>>
    tpu.enqueue_indirect_dma source(%dma_start3A_74 : memref<10240x128xf32, #tpu.memory_space<hbm>>) target(%arg9 : memref<48x128xf32, #tpu.memory_space<vmem>>) offsets(%dma_start3A_71 : memref<48xi32, #tpu.memory_space<vmem>>) semaphore(%arg14 : memref<!tpu.dma_semaphore, #tpu.memory_space<semaphore_mem>>)
    %dma_start3A_75 = arith.constant 2 : i32
    %dma_start3A_76 = arith.constant 0 : i32
    %dma_start3A_77 = tpu.memref_slice %arg6[%dma_start3A_75, %dma_start3A_76] : memref<216x48xi32, #tpu.memory_space<vmem>> -> memref<1x48xi32, #tpu.memory_space<vmem>>
    %dma_start3A_78 = tpu.memref_squeeze %dma_start3A_77 : memref<1x48xi32, #tpu.memory_space<vmem>> -> memref<48xi32, #tpu.memory_space<vmem>>
    %dma_start3A_79 = arith.constant 0 : i32
    %dma_start3A_80 = arith.constant 0 : i32
    %dma_start3A_81 = tpu.memref_slice %arg2[%dma_start3A_79, %dma_start3A_80] : memref<10240x128xf32, #tpu.memory_space<hbm>> -> memref<10240x128xf32, #tpu.memory_space<hbm>>
    tpu.enqueue_indirect_dma source(%dma_start3A_81 : memref<10240x128xf32, #tpu.memory_space<hbm>>) target(%arg10 : memref<48x128xf32, #tpu.memory_space<vmem>>) offsets(%dma_start3A_78 : memref<48xi32, #tpu.memory_space<vmem>>) semaphore(%arg15 : memref<!tpu.dma_semaphore, #tpu.memory_space<semaphore_mem>>)
    %dma_wait3A = arith.constant 0 : i32
    %dma_wait3A_82 = arith.constant 0 : i32
    %dma_wait3A_83 = tpu.memref_slice %arg6[%dma_wait3A, %dma_wait3A_82] : memref<216x48xi32, #tpu.memory_space<vmem>> -> memref<1x48xi32, #tpu.memory_space<vmem>>
    %dma_wait3A_84 = tpu.memref_squeeze %dma_wait3A_83 : memref<1x48xi32, #tpu.memory_space<vmem>> -> memref<48xi32, #tpu.memory_space<vmem>>
    %dma_wait3A_85 = arith.constant 0 : i32
    %dma_wait3A_86 = arith.constant 0 : i32
    %dma_wait3A_87 = tpu.memref_slice %arg2[%dma_wait3A_85, %dma_wait3A_86] : memref<10240x128xf32, #tpu.memory_space<hbm>> -> memref<10240x128xf32, #tpu.memory_space<hbm>>
    tpu.wait_indirect_dma semaphore(%arg13 : memref<!tpu.dma_semaphore, #tpu.memory_space<semaphore_mem>>) src(%dma_wait3A_87 : memref<10240x128xf32, #tpu.memory_space<hbm>>) dst(%arg8 : memref<48x128xf32, #tpu.memory_space<vmem>>)
    %dma_start3A_88 = arith.constant 0 : i32
    %dma_start3A_89 = arith.constant 0 : i32
    %dma_start3A_90 = tpu.memref_slice %arg7[%dma_start3A_88, %dma_start3A_89] : memref<216x48xi32, #tpu.memory_space<vmem>> -> memref<1x48xi32, #tpu.memory_space<vmem>>
    %dma_start3A_91 = tpu.memref_squeeze %dma_start3A_90 : memref<1x48xi32, #tpu.memory_space<vmem>> -> memref<48xi32, #tpu.memory_space<vmem>>
    %dma_start3A_92 = arith.constant 0 : i32
    %dma_start3A_93 = arith.constant 0 : i32
    %dma_start3A_94 = tpu.memref_slice %arg12[%dma_start3A_92, %dma_start3A_93] : memref<10240x128xf32, #tpu.memory_space<vmem_shared>> -> memref<10240x128xf32, #tpu.memory_space<vmem_shared>>
    tpu.enqueue_indirect_dma source(%arg8 : memref<48x128xf32, #tpu.memory_space<vmem>>) target(%dma_start3A_94 : memref<10240x128xf32, #tpu.memory_space<vmem_shared>>) offsets(%dma_start3A_91 : memref<48xi32, #tpu.memory_space<vmem>>) semaphore(%arg17 : memref<!tpu.dma_semaphore, #tpu.memory_space<semaphore_mem>>) {add = true}
    %dma_start3A_95 = arith.constant 3 : i32
    %dma_start3A_96 = arith.constant 0 : i32
    %dma_start3A_97 = tpu.memref_slice %arg6[%dma_start3A_95, %dma_start3A_96] : memref<216x48xi32, #tpu.memory_space<vmem>> -> memref<1x48xi32, #tpu.memory_space<vmem>>
    %dma_start3A_98 = tpu.memref_squeeze %dma_start3A_97 : memref<1x48xi32, #tpu.memory_space<vmem>> -> memref<48xi32, #tpu.memory_space<vmem>>
    %dma_start3A_99 = arith.constant 0 : i32
    %dma_start3A_100 = arith.constant 0 : i32
    %dma_start3A_101 = tpu.memref_slice %arg2[%dma_start3A_99, %dma_start3A_100] : memref<10240x128xf32, #tpu.memory_space<hbm>> -> memref<10240x128xf32, #tpu.memory_space<hbm>>
    tpu.enqueue_indirect_dma source(%dma_start3A_101 : memref<10240x128xf32, #tpu.memory_space<hbm>>) target(%arg11 : memref<48x128xf32, #tpu.memory_space<vmem>>) offsets(%dma_start3A_98 : memref<48xi32, #tpu.memory_space<vmem>>) semaphore(%arg16 : memref<!tpu.dma_semaphore, #tpu.memory_space<semaphore_mem>>)
    %dma_wait3A_102 = arith.constant 1 : i32
    %dma_wait3A_103 = arith.constant 0 : i32
    %dma_wait3A_104 = tpu.memref_slice %arg6[%dma_wait3A_102, %dma_wait3A_103] : memref<216x48xi32, #tpu.memory_space<vmem>> -> memref<1x48xi32, #tpu.memory_space<vmem>>
    %dma_wait3A_105 = tpu.memref_squeeze %dma_wait3A_104 : memref<1x48xi32, #tpu.memory_space<vmem>> -> memref<48xi32, #tpu.memory_space<vmem>>
    %dma_wait3A_106 = arith.constant 0 : i32
    %dma_wait3A_107 = arith.constant 0 : i32
    %dma_wait3A_108 = tpu.memref_slice %arg2[%dma_wait3A_106, %dma_wait3A_107] : memref<10240x128xf32, #tpu.memory_space<hbm>> -> memref<10240x128xf32, #tpu.memory_space<hbm>>
    tpu.wait_indirect_dma semaphore(%arg14 : memref<!tpu.dma_semaphore, #tpu.memory_space<semaphore_mem>>) src(%dma_wait3A_108 : memref<10240x128xf32, #tpu.memory_space<hbm>>) dst(%arg9 : memref<48x128xf32, #tpu.memory_space<vmem>>)
    %dma_wait3A_109 = arith.constant 0 : i32
    %dma_wait3A_110 = arith.constant 0 : i32
    %dma_wait3A_111 = tpu.memref_slice %arg7[%dma_wait3A_109, %dma_wait3A_110] : memref<216x48xi32, #tpu.memory_space<vmem>> -> memref<1x48xi32, #tpu.memory_space<vmem>>
    %dma_wait3A_112 = tpu.memref_squeeze %dma_wait3A_111 : memref<1x48xi32, #tpu.memory_space<vmem>> -> memref<48xi32, #tpu.memory_space<vmem>>
    %dma_wait3A_113 = arith.constant 0 : i32
    %dma_wait3A_114 = arith.constant 0 : i32
    %dma_wait3A_115 = tpu.memref_slice %arg12[%dma_wait3A_113, %dma_wait3A_114] : memref<10240x128xf32, #tpu.memory_space<vmem_shared>> -> memref<10240x128xf32, #tpu.memory_space<vmem_shared>>
    tpu.wait_indirect_dma semaphore(%arg17 : memref<!tpu.dma_semaphore, #tpu.memory_space<semaphore_mem>>) src(%arg8 : memref<48x128xf32, #tpu.memory_space<vmem>>) dst(%dma_wait3A_115 : memref<10240x128xf32, #tpu.memory_space<vmem_shared>>)
    %dma_start3A_116 = arith.constant 1 : i32
    %dma_start3A_117 = arith.constant 0 : i32
    %dma_start3A_118 = tpu.memref_slice %arg7[%dma_start3A_116, %dma_start3A_117] : memref<216x48xi32, #tpu.memory_space<vmem>> -> memref<1x48xi32, #tpu.memory_space<vmem>>
    %dma_start3A_119 = tpu.memref_squeeze %dma_start3A_118 : memref<1x48xi32, #tpu.memory_space<vmem>> -> memref<48xi32, #tpu.memory_space<vmem>>
    %dma_start3A_120 = arith.constant 0 : i32
    %dma_start3A_121 = arith.constant 0 : i32
    %dma_start3A_122 = tpu.memref_slice %arg12[%dma_start3A_120, %dma_start3A_121] : memref<10240x128xf32, #tpu.memory_space<vmem_shared>> -> memref<10240x128xf32, #tpu.memory_space<vmem_shared>>
    tpu.enqueue_indirect_dma source(%arg9 : memref<48x128xf32, #tpu.memory_space<vmem>>) target(%dma_start3A_122 : memref<10240x128xf32, #tpu.memory_space<vmem_shared>>) offsets(%dma_start3A_119 : memref<48xi32, #tpu.memory_space<vmem>>) semaphore(%arg18 : memref<!tpu.dma_semaphore, #tpu.memory_space<semaphore_mem>>) {add = true}
    %dma_start3A_123 = arith.constant 4 : i32
    %dma_start3A_124 = arith.constant 0 : i32
    %dma_start3A_125 = tpu.memref_slice %arg6[%dma_start3A_123, %dma_start3A_124] : memref<216x48xi32, #tpu.memory_space<vmem>> -> memref<1x48xi32, #tpu.memory_space<vmem>>
    %dma_start3A_126 = tpu.memref_squeeze %dma_start3A_125 : memref<1x48xi32, #tpu.memory_space<vmem>> -> memref<48xi32, #tpu.memory_space<vmem>>
    %dma_start3A_127 = arith.constant 0 : i32
    %dma_start3A_128 = arith.constant 0 : i32
    %dma_start3A_129 = tpu.memref_slice %arg2[%dma_start3A_127, %dma_start3A_128] : memref<10240x128xf32, #tpu.memory_space<hbm>> -> memref<10240x128xf32, #tpu.memory_space<hbm>>
    tpu.enqueue_indirect_dma source(%dma_start3A_129 : memref<10240x128xf32, #tpu.memory_space<hbm>>) target(%arg8 : memref<48x128xf32, #tpu.memory_space<vmem>>) offsets(%dma_start3A_126 : memref<48xi32, #tpu.memory_space<vmem>>) semaphore(%arg13 : memref<!tpu.dma_semaphore, #tpu.memory_space<semaphore_mem>>)
    %dma_wait3A_130 = arith.constant 2 : i32
    %dma_wait3A_131 = arith.constant 0 : i32
    %dma_wait3A_132 = tpu.memref_slice %arg6[%dma_wait3A_130, %dma_wait3A_131] : memref<216x48xi32, #tpu.memory_space<vmem>> -> memref<1x48xi32, #tpu.memory_space<vmem>>
    %dma_wait3A_133 = tpu.memref_squeeze %dma_wait3A_132 : memref<1x48xi32, #tpu.memory_space<vmem>> -> memref<48xi32, #tpu.memory_space<vmem>>
    %dma_wait3A_134 = arith.constant 0 : i32
    %dma_wait3A_135 = arith.constant 0 : i32
    %dma_wait3A_136 = tpu.memref_slice %arg2[%dma_wait3A_134, %dma_wait3A_135] : memref<10240x128xf32, #tpu.memory_space<hbm>> -> memref<10240x128xf32, #tpu.memory_space<hbm>>
    tpu.wait_indirect_dma semaphore(%arg15 : memref<!tpu.dma_semaphore, #tpu.memory_space<semaphore_mem>>) src(%dma_wait3A_136 : memref<10240x128xf32, #tpu.memory_space<hbm>>) dst(%arg10 : memref<48x128xf32, #tpu.memory_space<vmem>>)
    %dma_wait3A_137 = arith.constant 1 : i32
    %dma_wait3A_138 = arith.constant 0 : i32
    %dma_wait3A_139 = tpu.memref_slice %arg7[%dma_wait3A_137, %dma_wait3A_138] : memref<216x48xi32, #tpu.memory_space<vmem>> -> memref<1x48xi32, #tpu.memory_space<vmem>>
    %dma_wait3A_140 = tpu.memref_squeeze %dma_wait3A_139 : memref<1x48xi32, #tpu.memory_space<vmem>> -> memref<48xi32, #tpu.memory_space<vmem>>
    %dma_wait3A_141 = arith.constant 0 : i32
    %dma_wait3A_142 = arith.constant 0 : i32
    %dma_wait3A_143 = tpu.memref_slice %arg12[%dma_wait3A_141, %dma_wait3A_142] : memref<10240x128xf32, #tpu.memory_space<vmem_shared>> -> memref<10240x128xf32, #tpu.memory_space<vmem_shared>>
    tpu.wait_indirect_dma semaphore(%arg18 : memref<!tpu.dma_semaphore, #tpu.memory_space<semaphore_mem>>) src(%arg9 : memref<48x128xf32, #tpu.memory_space<vmem>>) dst(%dma_wait3A_143 : memref<10240x128xf32, #tpu.memory_space<vmem_shared>>)
    %dma_start3A_144 = arith.constant 2 : i32
    %dma_start3A_145 = arith.constant 0 : i32
    %dma_start3A_146 = tpu.memref_slice %arg7[%dma_start3A_144, %dma_start3A_145] : memref<216x48xi32, #tpu.memory_space<vmem>> -> memref<1x48xi32, #tpu.memory_space<vmem>>
    %dma_start3A_147 = tpu.memref_squeeze %dma_start3A_146 : memref<1x48xi32, #tpu.memory_space<vmem>> -> memref<48xi32, #tpu.memory_space<vmem>>
    %dma_start3A_148 = arith.constant 0 : i32
    %dma_start3A_149 = arith.constant 0 : i32
    %dma_start3A_150 = tpu.memref_slice %arg12[%dma_start3A_148, %dma_start3A_149] : memref<10240x128xf32, #tpu.memory_space<vmem_shared>> -> memref<10240x128xf32, #tpu.memory_space<vmem_shared>>
    tpu.enqueue_indirect_dma source(%arg10 : memref<48x128xf32, #tpu.memory_space<vmem>>) target(%dma_start3A_150 : memref<10240x128xf32, #tpu.memory_space<vmem_shared>>) offsets(%dma_start3A_147 : memref<48xi32, #tpu.memory_space<vmem>>) semaphore(%arg19 : memref<!tpu.dma_semaphore, #tpu.memory_space<semaphore_mem>>) {add = true}
    %dma_start3A_151 = arith.constant 5 : i32
    %dma_start3A_152 = arith.constant 0 : i32
    %dma_start3A_153 = tpu.memref_slice %arg6[%dma_start3A_151, %dma_start3A_152] : memref<216x48xi32, #tpu.memory_space<vmem>> -> memref<1x48xi32, #tpu.memory_space<vmem>>
    %dma_start3A_154 = tpu.memref_squeeze %dma_start3A_153 : memref<1x48xi32, #tpu.memory_space<vmem>> -> memref<48xi32, #tpu.memory_space<vmem>>
    %dma_start3A_155 = arith.constant 0 : i32
    %dma_start3A_156 = arith.constant 0 : i32
    %dma_start3A_157 = tpu.memref_slice %arg2[%dma_start3A_155, %dma_start3A_156] : memref<10240x128xf32, #tpu.memory_space<hbm>> -> memref<10240x128xf32, #tpu.memory_space<hbm>>
    tpu.enqueue_indirect_dma source(%dma_start3A_157 : memref<10240x128xf32, #tpu.memory_space<hbm>>) target(%arg9 : memref<48x128xf32, #tpu.memory_space<vmem>>) offsets(%dma_start3A_154 : memref<48xi32, #tpu.memory_space<vmem>>) semaphore(%arg14 : memref<!tpu.dma_semaphore, #tpu.memory_space<semaphore_mem>>)
    %dma_wait3A_158 = arith.constant 3 : i32
    %dma_wait3A_159 = arith.constant 0 : i32
    %dma_wait3A_160 = tpu.memref_slice %arg6[%dma_wait3A_158, %dma_wait3A_159] : memref<216x48xi32, #tpu.memory_space<vmem>> -> memref<1x48xi32, #tpu.memory_space<vmem>>
    %dma_wait3A_161 = tpu.memref_squeeze %dma_wait3A_160 : memref<1x48xi32, #tpu.memory_space<vmem>> -> memref<48xi32, #tpu.memory_space<vmem>>
    %dma_wait3A_162 = arith.constant 0 : i32
    %dma_wait3A_163 = arith.constant 0 : i32
    %dma_wait3A_164 = tpu.memref_slice %arg2[%dma_wait3A_162, %dma_wait3A_163] : memref<10240x128xf32, #tpu.memory_space<hbm>> -> memref<10240x128xf32, #tpu.memory_space<hbm>>
    tpu.wait_indirect_dma semaphore(%arg16 : memref<!tpu.dma_semaphore, #tpu.memory_space<semaphore_mem>>) src(%dma_wait3A_164 : memref<10240x128xf32, #tpu.memory_space<hbm>>) dst(%arg11 : memref<48x128xf32, #tpu.memory_space<vmem>>)
    %dma_wait3A_165 = arith.constant 2 : i32
    %dma_wait3A_166 = arith.constant 0 : i32
    %dma_wait3A_167 = tpu.memref_slice %arg7[%dma_wait3A_165, %dma_wait3A_166] : memref<216x48xi32, #tpu.memory_space<vmem>> -> memref<1x48xi32, #tpu.memory_space<vmem>>
    %dma_wait3A_168 = tpu.memref_squeeze %dma_wait3A_167 : memref<1x48xi32, #tpu.memory_space<vmem>> -> memref<48xi32, #tpu.memory_space<vmem>>
    %dma_wait3A_169 = arith.constant 0 : i32
    %dma_wait3A_170 = arith.constant 0 : i32
    %dma_wait3A_171 = tpu.memref_slice %arg12[%dma_wait3A_169, %dma_wait3A_170] : memref<10240x128xf32, #tpu.memory_space<vmem_shared>> -> memref<10240x128xf32, #tpu.memory_space<vmem_shared>>
    tpu.wait_indirect_dma semaphore(%arg19 : memref<!tpu.dma_semaphore, #tpu.memory_space<semaphore_mem>>) src(%arg10 : memref<48x128xf32, #tpu.memory_space<vmem>>) dst(%dma_wait3A_171 : memref<10240x128xf32, #tpu.memory_space<vmem_shared>>)
    %dma_start3A_172 = arith.constant 3 : i32
    %dma_start3A_173 = arith.constant 0 : i32
    %dma_start3A_174 = tpu.memref_slice %arg7[%dma_start3A_172, %dma_start3A_173] : memref<216x48xi32, #tpu.memory_space<vmem>> -> memref<1x48xi32, #tpu.memory_space<vmem>>
    %dma_start3A_175 = tpu.memref_squeeze %dma_start3A_174 : memref<1x48xi32, #tpu.memory_space<vmem>> -> memref<48xi32, #tpu.memory_space<vmem>>
    %dma_start3A_176 = arith.constant 0 : i32
    %dma_start3A_177 = arith.constant 0 : i32
    %dma_start3A_178 = tpu.memref_slice %arg12[%dma_start3A_176, %dma_start3A_177] : memref<10240x128xf32, #tpu.memory_space<vmem_shared>> -> memref<10240x128xf32, #tpu.memory_space<vmem_shared>>
    tpu.enqueue_indirect_dma source(%arg11 : memref<48x128xf32, #tpu.memory_space<vmem>>) target(%dma_start3A_178 : memref<10240x128xf32, #tpu.memory_space<vmem_shared>>) offsets(%dma_start3A_175 : memref<48xi32, #tpu.memory_space<vmem>>) semaphore(%arg20 : memref<!tpu.dma_semaphore, #tpu.memory_space<semaphore_mem>>) {add = true}
    %dma_start3A_179 = arith.constant 6 : i32
    %dma_start3A_180 = arith.constant 0 : i32
    %dma_start3A_181 = tpu.memref_slice %arg6[%dma_start3A_179, %dma_start3A_180] : memref<216x48xi32, #tpu.memory_space<vmem>> -> memref<1x48xi32, #tpu.memory_space<vmem>>
    %dma_start3A_182 = tpu.memref_squeeze %dma_start3A_181 : memref<1x48xi32, #tpu.memory_space<vmem>> -> memref<48xi32, #tpu.memory_space<vmem>>
    %dma_start3A_183 = arith.constant 0 : i32
    %dma_start3A_184 = arith.constant 0 : i32
    %dma_start3A_185 = tpu.memref_slice %arg2[%dma_start3A_183, %dma_start3A_184] : memref<10240x128xf32, #tpu.memory_space<hbm>> -> memref<10240x128xf32, #tpu.memory_space<hbm>>
    tpu.enqueue_indirect_dma source(%dma_start3A_185 : memref<10240x128xf32, #tpu.memory_space<hbm>>) target(%arg10 : memref<48x128xf32, #tpu.memory_space<vmem>>) offsets(%dma_start3A_182 : memref<48xi32, #tpu.memory_space<vmem>>) semaphore(%arg15 : memref<!tpu.dma_semaphore, #tpu.memory_space<semaphore_mem>>)
    %scan3A_186 = arith.constant 0 : i32
    %scan3A_187 = arith.constant 1 : i32
    %scan3A_188 = arith.constant 51 : i32
    %scan3A_189 = arith.addi %scan3A_187, %scan3A_188 : i32
    %scan3A_190 = arith.constant 1 : i32
    scf.for %scan3A_459 = %scan3A_187 to %scan3A_189 step %scan3A_190  : i32 {
      %mul3A_460 = arith.constant 4 : i32
      %mul3A_461 = arith.muli %mul3A_460, %scan3A_459 : i32
      %add3A_462 = arith.constant 0 : i32
      %add3A_463 = arith.addi %mul3A_461, %add3A_462 : i32
      %dma_wait3A_464 = arith.constant 0 : i32
      %dma_wait3A_465 = tpu.memref_slice %arg6[%add3A_463, %dma_wait3A_464] : memref<216x48xi32, #tpu.memory_space<vmem>> -> memref<1x48xi32, #tpu.memory_space<vmem>>
      %dma_wait3A_466 = tpu.memref_squeeze %dma_wait3A_465 : memref<1x48xi32, #tpu.memory_space<vmem>> -> memref<48xi32, #tpu.memory_space<vmem>>
      %dma_wait3A_467 = arith.constant 0 : i32
      %dma_wait3A_468 = arith.constant 0 : i32
      %dma_wait3A_469 = tpu.memref_slice %arg2[%dma_wait3A_467, %dma_wait3A_468] : memref<10240x128xf32, #tpu.memory_space<hbm>> -> memref<10240x128xf32, #tpu.memory_space<hbm>>
      tpu.wait_indirect_dma semaphore(%arg13 : memref<!tpu.dma_semaphore, #tpu.memory_space<semaphore_mem>>) src(%dma_wait3A_469 : memref<10240x128xf32, #tpu.memory_space<hbm>>) dst(%arg8 : memref<48x128xf32, #tpu.memory_space<vmem>>)
      %sub3A = arith.constant 1 : i32
      %sub3A_470 = arith.subi %add3A_463, %sub3A : i32
      %dma_wait3A_471 = arith.constant 0 : i32
      %dma_wait3A_472 = tpu.memref_slice %arg7[%sub3A_470, %dma_wait3A_471] : memref<216x48xi32, #tpu.memory_space<vmem>> -> memref<1x48xi32, #tpu.memory_space<vmem>>
      %dma_wait3A_473 = tpu.memref_squeeze %dma_wait3A_472 : memref<1x48xi32, #tpu.memory_space<vmem>> -> memref<48xi32, #tpu.memory_space<vmem>>
      %dma_wait3A_474 = arith.constant 0 : i32
      %dma_wait3A_475 = arith.constant 0 : i32
      %dma_wait3A_476 = tpu.memref_slice %arg12[%dma_wait3A_474, %dma_wait3A_475] : memref<10240x128xf32, #tpu.memory_space<vmem_shared>> -> memref<10240x128xf32, #tpu.memory_space<vmem_shared>>
      tpu.wait_indirect_dma semaphore(%arg20 : memref<!tpu.dma_semaphore, #tpu.memory_space<semaphore_mem>>) src(%arg11 : memref<48x128xf32, #tpu.memory_space<vmem>>) dst(%dma_wait3A_476 : memref<10240x128xf32, #tpu.memory_space<vmem_shared>>)
      %dma_start3A_477 = arith.constant 0 : i32
      %dma_start3A_478 = tpu.memref_slice %arg7[%add3A_463, %dma_start3A_477] : memref<216x48xi32, #tpu.memory_space<vmem>> -> memref<1x48xi32, #tpu.memory_space<vmem>>
      %dma_start3A_479 = tpu.memref_squeeze %dma_start3A_478 : memref<1x48xi32, #tpu.memory_space<vmem>> -> memref<48xi32, #tpu.memory_space<vmem>>
      %dma_start3A_480 = arith.constant 0 : i32
      %dma_start3A_481 = arith.constant 0 : i32
      %dma_start3A_482 = tpu.memref_slice %arg12[%dma_start3A_480, %dma_start3A_481] : memref<10240x128xf32, #tpu.memory_space<vmem_shared>> -> memref<10240x128xf32, #tpu.memory_space<vmem_shared>>
      tpu.enqueue_indirect_dma source(%arg8 : memref<48x128xf32, #tpu.memory_space<vmem>>) target(%dma_start3A_482 : memref<10240x128xf32, #tpu.memory_space<vmem_shared>>) offsets(%dma_start3A_479 : memref<48xi32, #tpu.memory_space<vmem>>) semaphore(%arg17 : memref<!tpu.dma_semaphore, #tpu.memory_space<semaphore_mem>>) {add = true}
      %add3A_483 = arith.constant 3 : i32
      %add3A_484 = arith.addi %add3A_463, %add3A_483 : i32
      %dma_start3A_485 = arith.constant 0 : i32
      %dma_start3A_486 = tpu.memref_slice %arg6[%add3A_484, %dma_start3A_485] : memref<216x48xi32, #tpu.memory_space<vmem>> -> memref<1x48xi32, #tpu.memory_space<vmem>>
      %dma_start3A_487 = tpu.memref_squeeze %dma_start3A_486 : memref<1x48xi32, #tpu.memory_space<vmem>> -> memref<48xi32, #tpu.memory_space<vmem>>
      %dma_start3A_488 = arith.constant 0 : i32
      %dma_start3A_489 = arith.constant 0 : i32
      %dma_start3A_490 = tpu.memref_slice %arg2[%dma_start3A_488, %dma_start3A_489] : memref<10240x128xf32, #tpu.memory_space<hbm>> -> memref<10240x128xf32, #tpu.memory_space<hbm>>
      tpu.enqueue_indirect_dma source(%dma_start3A_490 : memref<10240x128xf32, #tpu.memory_space<hbm>>) target(%arg11 : memref<48x128xf32, #tpu.memory_space<vmem>>) offsets(%dma_start3A_487 : memref<48xi32, #tpu.memory_space<vmem>>) semaphore(%arg16 : memref<!tpu.dma_semaphore, #tpu.memory_space<semaphore_mem>>)
      %add3A_491 = arith.constant 1 : i32
      %add3A_492 = arith.addi %mul3A_461, %add3A_491 : i32
      %dma_wait3A_493 = arith.constant 0 : i32
      %dma_wait3A_494 = tpu.memref_slice %arg6[%add3A_492, %dma_wait3A_493] : memref<216x48xi32, #tpu.memory_space<vmem>> -> memref<1x48xi32, #tpu.memory_space<vmem>>
      %dma_wait3A_495 = tpu.memref_squeeze %dma_wait3A_494 : memref<1x48xi32, #tpu.memory_space<vmem>> -> memref<48xi32, #tpu.memory_space<vmem>>
      %dma_wait3A_496 = arith.constant 0 : i32
      %dma_wait3A_497 = arith.constant 0 : i32
      %dma_wait3A_498 = tpu.memref_slice %arg2[%dma_wait3A_496, %dma_wait3A_497] : memref<10240x128xf32, #tpu.memory_space<hbm>> -> memref<10240x128xf32, #tpu.memory_space<hbm>>
      tpu.wait_indirect_dma semaphore(%arg14 : memref<!tpu.dma_semaphore, #tpu.memory_space<semaphore_mem>>) src(%dma_wait3A_498 : memref<10240x128xf32, #tpu.memory_space<hbm>>) dst(%arg9 : memref<48x128xf32, #tpu.memory_space<vmem>>)
      %sub3A_499 = arith.constant 1 : i32
      %sub3A_500 = arith.subi %add3A_492, %sub3A_499 : i32
      %dma_wait3A_501 = arith.constant 0 : i32
      %dma_wait3A_502 = tpu.memref_slice %arg7[%sub3A_500, %dma_wait3A_501] : memref<216x48xi32, #tpu.memory_space<vmem>> -> memref<1x48xi32, #tpu.memory_space<vmem>>
      %dma_wait3A_503 = tpu.memref_squeeze %dma_wait3A_502 : memref<1x48xi32, #tpu.memory_space<vmem>> -> memref<48xi32, #tpu.memory_space<vmem>>
      %dma_wait3A_504 = arith.constant 0 : i32
      %dma_wait3A_505 = arith.constant 0 : i32
      %dma_wait3A_506 = tpu.memref_slice %arg12[%dma_wait3A_504, %dma_wait3A_505] : memref<10240x128xf32, #tpu.memory_space<vmem_shared>> -> memref<10240x128xf32, #tpu.memory_space<vmem_shared>>
      tpu.wait_indirect_dma semaphore(%arg17 : memref<!tpu.dma_semaphore, #tpu.memory_space<semaphore_mem>>) src(%arg8 : memref<48x128xf32, #tpu.memory_space<vmem>>) dst(%dma_wait3A_506 : memref<10240x128xf32, #tpu.memory_space<vmem_shared>>)
      %dma_start3A_507 = arith.constant 0 : i32
      %dma_start3A_508 = tpu.memref_slice %arg7[%add3A_492, %dma_start3A_507] : memref<216x48xi32, #tpu.memory_space<vmem>> -> memref<1x48xi32, #tpu.memory_space<vmem>>
      %dma_start3A_509 = tpu.memref_squeeze %dma_start3A_508 : memref<1x48xi32, #tpu.memory_space<vmem>> -> memref<48xi32, #tpu.memory_space<vmem>>
      %dma_start3A_510 = arith.constant 0 : i32
      %dma_start3A_511 = arith.constant 0 : i32
      %dma_start3A_512 = tpu.memref_slice %arg12[%dma_start3A_510, %dma_start3A_511] : memref<10240x128xf32, #tpu.memory_space<vmem_shared>> -> memref<10240x128xf32, #tpu.memory_space<vmem_shared>>
      tpu.enqueue_indirect_dma source(%arg9 : memref<48x128xf32, #tpu.memory_space<vmem>>) target(%dma_start3A_512 : memref<10240x128xf32, #tpu.memory_space<vmem_shared>>) offsets(%dma_start3A_509 : memref<48xi32, #tpu.memory_space<vmem>>) semaphore(%arg18 : memref<!tpu.dma_semaphore, #tpu.memory_space<semaphore_mem>>) {add = true}
      %add3A_513 = arith.constant 3 : i32
      %add3A_514 = arith.addi %add3A_492, %add3A_513 : i32
      %dma_start3A_515 = arith.constant 0 : i32
      %dma_start3A_516 = tpu.memref_slice %arg6[%add3A_514, %dma_start3A_515] : memref<216x48xi32, #tpu.memory_space<vmem>> -> memref<1x48xi32, #tpu.memory_space<vmem>>
      %dma_start3A_517 = tpu.memref_squeeze %dma_start3A_516 : memref<1x48xi32, #tpu.memory_space<vmem>> -> memref<48xi32, #tpu.memory_space<vmem>>
      %dma_start3A_518 = arith.constant 0 : i32
      %dma_start3A_519 = arith.constant 0 : i32
      %dma_start3A_520 = tpu.memref_slice %arg2[%dma_start3A_518, %dma_start3A_519] : memref<10240x128xf32, #tpu.memory_space<hbm>> -> memref<10240x128xf32, #tpu.memory_space<hbm>>
      tpu.enqueue_indirect_dma source(%dma_start3A_520 : memref<10240x128xf32, #tpu.memory_space<hbm>>) target(%arg8 : memref<48x128xf32, #tpu.memory_space<vmem>>) offsets(%dma_start3A_517 : memref<48xi32, #tpu.memory_space<vmem>>) semaphore(%arg13 : memref<!tpu.dma_semaphore, #tpu.memory_space<semaphore_mem>>)
      %add3A_521 = arith.constant 2 : i32
      %add3A_522 = arith.addi %mul3A_461, %add3A_521 : i32
      %dma_wait3A_523 = arith.constant 0 : i32
      %dma_wait3A_524 = tpu.memref_slice %arg6[%add3A_522, %dma_wait3A_523] : memref<216x48xi32, #tpu.memory_space<vmem>> -> memref<1x48xi32, #tpu.memory_space<vmem>>
      %dma_wait3A_525 = tpu.memref_squeeze %dma_wait3A_524 : memref<1x48xi32, #tpu.memory_space<vmem>> -> memref<48xi32, #tpu.memory_space<vmem>>
      %dma_wait3A_526 = arith.constant 0 : i32
      %dma_wait3A_527 = arith.constant 0 : i32
      %dma_wait3A_528 = tpu.memref_slice %arg2[%dma_wait3A_526, %dma_wait3A_527] : memref<10240x128xf32, #tpu.memory_space<hbm>> -> memref<10240x128xf32, #tpu.memory_space<hbm>>
      tpu.wait_indirect_dma semaphore(%arg15 : memref<!tpu.dma_semaphore, #tpu.memory_space<semaphore_mem>>) src(%dma_wait3A_528 : memref<10240x128xf32, #tpu.memory_space<hbm>>) dst(%arg10 : memref<48x128xf32, #tpu.memory_space<vmem>>)
      %sub3A_529 = arith.constant 1 : i32
      %sub3A_530 = arith.subi %add3A_522, %sub3A_529 : i32
      %dma_wait3A_531 = arith.constant 0 : i32
      %dma_wait3A_532 = tpu.memref_slice %arg7[%sub3A_530, %dma_wait3A_531] : memref<216x48xi32, #tpu.memory_space<vmem>> -> memref<1x48xi32, #tpu.memory_space<vmem>>
      %dma_wait3A_533 = tpu.memref_squeeze %dma_wait3A_532 : memref<1x48xi32, #tpu.memory_space<vmem>> -> memref<48xi32, #tpu.memory_space<vmem>>
      %dma_wait3A_534 = arith.constant 0 : i32
      %dma_wait3A_535 = arith.constant 0 : i32
      %dma_wait3A_536 = tpu.memref_slice %arg12[%dma_wait3A_534, %dma_wait3A_535] : memref<10240x128xf32, #tpu.memory_space<vmem_shared>> -> memref<10240x128xf32, #tpu.memory_space<vmem_shared>>
      tpu.wait_indirect_dma semaphore(%arg18 : memref<!tpu.dma_semaphore, #tpu.memory_space<semaphore_mem>>) src(%arg9 : memref<48x128xf32, #tpu.memory_space<vmem>>) dst(%dma_wait3A_536 : memref<10240x128xf32, #tpu.memory_space<vmem_shared>>)
      %dma_start3A_537 = arith.constant 0 : i32
      %dma_start3A_538 = tpu.memref_slice %arg7[%add3A_522, %dma_start3A_537] : memref<216x48xi32, #tpu.memory_space<vmem>> -> memref<1x48xi32, #tpu.memory_space<vmem>>
      %dma_start3A_539 = tpu.memref_squeeze %dma_start3A_538 : memref<1x48xi32, #tpu.memory_space<vmem>> -> memref<48xi32, #tpu.memory_space<vmem>>
      %dma_start3A_540 = arith.constant 0 : i32
      %dma_start3A_541 = arith.constant 0 : i32
      %dma_start3A_542 = tpu.memref_slice %arg12[%dma_start3A_540, %dma_start3A_541] : memref<10240x128xf32, #tpu.memory_space<vmem_shared>> -> memref<10240x128xf32, #tpu.memory_space<vmem_shared>>
      tpu.enqueue_indirect_dma source(%arg10 : memref<48x128xf32, #tpu.memory_space<vmem>>) target(%dma_start3A_542 : memref<10240x128xf32, #tpu.memory_space<vmem_shared>>) offsets(%dma_start3A_539 : memref<48xi32, #tpu.memory_space<vmem>>) semaphore(%arg19 : memref<!tpu.dma_semaphore, #tpu.memory_space<semaphore_mem>>) {add = true}
      %add3A_543 = arith.constant 3 : i32
      %add3A_544 = arith.addi %add3A_522, %add3A_543 : i32
      %dma_start3A_545 = arith.constant 0 : i32
      %dma_start3A_546 = tpu.memref_slice %arg6[%add3A_544, %dma_start3A_545] : memref<216x48xi32, #tpu.memory_space<vmem>> -> memref<1x48xi32, #tpu.memory_space<vmem>>
      %dma_start3A_547 = tpu.memref_squeeze %dma_start3A_546 : memref<1x48xi32, #tpu.memory_space<vmem>> -> memref<48xi32, #tpu.memory_space<vmem>>
      %dma_start3A_548 = arith.constant 0 : i32
      %dma_start3A_549 = arith.constant 0 : i32
      %dma_start3A_550 = tpu.memref_slice %arg2[%dma_start3A_548, %dma_start3A_549] : memref<10240x128xf32, #tpu.memory_space<hbm>> -> memref<10240x128xf32, #tpu.memory_space<hbm>>
      tpu.enqueue_indirect_dma source(%dma_start3A_550 : memref<10240x128xf32, #tpu.memory_space<hbm>>) target(%arg9 : memref<48x128xf32, #tpu.memory_space<vmem>>) offsets(%dma_start3A_547 : memref<48xi32, #tpu.memory_space<vmem>>) semaphore(%arg14 : memref<!tpu.dma_semaphore, #tpu.memory_space<semaphore_mem>>)
      %add3A_551 = arith.constant 3 : i32
      %add3A_552 = arith.addi %mul3A_461, %add3A_551 : i32
      %dma_wait3A_553 = arith.constant 0 : i32
      %dma_wait3A_554 = tpu.memref_slice %arg6[%add3A_552, %dma_wait3A_553] : memref<216x48xi32, #tpu.memory_space<vmem>> -> memref<1x48xi32, #tpu.memory_space<vmem>>
      %dma_wait3A_555 = tpu.memref_squeeze %dma_wait3A_554 : memref<1x48xi32, #tpu.memory_space<vmem>> -> memref<48xi32, #tpu.memory_space<vmem>>
      %dma_wait3A_556 = arith.constant 0 : i32
      %dma_wait3A_557 = arith.constant 0 : i32
      %dma_wait3A_558 = tpu.memref_slice %arg2[%dma_wait3A_556, %dma_wait3A_557] : memref<10240x128xf32, #tpu.memory_space<hbm>> -> memref<10240x128xf32, #tpu.memory_space<hbm>>
      tpu.wait_indirect_dma semaphore(%arg16 : memref<!tpu.dma_semaphore, #tpu.memory_space<semaphore_mem>>) src(%dma_wait3A_558 : memref<10240x128xf32, #tpu.memory_space<hbm>>) dst(%arg11 : memref<48x128xf32, #tpu.memory_space<vmem>>)
      %sub3A_559 = arith.constant 1 : i32
      %sub3A_560 = arith.subi %add3A_552, %sub3A_559 : i32
      %dma_wait3A_561 = arith.constant 0 : i32
      %dma_wait3A_562 = tpu.memref_slice %arg7[%sub3A_560, %dma_wait3A_561] : memref<216x48xi32, #tpu.memory_space<vmem>> -> memref<1x48xi32, #tpu.memory_space<vmem>>
      %dma_wait3A_563 = tpu.memref_squeeze %dma_wait3A_562 : memref<1x48xi32, #tpu.memory_space<vmem>> -> memref<48xi32, #tpu.memory_space<vmem>>
      %dma_wait3A_564 = arith.constant 0 : i32
      %dma_wait3A_565 = arith.constant 0 : i32
      %dma_wait3A_566 = tpu.memref_slice %arg12[%dma_wait3A_564, %dma_wait3A_565] : memref<10240x128xf32, #tpu.memory_space<vmem_shared>> -> memref<10240x128xf32, #tpu.memory_space<vmem_shared>>
      tpu.wait_indirect_dma semaphore(%arg19 : memref<!tpu.dma_semaphore, #tpu.memory_space<semaphore_mem>>) src(%arg10 : memref<48x128xf32, #tpu.memory_space<vmem>>) dst(%dma_wait3A_566 : memref<10240x128xf32, #tpu.memory_space<vmem_shared>>)
      %dma_start3A_567 = arith.constant 0 : i32
      %dma_start3A_568 = tpu.memref_slice %arg7[%add3A_552, %dma_start3A_567] : memref<216x48xi32, #tpu.memory_space<vmem>> -> memref<1x48xi32, #tpu.memory_space<vmem>>
      %dma_start3A_569 = tpu.memref_squeeze %dma_start3A_568 : memref<1x48xi32, #tpu.memory_space<vmem>> -> memref<48xi32, #tpu.memory_space<vmem>>
      %dma_start3A_570 = arith.constant 0 : i32
      %dma_start3A_571 = arith.constant 0 : i32
      %dma_start3A_572 = tpu.memref_slice %arg12[%dma_start3A_570, %dma_start3A_571] : memref<10240x128xf32, #tpu.memory_space<vmem_shared>> -> memref<10240x128xf32, #tpu.memory_space<vmem_shared>>
      tpu.enqueue_indirect_dma source(%arg11 : memref<48x128xf32, #tpu.memory_space<vmem>>) target(%dma_start3A_572 : memref<10240x128xf32, #tpu.memory_space<vmem_shared>>) offsets(%dma_start3A_569 : memref<48xi32, #tpu.memory_space<vmem>>) semaphore(%arg20 : memref<!tpu.dma_semaphore, #tpu.memory_space<semaphore_mem>>) {add = true}
      %add3A_573 = arith.constant 3 : i32
      %add3A_574 = arith.addi %add3A_552, %add3A_573 : i32
      %dma_start3A_575 = arith.constant 0 : i32
      %dma_start3A_576 = tpu.memref_slice %arg6[%add3A_574, %dma_start3A_575] : memref<216x48xi32, #tpu.memory_space<vmem>> -> memref<1x48xi32, #tpu.memory_space<vmem>>
      %dma_start3A_577 = tpu.memref_squeeze %dma_start3A_576 : memref<1x48xi32, #tpu.memory_space<vmem>> -> memref<48xi32, #tpu.memory_space<vmem>>
      %dma_start3A_578 = arith.constant 0 : i32
      %dma_start3A_579 = arith.constant 0 : i32
      %dma_start3A_580 = tpu.memref_slice %arg2[%dma_start3A_578, %dma_start3A_579] : memref<10240x128xf32, #tpu.memory_space<hbm>> -> memref<10240x128xf32, #tpu.memory_space<hbm>>
      tpu.enqueue_indirect_dma source(%dma_start3A_580 : memref<10240x128xf32, #tpu.memory_space<hbm>>) target(%arg10 : memref<48x128xf32, #tpu.memory_space<vmem>>) offsets(%dma_start3A_577 : memref<48xi32, #tpu.memory_space<vmem>>) semaphore(%arg15 : memref<!tpu.dma_semaphore, #tpu.memory_space<semaphore_mem>>)
    }
    %scan3A_191 = arith.constant 51 : i32
    %dma_wait3A_192 = arith.constant 208 : i32
    %dma_wait3A_193 = arith.constant 0 : i32
    %dma_wait3A_194 = tpu.memref_slice %arg6[%dma_wait3A_192, %dma_wait3A_193] : memref<216x48xi32, #tpu.memory_space<vmem>> -> memref<1x48xi32, #tpu.memory_space<vmem>>
    %dma_wait3A_195 = tpu.memref_squeeze %dma_wait3A_194 : memref<1x48xi32, #tpu.memory_space<vmem>> -> memref<48xi32, #tpu.memory_space<vmem>>
    %dma_wait3A_196 = arith.constant 0 : i32
    %dma_wait3A_197 = arith.constant 0 : i32
    %dma_wait3A_198 = tpu.memref_slice %arg2[%dma_wait3A_196, %dma_wait3A_197] : memref<10240x128xf32, #tpu.memory_space<hbm>> -> memref<10240x128xf32, #tpu.memory_space<hbm>>
    tpu.wait_indirect_dma semaphore(%arg13 : memref<!tpu.dma_semaphore, #tpu.memory_space<semaphore_mem>>) src(%dma_wait3A_198 : memref<10240x128xf32, #tpu.memory_space<hbm>>) dst(%arg8 : memref<48x128xf32, #tpu.memory_space<vmem>>)
    %dma_wait3A_199 = arith.constant 207 : i32
    %dma_wait3A_200 = arith.constant 0 : i32
    %dma_wait3A_201 = tpu.memref_slice %arg7[%dma_wait3A_199, %dma_wait3A_200] : memref<216x48xi32, #tpu.memory_space<vmem>> -> memref<1x48xi32, #tpu.memory_space<vmem>>
    %dma_wait3A_202 = tpu.memref_squeeze %dma_wait3A_201 : memref<1x48xi32, #tpu.memory_space<vmem>> -> memref<48xi32, #tpu.memory_space<vmem>>
    %dma_wait3A_203 = arith.constant 0 : i32
    %dma_wait3A_204 = arith.constant 0 : i32
    %dma_wait3A_205 = tpu.memref_slice %arg12[%dma_wait3A_203, %dma_wait3A_204] : memref<10240x128xf32, #tpu.memory_space<vmem_shared>> -> memref<10240x128xf32, #tpu.memory_space<vmem_shared>>
    tpu.wait_indirect_dma semaphore(%arg20 : memref<!tpu.dma_semaphore, #tpu.memory_space<semaphore_mem>>) src(%arg11 : memref<48x128xf32, #tpu.memory_space<vmem>>) dst(%dma_wait3A_205 : memref<10240x128xf32, #tpu.memory_space<vmem_shared>>)
    %dma_start3A_206 = arith.constant 208 : i32
    %dma_start3A_207 = arith.constant 0 : i32
    %dma_start3A_208 = tpu.memref_slice %arg7[%dma_start3A_206, %dma_start3A_207] : memref<216x48xi32, #tpu.memory_space<vmem>> -> memref<1x48xi32, #tpu.memory_space<vmem>>
    %dma_start3A_209 = tpu.memref_squeeze %dma_start3A_208 : memref<1x48xi32, #tpu.memory_space<vmem>> -> memref<48xi32, #tpu.memory_space<vmem>>
    %dma_start3A_210 = arith.constant 0 : i32
    %dma_start3A_211 = arith.constant 0 : i32
    %dma_start3A_212 = tpu.memref_slice %arg12[%dma_start3A_210, %dma_start3A_211] : memref<10240x128xf32, #tpu.memory_space<vmem_shared>> -> memref<10240x128xf32, #tpu.memory_space<vmem_shared>>
    tpu.enqueue_indirect_dma source(%arg8 : memref<48x128xf32, #tpu.memory_space<vmem>>) target(%dma_start3A_212 : memref<10240x128xf32, #tpu.memory_space<vmem_shared>>) offsets(%dma_start3A_209 : memref<48xi32, #tpu.memory_space<vmem>>) semaphore(%arg17 : memref<!tpu.dma_semaphore, #tpu.memory_space<semaphore_mem>>) {add = true}
    %dma_start3A_213 = arith.constant 211 : i32
    %dma_start3A_214 = arith.constant 0 : i32
    %dma_start3A_215 = tpu.memref_slice %arg6[%dma_start3A_213, %dma_start3A_214] : memref<216x48xi32, #tpu.memory_space<vmem>> -> memref<1x48xi32, #tpu.memory_space<vmem>>
    %dma_start3A_216 = tpu.memref_squeeze %dma_start3A_215 : memref<1x48xi32, #tpu.memory_space<vmem>> -> memref<48xi32, #tpu.memory_space<vmem>>
    %dma_start3A_217 = arith.constant 0 : i32
    %dma_start3A_218 = arith.constant 0 : i32
    %dma_start3A_219 = tpu.memref_slice %arg2[%dma_start3A_217, %dma_start3A_218] : memref<10240x128xf32, #tpu.memory_space<hbm>> -> memref<10240x128xf32, #tpu.memory_space<hbm>>
    tpu.enqueue_indirect_dma source(%dma_start3A_219 : memref<10240x128xf32, #tpu.memory_space<hbm>>) target(%arg11 : memref<48x128xf32, #tpu.memory_space<vmem>>) offsets(%dma_start3A_216 : memref<48xi32, #tpu.memory_space<vmem>>) semaphore(%arg16 : memref<!tpu.dma_semaphore, #tpu.memory_space<semaphore_mem>>)
    %dma_wait3A_220 = arith.constant 209 : i32
    %dma_wait3A_221 = arith.constant 0 : i32
    %dma_wait3A_222 = tpu.memref_slice %arg6[%dma_wait3A_220, %dma_wait3A_221] : memref<216x48xi32, #tpu.memory_space<vmem>> -> memref<1x48xi32, #tpu.memory_space<vmem>>
    %dma_wait3A_223 = tpu.memref_squeeze %dma_wait3A_222 : memref<1x48xi32, #tpu.memory_space<vmem>> -> memref<48xi32, #tpu.memory_space<vmem>>
    %dma_wait3A_224 = arith.constant 0 : i32
    %dma_wait3A_225 = arith.constant 0 : i32
    %dma_wait3A_226 = tpu.memref_slice %arg2[%dma_wait3A_224, %dma_wait3A_225] : memref<10240x128xf32, #tpu.memory_space<hbm>> -> memref<10240x128xf32, #tpu.memory_space<hbm>>
    tpu.wait_indirect_dma semaphore(%arg14 : memref<!tpu.dma_semaphore, #tpu.memory_space<semaphore_mem>>) src(%dma_wait3A_226 : memref<10240x128xf32, #tpu.memory_space<hbm>>) dst(%arg9 : memref<48x128xf32, #tpu.memory_space<vmem>>)
    %dma_wait3A_227 = arith.constant 208 : i32
    %dma_wait3A_228 = arith.constant 0 : i32
    %dma_wait3A_229 = tpu.memref_slice %arg7[%dma_wait3A_227, %dma_wait3A_228] : memref<216x48xi32, #tpu.memory_space<vmem>> -> memref<1x48xi32, #tpu.memory_space<vmem>>
    %dma_wait3A_230 = tpu.memref_squeeze %dma_wait3A_229 : memref<1x48xi32, #tpu.memory_space<vmem>> -> memref<48xi32, #tpu.memory_space<vmem>>
    %dma_wait3A_231 = arith.constant 0 : i32
    %dma_wait3A_232 = arith.constant 0 : i32
    %dma_wait3A_233 = tpu.memref_slice %arg12[%dma_wait3A_231, %dma_wait3A_232] : memref<10240x128xf32, #tpu.memory_space<vmem_shared>> -> memref<10240x128xf32, #tpu.memory_space<vmem_shared>>
    tpu.wait_indirect_dma semaphore(%arg17 : memref<!tpu.dma_semaphore, #tpu.memory_space<semaphore_mem>>) src(%arg8 : memref<48x128xf32, #tpu.memory_space<vmem>>) dst(%dma_wait3A_233 : memref<10240x128xf32, #tpu.memory_space<vmem_shared>>)
    %dma_start3A_234 = arith.constant 209 : i32
    %dma_start3A_235 = arith.constant 0 : i32
    %dma_start3A_236 = tpu.memref_slice %arg7[%dma_start3A_234, %dma_start3A_235] : memref<216x48xi32, #tpu.memory_space<vmem>> -> memref<1x48xi32, #tpu.memory_space<vmem>>
    %dma_start3A_237 = tpu.memref_squeeze %dma_start3A_236 : memref<1x48xi32, #tpu.memory_space<vmem>> -> memref<48xi32, #tpu.memory_space<vmem>>
    %dma_start3A_238 = arith.constant 0 : i32
    %dma_start3A_239 = arith.constant 0 : i32
    %dma_start3A_240 = tpu.memref_slice %arg12[%dma_start3A_238, %dma_start3A_239] : memref<10240x128xf32, #tpu.memory_space<vmem_shared>> -> memref<10240x128xf32, #tpu.memory_space<vmem_shared>>
    tpu.enqueue_indirect_dma source(%arg9 : memref<48x128xf32, #tpu.memory_space<vmem>>) target(%dma_start3A_240 : memref<10240x128xf32, #tpu.memory_space<vmem_shared>>) offsets(%dma_start3A_237 : memref<48xi32, #tpu.memory_space<vmem>>) semaphore(%arg18 : memref<!tpu.dma_semaphore, #tpu.memory_space<semaphore_mem>>) {add = true}
    %dma_start3A_241 = arith.constant 212 : i32
    %dma_start3A_242 = arith.constant 0 : i32
    %dma_start3A_243 = tpu.memref_slice %arg6[%dma_start3A_241, %dma_start3A_242] : memref<216x48xi32, #tpu.memory_space<vmem>> -> memref<1x48xi32, #tpu.memory_space<vmem>>
    %dma_start3A_244 = tpu.memref_squeeze %dma_start3A_243 : memref<1x48xi32, #tpu.memory_space<vmem>> -> memref<48xi32, #tpu.memory_space<vmem>>
    %dma_start3A_245 = arith.constant 0 : i32
    %dma_start3A_246 = arith.constant 0 : i32
    %dma_start3A_247 = tpu.memref_slice %arg2[%dma_start3A_245, %dma_start3A_246] : memref<10240x128xf32, #tpu.memory_space<hbm>> -> memref<10240x128xf32, #tpu.memory_space<hbm>>
    tpu.enqueue_indirect_dma source(%dma_start3A_247 : memref<10240x128xf32, #tpu.memory_space<hbm>>) target(%arg8 : memref<48x128xf32, #tpu.memory_space<vmem>>) offsets(%dma_start3A_244 : memref<48xi32, #tpu.memory_space<vmem>>) semaphore(%arg13 : memref<!tpu.dma_semaphore, #tpu.memory_space<semaphore_mem>>)
    %dma_wait3A_248 = arith.constant 210 : i32
    %dma_wait3A_249 = arith.constant 0 : i32
    %dma_wait3A_250 = tpu.memref_slice %arg6[%dma_wait3A_248, %dma_wait3A_249] : memref<216x48xi32, #tpu.memory_space<vmem>> -> memref<1x48xi32, #tpu.memory_space<vmem>>
    %dma_wait3A_251 = tpu.memref_squeeze %dma_wait3A_250 : memref<1x48xi32, #tpu.memory_space<vmem>> -> memref<48xi32, #tpu.memory_space<vmem>>
    %dma_wait3A_252 = arith.constant 0 : i32
    %dma_wait3A_253 = arith.constant 0 : i32
    %dma_wait3A_254 = tpu.memref_slice %arg2[%dma_wait3A_252, %dma_wait3A_253] : memref<10240x128xf32, #tpu.memory_space<hbm>> -> memref<10240x128xf32, #tpu.memory_space<hbm>>
    tpu.wait_indirect_dma semaphore(%arg15 : memref<!tpu.dma_semaphore, #tpu.memory_space<semaphore_mem>>) src(%dma_wait3A_254 : memref<10240x128xf32, #tpu.memory_space<hbm>>) dst(%arg10 : memref<48x128xf32, #tpu.memory_space<vmem>>)
    %dma_wait3A_255 = arith.constant 209 : i32
    %dma_wait3A_256 = arith.constant 0 : i32
    %dma_wait3A_257 = tpu.memref_slice %arg7[%dma_wait3A_255, %dma_wait3A_256] : memref<216x48xi32, #tpu.memory_space<vmem>> -> memref<1x48xi32, #tpu.memory_space<vmem>>
    %dma_wait3A_258 = tpu.memref_squeeze %dma_wait3A_257 : memref<1x48xi32, #tpu.memory_space<vmem>> -> memref<48xi32, #tpu.memory_space<vmem>>
    %dma_wait3A_259 = arith.constant 0 : i32
    %dma_wait3A_260 = arith.constant 0 : i32
    %dma_wait3A_261 = tpu.memref_slice %arg12[%dma_wait3A_259, %dma_wait3A_260] : memref<10240x128xf32, #tpu.memory_space<vmem_shared>> -> memref<10240x128xf32, #tpu.memory_space<vmem_shared>>
    tpu.wait_indirect_dma semaphore(%arg18 : memref<!tpu.dma_semaphore, #tpu.memory_space<semaphore_mem>>) src(%arg9 : memref<48x128xf32, #tpu.memory_space<vmem>>) dst(%dma_wait3A_261 : memref<10240x128xf32, #tpu.memory_space<vmem_shared>>)
    %dma_start3A_262 = arith.constant 210 : i32
    %dma_start3A_263 = arith.constant 0 : i32
    %dma_start3A_264 = tpu.memref_slice %arg7[%dma_start3A_262, %dma_start3A_263] : memref<216x48xi32, #tpu.memory_space<vmem>> -> memref<1x48xi32, #tpu.memory_space<vmem>>
    %dma_start3A_265 = tpu.memref_squeeze %dma_start3A_264 : memref<1x48xi32, #tpu.memory_space<vmem>> -> memref<48xi32, #tpu.memory_space<vmem>>
    %dma_start3A_266 = arith.constant 0 : i32
    %dma_start3A_267 = arith.constant 0 : i32
    %dma_start3A_268 = tpu.memref_slice %arg12[%dma_start3A_266, %dma_start3A_267] : memref<10240x128xf32, #tpu.memory_space<vmem_shared>> -> memref<10240x128xf32, #tpu.memory_space<vmem_shared>>
    tpu.enqueue_indirect_dma source(%arg10 : memref<48x128xf32, #tpu.memory_space<vmem>>) target(%dma_start3A_268 : memref<10240x128xf32, #tpu.memory_space<vmem_shared>>) offsets(%dma_start3A_265 : memref<48xi32, #tpu.memory_space<vmem>>) semaphore(%arg19 : memref<!tpu.dma_semaphore, #tpu.memory_space<semaphore_mem>>) {add = true}
    %dma_start3A_269 = arith.constant 213 : i32
    %dma_start3A_270 = arith.constant 0 : i32
    %dma_start3A_271 = tpu.memref_slice %arg6[%dma_start3A_269, %dma_start3A_270] : memref<216x48xi32, #tpu.memory_space<vmem>> -> memref<1x48xi32, #tpu.memory_space<vmem>>
    %dma_start3A_272 = tpu.memref_squeeze %dma_start3A_271 : memref<1x48xi32, #tpu.memory_space<vmem>> -> memref<48xi32, #tpu.memory_space<vmem>>
    %dma_start3A_273 = arith.constant 0 : i32
    %dma_start3A_274 = arith.constant 0 : i32
    %dma_start3A_275 = tpu.memref_slice %arg2[%dma_start3A_273, %dma_start3A_274] : memref<10240x128xf32, #tpu.memory_space<hbm>> -> memref<10240x128xf32, #tpu.memory_space<hbm>>
    tpu.enqueue_indirect_dma source(%dma_start3A_275 : memref<10240x128xf32, #tpu.memory_space<hbm>>) target(%arg9 : memref<48x128xf32, #tpu.memory_space<vmem>>) offsets(%dma_start3A_272 : memref<48xi32, #tpu.memory_space<vmem>>) semaphore(%arg14 : memref<!tpu.dma_semaphore, #tpu.memory_space<semaphore_mem>>)
    %dma_wait3A_276 = arith.constant 211 : i32
    %dma_wait3A_277 = arith.constant 0 : i32
    %dma_wait3A_278 = tpu.memref_slice %arg6[%dma_wait3A_276, %dma_wait3A_277] : memref<216x48xi32, #tpu.memory_space<vmem>> -> memref<1x48xi32, #tpu.memory_space<vmem>>
    %dma_wait3A_279 = tpu.memref_squeeze %dma_wait3A_278 : memref<1x48xi32, #tpu.memory_space<vmem>> -> memref<48xi32, #tpu.memory_space<vmem>>
    %dma_wait3A_280 = arith.constant 0 : i32
    %dma_wait3A_281 = arith.constant 0 : i32
    %dma_wait3A_282 = tpu.memref_slice %arg2[%dma_wait3A_280, %dma_wait3A_281] : memref<10240x128xf32, #tpu.memory_space<hbm>> -> memref<10240x128xf32, #tpu.memory_space<hbm>>
    tpu.wait_indirect_dma semaphore(%arg16 : memref<!tpu.dma_semaphore, #tpu.memory_space<semaphore_mem>>) src(%dma_wait3A_282 : memref<10240x128xf32, #tpu.memory_space<hbm>>) dst(%arg11 : memref<48x128xf32, #tpu.memory_space<vmem>>)
    %dma_wait3A_283 = arith.constant 210 : i32
    %dma_wait3A_284 = arith.constant 0 : i32
    %dma_wait3A_285 = tpu.memref_slice %arg7[%dma_wait3A_283, %dma_wait3A_284] : memref<216x48xi32, #tpu.memory_space<vmem>> -> memref<1x48xi32, #tpu.memory_space<vmem>>
    %dma_wait3A_286 = tpu.memref_squeeze %dma_wait3A_285 : memref<1x48xi32, #tpu.memory_space<vmem>> -> memref<48xi32, #tpu.memory_space<vmem>>
    %dma_wait3A_287 = arith.constant 0 : i32
    %dma_wait3A_288 = arith.constant 0 : i32
    %dma_wait3A_289 = tpu.memref_slice %arg12[%dma_wait3A_287, %dma_wait3A_288] : memref<10240x128xf32, #tpu.memory_space<vmem_shared>> -> memref<10240x128xf32, #tpu.memory_space<vmem_shared>>
    tpu.wait_indirect_dma semaphore(%arg19 : memref<!tpu.dma_semaphore, #tpu.memory_space<semaphore_mem>>) src(%arg10 : memref<48x128xf32, #tpu.memory_space<vmem>>) dst(%dma_wait3A_289 : memref<10240x128xf32, #tpu.memory_space<vmem_shared>>)
    %dma_start3A_290 = arith.constant 211 : i32
    %dma_start3A_291 = arith.constant 0 : i32
    %dma_start3A_292 = tpu.memref_slice %arg7[%dma_start3A_290, %dma_start3A_291] : memref<216x48xi32, #tpu.memory_space<vmem>> -> memref<1x48xi32, #tpu.memory_space<vmem>>
    %dma_start3A_293 = tpu.memref_squeeze %dma_start3A_292 : memref<1x48xi32, #tpu.memory_space<vmem>> -> memref<48xi32, #tpu.memory_space<vmem>>
    %dma_start3A_294 = arith.constant 0 : i32
    %dma_start3A_295 = arith.constant 0 : i32
    %dma_start3A_296 = tpu.memref_slice %arg12[%dma_start3A_294, %dma_start3A_295] : memref<10240x128xf32, #tpu.memory_space<vmem_shared>> -> memref<10240x128xf32, #tpu.memory_space<vmem_shared>>
    tpu.enqueue_indirect_dma source(%arg11 : memref<48x128xf32, #tpu.memory_space<vmem>>) target(%dma_start3A_296 : memref<10240x128xf32, #tpu.memory_space<vmem_shared>>) offsets(%dma_start3A_293 : memref<48xi32, #tpu.memory_space<vmem>>) semaphore(%arg20 : memref<!tpu.dma_semaphore, #tpu.memory_space<semaphore_mem>>) {add = true}
    %dma_start3A_297 = arith.constant 214 : i32
    %dma_start3A_298 = arith.constant 0 : i32
    %dma_start3A_299 = tpu.memref_slice %arg6[%dma_start3A_297, %dma_start3A_298] : memref<216x48xi32, #tpu.memory_space<vmem>> -> memref<1x48xi32, #tpu.memory_space<vmem>>
    %dma_start3A_300 = tpu.memref_squeeze %dma_start3A_299 : memref<1x48xi32, #tpu.memory_space<vmem>> -> memref<48xi32, #tpu.memory_space<vmem>>
    %dma_start3A_301 = arith.constant 0 : i32
    %dma_start3A_302 = arith.constant 0 : i32
    %dma_start3A_303 = tpu.memref_slice %arg2[%dma_start3A_301, %dma_start3A_302] : memref<10240x128xf32, #tpu.memory_space<hbm>> -> memref<10240x128xf32, #tpu.memory_space<hbm>>
    tpu.enqueue_indirect_dma source(%dma_start3A_303 : memref<10240x128xf32, #tpu.memory_space<hbm>>) target(%arg10 : memref<48x128xf32, #tpu.memory_space<vmem>>) offsets(%dma_start3A_300 : memref<48xi32, #tpu.memory_space<vmem>>) semaphore(%arg15 : memref<!tpu.dma_semaphore, #tpu.memory_space<semaphore_mem>>)
    %dma_wait3A_304 = arith.constant 212 : i32
    %dma_wait3A_305 = arith.constant 0 : i32
    %dma_wait3A_306 = tpu.memref_slice %arg6[%dma_wait3A_304, %dma_wait3A_305] : memref<216x48xi32, #tpu.memory_space<vmem>> -> memref<1x48xi32, #tpu.memory_space<vmem>>
    %dma_wait3A_307 = tpu.memref_squeeze %dma_wait3A_306 : memref<1x48xi32, #tpu.memory_space<vmem>> -> memref<48xi32, #tpu.memory_space<vmem>>
    %dma_wait3A_308 = arith.constant 0 : i32
    %dma_wait3A_309 = arith.constant 0 : i32
    %dma_wait3A_310 = tpu.memref_slice %arg2[%dma_wait3A_308, %dma_wait3A_309] : memref<10240x128xf32, #tpu.memory_space<hbm>> -> memref<10240x128xf32, #tpu.memory_space<hbm>>
    tpu.wait_indirect_dma semaphore(%arg13 : memref<!tpu.dma_semaphore, #tpu.memory_space<semaphore_mem>>) src(%dma_wait3A_310 : memref<10240x128xf32, #tpu.memory_space<hbm>>) dst(%arg8 : memref<48x128xf32, #tpu.memory_space<vmem>>)
    %dma_wait3A_311 = arith.constant 211 : i32
    %dma_wait3A_312 = arith.constant 0 : i32
    %dma_wait3A_313 = tpu.memref_slice %arg7[%dma_wait3A_311, %dma_wait3A_312] : memref<216x48xi32, #tpu.memory_space<vmem>> -> memref<1x48xi32, #tpu.memory_space<vmem>>
    %dma_wait3A_314 = tpu.memref_squeeze %dma_wait3A_313 : memref<1x48xi32, #tpu.memory_space<vmem>> -> memref<48xi32, #tpu.memory_space<vmem>>
    %dma_wait3A_315 = arith.constant 0 : i32
    %dma_wait3A_316 = arith.constant 0 : i32
    %dma_wait3A_317 = tpu.memref_slice %arg12[%dma_wait3A_315, %dma_wait3A_316] : memref<10240x128xf32, #tpu.memory_space<vmem_shared>> -> memref<10240x128xf32, #tpu.memory_space<vmem_shared>>
    tpu.wait_indirect_dma semaphore(%arg20 : memref<!tpu.dma_semaphore, #tpu.memory_space<semaphore_mem>>) src(%arg11 : memref<48x128xf32, #tpu.memory_space<vmem>>) dst(%dma_wait3A_317 : memref<10240x128xf32, #tpu.memory_space<vmem_shared>>)
    %dma_start3A_318 = arith.constant 212 : i32
    %dma_start3A_319 = arith.constant 0 : i32
    %dma_start3A_320 = tpu.memref_slice %arg7[%dma_start3A_318, %dma_start3A_319] : memref<216x48xi32, #tpu.memory_space<vmem>> -> memref<1x48xi32, #tpu.memory_space<vmem>>
    %dma_start3A_321 = tpu.memref_squeeze %dma_start3A_320 : memref<1x48xi32, #tpu.memory_space<vmem>> -> memref<48xi32, #tpu.memory_space<vmem>>
    %dma_start3A_322 = arith.constant 0 : i32
    %dma_start3A_323 = arith.constant 0 : i32
    %dma_start3A_324 = tpu.memref_slice %arg12[%dma_start3A_322, %dma_start3A_323] : memref<10240x128xf32, #tpu.memory_space<vmem_shared>> -> memref<10240x128xf32, #tpu.memory_space<vmem_shared>>
    tpu.enqueue_indirect_dma source(%arg8 : memref<48x128xf32, #tpu.memory_space<vmem>>) target(%dma_start3A_324 : memref<10240x128xf32, #tpu.memory_space<vmem_shared>>) offsets(%dma_start3A_321 : memref<48xi32, #tpu.memory_space<vmem>>) semaphore(%arg17 : memref<!tpu.dma_semaphore, #tpu.memory_space<semaphore_mem>>) {add = true}
    %dma_start3A_325 = arith.constant 215 : i32
    %dma_start3A_326 = arith.constant 0 : i32
    %dma_start3A_327 = tpu.memref_slice %arg6[%dma_start3A_325, %dma_start3A_326] : memref<216x48xi32, #tpu.memory_space<vmem>> -> memref<1x48xi32, #tpu.memory_space<vmem>>
    %dma_start3A_328 = tpu.memref_squeeze %dma_start3A_327 : memref<1x48xi32, #tpu.memory_space<vmem>> -> memref<48xi32, #tpu.memory_space<vmem>>
    %dma_start3A_329 = arith.constant 0 : i32
    %dma_start3A_330 = arith.constant 0 : i32
    %dma_start3A_331 = tpu.memref_slice %arg2[%dma_start3A_329, %dma_start3A_330] : memref<10240x128xf32, #tpu.memory_space<hbm>> -> memref<10240x128xf32, #tpu.memory_space<hbm>>
    tpu.enqueue_indirect_dma source(%dma_start3A_331 : memref<10240x128xf32, #tpu.memory_space<hbm>>) target(%arg11 : memref<48x128xf32, #tpu.memory_space<vmem>>) offsets(%dma_start3A_328 : memref<48xi32, #tpu.memory_space<vmem>>) semaphore(%arg16 : memref<!tpu.dma_semaphore, #tpu.memory_space<semaphore_mem>>)
    %dma_wait3A_332 = arith.constant 213 : i32
    %dma_wait3A_333 = arith.constant 0 : i32
    %dma_wait3A_334 = tpu.memref_slice %arg6[%dma_wait3A_332, %dma_wait3A_333] : memref<216x48xi32, #tpu.memory_space<vmem>> -> memref<1x48xi32, #tpu.memory_space<vmem>>
    %dma_wait3A_335 = tpu.memref_squeeze %dma_wait3A_334 : memref<1x48xi32, #tpu.memory_space<vmem>> -> memref<48xi32, #tpu.memory_space<vmem>>
    %dma_wait3A_336 = arith.constant 0 : i32
    %dma_wait3A_337 = arith.constant 0 : i32
    %dma_wait3A_338 = tpu.memref_slice %arg2[%dma_wait3A_336, %dma_wait3A_337] : memref<10240x128xf32, #tpu.memory_space<hbm>> -> memref<10240x128xf32, #tpu.memory_space<hbm>>
    tpu.wait_indirect_dma semaphore(%arg14 : memref<!tpu.dma_semaphore, #tpu.memory_space<semaphore_mem>>) src(%dma_wait3A_338 : memref<10240x128xf32, #tpu.memory_space<hbm>>) dst(%arg9 : memref<48x128xf32, #tpu.memory_space<vmem>>)
    %dma_wait3A_339 = arith.constant 212 : i32
    %dma_wait3A_340 = arith.constant 0 : i32
    %dma_wait3A_341 = tpu.memref_slice %arg7[%dma_wait3A_339, %dma_wait3A_340] : memref<216x48xi32, #tpu.memory_space<vmem>> -> memref<1x48xi32, #tpu.memory_space<vmem>>
    %dma_wait3A_342 = tpu.memref_squeeze %dma_wait3A_341 : memref<1x48xi32, #tpu.memory_space<vmem>> -> memref<48xi32, #tpu.memory_space<vmem>>
    %dma_wait3A_343 = arith.constant 0 : i32
    %dma_wait3A_344 = arith.constant 0 : i32
    %dma_wait3A_345 = tpu.memref_slice %arg12[%dma_wait3A_343, %dma_wait3A_344] : memref<10240x128xf32, #tpu.memory_space<vmem_shared>> -> memref<10240x128xf32, #tpu.memory_space<vmem_shared>>
    tpu.wait_indirect_dma semaphore(%arg17 : memref<!tpu.dma_semaphore, #tpu.memory_space<semaphore_mem>>) src(%arg8 : memref<48x128xf32, #tpu.memory_space<vmem>>) dst(%dma_wait3A_345 : memref<10240x128xf32, #tpu.memory_space<vmem_shared>>)
    %dma_start3A_346 = arith.constant 213 : i32
    %dma_start3A_347 = arith.constant 0 : i32
    %dma_start3A_348 = tpu.memref_slice %arg7[%dma_start3A_346, %dma_start3A_347] : memref<216x48xi32, #tpu.memory_space<vmem>> -> memref<1x48xi32, #tpu.memory_space<vmem>>
    %dma_start3A_349 = tpu.memref_squeeze %dma_start3A_348 : memref<1x48xi32, #tpu.memory_space<vmem>> -> memref<48xi32, #tpu.memory_space<vmem>>
    %dma_start3A_350 = arith.constant 0 : i32
    %dma_start3A_351 = arith.constant 0 : i32
    %dma_start3A_352 = tpu.memref_slice %arg12[%dma_start3A_350, %dma_start3A_351] : memref<10240x128xf32, #tpu.memory_space<vmem_shared>> -> memref<10240x128xf32, #tpu.memory_space<vmem_shared>>
    tpu.enqueue_indirect_dma source(%arg9 : memref<48x128xf32, #tpu.memory_space<vmem>>) target(%dma_start3A_352 : memref<10240x128xf32, #tpu.memory_space<vmem_shared>>) offsets(%dma_start3A_349 : memref<48xi32, #tpu.memory_space<vmem>>) semaphore(%arg18 : memref<!tpu.dma_semaphore, #tpu.memory_space<semaphore_mem>>) {add = true}
    %dma_wait3A_353 = arith.constant 214 : i32
    %dma_wait3A_354 = arith.constant 0 : i32
    %dma_wait3A_355 = tpu.memref_slice %arg6[%dma_wait3A_353, %dma_wait3A_354] : memref<216x48xi32, #tpu.memory_space<vmem>> -> memref<1x48xi32, #tpu.memory_space<vmem>>
    %dma_wait3A_356 = tpu.memref_squeeze %dma_wait3A_355 : memref<1x48xi32, #tpu.memory_space<vmem>> -> memref<48xi32, #tpu.memory_space<vmem>>
    %dma_wait3A_357 = arith.constant 0 : i32
    %dma_wait3A_358 = arith.constant 0 : i32
    %dma_wait3A_359 = tpu.memref_slice %arg2[%dma_wait3A_357, %dma_wait3A_358] : memref<10240x128xf32, #tpu.memory_space<hbm>> -> memref<10240x128xf32, #tpu.memory_space<hbm>>
    tpu.wait_indirect_dma semaphore(%arg15 : memref<!tpu.dma_semaphore, #tpu.memory_space<semaphore_mem>>) src(%dma_wait3A_359 : memref<10240x128xf32, #tpu.memory_space<hbm>>) dst(%arg10 : memref<48x128xf32, #tpu.memory_space<vmem>>)
    %dma_wait3A_360 = arith.constant 213 : i32
    %dma_wait3A_361 = arith.constant 0 : i32
    %dma_wait3A_362 = tpu.memref_slice %arg7[%dma_wait3A_360, %dma_wait3A_361] : memref<216x48xi32, #tpu.memory_space<vmem>> -> memref<1x48xi32, #tpu.memory_space<vmem>>
    %dma_wait3A_363 = tpu.memref_squeeze %dma_wait3A_362 : memref<1x48xi32, #tpu.memory_space<vmem>> -> memref<48xi32, #tpu.memory_space<vmem>>
    %dma_wait3A_364 = arith.constant 0 : i32
    %dma_wait3A_365 = arith.constant 0 : i32
    %dma_wait3A_366 = tpu.memref_slice %arg12[%dma_wait3A_364, %dma_wait3A_365] : memref<10240x128xf32, #tpu.memory_space<vmem_shared>> -> memref<10240x128xf32, #tpu.memory_space<vmem_shared>>
    tpu.wait_indirect_dma semaphore(%arg18 : memref<!tpu.dma_semaphore, #tpu.memory_space<semaphore_mem>>) src(%arg9 : memref<48x128xf32, #tpu.memory_space<vmem>>) dst(%dma_wait3A_366 : memref<10240x128xf32, #tpu.memory_space<vmem_shared>>)
    %dma_start3A_367 = arith.constant 214 : i32
    %dma_start3A_368 = arith.constant 0 : i32
    %dma_start3A_369 = tpu.memref_slice %arg7[%dma_start3A_367, %dma_start3A_368] : memref<216x48xi32, #tpu.memory_space<vmem>> -> memref<1x48xi32, #tpu.memory_space<vmem>>
    %dma_start3A_370 = tpu.memref_squeeze %dma_start3A_369 : memref<1x48xi32, #tpu.memory_space<vmem>> -> memref<48xi32, #tpu.memory_space<vmem>>
    %dma_start3A_371 = arith.constant 0 : i32
    %dma_start3A_372 = arith.constant 0 : i32
    %dma_start3A_373 = tpu.memref_slice %arg12[%dma_start3A_371, %dma_start3A_372] : memref<10240x128xf32, #tpu.memory_space<vmem_shared>> -> memref<10240x128xf32, #tpu.memory_space<vmem_shared>>
    tpu.enqueue_indirect_dma source(%arg10 : memref<48x128xf32, #tpu.memory_space<vmem>>) target(%dma_start3A_373 : memref<10240x128xf32, #tpu.memory_space<vmem_shared>>) offsets(%dma_start3A_370 : memref<48xi32, #tpu.memory_space<vmem>>) semaphore(%arg19 : memref<!tpu.dma_semaphore, #tpu.memory_space<semaphore_mem>>) {add = true}
    %dma_wait3A_374 = arith.constant 215 : i32
    %dma_wait3A_375 = arith.constant 0 : i32
    %dma_wait3A_376 = tpu.memref_slice %arg6[%dma_wait3A_374, %dma_wait3A_375] : memref<216x48xi32, #tpu.memory_space<vmem>> -> memref<1x48xi32, #tpu.memory_space<vmem>>
    %dma_wait3A_377 = tpu.memref_squeeze %dma_wait3A_376 : memref<1x48xi32, #tpu.memory_space<vmem>> -> memref<48xi32, #tpu.memory_space<vmem>>
    %dma_wait3A_378 = arith.constant 0 : i32
    %dma_wait3A_379 = arith.constant 0 : i32
    %dma_wait3A_380 = tpu.memref_slice %arg2[%dma_wait3A_378, %dma_wait3A_379] : memref<10240x128xf32, #tpu.memory_space<hbm>> -> memref<10240x128xf32, #tpu.memory_space<hbm>>
    tpu.wait_indirect_dma semaphore(%arg16 : memref<!tpu.dma_semaphore, #tpu.memory_space<semaphore_mem>>) src(%dma_wait3A_380 : memref<10240x128xf32, #tpu.memory_space<hbm>>) dst(%arg11 : memref<48x128xf32, #tpu.memory_space<vmem>>)
    %dma_wait3A_381 = arith.constant 214 : i32
    %dma_wait3A_382 = arith.constant 0 : i32
    %dma_wait3A_383 = tpu.memref_slice %arg7[%dma_wait3A_381, %dma_wait3A_382] : memref<216x48xi32, #tpu.memory_space<vmem>> -> memref<1x48xi32, #tpu.memory_space<vmem>>
    %dma_wait3A_384 = tpu.memref_squeeze %dma_wait3A_383 : memref<1x48xi32, #tpu.memory_space<vmem>> -> memref<48xi32, #tpu.memory_space<vmem>>
    %dma_wait3A_385 = arith.constant 0 : i32
    %dma_wait3A_386 = arith.constant 0 : i32
    %dma_wait3A_387 = tpu.memref_slice %arg12[%dma_wait3A_385, %dma_wait3A_386] : memref<10240x128xf32, #tpu.memory_space<vmem_shared>> -> memref<10240x128xf32, #tpu.memory_space<vmem_shared>>
    tpu.wait_indirect_dma semaphore(%arg19 : memref<!tpu.dma_semaphore, #tpu.memory_space<semaphore_mem>>) src(%arg10 : memref<48x128xf32, #tpu.memory_space<vmem>>) dst(%dma_wait3A_387 : memref<10240x128xf32, #tpu.memory_space<vmem_shared>>)
    %dma_start3A_388 = arith.constant 215 : i32
    %dma_start3A_389 = arith.constant 0 : i32
    %dma_start3A_390 = tpu.memref_slice %arg7[%dma_start3A_388, %dma_start3A_389] : memref<216x48xi32, #tpu.memory_space<vmem>> -> memref<1x48xi32, #tpu.memory_space<vmem>>
    %dma_start3A_391 = tpu.memref_squeeze %dma_start3A_390 : memref<1x48xi32, #tpu.memory_space<vmem>> -> memref<48xi32, #tpu.memory_space<vmem>>
    %dma_start3A_392 = arith.constant 0 : i32
    %dma_start3A_393 = arith.constant 0 : i32
    %dma_start3A_394 = tpu.memref_slice %arg12[%dma_start3A_392, %dma_start3A_393] : memref<10240x128xf32, #tpu.memory_space<vmem_shared>> -> memref<10240x128xf32, #tpu.memory_space<vmem_shared>>
    tpu.enqueue_indirect_dma source(%arg11 : memref<48x128xf32, #tpu.memory_space<vmem>>) target(%dma_start3A_394 : memref<10240x128xf32, #tpu.memory_space<vmem_shared>>) offsets(%dma_start3A_391 : memref<48xi32, #tpu.memory_space<vmem>>) semaphore(%arg20 : memref<!tpu.dma_semaphore, #tpu.memory_space<semaphore_mem>>) {add = true}
    %dma_wait3A_395 = arith.constant 215 : i32
    %dma_wait3A_396 = arith.constant 0 : i32
    %dma_wait3A_397 = tpu.memref_slice %arg7[%dma_wait3A_395, %dma_wait3A_396] : memref<216x48xi32, #tpu.memory_space<vmem>> -> memref<1x48xi32, #tpu.memory_space<vmem>>
    %dma_wait3A_398 = tpu.memref_squeeze %dma_wait3A_397 : memref<1x48xi32, #tpu.memory_space<vmem>> -> memref<48xi32, #tpu.memory_space<vmem>>
    %dma_wait3A_399 = arith.constant 0 : i32
    %dma_wait3A_400 = arith.constant 0 : i32
    %dma_wait3A_401 = tpu.memref_slice %arg12[%dma_wait3A_399, %dma_wait3A_400] : memref<10240x128xf32, #tpu.memory_space<vmem_shared>> -> memref<10240x128xf32, #tpu.memory_space<vmem_shared>>
    tpu.wait_indirect_dma semaphore(%arg20 : memref<!tpu.dma_semaphore, #tpu.memory_space<semaphore_mem>>) src(%arg11 : memref<48x128xf32, #tpu.memory_space<vmem>>) dst(%dma_wait3A_401 : memref<10240x128xf32, #tpu.memory_space<vmem_shared>>)
    %barrier3A_402 = arith.constant 0 : index
    tpu.barrier barrier_id(%barrier3A_402)
    %mul3A_403 = arith.constant 640 : i32
    %mul3A_404 = arith.muli %arg1, %mul3A_403 : i32
    %add3A_405 = arith.constant 0 : i32
    %add3A_406 = arith.addi %mul3A_404, %add3A_405 : i32
    "tpu.region"() ({
      %run_scoped3A = tpu.sem_alloc : memref<!tpu.dma_semaphore, #tpu.memory_space<semaphore_mem>>
      %dma_start3A_459 = arith.constant 0 : i32
      %dma_start3A_460 = arith.constant 0 : i32
      %dma_start3A_461 = tpu.memref_slice %arg8[%dma_start3A_459, %dma_start3A_460] : memref<48x128xf32, #tpu.memory_space<vmem>> -> memref<48x128xf32, #tpu.memory_space<vmem>>
      %dma_start3A_462 = arith.constant 0 : i32
      %dma_start3A_463 = tpu.memref_slice %arg12[%add3A_406, %dma_start3A_462] : memref<10240x128xf32, #tpu.memory_space<vmem_shared>> -> memref<48x128xf32, #tpu.memory_space<vmem_shared>>
      %dma_start3A_464 = arith.constant 0 : i32
      %dma_start3A_465 = arith.constant 0 : i32
      %dma_start3A_466 = tpu.memref_slice %arg8[%dma_start3A_464, %dma_start3A_465] : memref<48x128xf32, #tpu.memory_space<vmem>> -> memref<48x128xf32, #tpu.memory_space<vmem>>
      %dma_start3A_467 = arith.constant 0 : i32
      %dma_start3A_468 = tpu.memref_slice %arg12[%add3A_406, %dma_start3A_467] : memref<10240x128xf32, #tpu.memory_space<vmem_shared>> -> memref<48x128xf32, #tpu.memory_space<vmem_shared>>
      tpu.enqueue_dma source(%dma_start3A_468 : memref<48x128xf32, #tpu.memory_space<vmem_shared>>) target(%dma_start3A_466 : memref<48x128xf32, #tpu.memory_space<vmem>>) target_semaphore(%run_scoped3A : memref<!tpu.dma_semaphore, #tpu.memory_space<semaphore_mem>>)
      %dma_wait3A_469 = arith.constant 0 : i32
      %dma_wait3A_470 = arith.constant 0 : i32
      %dma_wait3A_471 = tpu.memref_slice %arg8[%dma_wait3A_469, %dma_wait3A_470] : memref<48x128xf32, #tpu.memory_space<vmem>> -> memref<48x128xf32, #tpu.memory_space<vmem>>
      %dma_wait3A_472 = arith.constant 0 : i32
      %dma_wait3A_473 = tpu.memref_slice %arg12[%add3A_406, %dma_wait3A_472] : memref<10240x128xf32, #tpu.memory_space<vmem_shared>> -> memref<48x128xf32, #tpu.memory_space<vmem_shared>>
      %dma_wait3A_474 = arith.constant 0 : i32
      %dma_wait3A_475 = arith.constant 0 : i32
      %dma_wait3A_476 = tpu.memref_slice %arg8[%dma_wait3A_474, %dma_wait3A_475] : memref<48x128xf32, #tpu.memory_space<vmem>> -> memref<48x128xf32, #tpu.memory_space<vmem>>
      %dma_wait3A_477 = arith.constant 0 : i32
      %dma_wait3A_478 = tpu.memref_slice %arg12[%add3A_406, %dma_wait3A_477] : memref<10240x128xf32, #tpu.memory_space<vmem_shared>> -> memref<48x128xf32, #tpu.memory_space<vmem_shared>>
      tpu.wait_dma2 semaphore(%run_scoped3A : memref<!tpu.dma_semaphore, #tpu.memory_space<semaphore_mem>>) src(%dma_wait3A_478 : memref<48x128xf32, #tpu.memory_space<vmem_shared>>) dst(%dma_wait3A_476 : memref<48x128xf32, #tpu.memory_space<vmem>>)
      tpu.yield
    }) : () -> ()
    "tpu.region"() ({
      %run_scoped3A = tpu.sem_alloc : memref<!tpu.dma_semaphore, #tpu.memory_space<semaphore_mem>>
      %dma_start3A_459 = arith.constant 0 : i32
      %dma_start3A_460 = arith.constant 0 : i32
      %dma_start3A_461 = tpu.memref_slice %arg8[%dma_start3A_459, %dma_start3A_460] : memref<48x128xf32, #tpu.memory_space<vmem>> -> memref<48x128xf32, #tpu.memory_space<vmem>>
      %dma_start3A_462 = arith.constant 0 : i32
      %dma_start3A_463 = tpu.memref_slice %arg5[%arg0, %add3A_406, %dma_start3A_462] : memref<2x10240x128xf32, #tpu.memory_space<hbm>> -> memref<1x48x128xf32, #tpu.memory_space<hbm>>
      %dma_start3A_464 = tpu.memref_squeeze %dma_start3A_463 : memref<1x48x128xf32, #tpu.memory_space<hbm>> -> memref<48x128xf32, #tpu.memory_space<hbm>>
      %dma_start3A_465 = arith.constant 0 : i32
      %dma_start3A_466 = tpu.memref_slice %arg5[%arg0, %add3A_406, %dma_start3A_465] : memref<2x10240x128xf32, #tpu.memory_space<hbm>> -> memref<1x48x128xf32, #tpu.memory_space<hbm>>
      %dma_start3A_467 = tpu.memref_squeeze %dma_start3A_466 : memref<1x48x128xf32, #tpu.memory_space<hbm>> -> memref<48x128xf32, #tpu.memory_space<hbm>>
      %dma_start3A_468 = arith.constant 0 : i32
      %dma_start3A_469 = arith.constant 0 : i32
      %dma_start3A_470 = tpu.memref_slice %arg8[%dma_start3A_468, %dma_start3A_469] : memref<48x128xf32, #tpu.memory_space<vmem>> -> memref<48x128xf32, #tpu.memory_space<vmem>>
      tpu.enqueue_dma source(%dma_start3A_470 : memref<48x128xf32, #tpu.memory_space<vmem>>) target(%dma_start3A_467 : memref<48x128xf32, #tpu.memory_space<hbm>>) target_semaphore(%run_scoped3A : memref<!tpu.dma_semaphore, #tpu.memory_space<semaphore_mem>>)
      %dma_wait3A_471 = arith.constant 0 : i32
      %dma_wait3A_472 = arith.constant 0 : i32
      %dma_wait3A_473 = tpu.memref_slice %arg8[%dma_wait3A_471, %dma_wait3A_472] : memref<48x128xf32, #tpu.memory_space<vmem>> -> memref<48x128xf32, #tpu.memory_space<vmem>>
      %dma_wait3A_474 = arith.constant 0 : i32
      %dma_wait3A_475 = tpu.memref_slice %arg5[%arg0, %add3A_406, %dma_wait3A_474] : memref<2x10240x128xf32, #tpu.memory_space<hbm>> -> memref<1x48x128xf32, #tpu.memory_space<hbm>>
      %dma_wait3A_476 = tpu.memref_squeeze %dma_wait3A_475 : memref<1x48x128xf32, #tpu.memory_space<hbm>> -> memref<48x128xf32, #tpu.memory_space<hbm>>
      %dma_wait3A_477 = arith.constant 0 : i32
      %dma_wait3A_478 = tpu.memref_slice %arg5[%arg0, %add3A_406, %dma_wait3A_477] : memref<2x10240x128xf32, #tpu.memory_space<hbm>> -> memref<1x48x128xf32, #tpu.memory_space<hbm>>
      %dma_wait3A_479 = tpu.memref_squeeze %dma_wait3A_478 : memref<1x48x128xf32, #tpu.memory_space<hbm>> -> memref<48x128xf32, #tpu.memory_space<hbm>>
      %dma_wait3A_480 = arith.constant 0 : i32
      %dma_wait3A_481 = arith.constant 0 : i32
      %dma_wait3A_482 = tpu.memref_slice %arg8[%dma_wait3A_480, %dma_wait3A_481] : memref<48x128xf32, #tpu.memory_space<vmem>> -> memref<48x128xf32, #tpu.memory_space<vmem>>
      tpu.wait_dma2 semaphore(%run_scoped3A : memref<!tpu.dma_semaphore, #tpu.memory_space<semaphore_mem>>) src(%dma_wait3A_482 : memref<48x128xf32, #tpu.memory_space<vmem>>) dst(%dma_wait3A_479 : memref<48x128xf32, #tpu.memory_space<hbm>>)
      tpu.yield
    }) : () -> ()
    %mul3A_407 = arith.constant 640 : i32
    %mul3A_408 = arith.muli %arg1, %mul3A_407 : i32
    %add3A_409 = arith.constant 48 : i32
    %add3A_410 = arith.addi %mul3A_408, %add3A_409 : i32
    "tpu.region"() ({
      %run_scoped3A = tpu.sem_alloc : memref<!tpu.dma_semaphore, #tpu.memory_space<semaphore_mem>>
      %dma_start3A_459 = arith.constant 0 : i32
      %dma_start3A_460 = arith.constant 0 : i32
      %dma_start3A_461 = tpu.memref_slice %arg8[%dma_start3A_459, %dma_start3A_460] : memref<48x128xf32, #tpu.memory_space<vmem>> -> memref<48x128xf32, #tpu.memory_space<vmem>>
      %dma_start3A_462 = arith.constant 0 : i32
      %dma_start3A_463 = tpu.memref_slice %arg12[%add3A_410, %dma_start3A_462] : memref<10240x128xf32, #tpu.memory_space<vmem_shared>> -> memref<48x128xf32, #tpu.memory_space<vmem_shared>>
      %dma_start3A_464 = arith.constant 0 : i32
      %dma_start3A_465 = arith.constant 0 : i32
      %dma_start3A_466 = tpu.memref_slice %arg8[%dma_start3A_464, %dma_start3A_465] : memref<48x128xf32, #tpu.memory_space<vmem>> -> memref<48x128xf32, #tpu.memory_space<vmem>>
      %dma_start3A_467 = arith.constant 0 : i32
      %dma_start3A_468 = tpu.memref_slice %arg12[%add3A_410, %dma_start3A_467] : memref<10240x128xf32, #tpu.memory_space<vmem_shared>> -> memref<48x128xf32, #tpu.memory_space<vmem_shared>>
      tpu.enqueue_dma source(%dma_start3A_468 : memref<48x128xf32, #tpu.memory_space<vmem_shared>>) target(%dma_start3A_466 : memref<48x128xf32, #tpu.memory_space<vmem>>) target_semaphore(%run_scoped3A : memref<!tpu.dma_semaphore, #tpu.memory_space<semaphore_mem>>)
      %dma_wait3A_469 = arith.constant 0 : i32
      %dma_wait3A_470 = arith.constant 0 : i32
      %dma_wait3A_471 = tpu.memref_slice %arg8[%dma_wait3A_469, %dma_wait3A_470] : memref<48x128xf32, #tpu.memory_space<vmem>> -> memref<48x128xf32, #tpu.memory_space<vmem>>
      %dma_wait3A_472 = arith.constant 0 : i32
      %dma_wait3A_473 = tpu.memref_slice %arg12[%add3A_410, %dma_wait3A_472] : memref<10240x128xf32, #tpu.memory_space<vmem_shared>> -> memref<48x128xf32, #tpu.memory_space<vmem_shared>>
      %dma_wait3A_474 = arith.constant 0 : i32
      %dma_wait3A_475 = arith.constant 0 : i32
      %dma_wait3A_476 = tpu.memref_slice %arg8[%dma_wait3A_474, %dma_wait3A_475] : memref<48x128xf32, #tpu.memory_space<vmem>> -> memref<48x128xf32, #tpu.memory_space<vmem>>
      %dma_wait3A_477 = arith.constant 0 : i32
      %dma_wait3A_478 = tpu.memref_slice %arg12[%add3A_410, %dma_wait3A_477] : memref<10240x128xf32, #tpu.memory_space<vmem_shared>> -> memref<48x128xf32, #tpu.memory_space<vmem_shared>>
      tpu.wait_dma2 semaphore(%run_scoped3A : memref<!tpu.dma_semaphore, #tpu.memory_space<semaphore_mem>>) src(%dma_wait3A_478 : memref<48x128xf32, #tpu.memory_space<vmem_shared>>) dst(%dma_wait3A_476 : memref<48x128xf32, #tpu.memory_space<vmem>>)
      tpu.yield
    }) : () -> ()
    "tpu.region"() ({
      %run_scoped3A = tpu.sem_alloc : memref<!tpu.dma_semaphore, #tpu.memory_space<semaphore_mem>>
      %dma_start3A_459 = arith.constant 0 : i32
      %dma_start3A_460 = arith.constant 0 : i32
      %dma_start3A_461 = tpu.memref_slice %arg8[%dma_start3A_459, %dma_start3A_460] : memref<48x128xf32, #tpu.memory_space<vmem>> -> memref<48x128xf32, #tpu.memory_space<vmem>>
      %dma_start3A_462 = arith.constant 0 : i32
      %dma_start3A_463 = tpu.memref_slice %arg5[%arg0, %add3A_410, %dma_start3A_462] : memref<2x10240x128xf32, #tpu.memory_space<hbm>> -> memref<1x48x128xf32, #tpu.memory_space<hbm>>
      %dma_start3A_464 = tpu.memref_squeeze %dma_start3A_463 : memref<1x48x128xf32, #tpu.memory_space<hbm>> -> memref<48x128xf32, #tpu.memory_space<hbm>>
      %dma_start3A_465 = arith.constant 0 : i32
      %dma_start3A_466 = tpu.memref_slice %arg5[%arg0, %add3A_410, %dma_start3A_465] : memref<2x10240x128xf32, #tpu.memory_space<hbm>> -> memref<1x48x128xf32, #tpu.memory_space<hbm>>
      %dma_start3A_467 = tpu.memref_squeeze %dma_start3A_466 : memref<1x48x128xf32, #tpu.memory_space<hbm>> -> memref<48x128xf32, #tpu.memory_space<hbm>>
      %dma_start3A_468 = arith.constant 0 : i32
      %dma_start3A_469 = arith.constant 0 : i32
      %dma_start3A_470 = tpu.memref_slice %arg8[%dma_start3A_468, %dma_start3A_469] : memref<48x128xf32, #tpu.memory_space<vmem>> -> memref<48x128xf32, #tpu.memory_space<vmem>>
      tpu.enqueue_dma source(%dma_start3A_470 : memref<48x128xf32, #tpu.memory_space<vmem>>) target(%dma_start3A_467 : memref<48x128xf32, #tpu.memory_space<hbm>>) target_semaphore(%run_scoped3A : memref<!tpu.dma_semaphore, #tpu.memory_space<semaphore_mem>>)
      %dma_wait3A_471 = arith.constant 0 : i32
      %dma_wait3A_472 = arith.constant 0 : i32
      %dma_wait3A_473 = tpu.memref_slice %arg8[%dma_wait3A_471, %dma_wait3A_472] : memref<48x128xf32, #tpu.memory_space<vmem>> -> memref<48x128xf32, #tpu.memory_space<vmem>>
      %dma_wait3A_474 = arith.constant 0 : i32
      %dma_wait3A_475 = tpu.memref_slice %arg5[%arg0, %add3A_410, %dma_wait3A_474] : memref<2x10240x128xf32, #tpu.memory_space<hbm>> -> memref<1x48x128xf32, #tpu.memory_space<hbm>>
      %dma_wait3A_476 = tpu.memref_squeeze %dma_wait3A_475 : memref<1x48x128xf32, #tpu.memory_space<hbm>> -> memref<48x128xf32, #tpu.memory_space<hbm>>
      %dma_wait3A_477 = arith.constant 0 : i32
      %dma_wait3A_478 = tpu.memref_slice %arg5[%arg0, %add3A_410, %dma_wait3A_477] : memref<2x10240x128xf32, #tpu.memory_space<hbm>> -> memref<1x48x128xf32, #tpu.memory_space<hbm>>
      %dma_wait3A_479 = tpu.memref_squeeze %dma_wait3A_478 : memref<1x48x128xf32, #tpu.memory_space<hbm>> -> memref<48x128xf32, #tpu.memory_space<hbm>>
      %dma_wait3A_480 = arith.constant 0 : i32
      %dma_wait3A_481 = arith.constant 0 : i32
      %dma_wait3A_482 = tpu.memref_slice %arg8[%dma_wait3A_480, %dma_wait3A_481] : memref<48x128xf32, #tpu.memory_space<vmem>> -> memref<48x128xf32, #tpu.memory_space<vmem>>
      tpu.wait_dma2 semaphore(%run_scoped3A : memref<!tpu.dma_semaphore, #tpu.memory_space<semaphore_mem>>) src(%dma_wait3A_482 : memref<48x128xf32, #tpu.memory_space<vmem>>) dst(%dma_wait3A_479 : memref<48x128xf32, #tpu.memory_space<hbm>>)
      tpu.yield
    }) : () -> ()
    %mul3A_411 = arith.constant 640 : i32
    %mul3A_412 = arith.muli %arg1, %mul3A_411 : i32
    %add3A_413 = arith.constant 96 : i32
    %add3A_414 = arith.addi %mul3A_412, %add3A_413 : i32
    "tpu.region"() ({
      %run_scoped3A = tpu.sem_alloc : memref<!tpu.dma_semaphore, #tpu.memory_space<semaphore_mem>>
      %dma_start3A_459 = arith.constant 0 : i32
      %dma_start3A_460 = arith.constant 0 : i32
      %dma_start3A_461 = tpu.memref_slice %arg8[%dma_start3A_459, %dma_start3A_460] : memref<48x128xf32, #tpu.memory_space<vmem>> -> memref<48x128xf32, #tpu.memory_space<vmem>>
      %dma_start3A_462 = arith.constant 0 : i32
      %dma_start3A_463 = tpu.memref_slice %arg12[%add3A_414, %dma_start3A_462] : memref<10240x128xf32, #tpu.memory_space<vmem_shared>> -> memref<48x128xf32, #tpu.memory_space<vmem_shared>>
      %dma_start3A_464 = arith.constant 0 : i32
      %dma_start3A_465 = arith.constant 0 : i32
      %dma_start3A_466 = tpu.memref_slice %arg8[%dma_start3A_464, %dma_start3A_465] : memref<48x128xf32, #tpu.memory_space<vmem>> -> memref<48x128xf32, #tpu.memory_space<vmem>>
      %dma_start3A_467 = arith.constant 0 : i32
      %dma_start3A_468 = tpu.memref_slice %arg12[%add3A_414, %dma_start3A_467] : memref<10240x128xf32, #tpu.memory_space<vmem_shared>> -> memref<48x128xf32, #tpu.memory_space<vmem_shared>>
      tpu.enqueue_dma source(%dma_start3A_468 : memref<48x128xf32, #tpu.memory_space<vmem_shared>>) target(%dma_start3A_466 : memref<48x128xf32, #tpu.memory_space<vmem>>) target_semaphore(%run_scoped3A : memref<!tpu.dma_semaphore, #tpu.memory_space<semaphore_mem>>)
      %dma_wait3A_469 = arith.constant 0 : i32
      %dma_wait3A_470 = arith.constant 0 : i32
      %dma_wait3A_471 = tpu.memref_slice %arg8[%dma_wait3A_469, %dma_wait3A_470] : memref<48x128xf32, #tpu.memory_space<vmem>> -> memref<48x128xf32, #tpu.memory_space<vmem>>
      %dma_wait3A_472 = arith.constant 0 : i32
      %dma_wait3A_473 = tpu.memref_slice %arg12[%add3A_414, %dma_wait3A_472] : memref<10240x128xf32, #tpu.memory_space<vmem_shared>> -> memref<48x128xf32, #tpu.memory_space<vmem_shared>>
      %dma_wait3A_474 = arith.constant 0 : i32
      %dma_wait3A_475 = arith.constant 0 : i32
      %dma_wait3A_476 = tpu.memref_slice %arg8[%dma_wait3A_474, %dma_wait3A_475] : memref<48x128xf32, #tpu.memory_space<vmem>> -> memref<48x128xf32, #tpu.memory_space<vmem>>
      %dma_wait3A_477 = arith.constant 0 : i32
      %dma_wait3A_478 = tpu.memref_slice %arg12[%add3A_414, %dma_wait3A_477] : memref<10240x128xf32, #tpu.memory_space<vmem_shared>> -> memref<48x128xf32, #tpu.memory_space<vmem_shared>>
      tpu.wait_dma2 semaphore(%run_scoped3A : memref<!tpu.dma_semaphore, #tpu.memory_space<semaphore_mem>>) src(%dma_wait3A_478 : memref<48x128xf32, #tpu.memory_space<vmem_shared>>) dst(%dma_wait3A_476 : memref<48x128xf32, #tpu.memory_space<vmem>>)
      tpu.yield
    }) : () -> ()
    "tpu.region"() ({
      %run_scoped3A = tpu.sem_alloc : memref<!tpu.dma_semaphore, #tpu.memory_space<semaphore_mem>>
      %dma_start3A_459 = arith.constant 0 : i32
      %dma_start3A_460 = arith.constant 0 : i32
      %dma_start3A_461 = tpu.memref_slice %arg8[%dma_start3A_459, %dma_start3A_460] : memref<48x128xf32, #tpu.memory_space<vmem>> -> memref<48x128xf32, #tpu.memory_space<vmem>>
      %dma_start3A_462 = arith.constant 0 : i32
      %dma_start3A_463 = tpu.memref_slice %arg5[%arg0, %add3A_414, %dma_start3A_462] : memref<2x10240x128xf32, #tpu.memory_space<hbm>> -> memref<1x48x128xf32, #tpu.memory_space<hbm>>
      %dma_start3A_464 = tpu.memref_squeeze %dma_start3A_463 : memref<1x48x128xf32, #tpu.memory_space<hbm>> -> memref<48x128xf32, #tpu.memory_space<hbm>>
      %dma_start3A_465 = arith.constant 0 : i32
      %dma_start3A_466 = tpu.memref_slice %arg5[%arg0, %add3A_414, %dma_start3A_465] : memref<2x10240x128xf32, #tpu.memory_space<hbm>> -> memref<1x48x128xf32, #tpu.memory_space<hbm>>
      %dma_start3A_467 = tpu.memref_squeeze %dma_start3A_466 : memref<1x48x128xf32, #tpu.memory_space<hbm>> -> memref<48x128xf32, #tpu.memory_space<hbm>>
      %dma_start3A_468 = arith.constant 0 : i32
      %dma_start3A_469 = arith.constant 0 : i32
      %dma_start3A_470 = tpu.memref_slice %arg8[%dma_start3A_468, %dma_start3A_469] : memref<48x128xf32, #tpu.memory_space<vmem>> -> memref<48x128xf32, #tpu.memory_space<vmem>>
      tpu.enqueue_dma source(%dma_start3A_470 : memref<48x128xf32, #tpu.memory_space<vmem>>) target(%dma_start3A_467 : memref<48x128xf32, #tpu.memory_space<hbm>>) target_semaphore(%run_scoped3A : memref<!tpu.dma_semaphore, #tpu.memory_space<semaphore_mem>>)
      %dma_wait3A_471 = arith.constant 0 : i32
      %dma_wait3A_472 = arith.constant 0 : i32
      %dma_wait3A_473 = tpu.memref_slice %arg8[%dma_wait3A_471, %dma_wait3A_472] : memref<48x128xf32, #tpu.memory_space<vmem>> -> memref<48x128xf32, #tpu.memory_space<vmem>>
      %dma_wait3A_474 = arith.constant 0 : i32
      %dma_wait3A_475 = tpu.memref_slice %arg5[%arg0, %add3A_414, %dma_wait3A_474] : memref<2x10240x128xf32, #tpu.memory_space<hbm>> -> memref<1x48x128xf32, #tpu.memory_space<hbm>>
      %dma_wait3A_476 = tpu.memref_squeeze %dma_wait3A_475 : memref<1x48x128xf32, #tpu.memory_space<hbm>> -> memref<48x128xf32, #tpu.memory_space<hbm>>
      %dma_wait3A_477 = arith.constant 0 : i32
      %dma_wait3A_478 = tpu.memref_slice %arg5[%arg0, %add3A_414, %dma_wait3A_477] : memref<2x10240x128xf32, #tpu.memory_space<hbm>> -> memref<1x48x128xf32, #tpu.memory_space<hbm>>
      %dma_wait3A_479 = tpu.memref_squeeze %dma_wait3A_478 : memref<1x48x128xf32, #tpu.memory_space<hbm>> -> memref<48x128xf32, #tpu.memory_space<hbm>>
      %dma_wait3A_480 = arith.constant 0 : i32
      %dma_wait3A_481 = arith.constant 0 : i32
      %dma_wait3A_482 = tpu.memref_slice %arg8[%dma_wait3A_480, %dma_wait3A_481] : memref<48x128xf32, #tpu.memory_space<vmem>> -> memref<48x128xf32, #tpu.memory_space<vmem>>
      tpu.wait_dma2 semaphore(%run_scoped3A : memref<!tpu.dma_semaphore, #tpu.memory_space<semaphore_mem>>) src(%dma_wait3A_482 : memref<48x128xf32, #tpu.memory_space<vmem>>) dst(%dma_wait3A_479 : memref<48x128xf32, #tpu.memory_space<hbm>>)
      tpu.yield
    }) : () -> ()
    %mul3A_415 = arith.constant 640 : i32
    %mul3A_416 = arith.muli %arg1, %mul3A_415 : i32
    %add3A_417 = arith.constant 144 : i32
    %add3A_418 = arith.addi %mul3A_416, %add3A_417 : i32
    "tpu.region"() ({
      %run_scoped3A = tpu.sem_alloc : memref<!tpu.dma_semaphore, #tpu.memory_space<semaphore_mem>>
      %dma_start3A_459 = arith.constant 0 : i32
      %dma_start3A_460 = arith.constant 0 : i32
      %dma_start3A_461 = tpu.memref_slice %arg8[%dma_start3A_459, %dma_start3A_460] : memref<48x128xf32, #tpu.memory_space<vmem>> -> memref<48x128xf32, #tpu.memory_space<vmem>>
      %dma_start3A_462 = arith.constant 0 : i32
      %dma_start3A_463 = tpu.memref_slice %arg12[%add3A_418, %dma_start3A_462] : memref<10240x128xf32, #tpu.memory_space<vmem_shared>> -> memref<48x128xf32, #tpu.memory_space<vmem_shared>>
      %dma_start3A_464 = arith.constant 0 : i32
      %dma_start3A_465 = arith.constant 0 : i32
      %dma_start3A_466 = tpu.memref_slice %arg8[%dma_start3A_464, %dma_start3A_465] : memref<48x128xf32, #tpu.memory_space<vmem>> -> memref<48x128xf32, #tpu.memory_space<vmem>>
      %dma_start3A_467 = arith.constant 0 : i32
      %dma_start3A_468 = tpu.memref_slice %arg12[%add3A_418, %dma_start3A_467] : memref<10240x128xf32, #tpu.memory_space<vmem_shared>> -> memref<48x128xf32, #tpu.memory_space<vmem_shared>>
      tpu.enqueue_dma source(%dma_start3A_468 : memref<48x128xf32, #tpu.memory_space<vmem_shared>>) target(%dma_start3A_466 : memref<48x128xf32, #tpu.memory_space<vmem>>) target_semaphore(%run_scoped3A : memref<!tpu.dma_semaphore, #tpu.memory_space<semaphore_mem>>)
      %dma_wait3A_469 = arith.constant 0 : i32
      %dma_wait3A_470 = arith.constant 0 : i32
      %dma_wait3A_471 = tpu.memref_slice %arg8[%dma_wait3A_469, %dma_wait3A_470] : memref<48x128xf32, #tpu.memory_space<vmem>> -> memref<48x128xf32, #tpu.memory_space<vmem>>
      %dma_wait3A_472 = arith.constant 0 : i32
      %dma_wait3A_473 = tpu.memref_slice %arg12[%add3A_418, %dma_wait3A_472] : memref<10240x128xf32, #tpu.memory_space<vmem_shared>> -> memref<48x128xf32, #tpu.memory_space<vmem_shared>>
      %dma_wait3A_474 = arith.constant 0 : i32
      %dma_wait3A_475 = arith.constant 0 : i32
      %dma_wait3A_476 = tpu.memref_slice %arg8[%dma_wait3A_474, %dma_wait3A_475] : memref<48x128xf32, #tpu.memory_space<vmem>> -> memref<48x128xf32, #tpu.memory_space<vmem>>
      %dma_wait3A_477 = arith.constant 0 : i32
      %dma_wait3A_478 = tpu.memref_slice %arg12[%add3A_418, %dma_wait3A_477] : memref<10240x128xf32, #tpu.memory_space<vmem_shared>> -> memref<48x128xf32, #tpu.memory_space<vmem_shared>>
      tpu.wait_dma2 semaphore(%run_scoped3A : memref<!tpu.dma_semaphore, #tpu.memory_space<semaphore_mem>>) src(%dma_wait3A_478 : memref<48x128xf32, #tpu.memory_space<vmem_shared>>) dst(%dma_wait3A_476 : memref<48x128xf32, #tpu.memory_space<vmem>>)
      tpu.yield
    }) : () -> ()
    "tpu.region"() ({
      %run_scoped3A = tpu.sem_alloc : memref<!tpu.dma_semaphore, #tpu.memory_space<semaphore_mem>>
      %dma_start3A_459 = arith.constant 0 : i32
      %dma_start3A_460 = arith.constant 0 : i32
      %dma_start3A_461 = tpu.memref_slice %arg8[%dma_start3A_459, %dma_start3A_460] : memref<48x128xf32, #tpu.memory_space<vmem>> -> memref<48x128xf32, #tpu.memory_space<vmem>>
      %dma_start3A_462 = arith.constant 0 : i32
      %dma_start3A_463 = tpu.memref_slice %arg5[%arg0, %add3A_418, %dma_start3A_462] : memref<2x10240x128xf32, #tpu.memory_space<hbm>> -> memref<1x48x128xf32, #tpu.memory_space<hbm>>
      %dma_start3A_464 = tpu.memref_squeeze %dma_start3A_463 : memref<1x48x128xf32, #tpu.memory_space<hbm>> -> memref<48x128xf32, #tpu.memory_space<hbm>>
      %dma_start3A_465 = arith.constant 0 : i32
      %dma_start3A_466 = tpu.memref_slice %arg5[%arg0, %add3A_418, %dma_start3A_465] : memref<2x10240x128xf32, #tpu.memory_space<hbm>> -> memref<1x48x128xf32, #tpu.memory_space<hbm>>
      %dma_start3A_467 = tpu.memref_squeeze %dma_start3A_466 : memref<1x48x128xf32, #tpu.memory_space<hbm>> -> memref<48x128xf32, #tpu.memory_space<hbm>>
      %dma_start3A_468 = arith.constant 0 : i32
      %dma_start3A_469 = arith.constant 0 : i32
      %dma_start3A_470 = tpu.memref_slice %arg8[%dma_start3A_468, %dma_start3A_469] : memref<48x128xf32, #tpu.memory_space<vmem>> -> memref<48x128xf32, #tpu.memory_space<vmem>>
      tpu.enqueue_dma source(%dma_start3A_470 : memref<48x128xf32, #tpu.memory_space<vmem>>) target(%dma_start3A_467 : memref<48x128xf32, #tpu.memory_space<hbm>>) target_semaphore(%run_scoped3A : memref<!tpu.dma_semaphore, #tpu.memory_space<semaphore_mem>>)
      %dma_wait3A_471 = arith.constant 0 : i32
      %dma_wait3A_472 = arith.constant 0 : i32
      %dma_wait3A_473 = tpu.memref_slice %arg8[%dma_wait3A_471, %dma_wait3A_472] : memref<48x128xf32, #tpu.memory_space<vmem>> -> memref<48x128xf32, #tpu.memory_space<vmem>>
      %dma_wait3A_474 = arith.constant 0 : i32
      %dma_wait3A_475 = tpu.memref_slice %arg5[%arg0, %add3A_418, %dma_wait3A_474] : memref<2x10240x128xf32, #tpu.memory_space<hbm>> -> memref<1x48x128xf32, #tpu.memory_space<hbm>>
      %dma_wait3A_476 = tpu.memref_squeeze %dma_wait3A_475 : memref<1x48x128xf32, #tpu.memory_space<hbm>> -> memref<48x128xf32, #tpu.memory_space<hbm>>
      %dma_wait3A_477 = arith.constant 0 : i32
      %dma_wait3A_478 = tpu.memref_slice %arg5[%arg0, %add3A_418, %dma_wait3A_477] : memref<2x10240x128xf32, #tpu.memory_space<hbm>> -> memref<1x48x128xf32, #tpu.memory_space<hbm>>
      %dma_wait3A_479 = tpu.memref_squeeze %dma_wait3A_478 : memref<1x48x128xf32, #tpu.memory_space<hbm>> -> memref<48x128xf32, #tpu.memory_space<hbm>>
      %dma_wait3A_480 = arith.constant 0 : i32
      %dma_wait3A_481 = arith.constant 0 : i32
      %dma_wait3A_482 = tpu.memref_slice %arg8[%dma_wait3A_480, %dma_wait3A_481] : memref<48x128xf32, #tpu.memory_space<vmem>> -> memref<48x128xf32, #tpu.memory_space<vmem>>
      tpu.wait_dma2 semaphore(%run_scoped3A : memref<!tpu.dma_semaphore, #tpu.memory_space<semaphore_mem>>) src(%dma_wait3A_482 : memref<48x128xf32, #tpu.memory_space<vmem>>) dst(%dma_wait3A_479 : memref<48x128xf32, #tpu.memory_space<hbm>>)
      tpu.yield
    }) : () -> ()
    %mul3A_419 = arith.constant 640 : i32
    %mul3A_420 = arith.muli %arg1, %mul3A_419 : i32
    %add3A_421 = arith.constant 192 : i32
    %add3A_422 = arith.addi %mul3A_420, %add3A_421 : i32
    "tpu.region"() ({
      %run_scoped3A = tpu.sem_alloc : memref<!tpu.dma_semaphore, #tpu.memory_space<semaphore_mem>>
      %dma_start3A_459 = arith.constant 0 : i32
      %dma_start3A_460 = arith.constant 0 : i32
      %dma_start3A_461 = tpu.memref_slice %arg8[%dma_start3A_459, %dma_start3A_460] : memref<48x128xf32, #tpu.memory_space<vmem>> -> memref<48x128xf32, #tpu.memory_space<vmem>>
      %dma_start3A_462 = arith.constant 0 : i32
      %dma_start3A_463 = tpu.memref_slice %arg12[%add3A_422, %dma_start3A_462] : memref<10240x128xf32, #tpu.memory_space<vmem_shared>> -> memref<48x128xf32, #tpu.memory_space<vmem_shared>>
      %dma_start3A_464 = arith.constant 0 : i32
      %dma_start3A_465 = arith.constant 0 : i32
      %dma_start3A_466 = tpu.memref_slice %arg8[%dma_start3A_464, %dma_start3A_465] : memref<48x128xf32, #tpu.memory_space<vmem>> -> memref<48x128xf32, #tpu.memory_space<vmem>>
      %dma_start3A_467 = arith.constant 0 : i32
      %dma_start3A_468 = tpu.memref_slice %arg12[%add3A_422, %dma_start3A_467] : memref<10240x128xf32, #tpu.memory_space<vmem_shared>> -> memref<48x128xf32, #tpu.memory_space<vmem_shared>>
      tpu.enqueue_dma source(%dma_start3A_468 : memref<48x128xf32, #tpu.memory_space<vmem_shared>>) target(%dma_start3A_466 : memref<48x128xf32, #tpu.memory_space<vmem>>) target_semaphore(%run_scoped3A : memref<!tpu.dma_semaphore, #tpu.memory_space<semaphore_mem>>)
      %dma_wait3A_469 = arith.constant 0 : i32
      %dma_wait3A_470 = arith.constant 0 : i32
      %dma_wait3A_471 = tpu.memref_slice %arg8[%dma_wait3A_469, %dma_wait3A_470] : memref<48x128xf32, #tpu.memory_space<vmem>> -> memref<48x128xf32, #tpu.memory_space<vmem>>
      %dma_wait3A_472 = arith.constant 0 : i32
      %dma_wait3A_473 = tpu.memref_slice %arg12[%add3A_422, %dma_wait3A_472] : memref<10240x128xf32, #tpu.memory_space<vmem_shared>> -> memref<48x128xf32, #tpu.memory_space<vmem_shared>>
      %dma_wait3A_474 = arith.constant 0 : i32
      %dma_wait3A_475 = arith.constant 0 : i32
      %dma_wait3A_476 = tpu.memref_slice %arg8[%dma_wait3A_474, %dma_wait3A_475] : memref<48x128xf32, #tpu.memory_space<vmem>> -> memref<48x128xf32, #tpu.memory_space<vmem>>
      %dma_wait3A_477 = arith.constant 0 : i32
      %dma_wait3A_478 = tpu.memref_slice %arg12[%add3A_422, %dma_wait3A_477] : memref<10240x128xf32, #tpu.memory_space<vmem_shared>> -> memref<48x128xf32, #tpu.memory_space<vmem_shared>>
      tpu.wait_dma2 semaphore(%run_scoped3A : memref<!tpu.dma_semaphore, #tpu.memory_space<semaphore_mem>>) src(%dma_wait3A_478 : memref<48x128xf32, #tpu.memory_space<vmem_shared>>) dst(%dma_wait3A_476 : memref<48x128xf32, #tpu.memory_space<vmem>>)
      tpu.yield
    }) : () -> ()
    "tpu.region"() ({
      %run_scoped3A = tpu.sem_alloc : memref<!tpu.dma_semaphore, #tpu.memory_space<semaphore_mem>>
      %dma_start3A_459 = arith.constant 0 : i32
      %dma_start3A_460 = arith.constant 0 : i32
      %dma_start3A_461 = tpu.memref_slice %arg8[%dma_start3A_459, %dma_start3A_460] : memref<48x128xf32, #tpu.memory_space<vmem>> -> memref<48x128xf32, #tpu.memory_space<vmem>>
      %dma_start3A_462 = arith.constant 0 : i32
      %dma_start3A_463 = tpu.memref_slice %arg5[%arg0, %add3A_422, %dma_start3A_462] : memref<2x10240x128xf32, #tpu.memory_space<hbm>> -> memref<1x48x128xf32, #tpu.memory_space<hbm>>
      %dma_start3A_464 = tpu.memref_squeeze %dma_start3A_463 : memref<1x48x128xf32, #tpu.memory_space<hbm>> -> memref<48x128xf32, #tpu.memory_space<hbm>>
      %dma_start3A_465 = arith.constant 0 : i32
      %dma_start3A_466 = tpu.memref_slice %arg5[%arg0, %add3A_422, %dma_start3A_465] : memref<2x10240x128xf32, #tpu.memory_space<hbm>> -> memref<1x48x128xf32, #tpu.memory_space<hbm>>
      %dma_start3A_467 = tpu.memref_squeeze %dma_start3A_466 : memref<1x48x128xf32, #tpu.memory_space<hbm>> -> memref<48x128xf32, #tpu.memory_space<hbm>>
      %dma_start3A_468 = arith.constant 0 : i32
      %dma_start3A_469 = arith.constant 0 : i32
      %dma_start3A_470 = tpu.memref_slice %arg8[%dma_start3A_468, %dma_start3A_469] : memref<48x128xf32, #tpu.memory_space<vmem>> -> memref<48x128xf32, #tpu.memory_space<vmem>>
      tpu.enqueue_dma source(%dma_start3A_470 : memref<48x128xf32, #tpu.memory_space<vmem>>) target(%dma_start3A_467 : memref<48x128xf32, #tpu.memory_space<hbm>>) target_semaphore(%run_scoped3A : memref<!tpu.dma_semaphore, #tpu.memory_space<semaphore_mem>>)
      %dma_wait3A_471 = arith.constant 0 : i32
      %dma_wait3A_472 = arith.constant 0 : i32
      %dma_wait3A_473 = tpu.memref_slice %arg8[%dma_wait3A_471, %dma_wait3A_472] : memref<48x128xf32, #tpu.memory_space<vmem>> -> memref<48x128xf32, #tpu.memory_space<vmem>>
      %dma_wait3A_474 = arith.constant 0 : i32
      %dma_wait3A_475 = tpu.memref_slice %arg5[%arg0, %add3A_422, %dma_wait3A_474] : memref<2x10240x128xf32, #tpu.memory_space<hbm>> -> memref<1x48x128xf32, #tpu.memory_space<hbm>>
      %dma_wait3A_476 = tpu.memref_squeeze %dma_wait3A_475 : memref<1x48x128xf32, #tpu.memory_space<hbm>> -> memref<48x128xf32, #tpu.memory_space<hbm>>
      %dma_wait3A_477 = arith.constant 0 : i32
      %dma_wait3A_478 = tpu.memref_slice %arg5[%arg0, %add3A_422, %dma_wait3A_477] : memref<2x10240x128xf32, #tpu.memory_space<hbm>> -> memref<1x48x128xf32, #tpu.memory_space<hbm>>
      %dma_wait3A_479 = tpu.memref_squeeze %dma_wait3A_478 : memref<1x48x128xf32, #tpu.memory_space<hbm>> -> memref<48x128xf32, #tpu.memory_space<hbm>>
      %dma_wait3A_480 = arith.constant 0 : i32
      %dma_wait3A_481 = arith.constant 0 : i32
      %dma_wait3A_482 = tpu.memref_slice %arg8[%dma_wait3A_480, %dma_wait3A_481] : memref<48x128xf32, #tpu.memory_space<vmem>> -> memref<48x128xf32, #tpu.memory_space<vmem>>
      tpu.wait_dma2 semaphore(%run_scoped3A : memref<!tpu.dma_semaphore, #tpu.memory_space<semaphore_mem>>) src(%dma_wait3A_482 : memref<48x128xf32, #tpu.memory_space<vmem>>) dst(%dma_wait3A_479 : memref<48x128xf32, #tpu.memory_space<hbm>>)
      tpu.yield
    }) : () -> ()
    %mul3A_423 = arith.constant 640 : i32
    %mul3A_424 = arith.muli %arg1, %mul3A_423 : i32
    %add3A_425 = arith.constant 240 : i32
    %add3A_426 = arith.addi %mul3A_424, %add3A_425 : i32
    "tpu.region"() ({
      %run_scoped3A = tpu.sem_alloc : memref<!tpu.dma_semaphore, #tpu.memory_space<semaphore_mem>>
      %dma_start3A_459 = arith.constant 0 : i32
      %dma_start3A_460 = arith.constant 0 : i32
      %dma_start3A_461 = tpu.memref_slice %arg8[%dma_start3A_459, %dma_start3A_460] : memref<48x128xf32, #tpu.memory_space<vmem>> -> memref<48x128xf32, #tpu.memory_space<vmem>>
      %dma_start3A_462 = arith.constant 0 : i32
      %dma_start3A_463 = tpu.memref_slice %arg12[%add3A_426, %dma_start3A_462] : memref<10240x128xf32, #tpu.memory_space<vmem_shared>> -> memref<48x128xf32, #tpu.memory_space<vmem_shared>>
      %dma_start3A_464 = arith.constant 0 : i32
      %dma_start3A_465 = arith.constant 0 : i32
      %dma_start3A_466 = tpu.memref_slice %arg8[%dma_start3A_464, %dma_start3A_465] : memref<48x128xf32, #tpu.memory_space<vmem>> -> memref<48x128xf32, #tpu.memory_space<vmem>>
      %dma_start3A_467 = arith.constant 0 : i32
      %dma_start3A_468 = tpu.memref_slice %arg12[%add3A_426, %dma_start3A_467] : memref<10240x128xf32, #tpu.memory_space<vmem_shared>> -> memref<48x128xf32, #tpu.memory_space<vmem_shared>>
      tpu.enqueue_dma source(%dma_start3A_468 : memref<48x128xf32, #tpu.memory_space<vmem_shared>>) target(%dma_start3A_466 : memref<48x128xf32, #tpu.memory_space<vmem>>) target_semaphore(%run_scoped3A : memref<!tpu.dma_semaphore, #tpu.memory_space<semaphore_mem>>)
      %dma_wait3A_469 = arith.constant 0 : i32
      %dma_wait3A_470 = arith.constant 0 : i32
      %dma_wait3A_471 = tpu.memref_slice %arg8[%dma_wait3A_469, %dma_wait3A_470] : memref<48x128xf32, #tpu.memory_space<vmem>> -> memref<48x128xf32, #tpu.memory_space<vmem>>
      %dma_wait3A_472 = arith.constant 0 : i32
      %dma_wait3A_473 = tpu.memref_slice %arg12[%add3A_426, %dma_wait3A_472] : memref<10240x128xf32, #tpu.memory_space<vmem_shared>> -> memref<48x128xf32, #tpu.memory_space<vmem_shared>>
      %dma_wait3A_474 = arith.constant 0 : i32
      %dma_wait3A_475 = arith.constant 0 : i32
      %dma_wait3A_476 = tpu.memref_slice %arg8[%dma_wait3A_474, %dma_wait3A_475] : memref<48x128xf32, #tpu.memory_space<vmem>> -> memref<48x128xf32, #tpu.memory_space<vmem>>
      %dma_wait3A_477 = arith.constant 0 : i32
      %dma_wait3A_478 = tpu.memref_slice %arg12[%add3A_426, %dma_wait3A_477] : memref<10240x128xf32, #tpu.memory_space<vmem_shared>> -> memref<48x128xf32, #tpu.memory_space<vmem_shared>>
      tpu.wait_dma2 semaphore(%run_scoped3A : memref<!tpu.dma_semaphore, #tpu.memory_space<semaphore_mem>>) src(%dma_wait3A_478 : memref<48x128xf32, #tpu.memory_space<vmem_shared>>) dst(%dma_wait3A_476 : memref<48x128xf32, #tpu.memory_space<vmem>>)
      tpu.yield
    }) : () -> ()
    "tpu.region"() ({
      %run_scoped3A = tpu.sem_alloc : memref<!tpu.dma_semaphore, #tpu.memory_space<semaphore_mem>>
      %dma_start3A_459 = arith.constant 0 : i32
      %dma_start3A_460 = arith.constant 0 : i32
      %dma_start3A_461 = tpu.memref_slice %arg8[%dma_start3A_459, %dma_start3A_460] : memref<48x128xf32, #tpu.memory_space<vmem>> -> memref<48x128xf32, #tpu.memory_space<vmem>>
      %dma_start3A_462 = arith.constant 0 : i32
      %dma_start3A_463 = tpu.memref_slice %arg5[%arg0, %add3A_426, %dma_start3A_462] : memref<2x10240x128xf32, #tpu.memory_space<hbm>> -> memref<1x48x128xf32, #tpu.memory_space<hbm>>
      %dma_start3A_464 = tpu.memref_squeeze %dma_start3A_463 : memref<1x48x128xf32, #tpu.memory_space<hbm>> -> memref<48x128xf32, #tpu.memory_space<hbm>>
      %dma_start3A_465 = arith.constant 0 : i32
      %dma_start3A_466 = tpu.memref_slice %arg5[%arg0, %add3A_426, %dma_start3A_465] : memref<2x10240x128xf32, #tpu.memory_space<hbm>> -> memref<1x48x128xf32, #tpu.memory_space<hbm>>
      %dma_start3A_467 = tpu.memref_squeeze %dma_start3A_466 : memref<1x48x128xf32, #tpu.memory_space<hbm>> -> memref<48x128xf32, #tpu.memory_space<hbm>>
      %dma_start3A_468 = arith.constant 0 : i32
      %dma_start3A_469 = arith.constant 0 : i32
      %dma_start3A_470 = tpu.memref_slice %arg8[%dma_start3A_468, %dma_start3A_469] : memref<48x128xf32, #tpu.memory_space<vmem>> -> memref<48x128xf32, #tpu.memory_space<vmem>>
      tpu.enqueue_dma source(%dma_start3A_470 : memref<48x128xf32, #tpu.memory_space<vmem>>) target(%dma_start3A_467 : memref<48x128xf32, #tpu.memory_space<hbm>>) target_semaphore(%run_scoped3A : memref<!tpu.dma_semaphore, #tpu.memory_space<semaphore_mem>>)
      %dma_wait3A_471 = arith.constant 0 : i32
      %dma_wait3A_472 = arith.constant 0 : i32
      %dma_wait3A_473 = tpu.memref_slice %arg8[%dma_wait3A_471, %dma_wait3A_472] : memref<48x128xf32, #tpu.memory_space<vmem>> -> memref<48x128xf32, #tpu.memory_space<vmem>>
      %dma_wait3A_474 = arith.constant 0 : i32
      %dma_wait3A_475 = tpu.memref_slice %arg5[%arg0, %add3A_426, %dma_wait3A_474] : memref<2x10240x128xf32, #tpu.memory_space<hbm>> -> memref<1x48x128xf32, #tpu.memory_space<hbm>>
      %dma_wait3A_476 = tpu.memref_squeeze %dma_wait3A_475 : memref<1x48x128xf32, #tpu.memory_space<hbm>> -> memref<48x128xf32, #tpu.memory_space<hbm>>
      %dma_wait3A_477 = arith.constant 0 : i32
      %dma_wait3A_478 = tpu.memref_slice %arg5[%arg0, %add3A_426, %dma_wait3A_477] : memref<2x10240x128xf32, #tpu.memory_space<hbm>> -> memref<1x48x128xf32, #tpu.memory_space<hbm>>
      %dma_wait3A_479 = tpu.memref_squeeze %dma_wait3A_478 : memref<1x48x128xf32, #tpu.memory_space<hbm>> -> memref<48x128xf32, #tpu.memory_space<hbm>>
      %dma_wait3A_480 = arith.constant 0 : i32
      %dma_wait3A_481 = arith.constant 0 : i32
      %dma_wait3A_482 = tpu.memref_slice %arg8[%dma_wait3A_480, %dma_wait3A_481] : memref<48x128xf32, #tpu.memory_space<vmem>> -> memref<48x128xf32, #tpu.memory_space<vmem>>
      tpu.wait_dma2 semaphore(%run_scoped3A : memref<!tpu.dma_semaphore, #tpu.memory_space<semaphore_mem>>) src(%dma_wait3A_482 : memref<48x128xf32, #tpu.memory_space<vmem>>) dst(%dma_wait3A_479 : memref<48x128xf32, #tpu.memory_space<hbm>>)
      tpu.yield
    }) : () -> ()
    %mul3A_427 = arith.constant 640 : i32
    %mul3A_428 = arith.muli %arg1, %mul3A_427 : i32
    %add3A_429 = arith.constant 288 : i32
    %add3A_430 = arith.addi %mul3A_428, %add3A_429 : i32
    "tpu.region"() ({
      %run_scoped3A = tpu.sem_alloc : memref<!tpu.dma_semaphore, #tpu.memory_space<semaphore_mem>>
      %dma_start3A_459 = arith.constant 0 : i32
      %dma_start3A_460 = arith.constant 0 : i32
      %dma_start3A_461 = tpu.memref_slice %arg8[%dma_start3A_459, %dma_start3A_460] : memref<48x128xf32, #tpu.memory_space<vmem>> -> memref<48x128xf32, #tpu.memory_space<vmem>>
      %dma_start3A_462 = arith.constant 0 : i32
      %dma_start3A_463 = tpu.memref_slice %arg12[%add3A_430, %dma_start3A_462] : memref<10240x128xf32, #tpu.memory_space<vmem_shared>> -> memref<48x128xf32, #tpu.memory_space<vmem_shared>>
      %dma_start3A_464 = arith.constant 0 : i32
      %dma_start3A_465 = arith.constant 0 : i32
      %dma_start3A_466 = tpu.memref_slice %arg8[%dma_start3A_464, %dma_start3A_465] : memref<48x128xf32, #tpu.memory_space<vmem>> -> memref<48x128xf32, #tpu.memory_space<vmem>>
      %dma_start3A_467 = arith.constant 0 : i32
      %dma_start3A_468 = tpu.memref_slice %arg12[%add3A_430, %dma_start3A_467] : memref<10240x128xf32, #tpu.memory_space<vmem_shared>> -> memref<48x128xf32, #tpu.memory_space<vmem_shared>>
      tpu.enqueue_dma source(%dma_start3A_468 : memref<48x128xf32, #tpu.memory_space<vmem_shared>>) target(%dma_start3A_466 : memref<48x128xf32, #tpu.memory_space<vmem>>) target_semaphore(%run_scoped3A : memref<!tpu.dma_semaphore, #tpu.memory_space<semaphore_mem>>)
      %dma_wait3A_469 = arith.constant 0 : i32
      %dma_wait3A_470 = arith.constant 0 : i32
      %dma_wait3A_471 = tpu.memref_slice %arg8[%dma_wait3A_469, %dma_wait3A_470] : memref<48x128xf32, #tpu.memory_space<vmem>> -> memref<48x128xf32, #tpu.memory_space<vmem>>
      %dma_wait3A_472 = arith.constant 0 : i32
      %dma_wait3A_473 = tpu.memref_slice %arg12[%add3A_430, %dma_wait3A_472] : memref<10240x128xf32, #tpu.memory_space<vmem_shared>> -> memref<48x128xf32, #tpu.memory_space<vmem_shared>>
      %dma_wait3A_474 = arith.constant 0 : i32
      %dma_wait3A_475 = arith.constant 0 : i32
      %dma_wait3A_476 = tpu.memref_slice %arg8[%dma_wait3A_474, %dma_wait3A_475] : memref<48x128xf32, #tpu.memory_space<vmem>> -> memref<48x128xf32, #tpu.memory_space<vmem>>
      %dma_wait3A_477 = arith.constant 0 : i32
      %dma_wait3A_478 = tpu.memref_slice %arg12[%add3A_430, %dma_wait3A_477] : memref<10240x128xf32, #tpu.memory_space<vmem_shared>> -> memref<48x128xf32, #tpu.memory_space<vmem_shared>>
      tpu.wait_dma2 semaphore(%run_scoped3A : memref<!tpu.dma_semaphore, #tpu.memory_space<semaphore_mem>>) src(%dma_wait3A_478 : memref<48x128xf32, #tpu.memory_space<vmem_shared>>) dst(%dma_wait3A_476 : memref<48x128xf32, #tpu.memory_space<vmem>>)
      tpu.yield
    }) : () -> ()
    "tpu.region"() ({
      %run_scoped3A = tpu.sem_alloc : memref<!tpu.dma_semaphore, #tpu.memory_space<semaphore_mem>>
      %dma_start3A_459 = arith.constant 0 : i32
      %dma_start3A_460 = arith.constant 0 : i32
      %dma_start3A_461 = tpu.memref_slice %arg8[%dma_start3A_459, %dma_start3A_460] : memref<48x128xf32, #tpu.memory_space<vmem>> -> memref<48x128xf32, #tpu.memory_space<vmem>>
      %dma_start3A_462 = arith.constant 0 : i32
      %dma_start3A_463 = tpu.memref_slice %arg5[%arg0, %add3A_430, %dma_start3A_462] : memref<2x10240x128xf32, #tpu.memory_space<hbm>> -> memref<1x48x128xf32, #tpu.memory_space<hbm>>
      %dma_start3A_464 = tpu.memref_squeeze %dma_start3A_463 : memref<1x48x128xf32, #tpu.memory_space<hbm>> -> memref<48x128xf32, #tpu.memory_space<hbm>>
      %dma_start3A_465 = arith.constant 0 : i32
      %dma_start3A_466 = tpu.memref_slice %arg5[%arg0, %add3A_430, %dma_start3A_465] : memref<2x10240x128xf32, #tpu.memory_space<hbm>> -> memref<1x48x128xf32, #tpu.memory_space<hbm>>
      %dma_start3A_467 = tpu.memref_squeeze %dma_start3A_466 : memref<1x48x128xf32, #tpu.memory_space<hbm>> -> memref<48x128xf32, #tpu.memory_space<hbm>>
      %dma_start3A_468 = arith.constant 0 : i32
      %dma_start3A_469 = arith.constant 0 : i32
      %dma_start3A_470 = tpu.memref_slice %arg8[%dma_start3A_468, %dma_start3A_469] : memref<48x128xf32, #tpu.memory_space<vmem>> -> memref<48x128xf32, #tpu.memory_space<vmem>>
      tpu.enqueue_dma source(%dma_start3A_470 : memref<48x128xf32, #tpu.memory_space<vmem>>) target(%dma_start3A_467 : memref<48x128xf32, #tpu.memory_space<hbm>>) target_semaphore(%run_scoped3A : memref<!tpu.dma_semaphore, #tpu.memory_space<semaphore_mem>>)
      %dma_wait3A_471 = arith.constant 0 : i32
      %dma_wait3A_472 = arith.constant 0 : i32
      %dma_wait3A_473 = tpu.memref_slice %arg8[%dma_wait3A_471, %dma_wait3A_472] : memref<48x128xf32, #tpu.memory_space<vmem>> -> memref<48x128xf32, #tpu.memory_space<vmem>>
      %dma_wait3A_474 = arith.constant 0 : i32
      %dma_wait3A_475 = tpu.memref_slice %arg5[%arg0, %add3A_430, %dma_wait3A_474] : memref<2x10240x128xf32, #tpu.memory_space<hbm>> -> memref<1x48x128xf32, #tpu.memory_space<hbm>>
      %dma_wait3A_476 = tpu.memref_squeeze %dma_wait3A_475 : memref<1x48x128xf32, #tpu.memory_space<hbm>> -> memref<48x128xf32, #tpu.memory_space<hbm>>
      %dma_wait3A_477 = arith.constant 0 : i32
      %dma_wait3A_478 = tpu.memref_slice %arg5[%arg0, %add3A_430, %dma_wait3A_477] : memref<2x10240x128xf32, #tpu.memory_space<hbm>> -> memref<1x48x128xf32, #tpu.memory_space<hbm>>
      %dma_wait3A_479 = tpu.memref_squeeze %dma_wait3A_478 : memref<1x48x128xf32, #tpu.memory_space<hbm>> -> memref<48x128xf32, #tpu.memory_space<hbm>>
      %dma_wait3A_480 = arith.constant 0 : i32
      %dma_wait3A_481 = arith.constant 0 : i32
      %dma_wait3A_482 = tpu.memref_slice %arg8[%dma_wait3A_480, %dma_wait3A_481] : memref<48x128xf32, #tpu.memory_space<vmem>> -> memref<48x128xf32, #tpu.memory_space<vmem>>
      tpu.wait_dma2 semaphore(%run_scoped3A : memref<!tpu.dma_semaphore, #tpu.memory_space<semaphore_mem>>) src(%dma_wait3A_482 : memref<48x128xf32, #tpu.memory_space<vmem>>) dst(%dma_wait3A_479 : memref<48x128xf32, #tpu.memory_space<hbm>>)
      tpu.yield
    }) : () -> ()
    %mul3A_431 = arith.constant 640 : i32
    %mul3A_432 = arith.muli %arg1, %mul3A_431 : i32
    %add3A_433 = arith.constant 336 : i32
    %add3A_434 = arith.addi %mul3A_432, %add3A_433 : i32
    "tpu.region"() ({
      %run_scoped3A = tpu.sem_alloc : memref<!tpu.dma_semaphore, #tpu.memory_space<semaphore_mem>>
      %dma_start3A_459 = arith.constant 0 : i32
      %dma_start3A_460 = arith.constant 0 : i32
      %dma_start3A_461 = tpu.memref_slice %arg8[%dma_start3A_459, %dma_start3A_460] : memref<48x128xf32, #tpu.memory_space<vmem>> -> memref<48x128xf32, #tpu.memory_space<vmem>>
      %dma_start3A_462 = arith.constant 0 : i32
      %dma_start3A_463 = tpu.memref_slice %arg12[%add3A_434, %dma_start3A_462] : memref<10240x128xf32, #tpu.memory_space<vmem_shared>> -> memref<48x128xf32, #tpu.memory_space<vmem_shared>>
      %dma_start3A_464 = arith.constant 0 : i32
      %dma_start3A_465 = arith.constant 0 : i32
      %dma_start3A_466 = tpu.memref_slice %arg8[%dma_start3A_464, %dma_start3A_465] : memref<48x128xf32, #tpu.memory_space<vmem>> -> memref<48x128xf32, #tpu.memory_space<vmem>>
      %dma_start3A_467 = arith.constant 0 : i32
      %dma_start3A_468 = tpu.memref_slice %arg12[%add3A_434, %dma_start3A_467] : memref<10240x128xf32, #tpu.memory_space<vmem_shared>> -> memref<48x128xf32, #tpu.memory_space<vmem_shared>>
      tpu.enqueue_dma source(%dma_start3A_468 : memref<48x128xf32, #tpu.memory_space<vmem_shared>>) target(%dma_start3A_466 : memref<48x128xf32, #tpu.memory_space<vmem>>) target_semaphore(%run_scoped3A : memref<!tpu.dma_semaphore, #tpu.memory_space<semaphore_mem>>)
      %dma_wait3A_469 = arith.constant 0 : i32
      %dma_wait3A_470 = arith.constant 0 : i32
      %dma_wait3A_471 = tpu.memref_slice %arg8[%dma_wait3A_469, %dma_wait3A_470] : memref<48x128xf32, #tpu.memory_space<vmem>> -> memref<48x128xf32, #tpu.memory_space<vmem>>
      %dma_wait3A_472 = arith.constant 0 : i32
      %dma_wait3A_473 = tpu.memref_slice %arg12[%add3A_434, %dma_wait3A_472] : memref<10240x128xf32, #tpu.memory_space<vmem_shared>> -> memref<48x128xf32, #tpu.memory_space<vmem_shared>>
      %dma_wait3A_474 = arith.constant 0 : i32
      %dma_wait3A_475 = arith.constant 0 : i32
      %dma_wait3A_476 = tpu.memref_slice %arg8[%dma_wait3A_474, %dma_wait3A_475] : memref<48x128xf32, #tpu.memory_space<vmem>> -> memref<48x128xf32, #tpu.memory_space<vmem>>
      %dma_wait3A_477 = arith.constant 0 : i32
      %dma_wait3A_478 = tpu.memref_slice %arg12[%add3A_434, %dma_wait3A_477] : memref<10240x128xf32, #tpu.memory_space<vmem_shared>> -> memref<48x128xf32, #tpu.memory_space<vmem_shared>>
      tpu.wait_dma2 semaphore(%run_scoped3A : memref<!tpu.dma_semaphore, #tpu.memory_space<semaphore_mem>>) src(%dma_wait3A_478 : memref<48x128xf32, #tpu.memory_space<vmem_shared>>) dst(%dma_wait3A_476 : memref<48x128xf32, #tpu.memory_space<vmem>>)
      tpu.yield
    }) : () -> ()
    "tpu.region"() ({
      %run_scoped3A = tpu.sem_alloc : memref<!tpu.dma_semaphore, #tpu.memory_space<semaphore_mem>>
      %dma_start3A_459 = arith.constant 0 : i32
      %dma_start3A_460 = arith.constant 0 : i32
      %dma_start3A_461 = tpu.memref_slice %arg8[%dma_start3A_459, %dma_start3A_460] : memref<48x128xf32, #tpu.memory_space<vmem>> -> memref<48x128xf32, #tpu.memory_space<vmem>>
      %dma_start3A_462 = arith.constant 0 : i32
      %dma_start3A_463 = tpu.memref_slice %arg5[%arg0, %add3A_434, %dma_start3A_462] : memref<2x10240x128xf32, #tpu.memory_space<hbm>> -> memref<1x48x128xf32, #tpu.memory_space<hbm>>
      %dma_start3A_464 = tpu.memref_squeeze %dma_start3A_463 : memref<1x48x128xf32, #tpu.memory_space<hbm>> -> memref<48x128xf32, #tpu.memory_space<hbm>>
      %dma_start3A_465 = arith.constant 0 : i32
      %dma_start3A_466 = tpu.memref_slice %arg5[%arg0, %add3A_434, %dma_start3A_465] : memref<2x10240x128xf32, #tpu.memory_space<hbm>> -> memref<1x48x128xf32, #tpu.memory_space<hbm>>
      %dma_start3A_467 = tpu.memref_squeeze %dma_start3A_466 : memref<1x48x128xf32, #tpu.memory_space<hbm>> -> memref<48x128xf32, #tpu.memory_space<hbm>>
      %dma_start3A_468 = arith.constant 0 : i32
      %dma_start3A_469 = arith.constant 0 : i32
      %dma_start3A_470 = tpu.memref_slice %arg8[%dma_start3A_468, %dma_start3A_469] : memref<48x128xf32, #tpu.memory_space<vmem>> -> memref<48x128xf32, #tpu.memory_space<vmem>>
      tpu.enqueue_dma source(%dma_start3A_470 : memref<48x128xf32, #tpu.memory_space<vmem>>) target(%dma_start3A_467 : memref<48x128xf32, #tpu.memory_space<hbm>>) target_semaphore(%run_scoped3A : memref<!tpu.dma_semaphore, #tpu.memory_space<semaphore_mem>>)
      %dma_wait3A_471 = arith.constant 0 : i32
      %dma_wait3A_472 = arith.constant 0 : i32
      %dma_wait3A_473 = tpu.memref_slice %arg8[%dma_wait3A_471, %dma_wait3A_472] : memref<48x128xf32, #tpu.memory_space<vmem>> -> memref<48x128xf32, #tpu.memory_space<vmem>>
      %dma_wait3A_474 = arith.constant 0 : i32
      %dma_wait3A_475 = tpu.memref_slice %arg5[%arg0, %add3A_434, %dma_wait3A_474] : memref<2x10240x128xf32, #tpu.memory_space<hbm>> -> memref<1x48x128xf32, #tpu.memory_space<hbm>>
      %dma_wait3A_476 = tpu.memref_squeeze %dma_wait3A_475 : memref<1x48x128xf32, #tpu.memory_space<hbm>> -> memref<48x128xf32, #tpu.memory_space<hbm>>
      %dma_wait3A_477 = arith.constant 0 : i32
      %dma_wait3A_478 = tpu.memref_slice %arg5[%arg0, %add3A_434, %dma_wait3A_477] : memref<2x10240x128xf32, #tpu.memory_space<hbm>> -> memref<1x48x128xf32, #tpu.memory_space<hbm>>
      %dma_wait3A_479 = tpu.memref_squeeze %dma_wait3A_478 : memref<1x48x128xf32, #tpu.memory_space<hbm>> -> memref<48x128xf32, #tpu.memory_space<hbm>>
      %dma_wait3A_480 = arith.constant 0 : i32
      %dma_wait3A_481 = arith.constant 0 : i32
      %dma_wait3A_482 = tpu.memref_slice %arg8[%dma_wait3A_480, %dma_wait3A_481] : memref<48x128xf32, #tpu.memory_space<vmem>> -> memref<48x128xf32, #tpu.memory_space<vmem>>
      tpu.wait_dma2 semaphore(%run_scoped3A : memref<!tpu.dma_semaphore, #tpu.memory_space<semaphore_mem>>) src(%dma_wait3A_482 : memref<48x128xf32, #tpu.memory_space<vmem>>) dst(%dma_wait3A_479 : memref<48x128xf32, #tpu.memory_space<hbm>>)
      tpu.yield
    }) : () -> ()
    %mul3A_435 = arith.constant 640 : i32
    %mul3A_436 = arith.muli %arg1, %mul3A_435 : i32
    %add3A_437 = arith.constant 384 : i32
    %add3A_438 = arith.addi %mul3A_436, %add3A_437 : i32
    "tpu.region"() ({
      %run_scoped3A = tpu.sem_alloc : memref<!tpu.dma_semaphore, #tpu.memory_space<semaphore_mem>>
      %dma_start3A_459 = arith.constant 0 : i32
      %dma_start3A_460 = arith.constant 0 : i32
      %dma_start3A_461 = tpu.memref_slice %arg8[%dma_start3A_459, %dma_start3A_460] : memref<48x128xf32, #tpu.memory_space<vmem>> -> memref<48x128xf32, #tpu.memory_space<vmem>>
      %dma_start3A_462 = arith.constant 0 : i32
      %dma_start3A_463 = tpu.memref_slice %arg12[%add3A_438, %dma_start3A_462] : memref<10240x128xf32, #tpu.memory_space<vmem_shared>> -> memref<48x128xf32, #tpu.memory_space<vmem_shared>>
      %dma_start3A_464 = arith.constant 0 : i32
      %dma_start3A_465 = arith.constant 0 : i32
      %dma_start3A_466 = tpu.memref_slice %arg8[%dma_start3A_464, %dma_start3A_465] : memref<48x128xf32, #tpu.memory_space<vmem>> -> memref<48x128xf32, #tpu.memory_space<vmem>>
      %dma_start3A_467 = arith.constant 0 : i32
      %dma_start3A_468 = tpu.memref_slice %arg12[%add3A_438, %dma_start3A_467] : memref<10240x128xf32, #tpu.memory_space<vmem_shared>> -> memref<48x128xf32, #tpu.memory_space<vmem_shared>>
      tpu.enqueue_dma source(%dma_start3A_468 : memref<48x128xf32, #tpu.memory_space<vmem_shared>>) target(%dma_start3A_466 : memref<48x128xf32, #tpu.memory_space<vmem>>) target_semaphore(%run_scoped3A : memref<!tpu.dma_semaphore, #tpu.memory_space<semaphore_mem>>)
      %dma_wait3A_469 = arith.constant 0 : i32
      %dma_wait3A_470 = arith.constant 0 : i32
      %dma_wait3A_471 = tpu.memref_slice %arg8[%dma_wait3A_469, %dma_wait3A_470] : memref<48x128xf32, #tpu.memory_space<vmem>> -> memref<48x128xf32, #tpu.memory_space<vmem>>
      %dma_wait3A_472 = arith.constant 0 : i32
      %dma_wait3A_473 = tpu.memref_slice %arg12[%add3A_438, %dma_wait3A_472] : memref<10240x128xf32, #tpu.memory_space<vmem_shared>> -> memref<48x128xf32, #tpu.memory_space<vmem_shared>>
      %dma_wait3A_474 = arith.constant 0 : i32
      %dma_wait3A_475 = arith.constant 0 : i32
      %dma_wait3A_476 = tpu.memref_slice %arg8[%dma_wait3A_474, %dma_wait3A_475] : memref<48x128xf32, #tpu.memory_space<vmem>> -> memref<48x128xf32, #tpu.memory_space<vmem>>
      %dma_wait3A_477 = arith.constant 0 : i32
      %dma_wait3A_478 = tpu.memref_slice %arg12[%add3A_438, %dma_wait3A_477] : memref<10240x128xf32, #tpu.memory_space<vmem_shared>> -> memref<48x128xf32, #tpu.memory_space<vmem_shared>>
      tpu.wait_dma2 semaphore(%run_scoped3A : memref<!tpu.dma_semaphore, #tpu.memory_space<semaphore_mem>>) src(%dma_wait3A_478 : memref<48x128xf32, #tpu.memory_space<vmem_shared>>) dst(%dma_wait3A_476 : memref<48x128xf32, #tpu.memory_space<vmem>>)
      tpu.yield
    }) : () -> ()
    "tpu.region"() ({
      %run_scoped3A = tpu.sem_alloc : memref<!tpu.dma_semaphore, #tpu.memory_space<semaphore_mem>>
      %dma_start3A_459 = arith.constant 0 : i32
      %dma_start3A_460 = arith.constant 0 : i32
      %dma_start3A_461 = tpu.memref_slice %arg8[%dma_start3A_459, %dma_start3A_460] : memref<48x128xf32, #tpu.memory_space<vmem>> -> memref<48x128xf32, #tpu.memory_space<vmem>>
      %dma_start3A_462 = arith.constant 0 : i32
      %dma_start3A_463 = tpu.memref_slice %arg5[%arg0, %add3A_438, %dma_start3A_462] : memref<2x10240x128xf32, #tpu.memory_space<hbm>> -> memref<1x48x128xf32, #tpu.memory_space<hbm>>
      %dma_start3A_464 = tpu.memref_squeeze %dma_start3A_463 : memref<1x48x128xf32, #tpu.memory_space<hbm>> -> memref<48x128xf32, #tpu.memory_space<hbm>>
      %dma_start3A_465 = arith.constant 0 : i32
      %dma_start3A_466 = tpu.memref_slice %arg5[%arg0, %add3A_438, %dma_start3A_465] : memref<2x10240x128xf32, #tpu.memory_space<hbm>> -> memref<1x48x128xf32, #tpu.memory_space<hbm>>
      %dma_start3A_467 = tpu.memref_squeeze %dma_start3A_466 : memref<1x48x128xf32, #tpu.memory_space<hbm>> -> memref<48x128xf32, #tpu.memory_space<hbm>>
      %dma_start3A_468 = arith.constant 0 : i32
      %dma_start3A_469 = arith.constant 0 : i32
      %dma_start3A_470 = tpu.memref_slice %arg8[%dma_start3A_468, %dma_start3A_469] : memref<48x128xf32, #tpu.memory_space<vmem>> -> memref<48x128xf32, #tpu.memory_space<vmem>>
      tpu.enqueue_dma source(%dma_start3A_470 : memref<48x128xf32, #tpu.memory_space<vmem>>) target(%dma_start3A_467 : memref<48x128xf32, #tpu.memory_space<hbm>>) target_semaphore(%run_scoped3A : memref<!tpu.dma_semaphore, #tpu.memory_space<semaphore_mem>>)
      %dma_wait3A_471 = arith.constant 0 : i32
      %dma_wait3A_472 = arith.constant 0 : i32
      %dma_wait3A_473 = tpu.memref_slice %arg8[%dma_wait3A_471, %dma_wait3A_472] : memref<48x128xf32, #tpu.memory_space<vmem>> -> memref<48x128xf32, #tpu.memory_space<vmem>>
      %dma_wait3A_474 = arith.constant 0 : i32
      %dma_wait3A_475 = tpu.memref_slice %arg5[%arg0, %add3A_438, %dma_wait3A_474] : memref<2x10240x128xf32, #tpu.memory_space<hbm>> -> memref<1x48x128xf32, #tpu.memory_space<hbm>>
      %dma_wait3A_476 = tpu.memref_squeeze %dma_wait3A_475 : memref<1x48x128xf32, #tpu.memory_space<hbm>> -> memref<48x128xf32, #tpu.memory_space<hbm>>
      %dma_wait3A_477 = arith.constant 0 : i32
      %dma_wait3A_478 = tpu.memref_slice %arg5[%arg0, %add3A_438, %dma_wait3A_477] : memref<2x10240x128xf32, #tpu.memory_space<hbm>> -> memref<1x48x128xf32, #tpu.memory_space<hbm>>
      %dma_wait3A_479 = tpu.memref_squeeze %dma_wait3A_478 : memref<1x48x128xf32, #tpu.memory_space<hbm>> -> memref<48x128xf32, #tpu.memory_space<hbm>>
      %dma_wait3A_480 = arith.constant 0 : i32
      %dma_wait3A_481 = arith.constant 0 : i32
      %dma_wait3A_482 = tpu.memref_slice %arg8[%dma_wait3A_480, %dma_wait3A_481] : memref<48x128xf32, #tpu.memory_space<vmem>> -> memref<48x128xf32, #tpu.memory_space<vmem>>
      tpu.wait_dma2 semaphore(%run_scoped3A : memref<!tpu.dma_semaphore, #tpu.memory_space<semaphore_mem>>) src(%dma_wait3A_482 : memref<48x128xf32, #tpu.memory_space<vmem>>) dst(%dma_wait3A_479 : memref<48x128xf32, #tpu.memory_space<hbm>>)
      tpu.yield
    }) : () -> ()
    %mul3A_439 = arith.constant 640 : i32
    %mul3A_440 = arith.muli %arg1, %mul3A_439 : i32
    %add3A_441 = arith.constant 432 : i32
    %add3A_442 = arith.addi %mul3A_440, %add3A_441 : i32
    "tpu.region"() ({
      %run_scoped3A = tpu.sem_alloc : memref<!tpu.dma_semaphore, #tpu.memory_space<semaphore_mem>>
      %dma_start3A_459 = arith.constant 0 : i32
      %dma_start3A_460 = arith.constant 0 : i32
      %dma_start3A_461 = tpu.memref_slice %arg8[%dma_start3A_459, %dma_start3A_460] : memref<48x128xf32, #tpu.memory_space<vmem>> -> memref<48x128xf32, #tpu.memory_space<vmem>>
      %dma_start3A_462 = arith.constant 0 : i32
      %dma_start3A_463 = tpu.memref_slice %arg12[%add3A_442, %dma_start3A_462] : memref<10240x128xf32, #tpu.memory_space<vmem_shared>> -> memref<48x128xf32, #tpu.memory_space<vmem_shared>>
      %dma_start3A_464 = arith.constant 0 : i32
      %dma_start3A_465 = arith.constant 0 : i32
      %dma_start3A_466 = tpu.memref_slice %arg8[%dma_start3A_464, %dma_start3A_465] : memref<48x128xf32, #tpu.memory_space<vmem>> -> memref<48x128xf32, #tpu.memory_space<vmem>>
      %dma_start3A_467 = arith.constant 0 : i32
      %dma_start3A_468 = tpu.memref_slice %arg12[%add3A_442, %dma_start3A_467] : memref<10240x128xf32, #tpu.memory_space<vmem_shared>> -> memref<48x128xf32, #tpu.memory_space<vmem_shared>>
      tpu.enqueue_dma source(%dma_start3A_468 : memref<48x128xf32, #tpu.memory_space<vmem_shared>>) target(%dma_start3A_466 : memref<48x128xf32, #tpu.memory_space<vmem>>) target_semaphore(%run_scoped3A : memref<!tpu.dma_semaphore, #tpu.memory_space<semaphore_mem>>)
      %dma_wait3A_469 = arith.constant 0 : i32
      %dma_wait3A_470 = arith.constant 0 : i32
      %dma_wait3A_471 = tpu.memref_slice %arg8[%dma_wait3A_469, %dma_wait3A_470] : memref<48x128xf32, #tpu.memory_space<vmem>> -> memref<48x128xf32, #tpu.memory_space<vmem>>
      %dma_wait3A_472 = arith.constant 0 : i32
      %dma_wait3A_473 = tpu.memref_slice %arg12[%add3A_442, %dma_wait3A_472] : memref<10240x128xf32, #tpu.memory_space<vmem_shared>> -> memref<48x128xf32, #tpu.memory_space<vmem_shared>>
      %dma_wait3A_474 = arith.constant 0 : i32
      %dma_wait3A_475 = arith.constant 0 : i32
      %dma_wait3A_476 = tpu.memref_slice %arg8[%dma_wait3A_474, %dma_wait3A_475] : memref<48x128xf32, #tpu.memory_space<vmem>> -> memref<48x128xf32, #tpu.memory_space<vmem>>
      %dma_wait3A_477 = arith.constant 0 : i32
      %dma_wait3A_478 = tpu.memref_slice %arg12[%add3A_442, %dma_wait3A_477] : memref<10240x128xf32, #tpu.memory_space<vmem_shared>> -> memref<48x128xf32, #tpu.memory_space<vmem_shared>>
      tpu.wait_dma2 semaphore(%run_scoped3A : memref<!tpu.dma_semaphore, #tpu.memory_space<semaphore_mem>>) src(%dma_wait3A_478 : memref<48x128xf32, #tpu.memory_space<vmem_shared>>) dst(%dma_wait3A_476 : memref<48x128xf32, #tpu.memory_space<vmem>>)
      tpu.yield
    }) : () -> ()
    "tpu.region"() ({
      %run_scoped3A = tpu.sem_alloc : memref<!tpu.dma_semaphore, #tpu.memory_space<semaphore_mem>>
      %dma_start3A_459 = arith.constant 0 : i32
      %dma_start3A_460 = arith.constant 0 : i32
      %dma_start3A_461 = tpu.memref_slice %arg8[%dma_start3A_459, %dma_start3A_460] : memref<48x128xf32, #tpu.memory_space<vmem>> -> memref<48x128xf32, #tpu.memory_space<vmem>>
      %dma_start3A_462 = arith.constant 0 : i32
      %dma_start3A_463 = tpu.memref_slice %arg5[%arg0, %add3A_442, %dma_start3A_462] : memref<2x10240x128xf32, #tpu.memory_space<hbm>> -> memref<1x48x128xf32, #tpu.memory_space<hbm>>
      %dma_start3A_464 = tpu.memref_squeeze %dma_start3A_463 : memref<1x48x128xf32, #tpu.memory_space<hbm>> -> memref<48x128xf32, #tpu.memory_space<hbm>>
      %dma_start3A_465 = arith.constant 0 : i32
      %dma_start3A_466 = tpu.memref_slice %arg5[%arg0, %add3A_442, %dma_start3A_465] : memref<2x10240x128xf32, #tpu.memory_space<hbm>> -> memref<1x48x128xf32, #tpu.memory_space<hbm>>
      %dma_start3A_467 = tpu.memref_squeeze %dma_start3A_466 : memref<1x48x128xf32, #tpu.memory_space<hbm>> -> memref<48x128xf32, #tpu.memory_space<hbm>>
      %dma_start3A_468 = arith.constant 0 : i32
      %dma_start3A_469 = arith.constant 0 : i32
      %dma_start3A_470 = tpu.memref_slice %arg8[%dma_start3A_468, %dma_start3A_469] : memref<48x128xf32, #tpu.memory_space<vmem>> -> memref<48x128xf32, #tpu.memory_space<vmem>>
      tpu.enqueue_dma source(%dma_start3A_470 : memref<48x128xf32, #tpu.memory_space<vmem>>) target(%dma_start3A_467 : memref<48x128xf32, #tpu.memory_space<hbm>>) target_semaphore(%run_scoped3A : memref<!tpu.dma_semaphore, #tpu.memory_space<semaphore_mem>>)
      %dma_wait3A_471 = arith.constant 0 : i32
      %dma_wait3A_472 = arith.constant 0 : i32
      %dma_wait3A_473 = tpu.memref_slice %arg8[%dma_wait3A_471, %dma_wait3A_472] : memref<48x128xf32, #tpu.memory_space<vmem>> -> memref<48x128xf32, #tpu.memory_space<vmem>>
      %dma_wait3A_474 = arith.constant 0 : i32
      %dma_wait3A_475 = tpu.memref_slice %arg5[%arg0, %add3A_442, %dma_wait3A_474] : memref<2x10240x128xf32, #tpu.memory_space<hbm>> -> memref<1x48x128xf32, #tpu.memory_space<hbm>>
      %dma_wait3A_476 = tpu.memref_squeeze %dma_wait3A_475 : memref<1x48x128xf32, #tpu.memory_space<hbm>> -> memref<48x128xf32, #tpu.memory_space<hbm>>
      %dma_wait3A_477 = arith.constant 0 : i32
      %dma_wait3A_478 = tpu.memref_slice %arg5[%arg0, %add3A_442, %dma_wait3A_477] : memref<2x10240x128xf32, #tpu.memory_space<hbm>> -> memref<1x48x128xf32, #tpu.memory_space<hbm>>
      %dma_wait3A_479 = tpu.memref_squeeze %dma_wait3A_478 : memref<1x48x128xf32, #tpu.memory_space<hbm>> -> memref<48x128xf32, #tpu.memory_space<hbm>>
      %dma_wait3A_480 = arith.constant 0 : i32
      %dma_wait3A_481 = arith.constant 0 : i32
      %dma_wait3A_482 = tpu.memref_slice %arg8[%dma_wait3A_480, %dma_wait3A_481] : memref<48x128xf32, #tpu.memory_space<vmem>> -> memref<48x128xf32, #tpu.memory_space<vmem>>
      tpu.wait_dma2 semaphore(%run_scoped3A : memref<!tpu.dma_semaphore, #tpu.memory_space<semaphore_mem>>) src(%dma_wait3A_482 : memref<48x128xf32, #tpu.memory_space<vmem>>) dst(%dma_wait3A_479 : memref<48x128xf32, #tpu.memory_space<hbm>>)
      tpu.yield
    }) : () -> ()
    %mul3A_443 = arith.constant 640 : i32
    %mul3A_444 = arith.muli %arg1, %mul3A_443 : i32
    %add3A_445 = arith.constant 480 : i32
    %add3A_446 = arith.addi %mul3A_444, %add3A_445 : i32
    "tpu.region"() ({
      %run_scoped3A = tpu.sem_alloc : memref<!tpu.dma_semaphore, #tpu.memory_space<semaphore_mem>>
      %dma_start3A_459 = arith.constant 0 : i32
      %dma_start3A_460 = arith.constant 0 : i32
      %dma_start3A_461 = tpu.memref_slice %arg8[%dma_start3A_459, %dma_start3A_460] : memref<48x128xf32, #tpu.memory_space<vmem>> -> memref<48x128xf32, #tpu.memory_space<vmem>>
      %dma_start3A_462 = arith.constant 0 : i32
      %dma_start3A_463 = tpu.memref_slice %arg12[%add3A_446, %dma_start3A_462] : memref<10240x128xf32, #tpu.memory_space<vmem_shared>> -> memref<48x128xf32, #tpu.memory_space<vmem_shared>>
      %dma_start3A_464 = arith.constant 0 : i32
      %dma_start3A_465 = arith.constant 0 : i32
      %dma_start3A_466 = tpu.memref_slice %arg8[%dma_start3A_464, %dma_start3A_465] : memref<48x128xf32, #tpu.memory_space<vmem>> -> memref<48x128xf32, #tpu.memory_space<vmem>>
      %dma_start3A_467 = arith.constant 0 : i32
      %dma_start3A_468 = tpu.memref_slice %arg12[%add3A_446, %dma_start3A_467] : memref<10240x128xf32, #tpu.memory_space<vmem_shared>> -> memref<48x128xf32, #tpu.memory_space<vmem_shared>>
      tpu.enqueue_dma source(%dma_start3A_468 : memref<48x128xf32, #tpu.memory_space<vmem_shared>>) target(%dma_start3A_466 : memref<48x128xf32, #tpu.memory_space<vmem>>) target_semaphore(%run_scoped3A : memref<!tpu.dma_semaphore, #tpu.memory_space<semaphore_mem>>)
      %dma_wait3A_469 = arith.constant 0 : i32
      %dma_wait3A_470 = arith.constant 0 : i32
      %dma_wait3A_471 = tpu.memref_slice %arg8[%dma_wait3A_469, %dma_wait3A_470] : memref<48x128xf32, #tpu.memory_space<vmem>> -> memref<48x128xf32, #tpu.memory_space<vmem>>
      %dma_wait3A_472 = arith.constant 0 : i32
      %dma_wait3A_473 = tpu.memref_slice %arg12[%add3A_446, %dma_wait3A_472] : memref<10240x128xf32, #tpu.memory_space<vmem_shared>> -> memref<48x128xf32, #tpu.memory_space<vmem_shared>>
      %dma_wait3A_474 = arith.constant 0 : i32
      %dma_wait3A_475 = arith.constant 0 : i32
      %dma_wait3A_476 = tpu.memref_slice %arg8[%dma_wait3A_474, %dma_wait3A_475] : memref<48x128xf32, #tpu.memory_space<vmem>> -> memref<48x128xf32, #tpu.memory_space<vmem>>
      %dma_wait3A_477 = arith.constant 0 : i32
      %dma_wait3A_478 = tpu.memref_slice %arg12[%add3A_446, %dma_wait3A_477] : memref<10240x128xf32, #tpu.memory_space<vmem_shared>> -> memref<48x128xf32, #tpu.memory_space<vmem_shared>>
      tpu.wait_dma2 semaphore(%run_scoped3A : memref<!tpu.dma_semaphore, #tpu.memory_space<semaphore_mem>>) src(%dma_wait3A_478 : memref<48x128xf32, #tpu.memory_space<vmem_shared>>) dst(%dma_wait3A_476 : memref<48x128xf32, #tpu.memory_space<vmem>>)
      tpu.yield
    }) : () -> ()
    "tpu.region"() ({
      %run_scoped3A = tpu.sem_alloc : memref<!tpu.dma_semaphore, #tpu.memory_space<semaphore_mem>>
      %dma_start3A_459 = arith.constant 0 : i32
      %dma_start3A_460 = arith.constant 0 : i32
      %dma_start3A_461 = tpu.memref_slice %arg8[%dma_start3A_459, %dma_start3A_460] : memref<48x128xf32, #tpu.memory_space<vmem>> -> memref<48x128xf32, #tpu.memory_space<vmem>>
      %dma_start3A_462 = arith.constant 0 : i32
      %dma_start3A_463 = tpu.memref_slice %arg5[%arg0, %add3A_446, %dma_start3A_462] : memref<2x10240x128xf32, #tpu.memory_space<hbm>> -> memref<1x48x128xf32, #tpu.memory_space<hbm>>
      %dma_start3A_464 = tpu.memref_squeeze %dma_start3A_463 : memref<1x48x128xf32, #tpu.memory_space<hbm>> -> memref<48x128xf32, #tpu.memory_space<hbm>>
      %dma_start3A_465 = arith.constant 0 : i32
      %dma_start3A_466 = tpu.memref_slice %arg5[%arg0, %add3A_446, %dma_start3A_465] : memref<2x10240x128xf32, #tpu.memory_space<hbm>> -> memref<1x48x128xf32, #tpu.memory_space<hbm>>
      %dma_start3A_467 = tpu.memref_squeeze %dma_start3A_466 : memref<1x48x128xf32, #tpu.memory_space<hbm>> -> memref<48x128xf32, #tpu.memory_space<hbm>>
      %dma_start3A_468 = arith.constant 0 : i32
      %dma_start3A_469 = arith.constant 0 : i32
      %dma_start3A_470 = tpu.memref_slice %arg8[%dma_start3A_468, %dma_start3A_469] : memref<48x128xf32, #tpu.memory_space<vmem>> -> memref<48x128xf32, #tpu.memory_space<vmem>>
      tpu.enqueue_dma source(%dma_start3A_470 : memref<48x128xf32, #tpu.memory_space<vmem>>) target(%dma_start3A_467 : memref<48x128xf32, #tpu.memory_space<hbm>>) target_semaphore(%run_scoped3A : memref<!tpu.dma_semaphore, #tpu.memory_space<semaphore_mem>>)
      %dma_wait3A_471 = arith.constant 0 : i32
      %dma_wait3A_472 = arith.constant 0 : i32
      %dma_wait3A_473 = tpu.memref_slice %arg8[%dma_wait3A_471, %dma_wait3A_472] : memref<48x128xf32, #tpu.memory_space<vmem>> -> memref<48x128xf32, #tpu.memory_space<vmem>>
      %dma_wait3A_474 = arith.constant 0 : i32
      %dma_wait3A_475 = tpu.memref_slice %arg5[%arg0, %add3A_446, %dma_wait3A_474] : memref<2x10240x128xf32, #tpu.memory_space<hbm>> -> memref<1x48x128xf32, #tpu.memory_space<hbm>>
      %dma_wait3A_476 = tpu.memref_squeeze %dma_wait3A_475 : memref<1x48x128xf32, #tpu.memory_space<hbm>> -> memref<48x128xf32, #tpu.memory_space<hbm>>
      %dma_wait3A_477 = arith.constant 0 : i32
      %dma_wait3A_478 = tpu.memref_slice %arg5[%arg0, %add3A_446, %dma_wait3A_477] : memref<2x10240x128xf32, #tpu.memory_space<hbm>> -> memref<1x48x128xf32, #tpu.memory_space<hbm>>
      %dma_wait3A_479 = tpu.memref_squeeze %dma_wait3A_478 : memref<1x48x128xf32, #tpu.memory_space<hbm>> -> memref<48x128xf32, #tpu.memory_space<hbm>>
      %dma_wait3A_480 = arith.constant 0 : i32
      %dma_wait3A_481 = arith.constant 0 : i32
      %dma_wait3A_482 = tpu.memref_slice %arg8[%dma_wait3A_480, %dma_wait3A_481] : memref<48x128xf32, #tpu.memory_space<vmem>> -> memref<48x128xf32, #tpu.memory_space<vmem>>
      tpu.wait_dma2 semaphore(%run_scoped3A : memref<!tpu.dma_semaphore, #tpu.memory_space<semaphore_mem>>) src(%dma_wait3A_482 : memref<48x128xf32, #tpu.memory_space<vmem>>) dst(%dma_wait3A_479 : memref<48x128xf32, #tpu.memory_space<hbm>>)
      tpu.yield
    }) : () -> ()
    %mul3A_447 = arith.constant 640 : i32
    %mul3A_448 = arith.muli %arg1, %mul3A_447 : i32
    %add3A_449 = arith.constant 528 : i32
    %add3A_450 = arith.addi %mul3A_448, %add3A_449 : i32
    "tpu.region"() ({
      %run_scoped3A = tpu.sem_alloc : memref<!tpu.dma_semaphore, #tpu.memory_space<semaphore_mem>>
      %dma_start3A_459 = arith.constant 0 : i32
      %dma_start3A_460 = arith.constant 0 : i32
      %dma_start3A_461 = tpu.memref_slice %arg8[%dma_start3A_459, %dma_start3A_460] : memref<48x128xf32, #tpu.memory_space<vmem>> -> memref<48x128xf32, #tpu.memory_space<vmem>>
      %dma_start3A_462 = arith.constant 0 : i32
      %dma_start3A_463 = tpu.memref_slice %arg12[%add3A_450, %dma_start3A_462] : memref<10240x128xf32, #tpu.memory_space<vmem_shared>> -> memref<48x128xf32, #tpu.memory_space<vmem_shared>>
      %dma_start3A_464 = arith.constant 0 : i32
      %dma_start3A_465 = arith.constant 0 : i32
      %dma_start3A_466 = tpu.memref_slice %arg8[%dma_start3A_464, %dma_start3A_465] : memref<48x128xf32, #tpu.memory_space<vmem>> -> memref<48x128xf32, #tpu.memory_space<vmem>>
      %dma_start3A_467 = arith.constant 0 : i32
      %dma_start3A_468 = tpu.memref_slice %arg12[%add3A_450, %dma_start3A_467] : memref<10240x128xf32, #tpu.memory_space<vmem_shared>> -> memref<48x128xf32, #tpu.memory_space<vmem_shared>>
      tpu.enqueue_dma source(%dma_start3A_468 : memref<48x128xf32, #tpu.memory_space<vmem_shared>>) target(%dma_start3A_466 : memref<48x128xf32, #tpu.memory_space<vmem>>) target_semaphore(%run_scoped3A : memref<!tpu.dma_semaphore, #tpu.memory_space<semaphore_mem>>)
      %dma_wait3A_469 = arith.constant 0 : i32
      %dma_wait3A_470 = arith.constant 0 : i32
      %dma_wait3A_471 = tpu.memref_slice %arg8[%dma_wait3A_469, %dma_wait3A_470] : memref<48x128xf32, #tpu.memory_space<vmem>> -> memref<48x128xf32, #tpu.memory_space<vmem>>
      %dma_wait3A_472 = arith.constant 0 : i32
      %dma_wait3A_473 = tpu.memref_slice %arg12[%add3A_450, %dma_wait3A_472] : memref<10240x128xf32, #tpu.memory_space<vmem_shared>> -> memref<48x128xf32, #tpu.memory_space<vmem_shared>>
      %dma_wait3A_474 = arith.constant 0 : i32
      %dma_wait3A_475 = arith.constant 0 : i32
      %dma_wait3A_476 = tpu.memref_slice %arg8[%dma_wait3A_474, %dma_wait3A_475] : memref<48x128xf32, #tpu.memory_space<vmem>> -> memref<48x128xf32, #tpu.memory_space<vmem>>
      %dma_wait3A_477 = arith.constant 0 : i32
      %dma_wait3A_478 = tpu.memref_slice %arg12[%add3A_450, %dma_wait3A_477] : memref<10240x128xf32, #tpu.memory_space<vmem_shared>> -> memref<48x128xf32, #tpu.memory_space<vmem_shared>>
      tpu.wait_dma2 semaphore(%run_scoped3A : memref<!tpu.dma_semaphore, #tpu.memory_space<semaphore_mem>>) src(%dma_wait3A_478 : memref<48x128xf32, #tpu.memory_space<vmem_shared>>) dst(%dma_wait3A_476 : memref<48x128xf32, #tpu.memory_space<vmem>>)
      tpu.yield
    }) : () -> ()
    "tpu.region"() ({
      %run_scoped3A = tpu.sem_alloc : memref<!tpu.dma_semaphore, #tpu.memory_space<semaphore_mem>>
      %dma_start3A_459 = arith.constant 0 : i32
      %dma_start3A_460 = arith.constant 0 : i32
      %dma_start3A_461 = tpu.memref_slice %arg8[%dma_start3A_459, %dma_start3A_460] : memref<48x128xf32, #tpu.memory_space<vmem>> -> memref<48x128xf32, #tpu.memory_space<vmem>>
      %dma_start3A_462 = arith.constant 0 : i32
      %dma_start3A_463 = tpu.memref_slice %arg5[%arg0, %add3A_450, %dma_start3A_462] : memref<2x10240x128xf32, #tpu.memory_space<hbm>> -> memref<1x48x128xf32, #tpu.memory_space<hbm>>
      %dma_start3A_464 = tpu.memref_squeeze %dma_start3A_463 : memref<1x48x128xf32, #tpu.memory_space<hbm>> -> memref<48x128xf32, #tpu.memory_space<hbm>>
      %dma_start3A_465 = arith.constant 0 : i32
      %dma_start3A_466 = tpu.memref_slice %arg5[%arg0, %add3A_450, %dma_start3A_465] : memref<2x10240x128xf32, #tpu.memory_space<hbm>> -> memref<1x48x128xf32, #tpu.memory_space<hbm>>
      %dma_start3A_467 = tpu.memref_squeeze %dma_start3A_466 : memref<1x48x128xf32, #tpu.memory_space<hbm>> -> memref<48x128xf32, #tpu.memory_space<hbm>>
      %dma_start3A_468 = arith.constant 0 : i32
      %dma_start3A_469 = arith.constant 0 : i32
      %dma_start3A_470 = tpu.memref_slice %arg8[%dma_start3A_468, %dma_start3A_469] : memref<48x128xf32, #tpu.memory_space<vmem>> -> memref<48x128xf32, #tpu.memory_space<vmem>>
      tpu.enqueue_dma source(%dma_start3A_470 : memref<48x128xf32, #tpu.memory_space<vmem>>) target(%dma_start3A_467 : memref<48x128xf32, #tpu.memory_space<hbm>>) target_semaphore(%run_scoped3A : memref<!tpu.dma_semaphore, #tpu.memory_space<semaphore_mem>>)
      %dma_wait3A_471 = arith.constant 0 : i32
      %dma_wait3A_472 = arith.constant 0 : i32
      %dma_wait3A_473 = tpu.memref_slice %arg8[%dma_wait3A_471, %dma_wait3A_472] : memref<48x128xf32, #tpu.memory_space<vmem>> -> memref<48x128xf32, #tpu.memory_space<vmem>>
      %dma_wait3A_474 = arith.constant 0 : i32
      %dma_wait3A_475 = tpu.memref_slice %arg5[%arg0, %add3A_450, %dma_wait3A_474] : memref<2x10240x128xf32, #tpu.memory_space<hbm>> -> memref<1x48x128xf32, #tpu.memory_space<hbm>>
      %dma_wait3A_476 = tpu.memref_squeeze %dma_wait3A_475 : memref<1x48x128xf32, #tpu.memory_space<hbm>> -> memref<48x128xf32, #tpu.memory_space<hbm>>
      %dma_wait3A_477 = arith.constant 0 : i32
      %dma_wait3A_478 = tpu.memref_slice %arg5[%arg0, %add3A_450, %dma_wait3A_477] : memref<2x10240x128xf32, #tpu.memory_space<hbm>> -> memref<1x48x128xf32, #tpu.memory_space<hbm>>
      %dma_wait3A_479 = tpu.memref_squeeze %dma_wait3A_478 : memref<1x48x128xf32, #tpu.memory_space<hbm>> -> memref<48x128xf32, #tpu.memory_space<hbm>>
      %dma_wait3A_480 = arith.constant 0 : i32
      %dma_wait3A_481 = arith.constant 0 : i32
      %dma_wait3A_482 = tpu.memref_slice %arg8[%dma_wait3A_480, %dma_wait3A_481] : memref<48x128xf32, #tpu.memory_space<vmem>> -> memref<48x128xf32, #tpu.memory_space<vmem>>
      tpu.wait_dma2 semaphore(%run_scoped3A : memref<!tpu.dma_semaphore, #tpu.memory_space<semaphore_mem>>) src(%dma_wait3A_482 : memref<48x128xf32, #tpu.memory_space<vmem>>) dst(%dma_wait3A_479 : memref<48x128xf32, #tpu.memory_space<hbm>>)
      tpu.yield
    }) : () -> ()
    %mul3A_451 = arith.constant 640 : i32
    %mul3A_452 = arith.muli %arg1, %mul3A_451 : i32
    %add3A_453 = arith.constant 576 : i32
    %add3A_454 = arith.addi %mul3A_452, %add3A_453 : i32
    "tpu.region"() ({
      %run_scoped3A = tpu.sem_alloc : memref<!tpu.dma_semaphore, #tpu.memory_space<semaphore_mem>>
      %dma_start3A_459 = arith.constant 0 : i32
      %dma_start3A_460 = arith.constant 0 : i32
      %dma_start3A_461 = tpu.memref_slice %arg8[%dma_start3A_459, %dma_start3A_460] : memref<48x128xf32, #tpu.memory_space<vmem>> -> memref<48x128xf32, #tpu.memory_space<vmem>>
      %dma_start3A_462 = arith.constant 0 : i32
      %dma_start3A_463 = tpu.memref_slice %arg12[%add3A_454, %dma_start3A_462] : memref<10240x128xf32, #tpu.memory_space<vmem_shared>> -> memref<48x128xf32, #tpu.memory_space<vmem_shared>>
      %dma_start3A_464 = arith.constant 0 : i32
      %dma_start3A_465 = arith.constant 0 : i32
      %dma_start3A_466 = tpu.memref_slice %arg8[%dma_start3A_464, %dma_start3A_465] : memref<48x128xf32, #tpu.memory_space<vmem>> -> memref<48x128xf32, #tpu.memory_space<vmem>>
      %dma_start3A_467 = arith.constant 0 : i32
      %dma_start3A_468 = tpu.memref_slice %arg12[%add3A_454, %dma_start3A_467] : memref<10240x128xf32, #tpu.memory_space<vmem_shared>> -> memref<48x128xf32, #tpu.memory_space<vmem_shared>>
      tpu.enqueue_dma source(%dma_start3A_468 : memref<48x128xf32, #tpu.memory_space<vmem_shared>>) target(%dma_start3A_466 : memref<48x128xf32, #tpu.memory_space<vmem>>) target_semaphore(%run_scoped3A : memref<!tpu.dma_semaphore, #tpu.memory_space<semaphore_mem>>)
      %dma_wait3A_469 = arith.constant 0 : i32
      %dma_wait3A_470 = arith.constant 0 : i32
      %dma_wait3A_471 = tpu.memref_slice %arg8[%dma_wait3A_469, %dma_wait3A_470] : memref<48x128xf32, #tpu.memory_space<vmem>> -> memref<48x128xf32, #tpu.memory_space<vmem>>
      %dma_wait3A_472 = arith.constant 0 : i32
      %dma_wait3A_473 = tpu.memref_slice %arg12[%add3A_454, %dma_wait3A_472] : memref<10240x128xf32, #tpu.memory_space<vmem_shared>> -> memref<48x128xf32, #tpu.memory_space<vmem_shared>>
      %dma_wait3A_474 = arith.constant 0 : i32
      %dma_wait3A_475 = arith.constant 0 : i32
      %dma_wait3A_476 = tpu.memref_slice %arg8[%dma_wait3A_474, %dma_wait3A_475] : memref<48x128xf32, #tpu.memory_space<vmem>> -> memref<48x128xf32, #tpu.memory_space<vmem>>
      %dma_wait3A_477 = arith.constant 0 : i32
      %dma_wait3A_478 = tpu.memref_slice %arg12[%add3A_454, %dma_wait3A_477] : memref<10240x128xf32, #tpu.memory_space<vmem_shared>> -> memref<48x128xf32, #tpu.memory_space<vmem_shared>>
      tpu.wait_dma2 semaphore(%run_scoped3A : memref<!tpu.dma_semaphore, #tpu.memory_space<semaphore_mem>>) src(%dma_wait3A_478 : memref<48x128xf32, #tpu.memory_space<vmem_shared>>) dst(%dma_wait3A_476 : memref<48x128xf32, #tpu.memory_space<vmem>>)
      tpu.yield
    }) : () -> ()
    "tpu.region"() ({
      %run_scoped3A = tpu.sem_alloc : memref<!tpu.dma_semaphore, #tpu.memory_space<semaphore_mem>>
      %dma_start3A_459 = arith.constant 0 : i32
      %dma_start3A_460 = arith.constant 0 : i32
      %dma_start3A_461 = tpu.memref_slice %arg8[%dma_start3A_459, %dma_start3A_460] : memref<48x128xf32, #tpu.memory_space<vmem>> -> memref<48x128xf32, #tpu.memory_space<vmem>>
      %dma_start3A_462 = arith.constant 0 : i32
      %dma_start3A_463 = tpu.memref_slice %arg5[%arg0, %add3A_454, %dma_start3A_462] : memref<2x10240x128xf32, #tpu.memory_space<hbm>> -> memref<1x48x128xf32, #tpu.memory_space<hbm>>
      %dma_start3A_464 = tpu.memref_squeeze %dma_start3A_463 : memref<1x48x128xf32, #tpu.memory_space<hbm>> -> memref<48x128xf32, #tpu.memory_space<hbm>>
      %dma_start3A_465 = arith.constant 0 : i32
      %dma_start3A_466 = tpu.memref_slice %arg5[%arg0, %add3A_454, %dma_start3A_465] : memref<2x10240x128xf32, #tpu.memory_space<hbm>> -> memref<1x48x128xf32, #tpu.memory_space<hbm>>
      %dma_start3A_467 = tpu.memref_squeeze %dma_start3A_466 : memref<1x48x128xf32, #tpu.memory_space<hbm>> -> memref<48x128xf32, #tpu.memory_space<hbm>>
      %dma_start3A_468 = arith.constant 0 : i32
      %dma_start3A_469 = arith.constant 0 : i32
      %dma_start3A_470 = tpu.memref_slice %arg8[%dma_start3A_468, %dma_start3A_469] : memref<48x128xf32, #tpu.memory_space<vmem>> -> memref<48x128xf32, #tpu.memory_space<vmem>>
      tpu.enqueue_dma source(%dma_start3A_470 : memref<48x128xf32, #tpu.memory_space<vmem>>) target(%dma_start3A_467 : memref<48x128xf32, #tpu.memory_space<hbm>>) target_semaphore(%run_scoped3A : memref<!tpu.dma_semaphore, #tpu.memory_space<semaphore_mem>>)
      %dma_wait3A_471 = arith.constant 0 : i32
      %dma_wait3A_472 = arith.constant 0 : i32
      %dma_wait3A_473 = tpu.memref_slice %arg8[%dma_wait3A_471, %dma_wait3A_472] : memref<48x128xf32, #tpu.memory_space<vmem>> -> memref<48x128xf32, #tpu.memory_space<vmem>>
      %dma_wait3A_474 = arith.constant 0 : i32
      %dma_wait3A_475 = tpu.memref_slice %arg5[%arg0, %add3A_454, %dma_wait3A_474] : memref<2x10240x128xf32, #tpu.memory_space<hbm>> -> memref<1x48x128xf32, #tpu.memory_space<hbm>>
      %dma_wait3A_476 = tpu.memref_squeeze %dma_wait3A_475 : memref<1x48x128xf32, #tpu.memory_space<hbm>> -> memref<48x128xf32, #tpu.memory_space<hbm>>
      %dma_wait3A_477 = arith.constant 0 : i32
      %dma_wait3A_478 = tpu.memref_slice %arg5[%arg0, %add3A_454, %dma_wait3A_477] : memref<2x10240x128xf32, #tpu.memory_space<hbm>> -> memref<1x48x128xf32, #tpu.memory_space<hbm>>
      %dma_wait3A_479 = tpu.memref_squeeze %dma_wait3A_478 : memref<1x48x128xf32, #tpu.memory_space<hbm>> -> memref<48x128xf32, #tpu.memory_space<hbm>>
      %dma_wait3A_480 = arith.constant 0 : i32
      %dma_wait3A_481 = arith.constant 0 : i32
      %dma_wait3A_482 = tpu.memref_slice %arg8[%dma_wait3A_480, %dma_wait3A_481] : memref<48x128xf32, #tpu.memory_space<vmem>> -> memref<48x128xf32, #tpu.memory_space<vmem>>
      tpu.wait_dma2 semaphore(%run_scoped3A : memref<!tpu.dma_semaphore, #tpu.memory_space<semaphore_mem>>) src(%dma_wait3A_482 : memref<48x128xf32, #tpu.memory_space<vmem>>) dst(%dma_wait3A_479 : memref<48x128xf32, #tpu.memory_space<hbm>>)
      tpu.yield
    }) : () -> ()
    %mul3A_455 = arith.constant 640 : i32
    %mul3A_456 = arith.muli %arg1, %mul3A_455 : i32
    %add3A_457 = arith.constant 624 : i32
    %add3A_458 = arith.addi %mul3A_456, %add3A_457 : i32
    "tpu.region"() ({
      %run_scoped3A = tpu.sem_alloc : memref<!tpu.dma_semaphore, #tpu.memory_space<semaphore_mem>>
      %dma_start3A_459 = arith.constant 0 : i32
      %dma_start3A_460 = arith.constant 0 : i32
      %dma_start3A_461 = tpu.memref_slice %arg8[%dma_start3A_459, %dma_start3A_460] : memref<48x128xf32, #tpu.memory_space<vmem>> -> memref<16x128xf32, #tpu.memory_space<vmem>>
      %dma_start3A_462 = arith.constant 0 : i32
      %dma_start3A_463 = tpu.memref_slice %arg12[%add3A_458, %dma_start3A_462] : memref<10240x128xf32, #tpu.memory_space<vmem_shared>> -> memref<16x128xf32, #tpu.memory_space<vmem_shared>>
      %dma_start3A_464 = arith.constant 0 : i32
      %dma_start3A_465 = arith.constant 0 : i32
      %dma_start3A_466 = tpu.memref_slice %arg8[%dma_start3A_464, %dma_start3A_465] : memref<48x128xf32, #tpu.memory_space<vmem>> -> memref<16x128xf32, #tpu.memory_space<vmem>>
      %dma_start3A_467 = arith.constant 0 : i32
      %dma_start3A_468 = tpu.memref_slice %arg12[%add3A_458, %dma_start3A_467] : memref<10240x128xf32, #tpu.memory_space<vmem_shared>> -> memref<16x128xf32, #tpu.memory_space<vmem_shared>>
      tpu.enqueue_dma source(%dma_start3A_468 : memref<16x128xf32, #tpu.memory_space<vmem_shared>>) target(%dma_start3A_466 : memref<16x128xf32, #tpu.memory_space<vmem>>) target_semaphore(%run_scoped3A : memref<!tpu.dma_semaphore, #tpu.memory_space<semaphore_mem>>)
      %dma_wait3A_469 = arith.constant 0 : i32
      %dma_wait3A_470 = arith.constant 0 : i32
      %dma_wait3A_471 = tpu.memref_slice %arg8[%dma_wait3A_469, %dma_wait3A_470] : memref<48x128xf32, #tpu.memory_space<vmem>> -> memref<16x128xf32, #tpu.memory_space<vmem>>
      %dma_wait3A_472 = arith.constant 0 : i32
      %dma_wait3A_473 = tpu.memref_slice %arg12[%add3A_458, %dma_wait3A_472] : memref<10240x128xf32, #tpu.memory_space<vmem_shared>> -> memref<16x128xf32, #tpu.memory_space<vmem_shared>>
      %dma_wait3A_474 = arith.constant 0 : i32
      %dma_wait3A_475 = arith.constant 0 : i32
      %dma_wait3A_476 = tpu.memref_slice %arg8[%dma_wait3A_474, %dma_wait3A_475] : memref<48x128xf32, #tpu.memory_space<vmem>> -> memref<16x128xf32, #tpu.memory_space<vmem>>
      %dma_wait3A_477 = arith.constant 0 : i32
      %dma_wait3A_478 = tpu.memref_slice %arg12[%add3A_458, %dma_wait3A_477] : memref<10240x128xf32, #tpu.memory_space<vmem_shared>> -> memref<16x128xf32, #tpu.memory_space<vmem_shared>>
      tpu.wait_dma2 semaphore(%run_scoped3A : memref<!tpu.dma_semaphore, #tpu.memory_space<semaphore_mem>>) src(%dma_wait3A_478 : memref<16x128xf32, #tpu.memory_space<vmem_shared>>) dst(%dma_wait3A_476 : memref<16x128xf32, #tpu.memory_space<vmem>>)
      tpu.yield
    }) : () -> ()
    "tpu.region"() ({
      %run_scoped3A = tpu.sem_alloc : memref<!tpu.dma_semaphore, #tpu.memory_space<semaphore_mem>>
      %dma_start3A_459 = arith.constant 0 : i32
      %dma_start3A_460 = arith.constant 0 : i32
      %dma_start3A_461 = tpu.memref_slice %arg8[%dma_start3A_459, %dma_start3A_460] : memref<48x128xf32, #tpu.memory_space<vmem>> -> memref<16x128xf32, #tpu.memory_space<vmem>>
      %dma_start3A_462 = arith.constant 0 : i32
      %dma_start3A_463 = tpu.memref_slice %arg5[%arg0, %add3A_458, %dma_start3A_462] : memref<2x10240x128xf32, #tpu.memory_space<hbm>> -> memref<1x16x128xf32, #tpu.memory_space<hbm>>
      %dma_start3A_464 = tpu.memref_squeeze %dma_start3A_463 : memref<1x16x128xf32, #tpu.memory_space<hbm>> -> memref<16x128xf32, #tpu.memory_space<hbm>>
      %dma_start3A_465 = arith.constant 0 : i32
      %dma_start3A_466 = tpu.memref_slice %arg5[%arg0, %add3A_458, %dma_start3A_465] : memref<2x10240x128xf32, #tpu.memory_space<hbm>> -> memref<1x16x128xf32, #tpu.memory_space<hbm>>
      %dma_start3A_467 = tpu.memref_squeeze %dma_start3A_466 : memref<1x16x128xf32, #tpu.memory_space<hbm>> -> memref<16x128xf32, #tpu.memory_space<hbm>>
      %dma_start3A_468 = arith.constant 0 : i32
      %dma_start3A_469 = arith.constant 0 : i32
      %dma_start3A_470 = tpu.memref_slice %arg8[%dma_start3A_468, %dma_start3A_469] : memref<48x128xf32, #tpu.memory_space<vmem>> -> memref<16x128xf32, #tpu.memory_space<vmem>>
      tpu.enqueue_dma source(%dma_start3A_470 : memref<16x128xf32, #tpu.memory_space<vmem>>) target(%dma_start3A_467 : memref<16x128xf32, #tpu.memory_space<hbm>>) target_semaphore(%run_scoped3A : memref<!tpu.dma_semaphore, #tpu.memory_space<semaphore_mem>>)
      %dma_wait3A_471 = arith.constant 0 : i32
      %dma_wait3A_472 = arith.constant 0 : i32
      %dma_wait3A_473 = tpu.memref_slice %arg8[%dma_wait3A_471, %dma_wait3A_472] : memref<48x128xf32, #tpu.memory_space<vmem>> -> memref<16x128xf32, #tpu.memory_space<vmem>>
      %dma_wait3A_474 = arith.constant 0 : i32
      %dma_wait3A_475 = tpu.memref_slice %arg5[%arg0, %add3A_458, %dma_wait3A_474] : memref<2x10240x128xf32, #tpu.memory_space<hbm>> -> memref<1x16x128xf32, #tpu.memory_space<hbm>>
      %dma_wait3A_476 = tpu.memref_squeeze %dma_wait3A_475 : memref<1x16x128xf32, #tpu.memory_space<hbm>> -> memref<16x128xf32, #tpu.memory_space<hbm>>
      %dma_wait3A_477 = arith.constant 0 : i32
      %dma_wait3A_478 = tpu.memref_slice %arg5[%arg0, %add3A_458, %dma_wait3A_477] : memref<2x10240x128xf32, #tpu.memory_space<hbm>> -> memref<1x16x128xf32, #tpu.memory_space<hbm>>
      %dma_wait3A_479 = tpu.memref_squeeze %dma_wait3A_478 : memref<1x16x128xf32, #tpu.memory_space<hbm>> -> memref<16x128xf32, #tpu.memory_space<hbm>>
      %dma_wait3A_480 = arith.constant 0 : i32
      %dma_wait3A_481 = arith.constant 0 : i32
      %dma_wait3A_482 = tpu.memref_slice %arg8[%dma_wait3A_480, %dma_wait3A_481] : memref<48x128xf32, #tpu.memory_space<vmem>> -> memref<16x128xf32, #tpu.memory_space<vmem>>
      tpu.wait_dma2 semaphore(%run_scoped3A : memref<!tpu.dma_semaphore, #tpu.memory_space<semaphore_mem>>) src(%dma_wait3A_482 : memref<16x128xf32, #tpu.memory_space<vmem>>) dst(%dma_wait3A_479 : memref<16x128xf32, #tpu.memory_space<hbm>>)
      tpu.yield
    }) : () -> ()
    return
  }
}

#map = affine_map<(d0, d1) -> (0, 0, 0)>
#map1 = affine_map<(d0, d1) -> (0, 0)>
module attributes {stable_mosaic.version = 14 : i64} {
  func.func @body(%arg0: i32, %arg1: i32, %arg2: memref<32x80x128xi32, #tpu.memory_space<hbm>>, %arg3: memref<32x80x128xi32, #tpu.memory_space<hbm>>, %arg4: memref<2x10240xf32, #tpu.memory_space<hbm>>, %arg5: memref<2x10240xf32, #tpu.memory_space<hbm>>, %arg6: memref<80x128xi32, #tpu.memory_space<vmem>>, %arg7: memref<80x128xi32, #tpu.memory_space<vmem>>, %arg8: memref<128xf32, #tpu.memory_space<vmem>>, %arg9: memref<640xf32, #tpu.memory_space<vmem>>, %arg10: memref<10240xf32, #tpu.memory_space<vmem_shared>>, %arg11: memref<10240xf32, #tpu.memory_space<vmem_shared>>, %arg12: memref<!tpu.dma_semaphore, #tpu.memory_space<semaphore_mem>>, %arg13: memref<!tpu.dma_semaphore, #tpu.memory_space<semaphore_mem>>, %arg14: memref<!tpu.dma_semaphore, #tpu.memory_space<semaphore_mem>>, %arg15: memref<!tpu.dma_semaphore, #tpu.memory_space<semaphore_mem>>, %arg16: memref<!tpu.dma_semaphore, #tpu.memory_space<semaphore_mem>>, %arg17: memref<!tpu.dma_semaphore, #tpu.memory_space<semaphore_mem>>, %arg18: memref<!tpu.dma_semaphore, #tpu.memory_space<semaphore_mem>>, %arg19: memref<!tpu.dma_semaphore, #tpu.memory_space<semaphore_mem>>) attributes {dimension_semantics = [#tpu.dimension_semantics<core_parallel>, #tpu.dimension_semantics<subcore_parallel>], iteration_bounds = array<i64: 2, 16>, scalar_prefetch = 0 : i64, scratch_operands = 14 : i64, tpu.core_type = #tpu.core_type<sc_vector_subcore>, window_params = [{transform_indices = #map}, {transform_indices = #map}, {transform_indices = #map1}, {transform_indices = #map1}]} {
    %mul3A = arith.constant 16 : i32
    %mul3A_0 = arith.muli %arg0, %mul3A : i32
    %add3A = arith.addi %mul3A_0, %arg1 : i32
    "tpu.region"() ({
      %run_scoped3A = tpu.sem_alloc : memref<!tpu.dma_semaphore, #tpu.memory_space<semaphore_mem>>
      %dma_start3A_159 = arith.constant 0 : i32
      %dma_start3A_160 = arith.constant 0 : i32
      %dma_start3A_161 = tpu.memref_slice %arg2[%add3A, %dma_start3A_159, %dma_start3A_160] : memref<32x80x128xi32, #tpu.memory_space<hbm>> -> memref<1x80x128xi32, #tpu.memory_space<hbm>>
      %dma_start3A_162 = tpu.memref_squeeze %dma_start3A_161 : memref<1x80x128xi32, #tpu.memory_space<hbm>> -> memref<80x128xi32, #tpu.memory_space<hbm>>
      %dma_start3A_163 = arith.constant 0 : i32
      %dma_start3A_164 = arith.constant 0 : i32
      %dma_start3A_165 = tpu.memref_slice %arg2[%add3A, %dma_start3A_163, %dma_start3A_164] : memref<32x80x128xi32, #tpu.memory_space<hbm>> -> memref<1x80x128xi32, #tpu.memory_space<hbm>>
      %dma_start3A_166 = tpu.memref_squeeze %dma_start3A_165 : memref<1x80x128xi32, #tpu.memory_space<hbm>> -> memref<80x128xi32, #tpu.memory_space<hbm>>
      tpu.enqueue_dma source(%dma_start3A_166 : memref<80x128xi32, #tpu.memory_space<hbm>>) target(%arg6 : memref<80x128xi32, #tpu.memory_space<vmem>>) target_semaphore(%run_scoped3A : memref<!tpu.dma_semaphore, #tpu.memory_space<semaphore_mem>>)
      %dma_wait3A_167 = arith.constant 0 : i32
      %dma_wait3A_168 = arith.constant 0 : i32
      %dma_wait3A_169 = tpu.memref_slice %arg2[%add3A, %dma_wait3A_167, %dma_wait3A_168] : memref<32x80x128xi32, #tpu.memory_space<hbm>> -> memref<1x80x128xi32, #tpu.memory_space<hbm>>
      %dma_wait3A_170 = tpu.memref_squeeze %dma_wait3A_169 : memref<1x80x128xi32, #tpu.memory_space<hbm>> -> memref<80x128xi32, #tpu.memory_space<hbm>>
      %dma_wait3A_171 = arith.constant 0 : i32
      %dma_wait3A_172 = arith.constant 0 : i32
      %dma_wait3A_173 = tpu.memref_slice %arg2[%add3A, %dma_wait3A_171, %dma_wait3A_172] : memref<32x80x128xi32, #tpu.memory_space<hbm>> -> memref<1x80x128xi32, #tpu.memory_space<hbm>>
      %dma_wait3A_174 = tpu.memref_squeeze %dma_wait3A_173 : memref<1x80x128xi32, #tpu.memory_space<hbm>> -> memref<80x128xi32, #tpu.memory_space<hbm>>
      tpu.wait_dma2 semaphore(%run_scoped3A : memref<!tpu.dma_semaphore, #tpu.memory_space<semaphore_mem>>) src(%dma_wait3A_174 : memref<80x128xi32, #tpu.memory_space<hbm>>) dst(%arg6 : memref<80x128xi32, #tpu.memory_space<vmem>>)
      tpu.yield
    }) : () -> ()
    "tpu.region"() ({
      %run_scoped3A = tpu.sem_alloc : memref<!tpu.dma_semaphore, #tpu.memory_space<semaphore_mem>>
      %dma_start3A_159 = arith.constant 0 : i32
      %dma_start3A_160 = arith.constant 0 : i32
      %dma_start3A_161 = tpu.memref_slice %arg3[%add3A, %dma_start3A_159, %dma_start3A_160] : memref<32x80x128xi32, #tpu.memory_space<hbm>> -> memref<1x80x128xi32, #tpu.memory_space<hbm>>
      %dma_start3A_162 = tpu.memref_squeeze %dma_start3A_161 : memref<1x80x128xi32, #tpu.memory_space<hbm>> -> memref<80x128xi32, #tpu.memory_space<hbm>>
      %dma_start3A_163 = arith.constant 0 : i32
      %dma_start3A_164 = arith.constant 0 : i32
      %dma_start3A_165 = tpu.memref_slice %arg3[%add3A, %dma_start3A_163, %dma_start3A_164] : memref<32x80x128xi32, #tpu.memory_space<hbm>> -> memref<1x80x128xi32, #tpu.memory_space<hbm>>
      %dma_start3A_166 = tpu.memref_squeeze %dma_start3A_165 : memref<1x80x128xi32, #tpu.memory_space<hbm>> -> memref<80x128xi32, #tpu.memory_space<hbm>>
      tpu.enqueue_dma source(%dma_start3A_166 : memref<80x128xi32, #tpu.memory_space<hbm>>) target(%arg7 : memref<80x128xi32, #tpu.memory_space<vmem>>) target_semaphore(%run_scoped3A : memref<!tpu.dma_semaphore, #tpu.memory_space<semaphore_mem>>)
      %dma_wait3A_167 = arith.constant 0 : i32
      %dma_wait3A_168 = arith.constant 0 : i32
      %dma_wait3A_169 = tpu.memref_slice %arg3[%add3A, %dma_wait3A_167, %dma_wait3A_168] : memref<32x80x128xi32, #tpu.memory_space<hbm>> -> memref<1x80x128xi32, #tpu.memory_space<hbm>>
      %dma_wait3A_170 = tpu.memref_squeeze %dma_wait3A_169 : memref<1x80x128xi32, #tpu.memory_space<hbm>> -> memref<80x128xi32, #tpu.memory_space<hbm>>
      %dma_wait3A_171 = arith.constant 0 : i32
      %dma_wait3A_172 = arith.constant 0 : i32
      %dma_wait3A_173 = tpu.memref_slice %arg3[%add3A, %dma_wait3A_171, %dma_wait3A_172] : memref<32x80x128xi32, #tpu.memory_space<hbm>> -> memref<1x80x128xi32, #tpu.memory_space<hbm>>
      %dma_wait3A_174 = tpu.memref_squeeze %dma_wait3A_173 : memref<1x80x128xi32, #tpu.memory_space<hbm>> -> memref<80x128xi32, #tpu.memory_space<hbm>>
      tpu.wait_dma2 semaphore(%run_scoped3A : memref<!tpu.dma_semaphore, #tpu.memory_space<semaphore_mem>>) src(%dma_wait3A_174 : memref<80x128xi32, #tpu.memory_space<hbm>>) dst(%arg7 : memref<80x128xi32, #tpu.memory_space<vmem>>)
      tpu.yield
    }) : () -> ()
    %broadcast_in_dim3A = arith.constant 1.000000e+00 : f32
    %broadcast_in_dim3A_1 = vector.broadcast %broadcast_in_dim3A : f32 to vector<16xf32>
    %swap3A = arith.constant 0 : index
    %swap3A_2 = tpu.vector_load %arg8[%swap3A] {strides = array<i32>} : memref<128xf32, #tpu.memory_space<vmem>>, vector<16xf32>,
    %swap3A_3 = vector.shape_cast %swap3A_2 : vector<16xf32> to vector<16xf32>
    %swap3A_4 = vector.shape_cast %broadcast_in_dim3A_1 : vector<16xf32> to vector<16xf32>
    tpu.vector_store %arg8[%swap3A], %swap3A_4 {strides = array<i32>} : memref<128xf32, #tpu.memory_space<vmem>>, vector<16xf32>,
    %broadcast_in_dim3A_5 = arith.constant 1.000000e+00 : f32
    %broadcast_in_dim3A_6 = vector.broadcast %broadcast_in_dim3A_5 : f32 to vector<16xf32>
    %swap3A_7 = arith.constant 16 : index
    %swap3A_8 = tpu.vector_load %arg8[%swap3A_7] {strides = array<i32>} : memref<128xf32, #tpu.memory_space<vmem>>, vector<16xf32>,
    %swap3A_9 = vector.shape_cast %swap3A_8 : vector<16xf32> to vector<16xf32>
    %swap3A_10 = vector.shape_cast %broadcast_in_dim3A_6 : vector<16xf32> to vector<16xf32>
    tpu.vector_store %arg8[%swap3A_7], %swap3A_10 {strides = array<i32>} : memref<128xf32, #tpu.memory_space<vmem>>, vector<16xf32>,
    %broadcast_in_dim3A_11 = arith.constant 1.000000e+00 : f32
    %broadcast_in_dim3A_12 = vector.broadcast %broadcast_in_dim3A_11 : f32 to vector<16xf32>
    %swap3A_13 = arith.constant 32 : index
    %swap3A_14 = tpu.vector_load %arg8[%swap3A_13] {strides = array<i32>} : memref<128xf32, #tpu.memory_space<vmem>>, vector<16xf32>,
    %swap3A_15 = vector.shape_cast %swap3A_14 : vector<16xf32> to vector<16xf32>
    %swap3A_16 = vector.shape_cast %broadcast_in_dim3A_12 : vector<16xf32> to vector<16xf32>
    tpu.vector_store %arg8[%swap3A_13], %swap3A_16 {strides = array<i32>} : memref<128xf32, #tpu.memory_space<vmem>>, vector<16xf32>,
    %broadcast_in_dim3A_17 = arith.constant 1.000000e+00 : f32
    %broadcast_in_dim3A_18 = vector.broadcast %broadcast_in_dim3A_17 : f32 to vector<16xf32>
    %swap3A_19 = arith.constant 48 : index
    %swap3A_20 = tpu.vector_load %arg8[%swap3A_19] {strides = array<i32>} : memref<128xf32, #tpu.memory_space<vmem>>, vector<16xf32>,
    %swap3A_21 = vector.shape_cast %swap3A_20 : vector<16xf32> to vector<16xf32>
    %swap3A_22 = vector.shape_cast %broadcast_in_dim3A_18 : vector<16xf32> to vector<16xf32>
    tpu.vector_store %arg8[%swap3A_19], %swap3A_22 {strides = array<i32>} : memref<128xf32, #tpu.memory_space<vmem>>, vector<16xf32>,
    %broadcast_in_dim3A_23 = arith.constant 1.000000e+00 : f32
    %broadcast_in_dim3A_24 = vector.broadcast %broadcast_in_dim3A_23 : f32 to vector<16xf32>
    %swap3A_25 = arith.constant 64 : index
    %swap3A_26 = tpu.vector_load %arg8[%swap3A_25] {strides = array<i32>} : memref<128xf32, #tpu.memory_space<vmem>>, vector<16xf32>,
    %swap3A_27 = vector.shape_cast %swap3A_26 : vector<16xf32> to vector<16xf32>
    %swap3A_28 = vector.shape_cast %broadcast_in_dim3A_24 : vector<16xf32> to vector<16xf32>
    tpu.vector_store %arg8[%swap3A_25], %swap3A_28 {strides = array<i32>} : memref<128xf32, #tpu.memory_space<vmem>>, vector<16xf32>,
    %broadcast_in_dim3A_29 = arith.constant 1.000000e+00 : f32
    %broadcast_in_dim3A_30 = vector.broadcast %broadcast_in_dim3A_29 : f32 to vector<16xf32>
    %swap3A_31 = arith.constant 80 : index
    %swap3A_32 = tpu.vector_load %arg8[%swap3A_31] {strides = array<i32>} : memref<128xf32, #tpu.memory_space<vmem>>, vector<16xf32>,
    %swap3A_33 = vector.shape_cast %swap3A_32 : vector<16xf32> to vector<16xf32>
    %swap3A_34 = vector.shape_cast %broadcast_in_dim3A_30 : vector<16xf32> to vector<16xf32>
    tpu.vector_store %arg8[%swap3A_31], %swap3A_34 {strides = array<i32>} : memref<128xf32, #tpu.memory_space<vmem>>, vector<16xf32>,
    %broadcast_in_dim3A_35 = arith.constant 1.000000e+00 : f32
    %broadcast_in_dim3A_36 = vector.broadcast %broadcast_in_dim3A_35 : f32 to vector<16xf32>
    %swap3A_37 = arith.constant 96 : index
    %swap3A_38 = tpu.vector_load %arg8[%swap3A_37] {strides = array<i32>} : memref<128xf32, #tpu.memory_space<vmem>>, vector<16xf32>,
    %swap3A_39 = vector.shape_cast %swap3A_38 : vector<16xf32> to vector<16xf32>
    %swap3A_40 = vector.shape_cast %broadcast_in_dim3A_36 : vector<16xf32> to vector<16xf32>
    tpu.vector_store %arg8[%swap3A_37], %swap3A_40 {strides = array<i32>} : memref<128xf32, #tpu.memory_space<vmem>>, vector<16xf32>,
    %broadcast_in_dim3A_41 = arith.constant 1.000000e+00 : f32
    %broadcast_in_dim3A_42 = vector.broadcast %broadcast_in_dim3A_41 : f32 to vector<16xf32>
    %swap3A_43 = arith.constant 112 : index
    %swap3A_44 = tpu.vector_load %arg8[%swap3A_43] {strides = array<i32>} : memref<128xf32, #tpu.memory_space<vmem>>, vector<16xf32>,
    %swap3A_45 = vector.shape_cast %swap3A_44 : vector<16xf32> to vector<16xf32>
    %swap3A_46 = vector.shape_cast %broadcast_in_dim3A_42 : vector<16xf32> to vector<16xf32>
    tpu.vector_store %arg8[%swap3A_43], %swap3A_46 {strides = array<i32>} : memref<128xf32, #tpu.memory_space<vmem>>, vector<16xf32>,
    %scan3A = arith.constant 0 : i32
    %scan3A_47 = arith.constant 0 : i32
    %scan3A_48 = arith.constant 40 : i32
    %scan3A_49 = arith.addi %scan3A_47, %scan3A_48 : i32
    %scan3A_50 = arith.constant 1 : i32
    scf.for %scan3A_159 = %scan3A_47 to %scan3A_49 step %scan3A_50  : i32 {
      %broadcast_in_dim3A_160 = arith.constant 0.000000e+00 : f32
      %broadcast_in_dim3A_161 = vector.broadcast %broadcast_in_dim3A_160 : f32 to vector<16xf32>
      %mul3A_162 = arith.constant 16 : i32
      %mul3A_163 = arith.muli %scan3A_159, %mul3A_162 : i32
      %swap3A_164 = arith.index_cast %mul3A_163 : i32 to index
      %swap3A_165 = tpu.vector_load %arg9[%swap3A_164] {strides = array<i32>} : memref<640xf32, #tpu.memory_space<vmem>>, vector<16xf32>,
      %swap3A_166 = vector.shape_cast %swap3A_165 : vector<16xf32> to vector<16xf32>
      %swap3A_167 = vector.shape_cast %broadcast_in_dim3A_161 : vector<16xf32> to vector<16xf32>
      tpu.vector_store %arg9[%swap3A_164], %swap3A_167 {strides = array<i32>} : memref<640xf32, #tpu.memory_space<vmem>>, vector<16xf32>,
    }
    %scan3A_51 = arith.constant 40 : i32
    %mul3A_52 = arith.constant 640 : i32
    %mul3A_53 = arith.muli %arg1, %mul3A_52 : i32
    "tpu.region"() ({
      %run_scoped3A = tpu.sem_alloc : memref<!tpu.dma_semaphore, #tpu.memory_space<semaphore_mem>>
      %dma_start3A_159 = tpu.memref_slice %arg10[%mul3A_53] : memref<10240xf32, #tpu.memory_space<vmem_shared>> -> memref<640xf32, #tpu.memory_space<vmem_shared>>
      %dma_start3A_160 = tpu.memref_slice %arg10[%mul3A_53] : memref<10240xf32, #tpu.memory_space<vmem_shared>> -> memref<640xf32, #tpu.memory_space<vmem_shared>>
      tpu.enqueue_dma source(%arg9 : memref<640xf32, #tpu.memory_space<vmem>>) target(%dma_start3A_160 : memref<640xf32, #tpu.memory_space<vmem_shared>>) target_semaphore(%run_scoped3A : memref<!tpu.dma_semaphore, #tpu.memory_space<semaphore_mem>>)
      %dma_wait3A_161 = tpu.memref_slice %arg10[%mul3A_53] : memref<10240xf32, #tpu.memory_space<vmem_shared>> -> memref<640xf32, #tpu.memory_space<vmem_shared>>
      %dma_wait3A_162 = tpu.memref_slice %arg10[%mul3A_53] : memref<10240xf32, #tpu.memory_space<vmem_shared>> -> memref<640xf32, #tpu.memory_space<vmem_shared>>
      tpu.wait_dma2 semaphore(%run_scoped3A : memref<!tpu.dma_semaphore, #tpu.memory_space<semaphore_mem>>) src(%arg9 : memref<640xf32, #tpu.memory_space<vmem>>) dst(%dma_wait3A_162 : memref<640xf32, #tpu.memory_space<vmem_shared>>)
      tpu.yield
    }) : () -> ()
    %mul3A_54 = arith.constant 640 : i32
    %mul3A_55 = arith.muli %arg1, %mul3A_54 : i32
    "tpu.region"() ({
      %run_scoped3A = tpu.sem_alloc : memref<!tpu.dma_semaphore, #tpu.memory_space<semaphore_mem>>
      %dma_start3A_159 = tpu.memref_slice %arg11[%mul3A_55] : memref<10240xf32, #tpu.memory_space<vmem_shared>> -> memref<640xf32, #tpu.memory_space<vmem_shared>>
      %dma_start3A_160 = tpu.memref_slice %arg11[%mul3A_55] : memref<10240xf32, #tpu.memory_space<vmem_shared>> -> memref<640xf32, #tpu.memory_space<vmem_shared>>
      tpu.enqueue_dma source(%arg9 : memref<640xf32, #tpu.memory_space<vmem>>) target(%dma_start3A_160 : memref<640xf32, #tpu.memory_space<vmem_shared>>) target_semaphore(%run_scoped3A : memref<!tpu.dma_semaphore, #tpu.memory_space<semaphore_mem>>)
      %dma_wait3A_161 = tpu.memref_slice %arg11[%mul3A_55] : memref<10240xf32, #tpu.memory_space<vmem_shared>> -> memref<640xf32, #tpu.memory_space<vmem_shared>>
      %dma_wait3A_162 = tpu.memref_slice %arg11[%mul3A_55] : memref<10240xf32, #tpu.memory_space<vmem_shared>> -> memref<640xf32, #tpu.memory_space<vmem_shared>>
      tpu.wait_dma2 semaphore(%run_scoped3A : memref<!tpu.dma_semaphore, #tpu.memory_space<semaphore_mem>>) src(%arg9 : memref<640xf32, #tpu.memory_space<vmem>>) dst(%dma_wait3A_162 : memref<640xf32, #tpu.memory_space<vmem_shared>>)
      tpu.yield
    }) : () -> ()
    %barrier3A = arith.constant 0 : index
    tpu.barrier barrier_id(%barrier3A)
    %dma_start3A = arith.constant 0 : i32
    %dma_start3A_56 = arith.constant 0 : i32
    %dma_start3A_57 = tpu.memref_slice %arg7[%dma_start3A, %dma_start3A_56] : memref<80x128xi32, #tpu.memory_space<vmem>> -> memref<1x128xi32, #tpu.memory_space<vmem>>
    %dma_start3A_58 = tpu.memref_squeeze %dma_start3A_57 : memref<1x128xi32, #tpu.memory_space<vmem>> -> memref<128xi32, #tpu.memory_space<vmem>>
    %dma_start3A_59 = arith.constant 0 : i32
    %dma_start3A_60 = tpu.memref_slice %arg10[%dma_start3A_59] : memref<10240xf32, #tpu.memory_space<vmem_shared>> -> memref<10240xf32, #tpu.memory_space<vmem_shared>>
    tpu.enqueue_indirect_dma source(%arg8 : memref<128xf32, #tpu.memory_space<vmem>>) target(%dma_start3A_60 : memref<10240xf32, #tpu.memory_space<vmem_shared>>) offsets(%dma_start3A_58 : memref<128xi32, #tpu.memory_space<vmem>>) semaphore(%arg12 : memref<!tpu.dma_semaphore, #tpu.memory_space<semaphore_mem>>) {add = true}
    %dma_start3A_61 = arith.constant 0 : i32
    %dma_start3A_62 = arith.constant 0 : i32
    %dma_start3A_63 = tpu.memref_slice %arg6[%dma_start3A_61, %dma_start3A_62] : memref<80x128xi32, #tpu.memory_space<vmem>> -> memref<1x128xi32, #tpu.memory_space<vmem>>
    %dma_start3A_64 = tpu.memref_squeeze %dma_start3A_63 : memref<1x128xi32, #tpu.memory_space<vmem>> -> memref<128xi32, #tpu.memory_space<vmem>>
    %dma_start3A_65 = arith.constant 0 : i32
    %dma_start3A_66 = tpu.memref_slice %arg11[%dma_start3A_65] : memref<10240xf32, #tpu.memory_space<vmem_shared>> -> memref<10240xf32, #tpu.memory_space<vmem_shared>>
    tpu.enqueue_indirect_dma source(%arg8 : memref<128xf32, #tpu.memory_space<vmem>>) target(%dma_start3A_66 : memref<10240xf32, #tpu.memory_space<vmem_shared>>) offsets(%dma_start3A_64 : memref<128xi32, #tpu.memory_space<vmem>>) semaphore(%arg16 : memref<!tpu.dma_semaphore, #tpu.memory_space<semaphore_mem>>) {add = true}
    %dma_start3A_67 = arith.constant 1 : i32
    %dma_start3A_68 = arith.constant 0 : i32
    %dma_start3A_69 = tpu.memref_slice %arg7[%dma_start3A_67, %dma_start3A_68] : memref<80x128xi32, #tpu.memory_space<vmem>> -> memref<1x128xi32, #tpu.memory_space<vmem>>
    %dma_start3A_70 = tpu.memref_squeeze %dma_start3A_69 : memref<1x128xi32, #tpu.memory_space<vmem>> -> memref<128xi32, #tpu.memory_space<vmem>>
    %dma_start3A_71 = arith.constant 0 : i32
    %dma_start3A_72 = tpu.memref_slice %arg10[%dma_start3A_71] : memref<10240xf32, #tpu.memory_space<vmem_shared>> -> memref<10240xf32, #tpu.memory_space<vmem_shared>>
    tpu.enqueue_indirect_dma source(%arg8 : memref<128xf32, #tpu.memory_space<vmem>>) target(%dma_start3A_72 : memref<10240xf32, #tpu.memory_space<vmem_shared>>) offsets(%dma_start3A_70 : memref<128xi32, #tpu.memory_space<vmem>>) semaphore(%arg13 : memref<!tpu.dma_semaphore, #tpu.memory_space<semaphore_mem>>) {add = true}
    %dma_start3A_73 = arith.constant 1 : i32
    %dma_start3A_74 = arith.constant 0 : i32
    %dma_start3A_75 = tpu.memref_slice %arg6[%dma_start3A_73, %dma_start3A_74] : memref<80x128xi32, #tpu.memory_space<vmem>> -> memref<1x128xi32, #tpu.memory_space<vmem>>
    %dma_start3A_76 = tpu.memref_squeeze %dma_start3A_75 : memref<1x128xi32, #tpu.memory_space<vmem>> -> memref<128xi32, #tpu.memory_space<vmem>>
    %dma_start3A_77 = arith.constant 0 : i32
    %dma_start3A_78 = tpu.memref_slice %arg11[%dma_start3A_77] : memref<10240xf32, #tpu.memory_space<vmem_shared>> -> memref<10240xf32, #tpu.memory_space<vmem_shared>>
    tpu.enqueue_indirect_dma source(%arg8 : memref<128xf32, #tpu.memory_space<vmem>>) target(%dma_start3A_78 : memref<10240xf32, #tpu.memory_space<vmem_shared>>) offsets(%dma_start3A_76 : memref<128xi32, #tpu.memory_space<vmem>>) semaphore(%arg17 : memref<!tpu.dma_semaphore, #tpu.memory_space<semaphore_mem>>) {add = true}
    %dma_start3A_79 = arith.constant 2 : i32
    %dma_start3A_80 = arith.constant 0 : i32
    %dma_start3A_81 = tpu.memref_slice %arg7[%dma_start3A_79, %dma_start3A_80] : memref<80x128xi32, #tpu.memory_space<vmem>> -> memref<1x128xi32, #tpu.memory_space<vmem>>
    %dma_start3A_82 = tpu.memref_squeeze %dma_start3A_81 : memref<1x128xi32, #tpu.memory_space<vmem>> -> memref<128xi32, #tpu.memory_space<vmem>>
    %dma_start3A_83 = arith.constant 0 : i32
    %dma_start3A_84 = tpu.memref_slice %arg10[%dma_start3A_83] : memref<10240xf32, #tpu.memory_space<vmem_shared>> -> memref<10240xf32, #tpu.memory_space<vmem_shared>>
    tpu.enqueue_indirect_dma source(%arg8 : memref<128xf32, #tpu.memory_space<vmem>>) target(%dma_start3A_84 : memref<10240xf32, #tpu.memory_space<vmem_shared>>) offsets(%dma_start3A_82 : memref<128xi32, #tpu.memory_space<vmem>>) semaphore(%arg14 : memref<!tpu.dma_semaphore, #tpu.memory_space<semaphore_mem>>) {add = true}
    %dma_start3A_85 = arith.constant 2 : i32
    %dma_start3A_86 = arith.constant 0 : i32
    %dma_start3A_87 = tpu.memref_slice %arg6[%dma_start3A_85, %dma_start3A_86] : memref<80x128xi32, #tpu.memory_space<vmem>> -> memref<1x128xi32, #tpu.memory_space<vmem>>
    %dma_start3A_88 = tpu.memref_squeeze %dma_start3A_87 : memref<1x128xi32, #tpu.memory_space<vmem>> -> memref<128xi32, #tpu.memory_space<vmem>>
    %dma_start3A_89 = arith.constant 0 : i32
    %dma_start3A_90 = tpu.memref_slice %arg11[%dma_start3A_89] : memref<10240xf32, #tpu.memory_space<vmem_shared>> -> memref<10240xf32, #tpu.memory_space<vmem_shared>>
    tpu.enqueue_indirect_dma source(%arg8 : memref<128xf32, #tpu.memory_space<vmem>>) target(%dma_start3A_90 : memref<10240xf32, #tpu.memory_space<vmem_shared>>) offsets(%dma_start3A_88 : memref<128xi32, #tpu.memory_space<vmem>>) semaphore(%arg18 : memref<!tpu.dma_semaphore, #tpu.memory_space<semaphore_mem>>) {add = true}
    %dma_start3A_91 = arith.constant 3 : i32
    %dma_start3A_92 = arith.constant 0 : i32
    %dma_start3A_93 = tpu.memref_slice %arg7[%dma_start3A_91, %dma_start3A_92] : memref<80x128xi32, #tpu.memory_space<vmem>> -> memref<1x128xi32, #tpu.memory_space<vmem>>
    %dma_start3A_94 = tpu.memref_squeeze %dma_start3A_93 : memref<1x128xi32, #tpu.memory_space<vmem>> -> memref<128xi32, #tpu.memory_space<vmem>>
    %dma_start3A_95 = arith.constant 0 : i32
    %dma_start3A_96 = tpu.memref_slice %arg10[%dma_start3A_95] : memref<10240xf32, #tpu.memory_space<vmem_shared>> -> memref<10240xf32, #tpu.memory_space<vmem_shared>>
    tpu.enqueue_indirect_dma source(%arg8 : memref<128xf32, #tpu.memory_space<vmem>>) target(%dma_start3A_96 : memref<10240xf32, #tpu.memory_space<vmem_shared>>) offsets(%dma_start3A_94 : memref<128xi32, #tpu.memory_space<vmem>>) semaphore(%arg15 : memref<!tpu.dma_semaphore, #tpu.memory_space<semaphore_mem>>) {add = true}
    %dma_start3A_97 = arith.constant 3 : i32
    %dma_start3A_98 = arith.constant 0 : i32
    %dma_start3A_99 = tpu.memref_slice %arg6[%dma_start3A_97, %dma_start3A_98] : memref<80x128xi32, #tpu.memory_space<vmem>> -> memref<1x128xi32, #tpu.memory_space<vmem>>
    %dma_start3A_100 = tpu.memref_squeeze %dma_start3A_99 : memref<1x128xi32, #tpu.memory_space<vmem>> -> memref<128xi32, #tpu.memory_space<vmem>>
    %dma_start3A_101 = arith.constant 0 : i32
    %dma_start3A_102 = tpu.memref_slice %arg11[%dma_start3A_101] : memref<10240xf32, #tpu.memory_space<vmem_shared>> -> memref<10240xf32, #tpu.memory_space<vmem_shared>>
    tpu.enqueue_indirect_dma source(%arg8 : memref<128xf32, #tpu.memory_space<vmem>>) target(%dma_start3A_102 : memref<10240xf32, #tpu.memory_space<vmem_shared>>) offsets(%dma_start3A_100 : memref<128xi32, #tpu.memory_space<vmem>>) semaphore(%arg19 : memref<!tpu.dma_semaphore, #tpu.memory_space<semaphore_mem>>) {add = true}
    %scan3A_103 = arith.constant 0 : i32
    %scan3A_104 = arith.constant 1 : i32
    %scan3A_105 = arith.constant 19 : i32
    %scan3A_106 = arith.addi %scan3A_104, %scan3A_105 : i32
    %scan3A_107 = arith.constant 1 : i32
    scf.for %scan3A_159 = %scan3A_104 to %scan3A_106 step %scan3A_107  : i32 {
      %mul3A_160 = arith.constant 4 : i32
      %mul3A_161 = arith.muli %mul3A_160, %scan3A_159 : i32
      %add3A_162 = arith.constant 0 : i32
      %add3A_163 = arith.addi %mul3A_161, %add3A_162 : i32
      %sub3A = arith.constant 4 : i32
      %sub3A_164 = arith.subi %add3A_163, %sub3A : i32
      %dma_wait3A_165 = arith.constant 0 : i32
      %dma_wait3A_166 = tpu.memref_slice %arg7[%sub3A_164, %dma_wait3A_165] : memref<80x128xi32, #tpu.memory_space<vmem>> -> memref<1x128xi32, #tpu.memory_space<vmem>>
      %dma_wait3A_167 = tpu.memref_squeeze %dma_wait3A_166 : memref<1x128xi32, #tpu.memory_space<vmem>> -> memref<128xi32, #tpu.memory_space<vmem>>
      %dma_wait3A_168 = arith.constant 0 : i32
      %dma_wait3A_169 = tpu.memref_slice %arg10[%dma_wait3A_168] : memref<10240xf32, #tpu.memory_space<vmem_shared>> -> memref<10240xf32, #tpu.memory_space<vmem_shared>>
      tpu.wait_indirect_dma semaphore(%arg12 : memref<!tpu.dma_semaphore, #tpu.memory_space<semaphore_mem>>) src(%arg8 : memref<128xf32, #tpu.memory_space<vmem>>) dst(%dma_wait3A_169 : memref<10240xf32, #tpu.memory_space<vmem_shared>>)
      %add3A_170 = arith.constant 0 : i32
      %add3A_171 = arith.addi %mul3A_161, %add3A_170 : i32
      %sub3A_172 = arith.constant 4 : i32
      %sub3A_173 = arith.subi %add3A_171, %sub3A_172 : i32
      %dma_wait3A_174 = arith.constant 0 : i32
      %dma_wait3A_175 = tpu.memref_slice %arg6[%sub3A_173, %dma_wait3A_174] : memref<80x128xi32, #tpu.memory_space<vmem>> -> memref<1x128xi32, #tpu.memory_space<vmem>>
      %dma_wait3A_176 = tpu.memref_squeeze %dma_wait3A_175 : memref<1x128xi32, #tpu.memory_space<vmem>> -> memref<128xi32, #tpu.memory_space<vmem>>
      %dma_wait3A_177 = arith.constant 0 : i32
      %dma_wait3A_178 = tpu.memref_slice %arg11[%dma_wait3A_177] : memref<10240xf32, #tpu.memory_space<vmem_shared>> -> memref<10240xf32, #tpu.memory_space<vmem_shared>>
      tpu.wait_indirect_dma semaphore(%arg16 : memref<!tpu.dma_semaphore, #tpu.memory_space<semaphore_mem>>) src(%arg8 : memref<128xf32, #tpu.memory_space<vmem>>) dst(%dma_wait3A_178 : memref<10240xf32, #tpu.memory_space<vmem_shared>>)
      %add3A_179 = arith.constant 0 : i32
      %add3A_180 = arith.addi %mul3A_161, %add3A_179 : i32
      %dma_start3A_181 = arith.constant 0 : i32
      %dma_start3A_182 = tpu.memref_slice %arg7[%add3A_180, %dma_start3A_181] : memref<80x128xi32, #tpu.memory_space<vmem>> -> memref<1x128xi32, #tpu.memory_space<vmem>>
      %dma_start3A_183 = tpu.memref_squeeze %dma_start3A_182 : memref<1x128xi32, #tpu.memory_space<vmem>> -> memref<128xi32, #tpu.memory_space<vmem>>
      %dma_start3A_184 = arith.constant 0 : i32
      %dma_start3A_185 = tpu.memref_slice %arg10[%dma_start3A_184] : memref<10240xf32, #tpu.memory_space<vmem_shared>> -> memref<10240xf32, #tpu.memory_space<vmem_shared>>
      tpu.enqueue_indirect_dma source(%arg8 : memref<128xf32, #tpu.memory_space<vmem>>) target(%dma_start3A_185 : memref<10240xf32, #tpu.memory_space<vmem_shared>>) offsets(%dma_start3A_183 : memref<128xi32, #tpu.memory_space<vmem>>) semaphore(%arg12 : memref<!tpu.dma_semaphore, #tpu.memory_space<semaphore_mem>>) {add = true}
      %add3A_186 = arith.constant 0 : i32
      %add3A_187 = arith.addi %mul3A_161, %add3A_186 : i32
      %dma_start3A_188 = arith.constant 0 : i32
      %dma_start3A_189 = tpu.memref_slice %arg6[%add3A_187, %dma_start3A_188] : memref<80x128xi32, #tpu.memory_space<vmem>> -> memref<1x128xi32, #tpu.memory_space<vmem>>
      %dma_start3A_190 = tpu.memref_squeeze %dma_start3A_189 : memref<1x128xi32, #tpu.memory_space<vmem>> -> memref<128xi32, #tpu.memory_space<vmem>>
      %dma_start3A_191 = arith.constant 0 : i32
      %dma_start3A_192 = tpu.memref_slice %arg11[%dma_start3A_191] : memref<10240xf32, #tpu.memory_space<vmem_shared>> -> memref<10240xf32, #tpu.memory_space<vmem_shared>>
      tpu.enqueue_indirect_dma source(%arg8 : memref<128xf32, #tpu.memory_space<vmem>>) target(%dma_start3A_192 : memref<10240xf32, #tpu.memory_space<vmem_shared>>) offsets(%dma_start3A_190 : memref<128xi32, #tpu.memory_space<vmem>>) semaphore(%arg16 : memref<!tpu.dma_semaphore, #tpu.memory_space<semaphore_mem>>) {add = true}
      %add3A_193 = arith.constant 1 : i32
      %add3A_194 = arith.addi %mul3A_161, %add3A_193 : i32
      %sub3A_195 = arith.constant 4 : i32
      %sub3A_196 = arith.subi %add3A_194, %sub3A_195 : i32
      %dma_wait3A_197 = arith.constant 0 : i32
      %dma_wait3A_198 = tpu.memref_slice %arg7[%sub3A_196, %dma_wait3A_197] : memref<80x128xi32, #tpu.memory_space<vmem>> -> memref<1x128xi32, #tpu.memory_space<vmem>>
      %dma_wait3A_199 = tpu.memref_squeeze %dma_wait3A_198 : memref<1x128xi32, #tpu.memory_space<vmem>> -> memref<128xi32, #tpu.memory_space<vmem>>
      %dma_wait3A_200 = arith.constant 0 : i32
      %dma_wait3A_201 = tpu.memref_slice %arg10[%dma_wait3A_200] : memref<10240xf32, #tpu.memory_space<vmem_shared>> -> memref<10240xf32, #tpu.memory_space<vmem_shared>>
      tpu.wait_indirect_dma semaphore(%arg13 : memref<!tpu.dma_semaphore, #tpu.memory_space<semaphore_mem>>) src(%arg8 : memref<128xf32, #tpu.memory_space<vmem>>) dst(%dma_wait3A_201 : memref<10240xf32, #tpu.memory_space<vmem_shared>>)
      %add3A_202 = arith.constant 1 : i32
      %add3A_203 = arith.addi %mul3A_161, %add3A_202 : i32
      %sub3A_204 = arith.constant 4 : i32
      %sub3A_205 = arith.subi %add3A_203, %sub3A_204 : i32
      %dma_wait3A_206 = arith.constant 0 : i32
      %dma_wait3A_207 = tpu.memref_slice %arg6[%sub3A_205, %dma_wait3A_206] : memref<80x128xi32, #tpu.memory_space<vmem>> -> memref<1x128xi32, #tpu.memory_space<vmem>>
      %dma_wait3A_208 = tpu.memref_squeeze %dma_wait3A_207 : memref<1x128xi32, #tpu.memory_space<vmem>> -> memref<128xi32, #tpu.memory_space<vmem>>
      %dma_wait3A_209 = arith.constant 0 : i32
      %dma_wait3A_210 = tpu.memref_slice %arg11[%dma_wait3A_209] : memref<10240xf32, #tpu.memory_space<vmem_shared>> -> memref<10240xf32, #tpu.memory_space<vmem_shared>>
      tpu.wait_indirect_dma semaphore(%arg17 : memref<!tpu.dma_semaphore, #tpu.memory_space<semaphore_mem>>) src(%arg8 : memref<128xf32, #tpu.memory_space<vmem>>) dst(%dma_wait3A_210 : memref<10240xf32, #tpu.memory_space<vmem_shared>>)
      %add3A_211 = arith.constant 1 : i32
      %add3A_212 = arith.addi %mul3A_161, %add3A_211 : i32
      %dma_start3A_213 = arith.constant 0 : i32
      %dma_start3A_214 = tpu.memref_slice %arg7[%add3A_212, %dma_start3A_213] : memref<80x128xi32, #tpu.memory_space<vmem>> -> memref<1x128xi32, #tpu.memory_space<vmem>>
      %dma_start3A_215 = tpu.memref_squeeze %dma_start3A_214 : memref<1x128xi32, #tpu.memory_space<vmem>> -> memref<128xi32, #tpu.memory_space<vmem>>
      %dma_start3A_216 = arith.constant 0 : i32
      %dma_start3A_217 = tpu.memref_slice %arg10[%dma_start3A_216] : memref<10240xf32, #tpu.memory_space<vmem_shared>> -> memref<10240xf32, #tpu.memory_space<vmem_shared>>
      tpu.enqueue_indirect_dma source(%arg8 : memref<128xf32, #tpu.memory_space<vmem>>) target(%dma_start3A_217 : memref<10240xf32, #tpu.memory_space<vmem_shared>>) offsets(%dma_start3A_215 : memref<128xi32, #tpu.memory_space<vmem>>) semaphore(%arg13 : memref<!tpu.dma_semaphore, #tpu.memory_space<semaphore_mem>>) {add = true}
      %add3A_218 = arith.constant 1 : i32
      %add3A_219 = arith.addi %mul3A_161, %add3A_218 : i32
      %dma_start3A_220 = arith.constant 0 : i32
      %dma_start3A_221 = tpu.memref_slice %arg6[%add3A_219, %dma_start3A_220] : memref<80x128xi32, #tpu.memory_space<vmem>> -> memref<1x128xi32, #tpu.memory_space<vmem>>
      %dma_start3A_222 = tpu.memref_squeeze %dma_start3A_221 : memref<1x128xi32, #tpu.memory_space<vmem>> -> memref<128xi32, #tpu.memory_space<vmem>>
      %dma_start3A_223 = arith.constant 0 : i32
      %dma_start3A_224 = tpu.memref_slice %arg11[%dma_start3A_223] : memref<10240xf32, #tpu.memory_space<vmem_shared>> -> memref<10240xf32, #tpu.memory_space<vmem_shared>>
      tpu.enqueue_indirect_dma source(%arg8 : memref<128xf32, #tpu.memory_space<vmem>>) target(%dma_start3A_224 : memref<10240xf32, #tpu.memory_space<vmem_shared>>) offsets(%dma_start3A_222 : memref<128xi32, #tpu.memory_space<vmem>>) semaphore(%arg17 : memref<!tpu.dma_semaphore, #tpu.memory_space<semaphore_mem>>) {add = true}
      %add3A_225 = arith.constant 2 : i32
      %add3A_226 = arith.addi %mul3A_161, %add3A_225 : i32
      %sub3A_227 = arith.constant 4 : i32
      %sub3A_228 = arith.subi %add3A_226, %sub3A_227 : i32
      %dma_wait3A_229 = arith.constant 0 : i32
      %dma_wait3A_230 = tpu.memref_slice %arg7[%sub3A_228, %dma_wait3A_229] : memref<80x128xi32, #tpu.memory_space<vmem>> -> memref<1x128xi32, #tpu.memory_space<vmem>>
      %dma_wait3A_231 = tpu.memref_squeeze %dma_wait3A_230 : memref<1x128xi32, #tpu.memory_space<vmem>> -> memref<128xi32, #tpu.memory_space<vmem>>
      %dma_wait3A_232 = arith.constant 0 : i32
      %dma_wait3A_233 = tpu.memref_slice %arg10[%dma_wait3A_232] : memref<10240xf32, #tpu.memory_space<vmem_shared>> -> memref<10240xf32, #tpu.memory_space<vmem_shared>>
      tpu.wait_indirect_dma semaphore(%arg14 : memref<!tpu.dma_semaphore, #tpu.memory_space<semaphore_mem>>) src(%arg8 : memref<128xf32, #tpu.memory_space<vmem>>) dst(%dma_wait3A_233 : memref<10240xf32, #tpu.memory_space<vmem_shared>>)
      %add3A_234 = arith.constant 2 : i32
      %add3A_235 = arith.addi %mul3A_161, %add3A_234 : i32
      %sub3A_236 = arith.constant 4 : i32
      %sub3A_237 = arith.subi %add3A_235, %sub3A_236 : i32
      %dma_wait3A_238 = arith.constant 0 : i32
      %dma_wait3A_239 = tpu.memref_slice %arg6[%sub3A_237, %dma_wait3A_238] : memref<80x128xi32, #tpu.memory_space<vmem>> -> memref<1x128xi32, #tpu.memory_space<vmem>>
      %dma_wait3A_240 = tpu.memref_squeeze %dma_wait3A_239 : memref<1x128xi32, #tpu.memory_space<vmem>> -> memref<128xi32, #tpu.memory_space<vmem>>
      %dma_wait3A_241 = arith.constant 0 : i32
      %dma_wait3A_242 = tpu.memref_slice %arg11[%dma_wait3A_241] : memref<10240xf32, #tpu.memory_space<vmem_shared>> -> memref<10240xf32, #tpu.memory_space<vmem_shared>>
      tpu.wait_indirect_dma semaphore(%arg18 : memref<!tpu.dma_semaphore, #tpu.memory_space<semaphore_mem>>) src(%arg8 : memref<128xf32, #tpu.memory_space<vmem>>) dst(%dma_wait3A_242 : memref<10240xf32, #tpu.memory_space<vmem_shared>>)
      %add3A_243 = arith.constant 2 : i32
      %add3A_244 = arith.addi %mul3A_161, %add3A_243 : i32
      %dma_start3A_245 = arith.constant 0 : i32
      %dma_start3A_246 = tpu.memref_slice %arg7[%add3A_244, %dma_start3A_245] : memref<80x128xi32, #tpu.memory_space<vmem>> -> memref<1x128xi32, #tpu.memory_space<vmem>>
      %dma_start3A_247 = tpu.memref_squeeze %dma_start3A_246 : memref<1x128xi32, #tpu.memory_space<vmem>> -> memref<128xi32, #tpu.memory_space<vmem>>
      %dma_start3A_248 = arith.constant 0 : i32
      %dma_start3A_249 = tpu.memref_slice %arg10[%dma_start3A_248] : memref<10240xf32, #tpu.memory_space<vmem_shared>> -> memref<10240xf32, #tpu.memory_space<vmem_shared>>
      tpu.enqueue_indirect_dma source(%arg8 : memref<128xf32, #tpu.memory_space<vmem>>) target(%dma_start3A_249 : memref<10240xf32, #tpu.memory_space<vmem_shared>>) offsets(%dma_start3A_247 : memref<128xi32, #tpu.memory_space<vmem>>) semaphore(%arg14 : memref<!tpu.dma_semaphore, #tpu.memory_space<semaphore_mem>>) {add = true}
      %add3A_250 = arith.constant 2 : i32
      %add3A_251 = arith.addi %mul3A_161, %add3A_250 : i32
      %dma_start3A_252 = arith.constant 0 : i32
      %dma_start3A_253 = tpu.memref_slice %arg6[%add3A_251, %dma_start3A_252] : memref<80x128xi32, #tpu.memory_space<vmem>> -> memref<1x128xi32, #tpu.memory_space<vmem>>
      %dma_start3A_254 = tpu.memref_squeeze %dma_start3A_253 : memref<1x128xi32, #tpu.memory_space<vmem>> -> memref<128xi32, #tpu.memory_space<vmem>>
      %dma_start3A_255 = arith.constant 0 : i32
      %dma_start3A_256 = tpu.memref_slice %arg11[%dma_start3A_255] : memref<10240xf32, #tpu.memory_space<vmem_shared>> -> memref<10240xf32, #tpu.memory_space<vmem_shared>>
      tpu.enqueue_indirect_dma source(%arg8 : memref<128xf32, #tpu.memory_space<vmem>>) target(%dma_start3A_256 : memref<10240xf32, #tpu.memory_space<vmem_shared>>) offsets(%dma_start3A_254 : memref<128xi32, #tpu.memory_space<vmem>>) semaphore(%arg18 : memref<!tpu.dma_semaphore, #tpu.memory_space<semaphore_mem>>) {add = true}
      %add3A_257 = arith.constant 3 : i32
      %add3A_258 = arith.addi %mul3A_161, %add3A_257 : i32
      %sub3A_259 = arith.constant 4 : i32
      %sub3A_260 = arith.subi %add3A_258, %sub3A_259 : i32
      %dma_wait3A_261 = arith.constant 0 : i32
      %dma_wait3A_262 = tpu.memref_slice %arg7[%sub3A_260, %dma_wait3A_261] : memref<80x128xi32, #tpu.memory_space<vmem>> -> memref<1x128xi32, #tpu.memory_space<vmem>>
      %dma_wait3A_263 = tpu.memref_squeeze %dma_wait3A_262 : memref<1x128xi32, #tpu.memory_space<vmem>> -> memref<128xi32, #tpu.memory_space<vmem>>
      %dma_wait3A_264 = arith.constant 0 : i32
      %dma_wait3A_265 = tpu.memref_slice %arg10[%dma_wait3A_264] : memref<10240xf32, #tpu.memory_space<vmem_shared>> -> memref<10240xf32, #tpu.memory_space<vmem_shared>>
      tpu.wait_indirect_dma semaphore(%arg15 : memref<!tpu.dma_semaphore, #tpu.memory_space<semaphore_mem>>) src(%arg8 : memref<128xf32, #tpu.memory_space<vmem>>) dst(%dma_wait3A_265 : memref<10240xf32, #tpu.memory_space<vmem_shared>>)
      %add3A_266 = arith.constant 3 : i32
      %add3A_267 = arith.addi %mul3A_161, %add3A_266 : i32
      %sub3A_268 = arith.constant 4 : i32
      %sub3A_269 = arith.subi %add3A_267, %sub3A_268 : i32
      %dma_wait3A_270 = arith.constant 0 : i32
      %dma_wait3A_271 = tpu.memref_slice %arg6[%sub3A_269, %dma_wait3A_270] : memref<80x128xi32, #tpu.memory_space<vmem>> -> memref<1x128xi32, #tpu.memory_space<vmem>>
      %dma_wait3A_272 = tpu.memref_squeeze %dma_wait3A_271 : memref<1x128xi32, #tpu.memory_space<vmem>> -> memref<128xi32, #tpu.memory_space<vmem>>
      %dma_wait3A_273 = arith.constant 0 : i32
      %dma_wait3A_274 = tpu.memref_slice %arg11[%dma_wait3A_273] : memref<10240xf32, #tpu.memory_space<vmem_shared>> -> memref<10240xf32, #tpu.memory_space<vmem_shared>>
      tpu.wait_indirect_dma semaphore(%arg19 : memref<!tpu.dma_semaphore, #tpu.memory_space<semaphore_mem>>) src(%arg8 : memref<128xf32, #tpu.memory_space<vmem>>) dst(%dma_wait3A_274 : memref<10240xf32, #tpu.memory_space<vmem_shared>>)
      %add3A_275 = arith.constant 3 : i32
      %add3A_276 = arith.addi %mul3A_161, %add3A_275 : i32
      %dma_start3A_277 = arith.constant 0 : i32
      %dma_start3A_278 = tpu.memref_slice %arg7[%add3A_276, %dma_start3A_277] : memref<80x128xi32, #tpu.memory_space<vmem>> -> memref<1x128xi32, #tpu.memory_space<vmem>>
      %dma_start3A_279 = tpu.memref_squeeze %dma_start3A_278 : memref<1x128xi32, #tpu.memory_space<vmem>> -> memref<128xi32, #tpu.memory_space<vmem>>
      %dma_start3A_280 = arith.constant 0 : i32
      %dma_start3A_281 = tpu.memref_slice %arg10[%dma_start3A_280] : memref<10240xf32, #tpu.memory_space<vmem_shared>> -> memref<10240xf32, #tpu.memory_space<vmem_shared>>
      tpu.enqueue_indirect_dma source(%arg8 : memref<128xf32, #tpu.memory_space<vmem>>) target(%dma_start3A_281 : memref<10240xf32, #tpu.memory_space<vmem_shared>>) offsets(%dma_start3A_279 : memref<128xi32, #tpu.memory_space<vmem>>) semaphore(%arg15 : memref<!tpu.dma_semaphore, #tpu.memory_space<semaphore_mem>>) {add = true}
      %add3A_282 = arith.constant 3 : i32
      %add3A_283 = arith.addi %mul3A_161, %add3A_282 : i32
      %dma_start3A_284 = arith.constant 0 : i32
      %dma_start3A_285 = tpu.memref_slice %arg6[%add3A_283, %dma_start3A_284] : memref<80x128xi32, #tpu.memory_space<vmem>> -> memref<1x128xi32, #tpu.memory_space<vmem>>
      %dma_start3A_286 = tpu.memref_squeeze %dma_start3A_285 : memref<1x128xi32, #tpu.memory_space<vmem>> -> memref<128xi32, #tpu.memory_space<vmem>>
      %dma_start3A_287 = arith.constant 0 : i32
      %dma_start3A_288 = tpu.memref_slice %arg11[%dma_start3A_287] : memref<10240xf32, #tpu.memory_space<vmem_shared>> -> memref<10240xf32, #tpu.memory_space<vmem_shared>>
      tpu.enqueue_indirect_dma source(%arg8 : memref<128xf32, #tpu.memory_space<vmem>>) target(%dma_start3A_288 : memref<10240xf32, #tpu.memory_space<vmem_shared>>) offsets(%dma_start3A_286 : memref<128xi32, #tpu.memory_space<vmem>>) semaphore(%arg19 : memref<!tpu.dma_semaphore, #tpu.memory_space<semaphore_mem>>) {add = true}
    }
    %scan3A_108 = arith.constant 19 : i32
    %dma_wait3A = arith.constant 76 : i32
    %dma_wait3A_109 = arith.constant 0 : i32
    %dma_wait3A_110 = tpu.memref_slice %arg7[%dma_wait3A, %dma_wait3A_109] : memref<80x128xi32, #tpu.memory_space<vmem>> -> memref<1x128xi32, #tpu.memory_space<vmem>>
    %dma_wait3A_111 = tpu.memref_squeeze %dma_wait3A_110 : memref<1x128xi32, #tpu.memory_space<vmem>> -> memref<128xi32, #tpu.memory_space<vmem>>
    %dma_wait3A_112 = arith.constant 0 : i32
    %dma_wait3A_113 = tpu.memref_slice %arg10[%dma_wait3A_112] : memref<10240xf32, #tpu.memory_space<vmem_shared>> -> memref<10240xf32, #tpu.memory_space<vmem_shared>>
    tpu.wait_indirect_dma semaphore(%arg12 : memref<!tpu.dma_semaphore, #tpu.memory_space<semaphore_mem>>) src(%arg8 : memref<128xf32, #tpu.memory_space<vmem>>) dst(%dma_wait3A_113 : memref<10240xf32, #tpu.memory_space<vmem_shared>>)
    %dma_wait3A_114 = arith.constant 76 : i32
    %dma_wait3A_115 = arith.constant 0 : i32
    %dma_wait3A_116 = tpu.memref_slice %arg6[%dma_wait3A_114, %dma_wait3A_115] : memref<80x128xi32, #tpu.memory_space<vmem>> -> memref<1x128xi32, #tpu.memory_space<vmem>>
    %dma_wait3A_117 = tpu.memref_squeeze %dma_wait3A_116 : memref<1x128xi32, #tpu.memory_space<vmem>> -> memref<128xi32, #tpu.memory_space<vmem>>
    %dma_wait3A_118 = arith.constant 0 : i32
    %dma_wait3A_119 = tpu.memref_slice %arg11[%dma_wait3A_118] : memref<10240xf32, #tpu.memory_space<vmem_shared>> -> memref<10240xf32, #tpu.memory_space<vmem_shared>>
    tpu.wait_indirect_dma semaphore(%arg16 : memref<!tpu.dma_semaphore, #tpu.memory_space<semaphore_mem>>) src(%arg8 : memref<128xf32, #tpu.memory_space<vmem>>) dst(%dma_wait3A_119 : memref<10240xf32, #tpu.memory_space<vmem_shared>>)
    %dma_wait3A_120 = arith.constant 77 : i32
    %dma_wait3A_121 = arith.constant 0 : i32
    %dma_wait3A_122 = tpu.memref_slice %arg7[%dma_wait3A_120, %dma_wait3A_121] : memref<80x128xi32, #tpu.memory_space<vmem>> -> memref<1x128xi32, #tpu.memory_space<vmem>>
    %dma_wait3A_123 = tpu.memref_squeeze %dma_wait3A_122 : memref<1x128xi32, #tpu.memory_space<vmem>> -> memref<128xi32, #tpu.memory_space<vmem>>
    %dma_wait3A_124 = arith.constant 0 : i32
    %dma_wait3A_125 = tpu.memref_slice %arg10[%dma_wait3A_124] : memref<10240xf32, #tpu.memory_space<vmem_shared>> -> memref<10240xf32, #tpu.memory_space<vmem_shared>>
    tpu.wait_indirect_dma semaphore(%arg13 : memref<!tpu.dma_semaphore, #tpu.memory_space<semaphore_mem>>) src(%arg8 : memref<128xf32, #tpu.memory_space<vmem>>) dst(%dma_wait3A_125 : memref<10240xf32, #tpu.memory_space<vmem_shared>>)
    %dma_wait3A_126 = arith.constant 77 : i32
    %dma_wait3A_127 = arith.constant 0 : i32
    %dma_wait3A_128 = tpu.memref_slice %arg6[%dma_wait3A_126, %dma_wait3A_127] : memref<80x128xi32, #tpu.memory_space<vmem>> -> memref<1x128xi32, #tpu.memory_space<vmem>>
    %dma_wait3A_129 = tpu.memref_squeeze %dma_wait3A_128 : memref<1x128xi32, #tpu.memory_space<vmem>> -> memref<128xi32, #tpu.memory_space<vmem>>
    %dma_wait3A_130 = arith.constant 0 : i32
    %dma_wait3A_131 = tpu.memref_slice %arg11[%dma_wait3A_130] : memref<10240xf32, #tpu.memory_space<vmem_shared>> -> memref<10240xf32, #tpu.memory_space<vmem_shared>>
    tpu.wait_indirect_dma semaphore(%arg17 : memref<!tpu.dma_semaphore, #tpu.memory_space<semaphore_mem>>) src(%arg8 : memref<128xf32, #tpu.memory_space<vmem>>) dst(%dma_wait3A_131 : memref<10240xf32, #tpu.memory_space<vmem_shared>>)
    %dma_wait3A_132 = arith.constant 78 : i32
    %dma_wait3A_133 = arith.constant 0 : i32
    %dma_wait3A_134 = tpu.memref_slice %arg7[%dma_wait3A_132, %dma_wait3A_133] : memref<80x128xi32, #tpu.memory_space<vmem>> -> memref<1x128xi32, #tpu.memory_space<vmem>>
    %dma_wait3A_135 = tpu.memref_squeeze %dma_wait3A_134 : memref<1x128xi32, #tpu.memory_space<vmem>> -> memref<128xi32, #tpu.memory_space<vmem>>
    %dma_wait3A_136 = arith.constant 0 : i32
    %dma_wait3A_137 = tpu.memref_slice %arg10[%dma_wait3A_136] : memref<10240xf32, #tpu.memory_space<vmem_shared>> -> memref<10240xf32, #tpu.memory_space<vmem_shared>>
    tpu.wait_indirect_dma semaphore(%arg14 : memref<!tpu.dma_semaphore, #tpu.memory_space<semaphore_mem>>) src(%arg8 : memref<128xf32, #tpu.memory_space<vmem>>) dst(%dma_wait3A_137 : memref<10240xf32, #tpu.memory_space<vmem_shared>>)
    %dma_wait3A_138 = arith.constant 78 : i32
    %dma_wait3A_139 = arith.constant 0 : i32
    %dma_wait3A_140 = tpu.memref_slice %arg6[%dma_wait3A_138, %dma_wait3A_139] : memref<80x128xi32, #tpu.memory_space<vmem>> -> memref<1x128xi32, #tpu.memory_space<vmem>>
    %dma_wait3A_141 = tpu.memref_squeeze %dma_wait3A_140 : memref<1x128xi32, #tpu.memory_space<vmem>> -> memref<128xi32, #tpu.memory_space<vmem>>
    %dma_wait3A_142 = arith.constant 0 : i32
    %dma_wait3A_143 = tpu.memref_slice %arg11[%dma_wait3A_142] : memref<10240xf32, #tpu.memory_space<vmem_shared>> -> memref<10240xf32, #tpu.memory_space<vmem_shared>>
    tpu.wait_indirect_dma semaphore(%arg18 : memref<!tpu.dma_semaphore, #tpu.memory_space<semaphore_mem>>) src(%arg8 : memref<128xf32, #tpu.memory_space<vmem>>) dst(%dma_wait3A_143 : memref<10240xf32, #tpu.memory_space<vmem_shared>>)
    %dma_wait3A_144 = arith.constant 79 : i32
    %dma_wait3A_145 = arith.constant 0 : i32
    %dma_wait3A_146 = tpu.memref_slice %arg7[%dma_wait3A_144, %dma_wait3A_145] : memref<80x128xi32, #tpu.memory_space<vmem>> -> memref<1x128xi32, #tpu.memory_space<vmem>>
    %dma_wait3A_147 = tpu.memref_squeeze %dma_wait3A_146 : memref<1x128xi32, #tpu.memory_space<vmem>> -> memref<128xi32, #tpu.memory_space<vmem>>
    %dma_wait3A_148 = arith.constant 0 : i32
    %dma_wait3A_149 = tpu.memref_slice %arg10[%dma_wait3A_148] : memref<10240xf32, #tpu.memory_space<vmem_shared>> -> memref<10240xf32, #tpu.memory_space<vmem_shared>>
    tpu.wait_indirect_dma semaphore(%arg15 : memref<!tpu.dma_semaphore, #tpu.memory_space<semaphore_mem>>) src(%arg8 : memref<128xf32, #tpu.memory_space<vmem>>) dst(%dma_wait3A_149 : memref<10240xf32, #tpu.memory_space<vmem_shared>>)
    %dma_wait3A_150 = arith.constant 79 : i32
    %dma_wait3A_151 = arith.constant 0 : i32
    %dma_wait3A_152 = tpu.memref_slice %arg6[%dma_wait3A_150, %dma_wait3A_151] : memref<80x128xi32, #tpu.memory_space<vmem>> -> memref<1x128xi32, #tpu.memory_space<vmem>>
    %dma_wait3A_153 = tpu.memref_squeeze %dma_wait3A_152 : memref<1x128xi32, #tpu.memory_space<vmem>> -> memref<128xi32, #tpu.memory_space<vmem>>
    %dma_wait3A_154 = arith.constant 0 : i32
    %dma_wait3A_155 = tpu.memref_slice %arg11[%dma_wait3A_154] : memref<10240xf32, #tpu.memory_space<vmem_shared>> -> memref<10240xf32, #tpu.memory_space<vmem_shared>>
    tpu.wait_indirect_dma semaphore(%arg19 : memref<!tpu.dma_semaphore, #tpu.memory_space<semaphore_mem>>) src(%arg8 : memref<128xf32, #tpu.memory_space<vmem>>) dst(%dma_wait3A_155 : memref<10240xf32, #tpu.memory_space<vmem_shared>>)
    %barrier3A_156 = arith.constant 0 : index
    tpu.barrier barrier_id(%barrier3A_156)
    %mul3A_157 = arith.constant 640 : i32
    %mul3A_158 = arith.muli %arg1, %mul3A_157 : i32
    "tpu.region"() ({
      %run_scoped3A = tpu.sem_alloc : memref<!tpu.dma_semaphore, #tpu.memory_space<semaphore_mem>>
      %dma_start3A_159 = tpu.memref_slice %arg10[%mul3A_158] : memref<10240xf32, #tpu.memory_space<vmem_shared>> -> memref<640xf32, #tpu.memory_space<vmem_shared>>
      %dma_start3A_160 = tpu.memref_slice %arg10[%mul3A_158] : memref<10240xf32, #tpu.memory_space<vmem_shared>> -> memref<640xf32, #tpu.memory_space<vmem_shared>>
      tpu.enqueue_dma source(%dma_start3A_160 : memref<640xf32, #tpu.memory_space<vmem_shared>>) target(%arg9 : memref<640xf32, #tpu.memory_space<vmem>>) target_semaphore(%run_scoped3A : memref<!tpu.dma_semaphore, #tpu.memory_space<semaphore_mem>>)
      %dma_wait3A_161 = tpu.memref_slice %arg10[%mul3A_158] : memref<10240xf32, #tpu.memory_space<vmem_shared>> -> memref<640xf32, #tpu.memory_space<vmem_shared>>
      %dma_wait3A_162 = tpu.memref_slice %arg10[%mul3A_158] : memref<10240xf32, #tpu.memory_space<vmem_shared>> -> memref<640xf32, #tpu.memory_space<vmem_shared>>
      tpu.wait_dma2 semaphore(%run_scoped3A : memref<!tpu.dma_semaphore, #tpu.memory_space<semaphore_mem>>) src(%dma_wait3A_162 : memref<640xf32, #tpu.memory_space<vmem_shared>>) dst(%arg9 : memref<640xf32, #tpu.memory_space<vmem>>)
      tpu.yield
    }) : () -> ()
    "tpu.region"() ({
      %run_scoped3A = tpu.sem_alloc : memref<!tpu.dma_semaphore, #tpu.memory_space<semaphore_mem>>
      %dma_start3A_159 = tpu.memref_slice %arg4[%arg0, %mul3A_158] : memref<2x10240xf32, #tpu.memory_space<hbm>> -> memref<1x640xf32, #tpu.memory_space<hbm>>
      %dma_start3A_160 = tpu.memref_squeeze %dma_start3A_159 : memref<1x640xf32, #tpu.memory_space<hbm>> -> memref<640xf32, #tpu.memory_space<hbm>>
      %dma_start3A_161 = tpu.memref_slice %arg4[%arg0, %mul3A_158] : memref<2x10240xf32, #tpu.memory_space<hbm>> -> memref<1x640xf32, #tpu.memory_space<hbm>>
      %dma_start3A_162 = tpu.memref_squeeze %dma_start3A_161 : memref<1x640xf32, #tpu.memory_space<hbm>> -> memref<640xf32, #tpu.memory_space<hbm>>
      tpu.enqueue_dma source(%arg9 : memref<640xf32, #tpu.memory_space<vmem>>) target(%dma_start3A_162 : memref<640xf32, #tpu.memory_space<hbm>>) target_semaphore(%run_scoped3A : memref<!tpu.dma_semaphore, #tpu.memory_space<semaphore_mem>>)
      %dma_wait3A_163 = tpu.memref_slice %arg4[%arg0, %mul3A_158] : memref<2x10240xf32, #tpu.memory_space<hbm>> -> memref<1x640xf32, #tpu.memory_space<hbm>>
      %dma_wait3A_164 = tpu.memref_squeeze %dma_wait3A_163 : memref<1x640xf32, #tpu.memory_space<hbm>> -> memref<640xf32, #tpu.memory_space<hbm>>
      %dma_wait3A_165 = tpu.memref_slice %arg4[%arg0, %mul3A_158] : memref<2x10240xf32, #tpu.memory_space<hbm>> -> memref<1x640xf32, #tpu.memory_space<hbm>>
      %dma_wait3A_166 = tpu.memref_squeeze %dma_wait3A_165 : memref<1x640xf32, #tpu.memory_space<hbm>> -> memref<640xf32, #tpu.memory_space<hbm>>
      tpu.wait_dma2 semaphore(%run_scoped3A : memref<!tpu.dma_semaphore, #tpu.memory_space<semaphore_mem>>) src(%arg9 : memref<640xf32, #tpu.memory_space<vmem>>) dst(%dma_wait3A_166 : memref<640xf32, #tpu.memory_space<hbm>>)
      tpu.yield
    }) : () -> ()
    "tpu.region"() ({
      %run_scoped3A = tpu.sem_alloc : memref<!tpu.dma_semaphore, #tpu.memory_space<semaphore_mem>>
      %dma_start3A_159 = tpu.memref_slice %arg11[%mul3A_158] : memref<10240xf32, #tpu.memory_space<vmem_shared>> -> memref<640xf32, #tpu.memory_space<vmem_shared>>
      %dma_start3A_160 = tpu.memref_slice %arg11[%mul3A_158] : memref<10240xf32, #tpu.memory_space<vmem_shared>> -> memref<640xf32, #tpu.memory_space<vmem_shared>>
      tpu.enqueue_dma source(%dma_start3A_160 : memref<640xf32, #tpu.memory_space<vmem_shared>>) target(%arg9 : memref<640xf32, #tpu.memory_space<vmem>>) target_semaphore(%run_scoped3A : memref<!tpu.dma_semaphore, #tpu.memory_space<semaphore_mem>>)
      %dma_wait3A_161 = tpu.memref_slice %arg11[%mul3A_158] : memref<10240xf32, #tpu.memory_space<vmem_shared>> -> memref<640xf32, #tpu.memory_space<vmem_shared>>
      %dma_wait3A_162 = tpu.memref_slice %arg11[%mul3A_158] : memref<10240xf32, #tpu.memory_space<vmem_shared>> -> memref<640xf32, #tpu.memory_space<vmem_shared>>
      tpu.wait_dma2 semaphore(%run_scoped3A : memref<!tpu.dma_semaphore, #tpu.memory_space<semaphore_mem>>) src(%dma_wait3A_162 : memref<640xf32, #tpu.memory_space<vmem_shared>>) dst(%arg9 : memref<640xf32, #tpu.memory_space<vmem>>)
      tpu.yield
    }) : () -> ()
    "tpu.region"() ({
      %run_scoped3A = tpu.sem_alloc : memref<!tpu.dma_semaphore, #tpu.memory_space<semaphore_mem>>
      %dma_start3A_159 = tpu.memref_slice %arg5[%arg0, %mul3A_158] : memref<2x10240xf32, #tpu.memory_space<hbm>> -> memref<1x640xf32, #tpu.memory_space<hbm>>
      %dma_start3A_160 = tpu.memref_squeeze %dma_start3A_159 : memref<1x640xf32, #tpu.memory_space<hbm>> -> memref<640xf32, #tpu.memory_space<hbm>>
      %dma_start3A_161 = tpu.memref_slice %arg5[%arg0, %mul3A_158] : memref<2x10240xf32, #tpu.memory_space<hbm>> -> memref<1x640xf32, #tpu.memory_space<hbm>>
      %dma_start3A_162 = tpu.memref_squeeze %dma_start3A_161 : memref<1x640xf32, #tpu.memory_space<hbm>> -> memref<640xf32, #tpu.memory_space<hbm>>
      tpu.enqueue_dma source(%arg9 : memref<640xf32, #tpu.memory_space<vmem>>) target(%dma_start3A_162 : memref<640xf32, #tpu.memory_space<hbm>>) target_semaphore(%run_scoped3A : memref<!tpu.dma_semaphore, #tpu.memory_space<semaphore_mem>>)
      %dma_wait3A_163 = tpu.memref_slice %arg5[%arg0, %mul3A_158] : memref<2x10240xf32, #tpu.memory_space<hbm>> -> memref<1x640xf32, #tpu.memory_space<hbm>>
      %dma_wait3A_164 = tpu.memref_squeeze %dma_wait3A_163 : memref<1x640xf32, #tpu.memory_space<hbm>> -> memref<640xf32, #tpu.memory_space<hbm>>
      %dma_wait3A_165 = tpu.memref_slice %arg5[%arg0, %mul3A_158] : memref<2x10240xf32, #tpu.memory_space<hbm>> -> memref<1x640xf32, #tpu.memory_space<hbm>>
      %dma_wait3A_166 = tpu.memref_squeeze %dma_wait3A_165 : memref<1x640xf32, #tpu.memory_space<hbm>> -> memref<640xf32, #tpu.memory_space<hbm>>
      tpu.wait_dma2 semaphore(%run_scoped3A : memref<!tpu.dma_semaphore, #tpu.memory_space<semaphore_mem>>) src(%arg9 : memref<640xf32, #tpu.memory_space<vmem>>) dst(%dma_wait3A_166 : memref<640xf32, #tpu.memory_space<hbm>>)
      tpu.yield
    }) : () -> ()
    return
  }
}

#map = affine_map<(d0, d1) -> (0, 0)>
#map1 = affine_map<(d0, d1) -> (0, 0, 0)>
module attributes {stable_mosaic.version = 14 : i64} {
  func.func @body(%arg0: i32, %arg1: i32, %arg2: memref<10240x48xf32, #tpu.memory_space<hbm>>, %arg3: memref<32x108x96xi32, #tpu.memory_space<hbm>>, %arg4: memref<32x108x96xi32, #tpu.memory_space<hbm>>, %arg5: memref<2x10240x48xf32, #tpu.memory_space<hbm>>, %arg6: memref<108x96xi32, #tpu.memory_space<vmem>>, %arg7: memref<108x96xi32, #tpu.memory_space<vmem>>, %arg8: memref<96x48xf32, #tpu.memory_space<vmem>>, %arg9: memref<96x48xf32, #tpu.memory_space<vmem>>, %arg10: memref<96x48xf32, #tpu.memory_space<vmem>>, %arg11: memref<96x48xf32, #tpu.memory_space<vmem>>, %arg12: memref<10240x48xf32, #tpu.memory_space<vmem_shared>>, %arg13: memref<!tpu.dma_semaphore, #tpu.memory_space<semaphore_mem>>, %arg14: memref<!tpu.dma_semaphore, #tpu.memory_space<semaphore_mem>>, %arg15: memref<!tpu.dma_semaphore, #tpu.memory_space<semaphore_mem>>, %arg16: memref<!tpu.dma_semaphore, #tpu.memory_space<semaphore_mem>>, %arg17: memref<!tpu.dma_semaphore, #tpu.memory_space<semaphore_mem>>, %arg18: memref<!tpu.dma_semaphore, #tpu.memory_space<semaphore_mem>>, %arg19: memref<!tpu.dma_semaphore, #tpu.memory_space<semaphore_mem>>, %arg20: memref<!tpu.dma_semaphore, #tpu.memory_space<semaphore_mem>>) attributes {dimension_semantics = [#tpu.dimension_semantics<core_parallel>, #tpu.dimension_semantics<subcore_parallel>], iteration_bounds = array<i64: 2, 16>, scalar_prefetch = 0 : i64, scratch_operands = 15 : i64, tpu.core_type = #tpu.core_type<sc_vector_subcore>, window_params = [{transform_indices = #map}, {transform_indices = #map1}, {transform_indices = #map1}, {transform_indices = #map1}]} {
    %mul3A = arith.constant 16 : i32
    %mul3A_0 = arith.muli %arg0, %mul3A : i32
    %add3A = arith.addi %mul3A_0, %arg1 : i32
    "tpu.region"() ({
      %run_scoped3A = tpu.sem_alloc : memref<!tpu.dma_semaphore, #tpu.memory_space<semaphore_mem>>
      %dma_start3A_403 = arith.constant 0 : i32
      %dma_start3A_404 = arith.constant 0 : i32
      %dma_start3A_405 = tpu.memref_slice %arg3[%add3A, %dma_start3A_403, %dma_start3A_404] : memref<32x108x96xi32, #tpu.memory_space<hbm>> -> memref<1x108x96xi32, #tpu.memory_space<hbm>>
      %dma_start3A_406 = tpu.memref_squeeze %dma_start3A_405 : memref<1x108x96xi32, #tpu.memory_space<hbm>> -> memref<108x96xi32, #tpu.memory_space<hbm>>
      %dma_start3A_407 = arith.constant 0 : i32
      %dma_start3A_408 = arith.constant 0 : i32
      %dma_start3A_409 = tpu.memref_slice %arg3[%add3A, %dma_start3A_407, %dma_start3A_408] : memref<32x108x96xi32, #tpu.memory_space<hbm>> -> memref<1x108x96xi32, #tpu.memory_space<hbm>>
      %dma_start3A_410 = tpu.memref_squeeze %dma_start3A_409 : memref<1x108x96xi32, #tpu.memory_space<hbm>> -> memref<108x96xi32, #tpu.memory_space<hbm>>
      tpu.enqueue_dma source(%dma_start3A_410 : memref<108x96xi32, #tpu.memory_space<hbm>>) target(%arg6 : memref<108x96xi32, #tpu.memory_space<vmem>>) target_semaphore(%run_scoped3A : memref<!tpu.dma_semaphore, #tpu.memory_space<semaphore_mem>>)
      %dma_wait3A_411 = arith.constant 0 : i32
      %dma_wait3A_412 = arith.constant 0 : i32
      %dma_wait3A_413 = tpu.memref_slice %arg3[%add3A, %dma_wait3A_411, %dma_wait3A_412] : memref<32x108x96xi32, #tpu.memory_space<hbm>> -> memref<1x108x96xi32, #tpu.memory_space<hbm>>
      %dma_wait3A_414 = tpu.memref_squeeze %dma_wait3A_413 : memref<1x108x96xi32, #tpu.memory_space<hbm>> -> memref<108x96xi32, #tpu.memory_space<hbm>>
      %dma_wait3A_415 = arith.constant 0 : i32
      %dma_wait3A_416 = arith.constant 0 : i32
      %dma_wait3A_417 = tpu.memref_slice %arg3[%add3A, %dma_wait3A_415, %dma_wait3A_416] : memref<32x108x96xi32, #tpu.memory_space<hbm>> -> memref<1x108x96xi32, #tpu.memory_space<hbm>>
      %dma_wait3A_418 = tpu.memref_squeeze %dma_wait3A_417 : memref<1x108x96xi32, #tpu.memory_space<hbm>> -> memref<108x96xi32, #tpu.memory_space<hbm>>
      tpu.wait_dma2 semaphore(%run_scoped3A : memref<!tpu.dma_semaphore, #tpu.memory_space<semaphore_mem>>) src(%dma_wait3A_418 : memref<108x96xi32, #tpu.memory_space<hbm>>) dst(%arg6 : memref<108x96xi32, #tpu.memory_space<vmem>>)
      tpu.yield
    }) : () -> ()
    "tpu.region"() ({
      %run_scoped3A = tpu.sem_alloc : memref<!tpu.dma_semaphore, #tpu.memory_space<semaphore_mem>>
      %dma_start3A_403 = arith.constant 0 : i32
      %dma_start3A_404 = arith.constant 0 : i32
      %dma_start3A_405 = tpu.memref_slice %arg4[%add3A, %dma_start3A_403, %dma_start3A_404] : memref<32x108x96xi32, #tpu.memory_space<hbm>> -> memref<1x108x96xi32, #tpu.memory_space<hbm>>
      %dma_start3A_406 = tpu.memref_squeeze %dma_start3A_405 : memref<1x108x96xi32, #tpu.memory_space<hbm>> -> memref<108x96xi32, #tpu.memory_space<hbm>>
      %dma_start3A_407 = arith.constant 0 : i32
      %dma_start3A_408 = arith.constant 0 : i32
      %dma_start3A_409 = tpu.memref_slice %arg4[%add3A, %dma_start3A_407, %dma_start3A_408] : memref<32x108x96xi32, #tpu.memory_space<hbm>> -> memref<1x108x96xi32, #tpu.memory_space<hbm>>
      %dma_start3A_410 = tpu.memref_squeeze %dma_start3A_409 : memref<1x108x96xi32, #tpu.memory_space<hbm>> -> memref<108x96xi32, #tpu.memory_space<hbm>>
      tpu.enqueue_dma source(%dma_start3A_410 : memref<108x96xi32, #tpu.memory_space<hbm>>) target(%arg7 : memref<108x96xi32, #tpu.memory_space<vmem>>) target_semaphore(%run_scoped3A : memref<!tpu.dma_semaphore, #tpu.memory_space<semaphore_mem>>)
      %dma_wait3A_411 = arith.constant 0 : i32
      %dma_wait3A_412 = arith.constant 0 : i32
      %dma_wait3A_413 = tpu.memref_slice %arg4[%add3A, %dma_wait3A_411, %dma_wait3A_412] : memref<32x108x96xi32, #tpu.memory_space<hbm>> -> memref<1x108x96xi32, #tpu.memory_space<hbm>>
      %dma_wait3A_414 = tpu.memref_squeeze %dma_wait3A_413 : memref<1x108x96xi32, #tpu.memory_space<hbm>> -> memref<108x96xi32, #tpu.memory_space<hbm>>
      %dma_wait3A_415 = arith.constant 0 : i32
      %dma_wait3A_416 = arith.constant 0 : i32
      %dma_wait3A_417 = tpu.memref_slice %arg4[%add3A, %dma_wait3A_415, %dma_wait3A_416] : memref<32x108x96xi32, #tpu.memory_space<hbm>> -> memref<1x108x96xi32, #tpu.memory_space<hbm>>
      %dma_wait3A_418 = tpu.memref_squeeze %dma_wait3A_417 : memref<1x108x96xi32, #tpu.memory_space<hbm>> -> memref<108x96xi32, #tpu.memory_space<hbm>>
      tpu.wait_dma2 semaphore(%run_scoped3A : memref<!tpu.dma_semaphore, #tpu.memory_space<semaphore_mem>>) src(%dma_wait3A_418 : memref<108x96xi32, #tpu.memory_space<hbm>>) dst(%arg7 : memref<108x96xi32, #tpu.memory_space<vmem>>)
      tpu.yield
    }) : () -> ()
    %scan3A = arith.constant 0 : i32
    %scan3A_1 = arith.constant 0 : i32
    %scan3A_2 = arith.constant 96 : i32
    %scan3A_3 = arith.addi %scan3A_1, %scan3A_2 : i32
    %scan3A_4 = arith.constant 1 : i32
    scf.for %scan3A_403 = %scan3A_1 to %scan3A_3 step %scan3A_4  : i32 {
      %broadcast_in_dim3A = arith.constant 0.000000e+00 : f32
      %broadcast_in_dim3A_404 = vector.broadcast %broadcast_in_dim3A : f32 to vector<16xf32>
      %swap3A = arith.index_cast %scan3A_403 : i32 to index
      %swap3A_405 = arith.constant 0 : index
      %swap3A_406 = tpu.vector_load %arg8[%swap3A, %swap3A_405] {strides = array<i32>} : memref<96x48xf32, #tpu.memory_space<vmem>>, vector<1x16xf32>,
      %swap3A_407 = vector.shape_cast %swap3A_406 : vector<1x16xf32> to vector<16xf32>
      %swap3A_408 = vector.shape_cast %broadcast_in_dim3A_404 : vector<16xf32> to vector<1x16xf32>
      tpu.vector_store %arg8[%swap3A, %swap3A_405], %swap3A_408 {strides = array<i32>} : memref<96x48xf32, #tpu.memory_space<vmem>>, vector<1x16xf32>,
      %broadcast_in_dim3A_409 = arith.constant 0.000000e+00 : f32
      %broadcast_in_dim3A_410 = vector.broadcast %broadcast_in_dim3A_409 : f32 to vector<16xf32>
      %swap3A_411 = arith.index_cast %scan3A_403 : i32 to index
      %swap3A_412 = arith.constant 16 : index
      %swap3A_413 = tpu.vector_load %arg8[%swap3A_411, %swap3A_412] {strides = array<i32>} : memref<96x48xf32, #tpu.memory_space<vmem>>, vector<1x16xf32>,
      %swap3A_414 = vector.shape_cast %swap3A_413 : vector<1x16xf32> to vector<16xf32>
      %swap3A_415 = vector.shape_cast %broadcast_in_dim3A_410 : vector<16xf32> to vector<1x16xf32>
      tpu.vector_store %arg8[%swap3A_411, %swap3A_412], %swap3A_415 {strides = array<i32>} : memref<96x48xf32, #tpu.memory_space<vmem>>, vector<1x16xf32>,
      %broadcast_in_dim3A_416 = arith.constant 0.000000e+00 : f32
      %broadcast_in_dim3A_417 = vector.broadcast %broadcast_in_dim3A_416 : f32 to vector<16xf32>
      %swap3A_418 = arith.index_cast %scan3A_403 : i32 to index
      %swap3A_419 = arith.constant 32 : index
      %swap3A_420 = tpu.vector_load %arg8[%swap3A_418, %swap3A_419] {strides = array<i32>} : memref<96x48xf32, #tpu.memory_space<vmem>>, vector<1x16xf32>,
      %swap3A_421 = vector.shape_cast %swap3A_420 : vector<1x16xf32> to vector<16xf32>
      %swap3A_422 = vector.shape_cast %broadcast_in_dim3A_417 : vector<16xf32> to vector<1x16xf32>
      tpu.vector_store %arg8[%swap3A_418, %swap3A_419], %swap3A_422 {strides = array<i32>} : memref<96x48xf32, #tpu.memory_space<vmem>>, vector<1x16xf32>,
    }
    %scan3A_5 = arith.constant 96 : i32
    %mul3A_6 = arith.constant 640 : i32
    %mul3A_7 = arith.muli %arg1, %mul3A_6 : i32
    %add3A_8 = arith.constant 0 : i32
    %add3A_9 = arith.addi %mul3A_7, %add3A_8 : i32
    "tpu.region"() ({
      %run_scoped3A = tpu.sem_alloc : memref<!tpu.dma_semaphore, #tpu.memory_space<semaphore_mem>>
      %dma_start3A_403 = arith.constant 0 : i32
      %dma_start3A_404 = arith.constant 0 : i32
      %dma_start3A_405 = tpu.memref_slice %arg8[%dma_start3A_403, %dma_start3A_404] : memref<96x48xf32, #tpu.memory_space<vmem>> -> memref<96x48xf32, #tpu.memory_space<vmem>>
      %dma_start3A_406 = arith.constant 0 : i32
      %dma_start3A_407 = tpu.memref_slice %arg12[%add3A_9, %dma_start3A_406] : memref<10240x48xf32, #tpu.memory_space<vmem_shared>> -> memref<96x48xf32, #tpu.memory_space<vmem_shared>>
      %dma_start3A_408 = arith.constant 0 : i32
      %dma_start3A_409 = tpu.memref_slice %arg12[%add3A_9, %dma_start3A_408] : memref<10240x48xf32, #tpu.memory_space<vmem_shared>> -> memref<96x48xf32, #tpu.memory_space<vmem_shared>>
      %dma_start3A_410 = arith.constant 0 : i32
      %dma_start3A_411 = arith.constant 0 : i32
      %dma_start3A_412 = tpu.memref_slice %arg8[%dma_start3A_410, %dma_start3A_411] : memref<96x48xf32, #tpu.memory_space<vmem>> -> memref<96x48xf32, #tpu.memory_space<vmem>>
      tpu.enqueue_dma source(%dma_start3A_412 : memref<96x48xf32, #tpu.memory_space<vmem>>) target(%dma_start3A_409 : memref<96x48xf32, #tpu.memory_space<vmem_shared>>) target_semaphore(%run_scoped3A : memref<!tpu.dma_semaphore, #tpu.memory_space<semaphore_mem>>)
      %dma_wait3A_413 = arith.constant 0 : i32
      %dma_wait3A_414 = arith.constant 0 : i32
      %dma_wait3A_415 = tpu.memref_slice %arg8[%dma_wait3A_413, %dma_wait3A_414] : memref<96x48xf32, #tpu.memory_space<vmem>> -> memref<96x48xf32, #tpu.memory_space<vmem>>
      %dma_wait3A_416 = arith.constant 0 : i32
      %dma_wait3A_417 = tpu.memref_slice %arg12[%add3A_9, %dma_wait3A_416] : memref<10240x48xf32, #tpu.memory_space<vmem_shared>> -> memref<96x48xf32, #tpu.memory_space<vmem_shared>>
      %dma_wait3A_418 = arith.constant 0 : i32
      %dma_wait3A_419 = tpu.memref_slice %arg12[%add3A_9, %dma_wait3A_418] : memref<10240x48xf32, #tpu.memory_space<vmem_shared>> -> memref<96x48xf32, #tpu.memory_space<vmem_shared>>
      %dma_wait3A_420 = arith.constant 0 : i32
      %dma_wait3A_421 = arith.constant 0 : i32
      %dma_wait3A_422 = tpu.memref_slice %arg8[%dma_wait3A_420, %dma_wait3A_421] : memref<96x48xf32, #tpu.memory_space<vmem>> -> memref<96x48xf32, #tpu.memory_space<vmem>>
      tpu.wait_dma2 semaphore(%run_scoped3A : memref<!tpu.dma_semaphore, #tpu.memory_space<semaphore_mem>>) src(%dma_wait3A_422 : memref<96x48xf32, #tpu.memory_space<vmem>>) dst(%dma_wait3A_419 : memref<96x48xf32, #tpu.memory_space<vmem_shared>>)
      tpu.yield
    }) : () -> ()
    %mul3A_10 = arith.constant 640 : i32
    %mul3A_11 = arith.muli %arg1, %mul3A_10 : i32
    %add3A_12 = arith.constant 96 : i32
    %add3A_13 = arith.addi %mul3A_11, %add3A_12 : i32
    "tpu.region"() ({
      %run_scoped3A = tpu.sem_alloc : memref<!tpu.dma_semaphore, #tpu.memory_space<semaphore_mem>>
      %dma_start3A_403 = arith.constant 0 : i32
      %dma_start3A_404 = arith.constant 0 : i32
      %dma_start3A_405 = tpu.memref_slice %arg8[%dma_start3A_403, %dma_start3A_404] : memref<96x48xf32, #tpu.memory_space<vmem>> -> memref<96x48xf32, #tpu.memory_space<vmem>>
      %dma_start3A_406 = arith.constant 0 : i32
      %dma_start3A_407 = tpu.memref_slice %arg12[%add3A_13, %dma_start3A_406] : memref<10240x48xf32, #tpu.memory_space<vmem_shared>> -> memref<96x48xf32, #tpu.memory_space<vmem_shared>>
      %dma_start3A_408 = arith.constant 0 : i32
      %dma_start3A_409 = tpu.memref_slice %arg12[%add3A_13, %dma_start3A_408] : memref<10240x48xf32, #tpu.memory_space<vmem_shared>> -> memref<96x48xf32, #tpu.memory_space<vmem_shared>>
      %dma_start3A_410 = arith.constant 0 : i32
      %dma_start3A_411 = arith.constant 0 : i32
      %dma_start3A_412 = tpu.memref_slice %arg8[%dma_start3A_410, %dma_start3A_411] : memref<96x48xf32, #tpu.memory_space<vmem>> -> memref<96x48xf32, #tpu.memory_space<vmem>>
      tpu.enqueue_dma source(%dma_start3A_412 : memref<96x48xf32, #tpu.memory_space<vmem>>) target(%dma_start3A_409 : memref<96x48xf32, #tpu.memory_space<vmem_shared>>) target_semaphore(%run_scoped3A : memref<!tpu.dma_semaphore, #tpu.memory_space<semaphore_mem>>)
      %dma_wait3A_413 = arith.constant 0 : i32
      %dma_wait3A_414 = arith.constant 0 : i32
      %dma_wait3A_415 = tpu.memref_slice %arg8[%dma_wait3A_413, %dma_wait3A_414] : memref<96x48xf32, #tpu.memory_space<vmem>> -> memref<96x48xf32, #tpu.memory_space<vmem>>
      %dma_wait3A_416 = arith.constant 0 : i32
      %dma_wait3A_417 = tpu.memref_slice %arg12[%add3A_13, %dma_wait3A_416] : memref<10240x48xf32, #tpu.memory_space<vmem_shared>> -> memref<96x48xf32, #tpu.memory_space<vmem_shared>>
      %dma_wait3A_418 = arith.constant 0 : i32
      %dma_wait3A_419 = tpu.memref_slice %arg12[%add3A_13, %dma_wait3A_418] : memref<10240x48xf32, #tpu.memory_space<vmem_shared>> -> memref<96x48xf32, #tpu.memory_space<vmem_shared>>
      %dma_wait3A_420 = arith.constant 0 : i32
      %dma_wait3A_421 = arith.constant 0 : i32
      %dma_wait3A_422 = tpu.memref_slice %arg8[%dma_wait3A_420, %dma_wait3A_421] : memref<96x48xf32, #tpu.memory_space<vmem>> -> memref<96x48xf32, #tpu.memory_space<vmem>>
      tpu.wait_dma2 semaphore(%run_scoped3A : memref<!tpu.dma_semaphore, #tpu.memory_space<semaphore_mem>>) src(%dma_wait3A_422 : memref<96x48xf32, #tpu.memory_space<vmem>>) dst(%dma_wait3A_419 : memref<96x48xf32, #tpu.memory_space<vmem_shared>>)
      tpu.yield
    }) : () -> ()
    %mul3A_14 = arith.constant 640 : i32
    %mul3A_15 = arith.muli %arg1, %mul3A_14 : i32
    %add3A_16 = arith.constant 192 : i32
    %add3A_17 = arith.addi %mul3A_15, %add3A_16 : i32
    "tpu.region"() ({
      %run_scoped3A = tpu.sem_alloc : memref<!tpu.dma_semaphore, #tpu.memory_space<semaphore_mem>>
      %dma_start3A_403 = arith.constant 0 : i32
      %dma_start3A_404 = arith.constant 0 : i32
      %dma_start3A_405 = tpu.memref_slice %arg8[%dma_start3A_403, %dma_start3A_404] : memref<96x48xf32, #tpu.memory_space<vmem>> -> memref<96x48xf32, #tpu.memory_space<vmem>>
      %dma_start3A_406 = arith.constant 0 : i32
      %dma_start3A_407 = tpu.memref_slice %arg12[%add3A_17, %dma_start3A_406] : memref<10240x48xf32, #tpu.memory_space<vmem_shared>> -> memref<96x48xf32, #tpu.memory_space<vmem_shared>>
      %dma_start3A_408 = arith.constant 0 : i32
      %dma_start3A_409 = tpu.memref_slice %arg12[%add3A_17, %dma_start3A_408] : memref<10240x48xf32, #tpu.memory_space<vmem_shared>> -> memref<96x48xf32, #tpu.memory_space<vmem_shared>>
      %dma_start3A_410 = arith.constant 0 : i32
      %dma_start3A_411 = arith.constant 0 : i32
      %dma_start3A_412 = tpu.memref_slice %arg8[%dma_start3A_410, %dma_start3A_411] : memref<96x48xf32, #tpu.memory_space<vmem>> -> memref<96x48xf32, #tpu.memory_space<vmem>>
      tpu.enqueue_dma source(%dma_start3A_412 : memref<96x48xf32, #tpu.memory_space<vmem>>) target(%dma_start3A_409 : memref<96x48xf32, #tpu.memory_space<vmem_shared>>) target_semaphore(%run_scoped3A : memref<!tpu.dma_semaphore, #tpu.memory_space<semaphore_mem>>)
      %dma_wait3A_413 = arith.constant 0 : i32
      %dma_wait3A_414 = arith.constant 0 : i32
      %dma_wait3A_415 = tpu.memref_slice %arg8[%dma_wait3A_413, %dma_wait3A_414] : memref<96x48xf32, #tpu.memory_space<vmem>> -> memref<96x48xf32, #tpu.memory_space<vmem>>
      %dma_wait3A_416 = arith.constant 0 : i32
      %dma_wait3A_417 = tpu.memref_slice %arg12[%add3A_17, %dma_wait3A_416] : memref<10240x48xf32, #tpu.memory_space<vmem_shared>> -> memref<96x48xf32, #tpu.memory_space<vmem_shared>>
      %dma_wait3A_418 = arith.constant 0 : i32
      %dma_wait3A_419 = tpu.memref_slice %arg12[%add3A_17, %dma_wait3A_418] : memref<10240x48xf32, #tpu.memory_space<vmem_shared>> -> memref<96x48xf32, #tpu.memory_space<vmem_shared>>
      %dma_wait3A_420 = arith.constant 0 : i32
      %dma_wait3A_421 = arith.constant 0 : i32
      %dma_wait3A_422 = tpu.memref_slice %arg8[%dma_wait3A_420, %dma_wait3A_421] : memref<96x48xf32, #tpu.memory_space<vmem>> -> memref<96x48xf32, #tpu.memory_space<vmem>>
      tpu.wait_dma2 semaphore(%run_scoped3A : memref<!tpu.dma_semaphore, #tpu.memory_space<semaphore_mem>>) src(%dma_wait3A_422 : memref<96x48xf32, #tpu.memory_space<vmem>>) dst(%dma_wait3A_419 : memref<96x48xf32, #tpu.memory_space<vmem_shared>>)
      tpu.yield
    }) : () -> ()
    %mul3A_18 = arith.constant 640 : i32
    %mul3A_19 = arith.muli %arg1, %mul3A_18 : i32
    %add3A_20 = arith.constant 288 : i32
    %add3A_21 = arith.addi %mul3A_19, %add3A_20 : i32
    "tpu.region"() ({
      %run_scoped3A = tpu.sem_alloc : memref<!tpu.dma_semaphore, #tpu.memory_space<semaphore_mem>>
      %dma_start3A_403 = arith.constant 0 : i32
      %dma_start3A_404 = arith.constant 0 : i32
      %dma_start3A_405 = tpu.memref_slice %arg8[%dma_start3A_403, %dma_start3A_404] : memref<96x48xf32, #tpu.memory_space<vmem>> -> memref<96x48xf32, #tpu.memory_space<vmem>>
      %dma_start3A_406 = arith.constant 0 : i32
      %dma_start3A_407 = tpu.memref_slice %arg12[%add3A_21, %dma_start3A_406] : memref<10240x48xf32, #tpu.memory_space<vmem_shared>> -> memref<96x48xf32, #tpu.memory_space<vmem_shared>>
      %dma_start3A_408 = arith.constant 0 : i32
      %dma_start3A_409 = tpu.memref_slice %arg12[%add3A_21, %dma_start3A_408] : memref<10240x48xf32, #tpu.memory_space<vmem_shared>> -> memref<96x48xf32, #tpu.memory_space<vmem_shared>>
      %dma_start3A_410 = arith.constant 0 : i32
      %dma_start3A_411 = arith.constant 0 : i32
      %dma_start3A_412 = tpu.memref_slice %arg8[%dma_start3A_410, %dma_start3A_411] : memref<96x48xf32, #tpu.memory_space<vmem>> -> memref<96x48xf32, #tpu.memory_space<vmem>>
      tpu.enqueue_dma source(%dma_start3A_412 : memref<96x48xf32, #tpu.memory_space<vmem>>) target(%dma_start3A_409 : memref<96x48xf32, #tpu.memory_space<vmem_shared>>) target_semaphore(%run_scoped3A : memref<!tpu.dma_semaphore, #tpu.memory_space<semaphore_mem>>)
      %dma_wait3A_413 = arith.constant 0 : i32
      %dma_wait3A_414 = arith.constant 0 : i32
      %dma_wait3A_415 = tpu.memref_slice %arg8[%dma_wait3A_413, %dma_wait3A_414] : memref<96x48xf32, #tpu.memory_space<vmem>> -> memref<96x48xf32, #tpu.memory_space<vmem>>
      %dma_wait3A_416 = arith.constant 0 : i32
      %dma_wait3A_417 = tpu.memref_slice %arg12[%add3A_21, %dma_wait3A_416] : memref<10240x48xf32, #tpu.memory_space<vmem_shared>> -> memref<96x48xf32, #tpu.memory_space<vmem_shared>>
      %dma_wait3A_418 = arith.constant 0 : i32
      %dma_wait3A_419 = tpu.memref_slice %arg12[%add3A_21, %dma_wait3A_418] : memref<10240x48xf32, #tpu.memory_space<vmem_shared>> -> memref<96x48xf32, #tpu.memory_space<vmem_shared>>
      %dma_wait3A_420 = arith.constant 0 : i32
      %dma_wait3A_421 = arith.constant 0 : i32
      %dma_wait3A_422 = tpu.memref_slice %arg8[%dma_wait3A_420, %dma_wait3A_421] : memref<96x48xf32, #tpu.memory_space<vmem>> -> memref<96x48xf32, #tpu.memory_space<vmem>>
      tpu.wait_dma2 semaphore(%run_scoped3A : memref<!tpu.dma_semaphore, #tpu.memory_space<semaphore_mem>>) src(%dma_wait3A_422 : memref<96x48xf32, #tpu.memory_space<vmem>>) dst(%dma_wait3A_419 : memref<96x48xf32, #tpu.memory_space<vmem_shared>>)
      tpu.yield
    }) : () -> ()
    %mul3A_22 = arith.constant 640 : i32
    %mul3A_23 = arith.muli %arg1, %mul3A_22 : i32
    %add3A_24 = arith.constant 384 : i32
    %add3A_25 = arith.addi %mul3A_23, %add3A_24 : i32
    "tpu.region"() ({
      %run_scoped3A = tpu.sem_alloc : memref<!tpu.dma_semaphore, #tpu.memory_space<semaphore_mem>>
      %dma_start3A_403 = arith.constant 0 : i32
      %dma_start3A_404 = arith.constant 0 : i32
      %dma_start3A_405 = tpu.memref_slice %arg8[%dma_start3A_403, %dma_start3A_404] : memref<96x48xf32, #tpu.memory_space<vmem>> -> memref<96x48xf32, #tpu.memory_space<vmem>>
      %dma_start3A_406 = arith.constant 0 : i32
      %dma_start3A_407 = tpu.memref_slice %arg12[%add3A_25, %dma_start3A_406] : memref<10240x48xf32, #tpu.memory_space<vmem_shared>> -> memref<96x48xf32, #tpu.memory_space<vmem_shared>>
      %dma_start3A_408 = arith.constant 0 : i32
      %dma_start3A_409 = tpu.memref_slice %arg12[%add3A_25, %dma_start3A_408] : memref<10240x48xf32, #tpu.memory_space<vmem_shared>> -> memref<96x48xf32, #tpu.memory_space<vmem_shared>>
      %dma_start3A_410 = arith.constant 0 : i32
      %dma_start3A_411 = arith.constant 0 : i32
      %dma_start3A_412 = tpu.memref_slice %arg8[%dma_start3A_410, %dma_start3A_411] : memref<96x48xf32, #tpu.memory_space<vmem>> -> memref<96x48xf32, #tpu.memory_space<vmem>>
      tpu.enqueue_dma source(%dma_start3A_412 : memref<96x48xf32, #tpu.memory_space<vmem>>) target(%dma_start3A_409 : memref<96x48xf32, #tpu.memory_space<vmem_shared>>) target_semaphore(%run_scoped3A : memref<!tpu.dma_semaphore, #tpu.memory_space<semaphore_mem>>)
      %dma_wait3A_413 = arith.constant 0 : i32
      %dma_wait3A_414 = arith.constant 0 : i32
      %dma_wait3A_415 = tpu.memref_slice %arg8[%dma_wait3A_413, %dma_wait3A_414] : memref<96x48xf32, #tpu.memory_space<vmem>> -> memref<96x48xf32, #tpu.memory_space<vmem>>
      %dma_wait3A_416 = arith.constant 0 : i32
      %dma_wait3A_417 = tpu.memref_slice %arg12[%add3A_25, %dma_wait3A_416] : memref<10240x48xf32, #tpu.memory_space<vmem_shared>> -> memref<96x48xf32, #tpu.memory_space<vmem_shared>>
      %dma_wait3A_418 = arith.constant 0 : i32
      %dma_wait3A_419 = tpu.memref_slice %arg12[%add3A_25, %dma_wait3A_418] : memref<10240x48xf32, #tpu.memory_space<vmem_shared>> -> memref<96x48xf32, #tpu.memory_space<vmem_shared>>
      %dma_wait3A_420 = arith.constant 0 : i32
      %dma_wait3A_421 = arith.constant 0 : i32
      %dma_wait3A_422 = tpu.memref_slice %arg8[%dma_wait3A_420, %dma_wait3A_421] : memref<96x48xf32, #tpu.memory_space<vmem>> -> memref<96x48xf32, #tpu.memory_space<vmem>>
      tpu.wait_dma2 semaphore(%run_scoped3A : memref<!tpu.dma_semaphore, #tpu.memory_space<semaphore_mem>>) src(%dma_wait3A_422 : memref<96x48xf32, #tpu.memory_space<vmem>>) dst(%dma_wait3A_419 : memref<96x48xf32, #tpu.memory_space<vmem_shared>>)
      tpu.yield
    }) : () -> ()
    %mul3A_26 = arith.constant 640 : i32
    %mul3A_27 = arith.muli %arg1, %mul3A_26 : i32
    %add3A_28 = arith.constant 480 : i32
    %add3A_29 = arith.addi %mul3A_27, %add3A_28 : i32
    "tpu.region"() ({
      %run_scoped3A = tpu.sem_alloc : memref<!tpu.dma_semaphore, #tpu.memory_space<semaphore_mem>>
      %dma_start3A_403 = arith.constant 0 : i32
      %dma_start3A_404 = arith.constant 0 : i32
      %dma_start3A_405 = tpu.memref_slice %arg8[%dma_start3A_403, %dma_start3A_404] : memref<96x48xf32, #tpu.memory_space<vmem>> -> memref<96x48xf32, #tpu.memory_space<vmem>>
      %dma_start3A_406 = arith.constant 0 : i32
      %dma_start3A_407 = tpu.memref_slice %arg12[%add3A_29, %dma_start3A_406] : memref<10240x48xf32, #tpu.memory_space<vmem_shared>> -> memref<96x48xf32, #tpu.memory_space<vmem_shared>>
      %dma_start3A_408 = arith.constant 0 : i32
      %dma_start3A_409 = tpu.memref_slice %arg12[%add3A_29, %dma_start3A_408] : memref<10240x48xf32, #tpu.memory_space<vmem_shared>> -> memref<96x48xf32, #tpu.memory_space<vmem_shared>>
      %dma_start3A_410 = arith.constant 0 : i32
      %dma_start3A_411 = arith.constant 0 : i32
      %dma_start3A_412 = tpu.memref_slice %arg8[%dma_start3A_410, %dma_start3A_411] : memref<96x48xf32, #tpu.memory_space<vmem>> -> memref<96x48xf32, #tpu.memory_space<vmem>>
      tpu.enqueue_dma source(%dma_start3A_412 : memref<96x48xf32, #tpu.memory_space<vmem>>) target(%dma_start3A_409 : memref<96x48xf32, #tpu.memory_space<vmem_shared>>) target_semaphore(%run_scoped3A : memref<!tpu.dma_semaphore, #tpu.memory_space<semaphore_mem>>)
      %dma_wait3A_413 = arith.constant 0 : i32
      %dma_wait3A_414 = arith.constant 0 : i32
      %dma_wait3A_415 = tpu.memref_slice %arg8[%dma_wait3A_413, %dma_wait3A_414] : memref<96x48xf32, #tpu.memory_space<vmem>> -> memref<96x48xf32, #tpu.memory_space<vmem>>
      %dma_wait3A_416 = arith.constant 0 : i32
      %dma_wait3A_417 = tpu.memref_slice %arg12[%add3A_29, %dma_wait3A_416] : memref<10240x48xf32, #tpu.memory_space<vmem_shared>> -> memref<96x48xf32, #tpu.memory_space<vmem_shared>>
      %dma_wait3A_418 = arith.constant 0 : i32
      %dma_wait3A_419 = tpu.memref_slice %arg12[%add3A_29, %dma_wait3A_418] : memref<10240x48xf32, #tpu.memory_space<vmem_shared>> -> memref<96x48xf32, #tpu.memory_space<vmem_shared>>
      %dma_wait3A_420 = arith.constant 0 : i32
      %dma_wait3A_421 = arith.constant 0 : i32
      %dma_wait3A_422 = tpu.memref_slice %arg8[%dma_wait3A_420, %dma_wait3A_421] : memref<96x48xf32, #tpu.memory_space<vmem>> -> memref<96x48xf32, #tpu.memory_space<vmem>>
      tpu.wait_dma2 semaphore(%run_scoped3A : memref<!tpu.dma_semaphore, #tpu.memory_space<semaphore_mem>>) src(%dma_wait3A_422 : memref<96x48xf32, #tpu.memory_space<vmem>>) dst(%dma_wait3A_419 : memref<96x48xf32, #tpu.memory_space<vmem_shared>>)
      tpu.yield
    }) : () -> ()
    %mul3A_30 = arith.constant 640 : i32
    %mul3A_31 = arith.muli %arg1, %mul3A_30 : i32
    %add3A_32 = arith.constant 576 : i32
    %add3A_33 = arith.addi %mul3A_31, %add3A_32 : i32
    "tpu.region"() ({
      %run_scoped3A = tpu.sem_alloc : memref<!tpu.dma_semaphore, #tpu.memory_space<semaphore_mem>>
      %dma_start3A_403 = arith.constant 0 : i32
      %dma_start3A_404 = arith.constant 0 : i32
      %dma_start3A_405 = tpu.memref_slice %arg8[%dma_start3A_403, %dma_start3A_404] : memref<96x48xf32, #tpu.memory_space<vmem>> -> memref<64x48xf32, #tpu.memory_space<vmem>>
      %dma_start3A_406 = arith.constant 0 : i32
      %dma_start3A_407 = tpu.memref_slice %arg12[%add3A_33, %dma_start3A_406] : memref<10240x48xf32, #tpu.memory_space<vmem_shared>> -> memref<64x48xf32, #tpu.memory_space<vmem_shared>>
      %dma_start3A_408 = arith.constant 0 : i32
      %dma_start3A_409 = tpu.memref_slice %arg12[%add3A_33, %dma_start3A_408] : memref<10240x48xf32, #tpu.memory_space<vmem_shared>> -> memref<64x48xf32, #tpu.memory_space<vmem_shared>>
      %dma_start3A_410 = arith.constant 0 : i32
      %dma_start3A_411 = arith.constant 0 : i32
      %dma_start3A_412 = tpu.memref_slice %arg8[%dma_start3A_410, %dma_start3A_411] : memref<96x48xf32, #tpu.memory_space<vmem>> -> memref<64x48xf32, #tpu.memory_space<vmem>>
      tpu.enqueue_dma source(%dma_start3A_412 : memref<64x48xf32, #tpu.memory_space<vmem>>) target(%dma_start3A_409 : memref<64x48xf32, #tpu.memory_space<vmem_shared>>) target_semaphore(%run_scoped3A : memref<!tpu.dma_semaphore, #tpu.memory_space<semaphore_mem>>)
      %dma_wait3A_413 = arith.constant 0 : i32
      %dma_wait3A_414 = arith.constant 0 : i32
      %dma_wait3A_415 = tpu.memref_slice %arg8[%dma_wait3A_413, %dma_wait3A_414] : memref<96x48xf32, #tpu.memory_space<vmem>> -> memref<64x48xf32, #tpu.memory_space<vmem>>
      %dma_wait3A_416 = arith.constant 0 : i32
      %dma_wait3A_417 = tpu.memref_slice %arg12[%add3A_33, %dma_wait3A_416] : memref<10240x48xf32, #tpu.memory_space<vmem_shared>> -> memref<64x48xf32, #tpu.memory_space<vmem_shared>>
      %dma_wait3A_418 = arith.constant 0 : i32
      %dma_wait3A_419 = tpu.memref_slice %arg12[%add3A_33, %dma_wait3A_418] : memref<10240x48xf32, #tpu.memory_space<vmem_shared>> -> memref<64x48xf32, #tpu.memory_space<vmem_shared>>
      %dma_wait3A_420 = arith.constant 0 : i32
      %dma_wait3A_421 = arith.constant 0 : i32
      %dma_wait3A_422 = tpu.memref_slice %arg8[%dma_wait3A_420, %dma_wait3A_421] : memref<96x48xf32, #tpu.memory_space<vmem>> -> memref<64x48xf32, #tpu.memory_space<vmem>>
      tpu.wait_dma2 semaphore(%run_scoped3A : memref<!tpu.dma_semaphore, #tpu.memory_space<semaphore_mem>>) src(%dma_wait3A_422 : memref<64x48xf32, #tpu.memory_space<vmem>>) dst(%dma_wait3A_419 : memref<64x48xf32, #tpu.memory_space<vmem_shared>>)
      tpu.yield
    }) : () -> ()
    %barrier3A = arith.constant 0 : index
    tpu.barrier barrier_id(%barrier3A)
    %dma_start3A = arith.constant 0 : i32
    %dma_start3A_34 = arith.constant 0 : i32
    %dma_start3A_35 = tpu.memref_slice %arg6[%dma_start3A, %dma_start3A_34] : memref<108x96xi32, #tpu.memory_space<vmem>> -> memref<1x96xi32, #tpu.memory_space<vmem>>
    %dma_start3A_36 = tpu.memref_squeeze %dma_start3A_35 : memref<1x96xi32, #tpu.memory_space<vmem>> -> memref<96xi32, #tpu.memory_space<vmem>>
    %dma_start3A_37 = arith.constant 0 : i32
    %dma_start3A_38 = arith.constant 0 : i32
    %dma_start3A_39 = tpu.memref_slice %arg2[%dma_start3A_37, %dma_start3A_38] : memref<10240x48xf32, #tpu.memory_space<hbm>> -> memref<10240x48xf32, #tpu.memory_space<hbm>>
    tpu.enqueue_indirect_dma source(%dma_start3A_39 : memref<10240x48xf32, #tpu.memory_space<hbm>>) target(%arg8 : memref<96x48xf32, #tpu.memory_space<vmem>>) offsets(%dma_start3A_36 : memref<96xi32, #tpu.memory_space<vmem>>) semaphore(%arg13 : memref<!tpu.dma_semaphore, #tpu.memory_space<semaphore_mem>>)
    %dma_start3A_40 = arith.constant 1 : i32
    %dma_start3A_41 = arith.constant 0 : i32
    %dma_start3A_42 = tpu.memref_slice %arg6[%dma_start3A_40, %dma_start3A_41] : memref<108x96xi32, #tpu.memory_space<vmem>> -> memref<1x96xi32, #tpu.memory_space<vmem>>
    %dma_start3A_43 = tpu.memref_squeeze %dma_start3A_42 : memref<1x96xi32, #tpu.memory_space<vmem>> -> memref<96xi32, #tpu.memory_space<vmem>>
    %dma_start3A_44 = arith.constant 0 : i32
    %dma_start3A_45 = arith.constant 0 : i32
    %dma_start3A_46 = tpu.memref_slice %arg2[%dma_start3A_44, %dma_start3A_45] : memref<10240x48xf32, #tpu.memory_space<hbm>> -> memref<10240x48xf32, #tpu.memory_space<hbm>>
    tpu.enqueue_indirect_dma source(%dma_start3A_46 : memref<10240x48xf32, #tpu.memory_space<hbm>>) target(%arg9 : memref<96x48xf32, #tpu.memory_space<vmem>>) offsets(%dma_start3A_43 : memref<96xi32, #tpu.memory_space<vmem>>) semaphore(%arg14 : memref<!tpu.dma_semaphore, #tpu.memory_space<semaphore_mem>>)
    %dma_start3A_47 = arith.constant 2 : i32
    %dma_start3A_48 = arith.constant 0 : i32
    %dma_start3A_49 = tpu.memref_slice %arg6[%dma_start3A_47, %dma_start3A_48] : memref<108x96xi32, #tpu.memory_space<vmem>> -> memref<1x96xi32, #tpu.memory_space<vmem>>
    %dma_start3A_50 = tpu.memref_squeeze %dma_start3A_49 : memref<1x96xi32, #tpu.memory_space<vmem>> -> memref<96xi32, #tpu.memory_space<vmem>>
    %dma_start3A_51 = arith.constant 0 : i32
    %dma_start3A_52 = arith.constant 0 : i32
    %dma_start3A_53 = tpu.memref_slice %arg2[%dma_start3A_51, %dma_start3A_52] : memref<10240x48xf32, #tpu.memory_space<hbm>> -> memref<10240x48xf32, #tpu.memory_space<hbm>>
    tpu.enqueue_indirect_dma source(%dma_start3A_53 : memref<10240x48xf32, #tpu.memory_space<hbm>>) target(%arg10 : memref<96x48xf32, #tpu.memory_space<vmem>>) offsets(%dma_start3A_50 : memref<96xi32, #tpu.memory_space<vmem>>) semaphore(%arg15 : memref<!tpu.dma_semaphore, #tpu.memory_space<semaphore_mem>>)
    %dma_wait3A = arith.constant 0 : i32
    %dma_wait3A_54 = arith.constant 0 : i32
    %dma_wait3A_55 = tpu.memref_slice %arg6[%dma_wait3A, %dma_wait3A_54] : memref<108x96xi32, #tpu.memory_space<vmem>> -> memref<1x96xi32, #tpu.memory_space<vmem>>
    %dma_wait3A_56 = tpu.memref_squeeze %dma_wait3A_55 : memref<1x96xi32, #tpu.memory_space<vmem>> -> memref<96xi32, #tpu.memory_space<vmem>>
    %dma_wait3A_57 = arith.constant 0 : i32
    %dma_wait3A_58 = arith.constant 0 : i32
    %dma_wait3A_59 = tpu.memref_slice %arg2[%dma_wait3A_57, %dma_wait3A_58] : memref<10240x48xf32, #tpu.memory_space<hbm>> -> memref<10240x48xf32, #tpu.memory_space<hbm>>
    tpu.wait_indirect_dma semaphore(%arg13 : memref<!tpu.dma_semaphore, #tpu.memory_space<semaphore_mem>>) src(%dma_wait3A_59 : memref<10240x48xf32, #tpu.memory_space<hbm>>) dst(%arg8 : memref<96x48xf32, #tpu.memory_space<vmem>>)
    %dma_start3A_60 = arith.constant 0 : i32
    %dma_start3A_61 = arith.constant 0 : i32
    %dma_start3A_62 = tpu.memref_slice %arg7[%dma_start3A_60, %dma_start3A_61] : memref<108x96xi32, #tpu.memory_space<vmem>> -> memref<1x96xi32, #tpu.memory_space<vmem>>
    %dma_start3A_63 = tpu.memref_squeeze %dma_start3A_62 : memref<1x96xi32, #tpu.memory_space<vmem>> -> memref<96xi32, #tpu.memory_space<vmem>>
    %dma_start3A_64 = arith.constant 0 : i32
    %dma_start3A_65 = arith.constant 0 : i32
    %dma_start3A_66 = tpu.memref_slice %arg12[%dma_start3A_64, %dma_start3A_65] : memref<10240x48xf32, #tpu.memory_space<vmem_shared>> -> memref<10240x48xf32, #tpu.memory_space<vmem_shared>>
    tpu.enqueue_indirect_dma source(%arg8 : memref<96x48xf32, #tpu.memory_space<vmem>>) target(%dma_start3A_66 : memref<10240x48xf32, #tpu.memory_space<vmem_shared>>) offsets(%dma_start3A_63 : memref<96xi32, #tpu.memory_space<vmem>>) semaphore(%arg17 : memref<!tpu.dma_semaphore, #tpu.memory_space<semaphore_mem>>) {add = true}
    %dma_start3A_67 = arith.constant 3 : i32
    %dma_start3A_68 = arith.constant 0 : i32
    %dma_start3A_69 = tpu.memref_slice %arg6[%dma_start3A_67, %dma_start3A_68] : memref<108x96xi32, #tpu.memory_space<vmem>> -> memref<1x96xi32, #tpu.memory_space<vmem>>
    %dma_start3A_70 = tpu.memref_squeeze %dma_start3A_69 : memref<1x96xi32, #tpu.memory_space<vmem>> -> memref<96xi32, #tpu.memory_space<vmem>>
    %dma_start3A_71 = arith.constant 0 : i32
    %dma_start3A_72 = arith.constant 0 : i32
    %dma_start3A_73 = tpu.memref_slice %arg2[%dma_start3A_71, %dma_start3A_72] : memref<10240x48xf32, #tpu.memory_space<hbm>> -> memref<10240x48xf32, #tpu.memory_space<hbm>>
    tpu.enqueue_indirect_dma source(%dma_start3A_73 : memref<10240x48xf32, #tpu.memory_space<hbm>>) target(%arg11 : memref<96x48xf32, #tpu.memory_space<vmem>>) offsets(%dma_start3A_70 : memref<96xi32, #tpu.memory_space<vmem>>) semaphore(%arg16 : memref<!tpu.dma_semaphore, #tpu.memory_space<semaphore_mem>>)
    %dma_wait3A_74 = arith.constant 1 : i32
    %dma_wait3A_75 = arith.constant 0 : i32
    %dma_wait3A_76 = tpu.memref_slice %arg6[%dma_wait3A_74, %dma_wait3A_75] : memref<108x96xi32, #tpu.memory_space<vmem>> -> memref<1x96xi32, #tpu.memory_space<vmem>>
    %dma_wait3A_77 = tpu.memref_squeeze %dma_wait3A_76 : memref<1x96xi32, #tpu.memory_space<vmem>> -> memref<96xi32, #tpu.memory_space<vmem>>
    %dma_wait3A_78 = arith.constant 0 : i32
    %dma_wait3A_79 = arith.constant 0 : i32
    %dma_wait3A_80 = tpu.memref_slice %arg2[%dma_wait3A_78, %dma_wait3A_79] : memref<10240x48xf32, #tpu.memory_space<hbm>> -> memref<10240x48xf32, #tpu.memory_space<hbm>>
    tpu.wait_indirect_dma semaphore(%arg14 : memref<!tpu.dma_semaphore, #tpu.memory_space<semaphore_mem>>) src(%dma_wait3A_80 : memref<10240x48xf32, #tpu.memory_space<hbm>>) dst(%arg9 : memref<96x48xf32, #tpu.memory_space<vmem>>)
    %dma_wait3A_81 = arith.constant 0 : i32
    %dma_wait3A_82 = arith.constant 0 : i32
    %dma_wait3A_83 = tpu.memref_slice %arg7[%dma_wait3A_81, %dma_wait3A_82] : memref<108x96xi32, #tpu.memory_space<vmem>> -> memref<1x96xi32, #tpu.memory_space<vmem>>
    %dma_wait3A_84 = tpu.memref_squeeze %dma_wait3A_83 : memref<1x96xi32, #tpu.memory_space<vmem>> -> memref<96xi32, #tpu.memory_space<vmem>>
    %dma_wait3A_85 = arith.constant 0 : i32
    %dma_wait3A_86 = arith.constant 0 : i32
    %dma_wait3A_87 = tpu.memref_slice %arg12[%dma_wait3A_85, %dma_wait3A_86] : memref<10240x48xf32, #tpu.memory_space<vmem_shared>> -> memref<10240x48xf32, #tpu.memory_space<vmem_shared>>
    tpu.wait_indirect_dma semaphore(%arg17 : memref<!tpu.dma_semaphore, #tpu.memory_space<semaphore_mem>>) src(%arg8 : memref<96x48xf32, #tpu.memory_space<vmem>>) dst(%dma_wait3A_87 : memref<10240x48xf32, #tpu.memory_space<vmem_shared>>)
    %dma_start3A_88 = arith.constant 1 : i32
    %dma_start3A_89 = arith.constant 0 : i32
    %dma_start3A_90 = tpu.memref_slice %arg7[%dma_start3A_88, %dma_start3A_89] : memref<108x96xi32, #tpu.memory_space<vmem>> -> memref<1x96xi32, #tpu.memory_space<vmem>>
    %dma_start3A_91 = tpu.memref_squeeze %dma_start3A_90 : memref<1x96xi32, #tpu.memory_space<vmem>> -> memref<96xi32, #tpu.memory_space<vmem>>
    %dma_start3A_92 = arith.constant 0 : i32
    %dma_start3A_93 = arith.constant 0 : i32
    %dma_start3A_94 = tpu.memref_slice %arg12[%dma_start3A_92, %dma_start3A_93] : memref<10240x48xf32, #tpu.memory_space<vmem_shared>> -> memref<10240x48xf32, #tpu.memory_space<vmem_shared>>
    tpu.enqueue_indirect_dma source(%arg9 : memref<96x48xf32, #tpu.memory_space<vmem>>) target(%dma_start3A_94 : memref<10240x48xf32, #tpu.memory_space<vmem_shared>>) offsets(%dma_start3A_91 : memref<96xi32, #tpu.memory_space<vmem>>) semaphore(%arg18 : memref<!tpu.dma_semaphore, #tpu.memory_space<semaphore_mem>>) {add = true}
    %dma_start3A_95 = arith.constant 4 : i32
    %dma_start3A_96 = arith.constant 0 : i32
    %dma_start3A_97 = tpu.memref_slice %arg6[%dma_start3A_95, %dma_start3A_96] : memref<108x96xi32, #tpu.memory_space<vmem>> -> memref<1x96xi32, #tpu.memory_space<vmem>>
    %dma_start3A_98 = tpu.memref_squeeze %dma_start3A_97 : memref<1x96xi32, #tpu.memory_space<vmem>> -> memref<96xi32, #tpu.memory_space<vmem>>
    %dma_start3A_99 = arith.constant 0 : i32
    %dma_start3A_100 = arith.constant 0 : i32
    %dma_start3A_101 = tpu.memref_slice %arg2[%dma_start3A_99, %dma_start3A_100] : memref<10240x48xf32, #tpu.memory_space<hbm>> -> memref<10240x48xf32, #tpu.memory_space<hbm>>
    tpu.enqueue_indirect_dma source(%dma_start3A_101 : memref<10240x48xf32, #tpu.memory_space<hbm>>) target(%arg8 : memref<96x48xf32, #tpu.memory_space<vmem>>) offsets(%dma_start3A_98 : memref<96xi32, #tpu.memory_space<vmem>>) semaphore(%arg13 : memref<!tpu.dma_semaphore, #tpu.memory_space<semaphore_mem>>)
    %dma_wait3A_102 = arith.constant 2 : i32
    %dma_wait3A_103 = arith.constant 0 : i32
    %dma_wait3A_104 = tpu.memref_slice %arg6[%dma_wait3A_102, %dma_wait3A_103] : memref<108x96xi32, #tpu.memory_space<vmem>> -> memref<1x96xi32, #tpu.memory_space<vmem>>
    %dma_wait3A_105 = tpu.memref_squeeze %dma_wait3A_104 : memref<1x96xi32, #tpu.memory_space<vmem>> -> memref<96xi32, #tpu.memory_space<vmem>>
    %dma_wait3A_106 = arith.constant 0 : i32
    %dma_wait3A_107 = arith.constant 0 : i32
    %dma_wait3A_108 = tpu.memref_slice %arg2[%dma_wait3A_106, %dma_wait3A_107] : memref<10240x48xf32, #tpu.memory_space<hbm>> -> memref<10240x48xf32, #tpu.memory_space<hbm>>
    tpu.wait_indirect_dma semaphore(%arg15 : memref<!tpu.dma_semaphore, #tpu.memory_space<semaphore_mem>>) src(%dma_wait3A_108 : memref<10240x48xf32, #tpu.memory_space<hbm>>) dst(%arg10 : memref<96x48xf32, #tpu.memory_space<vmem>>)
    %dma_wait3A_109 = arith.constant 1 : i32
    %dma_wait3A_110 = arith.constant 0 : i32
    %dma_wait3A_111 = tpu.memref_slice %arg7[%dma_wait3A_109, %dma_wait3A_110] : memref<108x96xi32, #tpu.memory_space<vmem>> -> memref<1x96xi32, #tpu.memory_space<vmem>>
    %dma_wait3A_112 = tpu.memref_squeeze %dma_wait3A_111 : memref<1x96xi32, #tpu.memory_space<vmem>> -> memref<96xi32, #tpu.memory_space<vmem>>
    %dma_wait3A_113 = arith.constant 0 : i32
    %dma_wait3A_114 = arith.constant 0 : i32
    %dma_wait3A_115 = tpu.memref_slice %arg12[%dma_wait3A_113, %dma_wait3A_114] : memref<10240x48xf32, #tpu.memory_space<vmem_shared>> -> memref<10240x48xf32, #tpu.memory_space<vmem_shared>>
    tpu.wait_indirect_dma semaphore(%arg18 : memref<!tpu.dma_semaphore, #tpu.memory_space<semaphore_mem>>) src(%arg9 : memref<96x48xf32, #tpu.memory_space<vmem>>) dst(%dma_wait3A_115 : memref<10240x48xf32, #tpu.memory_space<vmem_shared>>)
    %dma_start3A_116 = arith.constant 2 : i32
    %dma_start3A_117 = arith.constant 0 : i32
    %dma_start3A_118 = tpu.memref_slice %arg7[%dma_start3A_116, %dma_start3A_117] : memref<108x96xi32, #tpu.memory_space<vmem>> -> memref<1x96xi32, #tpu.memory_space<vmem>>
    %dma_start3A_119 = tpu.memref_squeeze %dma_start3A_118 : memref<1x96xi32, #tpu.memory_space<vmem>> -> memref<96xi32, #tpu.memory_space<vmem>>
    %dma_start3A_120 = arith.constant 0 : i32
    %dma_start3A_121 = arith.constant 0 : i32
    %dma_start3A_122 = tpu.memref_slice %arg12[%dma_start3A_120, %dma_start3A_121] : memref<10240x48xf32, #tpu.memory_space<vmem_shared>> -> memref<10240x48xf32, #tpu.memory_space<vmem_shared>>
    tpu.enqueue_indirect_dma source(%arg10 : memref<96x48xf32, #tpu.memory_space<vmem>>) target(%dma_start3A_122 : memref<10240x48xf32, #tpu.memory_space<vmem_shared>>) offsets(%dma_start3A_119 : memref<96xi32, #tpu.memory_space<vmem>>) semaphore(%arg19 : memref<!tpu.dma_semaphore, #tpu.memory_space<semaphore_mem>>) {add = true}
    %dma_start3A_123 = arith.constant 5 : i32
    %dma_start3A_124 = arith.constant 0 : i32
    %dma_start3A_125 = tpu.memref_slice %arg6[%dma_start3A_123, %dma_start3A_124] : memref<108x96xi32, #tpu.memory_space<vmem>> -> memref<1x96xi32, #tpu.memory_space<vmem>>
    %dma_start3A_126 = tpu.memref_squeeze %dma_start3A_125 : memref<1x96xi32, #tpu.memory_space<vmem>> -> memref<96xi32, #tpu.memory_space<vmem>>
    %dma_start3A_127 = arith.constant 0 : i32
    %dma_start3A_128 = arith.constant 0 : i32
    %dma_start3A_129 = tpu.memref_slice %arg2[%dma_start3A_127, %dma_start3A_128] : memref<10240x48xf32, #tpu.memory_space<hbm>> -> memref<10240x48xf32, #tpu.memory_space<hbm>>
    tpu.enqueue_indirect_dma source(%dma_start3A_129 : memref<10240x48xf32, #tpu.memory_space<hbm>>) target(%arg9 : memref<96x48xf32, #tpu.memory_space<vmem>>) offsets(%dma_start3A_126 : memref<96xi32, #tpu.memory_space<vmem>>) semaphore(%arg14 : memref<!tpu.dma_semaphore, #tpu.memory_space<semaphore_mem>>)
    %dma_wait3A_130 = arith.constant 3 : i32
    %dma_wait3A_131 = arith.constant 0 : i32
    %dma_wait3A_132 = tpu.memref_slice %arg6[%dma_wait3A_130, %dma_wait3A_131] : memref<108x96xi32, #tpu.memory_space<vmem>> -> memref<1x96xi32, #tpu.memory_space<vmem>>
    %dma_wait3A_133 = tpu.memref_squeeze %dma_wait3A_132 : memref<1x96xi32, #tpu.memory_space<vmem>> -> memref<96xi32, #tpu.memory_space<vmem>>
    %dma_wait3A_134 = arith.constant 0 : i32
    %dma_wait3A_135 = arith.constant 0 : i32
    %dma_wait3A_136 = tpu.memref_slice %arg2[%dma_wait3A_134, %dma_wait3A_135] : memref<10240x48xf32, #tpu.memory_space<hbm>> -> memref<10240x48xf32, #tpu.memory_space<hbm>>
    tpu.wait_indirect_dma semaphore(%arg16 : memref<!tpu.dma_semaphore, #tpu.memory_space<semaphore_mem>>) src(%dma_wait3A_136 : memref<10240x48xf32, #tpu.memory_space<hbm>>) dst(%arg11 : memref<96x48xf32, #tpu.memory_space<vmem>>)
    %dma_wait3A_137 = arith.constant 2 : i32
    %dma_wait3A_138 = arith.constant 0 : i32
    %dma_wait3A_139 = tpu.memref_slice %arg7[%dma_wait3A_137, %dma_wait3A_138] : memref<108x96xi32, #tpu.memory_space<vmem>> -> memref<1x96xi32, #tpu.memory_space<vmem>>
    %dma_wait3A_140 = tpu.memref_squeeze %dma_wait3A_139 : memref<1x96xi32, #tpu.memory_space<vmem>> -> memref<96xi32, #tpu.memory_space<vmem>>
    %dma_wait3A_141 = arith.constant 0 : i32
    %dma_wait3A_142 = arith.constant 0 : i32
    %dma_wait3A_143 = tpu.memref_slice %arg12[%dma_wait3A_141, %dma_wait3A_142] : memref<10240x48xf32, #tpu.memory_space<vmem_shared>> -> memref<10240x48xf32, #tpu.memory_space<vmem_shared>>
    tpu.wait_indirect_dma semaphore(%arg19 : memref<!tpu.dma_semaphore, #tpu.memory_space<semaphore_mem>>) src(%arg10 : memref<96x48xf32, #tpu.memory_space<vmem>>) dst(%dma_wait3A_143 : memref<10240x48xf32, #tpu.memory_space<vmem_shared>>)
    %dma_start3A_144 = arith.constant 3 : i32
    %dma_start3A_145 = arith.constant 0 : i32
    %dma_start3A_146 = tpu.memref_slice %arg7[%dma_start3A_144, %dma_start3A_145] : memref<108x96xi32, #tpu.memory_space<vmem>> -> memref<1x96xi32, #tpu.memory_space<vmem>>
    %dma_start3A_147 = tpu.memref_squeeze %dma_start3A_146 : memref<1x96xi32, #tpu.memory_space<vmem>> -> memref<96xi32, #tpu.memory_space<vmem>>
    %dma_start3A_148 = arith.constant 0 : i32
    %dma_start3A_149 = arith.constant 0 : i32
    %dma_start3A_150 = tpu.memref_slice %arg12[%dma_start3A_148, %dma_start3A_149] : memref<10240x48xf32, #tpu.memory_space<vmem_shared>> -> memref<10240x48xf32, #tpu.memory_space<vmem_shared>>
    tpu.enqueue_indirect_dma source(%arg11 : memref<96x48xf32, #tpu.memory_space<vmem>>) target(%dma_start3A_150 : memref<10240x48xf32, #tpu.memory_space<vmem_shared>>) offsets(%dma_start3A_147 : memref<96xi32, #tpu.memory_space<vmem>>) semaphore(%arg20 : memref<!tpu.dma_semaphore, #tpu.memory_space<semaphore_mem>>) {add = true}
    %dma_start3A_151 = arith.constant 6 : i32
    %dma_start3A_152 = arith.constant 0 : i32
    %dma_start3A_153 = tpu.memref_slice %arg6[%dma_start3A_151, %dma_start3A_152] : memref<108x96xi32, #tpu.memory_space<vmem>> -> memref<1x96xi32, #tpu.memory_space<vmem>>
    %dma_start3A_154 = tpu.memref_squeeze %dma_start3A_153 : memref<1x96xi32, #tpu.memory_space<vmem>> -> memref<96xi32, #tpu.memory_space<vmem>>
    %dma_start3A_155 = arith.constant 0 : i32
    %dma_start3A_156 = arith.constant 0 : i32
    %dma_start3A_157 = tpu.memref_slice %arg2[%dma_start3A_155, %dma_start3A_156] : memref<10240x48xf32, #tpu.memory_space<hbm>> -> memref<10240x48xf32, #tpu.memory_space<hbm>>
    tpu.enqueue_indirect_dma source(%dma_start3A_157 : memref<10240x48xf32, #tpu.memory_space<hbm>>) target(%arg10 : memref<96x48xf32, #tpu.memory_space<vmem>>) offsets(%dma_start3A_154 : memref<96xi32, #tpu.memory_space<vmem>>) semaphore(%arg15 : memref<!tpu.dma_semaphore, #tpu.memory_space<semaphore_mem>>)
    %scan3A_158 = arith.constant 0 : i32
    %scan3A_159 = arith.constant 1 : i32
    %scan3A_160 = arith.constant 24 : i32
    %scan3A_161 = arith.addi %scan3A_159, %scan3A_160 : i32
    %scan3A_162 = arith.constant 1 : i32
    scf.for %scan3A_403 = %scan3A_159 to %scan3A_161 step %scan3A_162  : i32 {
      %mul3A_404 = arith.constant 4 : i32
      %mul3A_405 = arith.muli %mul3A_404, %scan3A_403 : i32
      %add3A_406 = arith.constant 0 : i32
      %add3A_407 = arith.addi %mul3A_405, %add3A_406 : i32
      %dma_wait3A_408 = arith.constant 0 : i32
      %dma_wait3A_409 = tpu.memref_slice %arg6[%add3A_407, %dma_wait3A_408] : memref<108x96xi32, #tpu.memory_space<vmem>> -> memref<1x96xi32, #tpu.memory_space<vmem>>
      %dma_wait3A_410 = tpu.memref_squeeze %dma_wait3A_409 : memref<1x96xi32, #tpu.memory_space<vmem>> -> memref<96xi32, #tpu.memory_space<vmem>>
      %dma_wait3A_411 = arith.constant 0 : i32
      %dma_wait3A_412 = arith.constant 0 : i32
      %dma_wait3A_413 = tpu.memref_slice %arg2[%dma_wait3A_411, %dma_wait3A_412] : memref<10240x48xf32, #tpu.memory_space<hbm>> -> memref<10240x48xf32, #tpu.memory_space<hbm>>
      tpu.wait_indirect_dma semaphore(%arg13 : memref<!tpu.dma_semaphore, #tpu.memory_space<semaphore_mem>>) src(%dma_wait3A_413 : memref<10240x48xf32, #tpu.memory_space<hbm>>) dst(%arg8 : memref<96x48xf32, #tpu.memory_space<vmem>>)
      %sub3A = arith.constant 1 : i32
      %sub3A_414 = arith.subi %add3A_407, %sub3A : i32
      %dma_wait3A_415 = arith.constant 0 : i32
      %dma_wait3A_416 = tpu.memref_slice %arg7[%sub3A_414, %dma_wait3A_415] : memref<108x96xi32, #tpu.memory_space<vmem>> -> memref<1x96xi32, #tpu.memory_space<vmem>>
      %dma_wait3A_417 = tpu.memref_squeeze %dma_wait3A_416 : memref<1x96xi32, #tpu.memory_space<vmem>> -> memref<96xi32, #tpu.memory_space<vmem>>
      %dma_wait3A_418 = arith.constant 0 : i32
      %dma_wait3A_419 = arith.constant 0 : i32
      %dma_wait3A_420 = tpu.memref_slice %arg12[%dma_wait3A_418, %dma_wait3A_419] : memref<10240x48xf32, #tpu.memory_space<vmem_shared>> -> memref<10240x48xf32, #tpu.memory_space<vmem_shared>>
      tpu.wait_indirect_dma semaphore(%arg20 : memref<!tpu.dma_semaphore, #tpu.memory_space<semaphore_mem>>) src(%arg11 : memref<96x48xf32, #tpu.memory_space<vmem>>) dst(%dma_wait3A_420 : memref<10240x48xf32, #tpu.memory_space<vmem_shared>>)
      %dma_start3A_421 = arith.constant 0 : i32
      %dma_start3A_422 = tpu.memref_slice %arg7[%add3A_407, %dma_start3A_421] : memref<108x96xi32, #tpu.memory_space<vmem>> -> memref<1x96xi32, #tpu.memory_space<vmem>>
      %dma_start3A_423 = tpu.memref_squeeze %dma_start3A_422 : memref<1x96xi32, #tpu.memory_space<vmem>> -> memref<96xi32, #tpu.memory_space<vmem>>
      %dma_start3A_424 = arith.constant 0 : i32
      %dma_start3A_425 = arith.constant 0 : i32
      %dma_start3A_426 = tpu.memref_slice %arg12[%dma_start3A_424, %dma_start3A_425] : memref<10240x48xf32, #tpu.memory_space<vmem_shared>> -> memref<10240x48xf32, #tpu.memory_space<vmem_shared>>
      tpu.enqueue_indirect_dma source(%arg8 : memref<96x48xf32, #tpu.memory_space<vmem>>) target(%dma_start3A_426 : memref<10240x48xf32, #tpu.memory_space<vmem_shared>>) offsets(%dma_start3A_423 : memref<96xi32, #tpu.memory_space<vmem>>) semaphore(%arg17 : memref<!tpu.dma_semaphore, #tpu.memory_space<semaphore_mem>>) {add = true}
      %add3A_427 = arith.constant 3 : i32
      %add3A_428 = arith.addi %add3A_407, %add3A_427 : i32
      %dma_start3A_429 = arith.constant 0 : i32
      %dma_start3A_430 = tpu.memref_slice %arg6[%add3A_428, %dma_start3A_429] : memref<108x96xi32, #tpu.memory_space<vmem>> -> memref<1x96xi32, #tpu.memory_space<vmem>>
      %dma_start3A_431 = tpu.memref_squeeze %dma_start3A_430 : memref<1x96xi32, #tpu.memory_space<vmem>> -> memref<96xi32, #tpu.memory_space<vmem>>
      %dma_start3A_432 = arith.constant 0 : i32
      %dma_start3A_433 = arith.constant 0 : i32
      %dma_start3A_434 = tpu.memref_slice %arg2[%dma_start3A_432, %dma_start3A_433] : memref<10240x48xf32, #tpu.memory_space<hbm>> -> memref<10240x48xf32, #tpu.memory_space<hbm>>
      tpu.enqueue_indirect_dma source(%dma_start3A_434 : memref<10240x48xf32, #tpu.memory_space<hbm>>) target(%arg11 : memref<96x48xf32, #tpu.memory_space<vmem>>) offsets(%dma_start3A_431 : memref<96xi32, #tpu.memory_space<vmem>>) semaphore(%arg16 : memref<!tpu.dma_semaphore, #tpu.memory_space<semaphore_mem>>)
      %add3A_435 = arith.constant 1 : i32
      %add3A_436 = arith.addi %mul3A_405, %add3A_435 : i32
      %dma_wait3A_437 = arith.constant 0 : i32
      %dma_wait3A_438 = tpu.memref_slice %arg6[%add3A_436, %dma_wait3A_437] : memref<108x96xi32, #tpu.memory_space<vmem>> -> memref<1x96xi32, #tpu.memory_space<vmem>>
      %dma_wait3A_439 = tpu.memref_squeeze %dma_wait3A_438 : memref<1x96xi32, #tpu.memory_space<vmem>> -> memref<96xi32, #tpu.memory_space<vmem>>
      %dma_wait3A_440 = arith.constant 0 : i32
      %dma_wait3A_441 = arith.constant 0 : i32
      %dma_wait3A_442 = tpu.memref_slice %arg2[%dma_wait3A_440, %dma_wait3A_441] : memref<10240x48xf32, #tpu.memory_space<hbm>> -> memref<10240x48xf32, #tpu.memory_space<hbm>>
      tpu.wait_indirect_dma semaphore(%arg14 : memref<!tpu.dma_semaphore, #tpu.memory_space<semaphore_mem>>) src(%dma_wait3A_442 : memref<10240x48xf32, #tpu.memory_space<hbm>>) dst(%arg9 : memref<96x48xf32, #tpu.memory_space<vmem>>)
      %sub3A_443 = arith.constant 1 : i32
      %sub3A_444 = arith.subi %add3A_436, %sub3A_443 : i32
      %dma_wait3A_445 = arith.constant 0 : i32
      %dma_wait3A_446 = tpu.memref_slice %arg7[%sub3A_444, %dma_wait3A_445] : memref<108x96xi32, #tpu.memory_space<vmem>> -> memref<1x96xi32, #tpu.memory_space<vmem>>
      %dma_wait3A_447 = tpu.memref_squeeze %dma_wait3A_446 : memref<1x96xi32, #tpu.memory_space<vmem>> -> memref<96xi32, #tpu.memory_space<vmem>>
      %dma_wait3A_448 = arith.constant 0 : i32
      %dma_wait3A_449 = arith.constant 0 : i32
      %dma_wait3A_450 = tpu.memref_slice %arg12[%dma_wait3A_448, %dma_wait3A_449] : memref<10240x48xf32, #tpu.memory_space<vmem_shared>> -> memref<10240x48xf32, #tpu.memory_space<vmem_shared>>
      tpu.wait_indirect_dma semaphore(%arg17 : memref<!tpu.dma_semaphore, #tpu.memory_space<semaphore_mem>>) src(%arg8 : memref<96x48xf32, #tpu.memory_space<vmem>>) dst(%dma_wait3A_450 : memref<10240x48xf32, #tpu.memory_space<vmem_shared>>)
      %dma_start3A_451 = arith.constant 0 : i32
      %dma_start3A_452 = tpu.memref_slice %arg7[%add3A_436, %dma_start3A_451] : memref<108x96xi32, #tpu.memory_space<vmem>> -> memref<1x96xi32, #tpu.memory_space<vmem>>
      %dma_start3A_453 = tpu.memref_squeeze %dma_start3A_452 : memref<1x96xi32, #tpu.memory_space<vmem>> -> memref<96xi32, #tpu.memory_space<vmem>>
      %dma_start3A_454 = arith.constant 0 : i32
      %dma_start3A_455 = arith.constant 0 : i32
      %dma_start3A_456 = tpu.memref_slice %arg12[%dma_start3A_454, %dma_start3A_455] : memref<10240x48xf32, #tpu.memory_space<vmem_shared>> -> memref<10240x48xf32, #tpu.memory_space<vmem_shared>>
      tpu.enqueue_indirect_dma source(%arg9 : memref<96x48xf32, #tpu.memory_space<vmem>>) target(%dma_start3A_456 : memref<10240x48xf32, #tpu.memory_space<vmem_shared>>) offsets(%dma_start3A_453 : memref<96xi32, #tpu.memory_space<vmem>>) semaphore(%arg18 : memref<!tpu.dma_semaphore, #tpu.memory_space<semaphore_mem>>) {add = true}
      %add3A_457 = arith.constant 3 : i32
      %add3A_458 = arith.addi %add3A_436, %add3A_457 : i32
      %dma_start3A_459 = arith.constant 0 : i32
      %dma_start3A_460 = tpu.memref_slice %arg6[%add3A_458, %dma_start3A_459] : memref<108x96xi32, #tpu.memory_space<vmem>> -> memref<1x96xi32, #tpu.memory_space<vmem>>
      %dma_start3A_461 = tpu.memref_squeeze %dma_start3A_460 : memref<1x96xi32, #tpu.memory_space<vmem>> -> memref<96xi32, #tpu.memory_space<vmem>>
      %dma_start3A_462 = arith.constant 0 : i32
      %dma_start3A_463 = arith.constant 0 : i32
      %dma_start3A_464 = tpu.memref_slice %arg2[%dma_start3A_462, %dma_start3A_463] : memref<10240x48xf32, #tpu.memory_space<hbm>> -> memref<10240x48xf32, #tpu.memory_space<hbm>>
      tpu.enqueue_indirect_dma source(%dma_start3A_464 : memref<10240x48xf32, #tpu.memory_space<hbm>>) target(%arg8 : memref<96x48xf32, #tpu.memory_space<vmem>>) offsets(%dma_start3A_461 : memref<96xi32, #tpu.memory_space<vmem>>) semaphore(%arg13 : memref<!tpu.dma_semaphore, #tpu.memory_space<semaphore_mem>>)
      %add3A_465 = arith.constant 2 : i32
      %add3A_466 = arith.addi %mul3A_405, %add3A_465 : i32
      %dma_wait3A_467 = arith.constant 0 : i32
      %dma_wait3A_468 = tpu.memref_slice %arg6[%add3A_466, %dma_wait3A_467] : memref<108x96xi32, #tpu.memory_space<vmem>> -> memref<1x96xi32, #tpu.memory_space<vmem>>
      %dma_wait3A_469 = tpu.memref_squeeze %dma_wait3A_468 : memref<1x96xi32, #tpu.memory_space<vmem>> -> memref<96xi32, #tpu.memory_space<vmem>>
      %dma_wait3A_470 = arith.constant 0 : i32
      %dma_wait3A_471 = arith.constant 0 : i32
      %dma_wait3A_472 = tpu.memref_slice %arg2[%dma_wait3A_470, %dma_wait3A_471] : memref<10240x48xf32, #tpu.memory_space<hbm>> -> memref<10240x48xf32, #tpu.memory_space<hbm>>
      tpu.wait_indirect_dma semaphore(%arg15 : memref<!tpu.dma_semaphore, #tpu.memory_space<semaphore_mem>>) src(%dma_wait3A_472 : memref<10240x48xf32, #tpu.memory_space<hbm>>) dst(%arg10 : memref<96x48xf32, #tpu.memory_space<vmem>>)
      %sub3A_473 = arith.constant 1 : i32
      %sub3A_474 = arith.subi %add3A_466, %sub3A_473 : i32
      %dma_wait3A_475 = arith.constant 0 : i32
      %dma_wait3A_476 = tpu.memref_slice %arg7[%sub3A_474, %dma_wait3A_475] : memref<108x96xi32, #tpu.memory_space<vmem>> -> memref<1x96xi32, #tpu.memory_space<vmem>>
      %dma_wait3A_477 = tpu.memref_squeeze %dma_wait3A_476 : memref<1x96xi32, #tpu.memory_space<vmem>> -> memref<96xi32, #tpu.memory_space<vmem>>
      %dma_wait3A_478 = arith.constant 0 : i32
      %dma_wait3A_479 = arith.constant 0 : i32
      %dma_wait3A_480 = tpu.memref_slice %arg12[%dma_wait3A_478, %dma_wait3A_479] : memref<10240x48xf32, #tpu.memory_space<vmem_shared>> -> memref<10240x48xf32, #tpu.memory_space<vmem_shared>>
      tpu.wait_indirect_dma semaphore(%arg18 : memref<!tpu.dma_semaphore, #tpu.memory_space<semaphore_mem>>) src(%arg9 : memref<96x48xf32, #tpu.memory_space<vmem>>) dst(%dma_wait3A_480 : memref<10240x48xf32, #tpu.memory_space<vmem_shared>>)
      %dma_start3A_481 = arith.constant 0 : i32
      %dma_start3A_482 = tpu.memref_slice %arg7[%add3A_466, %dma_start3A_481] : memref<108x96xi32, #tpu.memory_space<vmem>> -> memref<1x96xi32, #tpu.memory_space<vmem>>
      %dma_start3A_483 = tpu.memref_squeeze %dma_start3A_482 : memref<1x96xi32, #tpu.memory_space<vmem>> -> memref<96xi32, #tpu.memory_space<vmem>>
      %dma_start3A_484 = arith.constant 0 : i32
      %dma_start3A_485 = arith.constant 0 : i32
      %dma_start3A_486 = tpu.memref_slice %arg12[%dma_start3A_484, %dma_start3A_485] : memref<10240x48xf32, #tpu.memory_space<vmem_shared>> -> memref<10240x48xf32, #tpu.memory_space<vmem_shared>>
      tpu.enqueue_indirect_dma source(%arg10 : memref<96x48xf32, #tpu.memory_space<vmem>>) target(%dma_start3A_486 : memref<10240x48xf32, #tpu.memory_space<vmem_shared>>) offsets(%dma_start3A_483 : memref<96xi32, #tpu.memory_space<vmem>>) semaphore(%arg19 : memref<!tpu.dma_semaphore, #tpu.memory_space<semaphore_mem>>) {add = true}
      %add3A_487 = arith.constant 3 : i32
      %add3A_488 = arith.addi %add3A_466, %add3A_487 : i32
      %dma_start3A_489 = arith.constant 0 : i32
      %dma_start3A_490 = tpu.memref_slice %arg6[%add3A_488, %dma_start3A_489] : memref<108x96xi32, #tpu.memory_space<vmem>> -> memref<1x96xi32, #tpu.memory_space<vmem>>
      %dma_start3A_491 = tpu.memref_squeeze %dma_start3A_490 : memref<1x96xi32, #tpu.memory_space<vmem>> -> memref<96xi32, #tpu.memory_space<vmem>>
      %dma_start3A_492 = arith.constant 0 : i32
      %dma_start3A_493 = arith.constant 0 : i32
      %dma_start3A_494 = tpu.memref_slice %arg2[%dma_start3A_492, %dma_start3A_493] : memref<10240x48xf32, #tpu.memory_space<hbm>> -> memref<10240x48xf32, #tpu.memory_space<hbm>>
      tpu.enqueue_indirect_dma source(%dma_start3A_494 : memref<10240x48xf32, #tpu.memory_space<hbm>>) target(%arg9 : memref<96x48xf32, #tpu.memory_space<vmem>>) offsets(%dma_start3A_491 : memref<96xi32, #tpu.memory_space<vmem>>) semaphore(%arg14 : memref<!tpu.dma_semaphore, #tpu.memory_space<semaphore_mem>>)
      %add3A_495 = arith.constant 3 : i32
      %add3A_496 = arith.addi %mul3A_405, %add3A_495 : i32
      %dma_wait3A_497 = arith.constant 0 : i32
      %dma_wait3A_498 = tpu.memref_slice %arg6[%add3A_496, %dma_wait3A_497] : memref<108x96xi32, #tpu.memory_space<vmem>> -> memref<1x96xi32, #tpu.memory_space<vmem>>
      %dma_wait3A_499 = tpu.memref_squeeze %dma_wait3A_498 : memref<1x96xi32, #tpu.memory_space<vmem>> -> memref<96xi32, #tpu.memory_space<vmem>>
      %dma_wait3A_500 = arith.constant 0 : i32
      %dma_wait3A_501 = arith.constant 0 : i32
      %dma_wait3A_502 = tpu.memref_slice %arg2[%dma_wait3A_500, %dma_wait3A_501] : memref<10240x48xf32, #tpu.memory_space<hbm>> -> memref<10240x48xf32, #tpu.memory_space<hbm>>
      tpu.wait_indirect_dma semaphore(%arg16 : memref<!tpu.dma_semaphore, #tpu.memory_space<semaphore_mem>>) src(%dma_wait3A_502 : memref<10240x48xf32, #tpu.memory_space<hbm>>) dst(%arg11 : memref<96x48xf32, #tpu.memory_space<vmem>>)
      %sub3A_503 = arith.constant 1 : i32
      %sub3A_504 = arith.subi %add3A_496, %sub3A_503 : i32
      %dma_wait3A_505 = arith.constant 0 : i32
      %dma_wait3A_506 = tpu.memref_slice %arg7[%sub3A_504, %dma_wait3A_505] : memref<108x96xi32, #tpu.memory_space<vmem>> -> memref<1x96xi32, #tpu.memory_space<vmem>>
      %dma_wait3A_507 = tpu.memref_squeeze %dma_wait3A_506 : memref<1x96xi32, #tpu.memory_space<vmem>> -> memref<96xi32, #tpu.memory_space<vmem>>
      %dma_wait3A_508 = arith.constant 0 : i32
      %dma_wait3A_509 = arith.constant 0 : i32
      %dma_wait3A_510 = tpu.memref_slice %arg12[%dma_wait3A_508, %dma_wait3A_509] : memref<10240x48xf32, #tpu.memory_space<vmem_shared>> -> memref<10240x48xf32, #tpu.memory_space<vmem_shared>>
      tpu.wait_indirect_dma semaphore(%arg19 : memref<!tpu.dma_semaphore, #tpu.memory_space<semaphore_mem>>) src(%arg10 : memref<96x48xf32, #tpu.memory_space<vmem>>) dst(%dma_wait3A_510 : memref<10240x48xf32, #tpu.memory_space<vmem_shared>>)
      %dma_start3A_511 = arith.constant 0 : i32
      %dma_start3A_512 = tpu.memref_slice %arg7[%add3A_496, %dma_start3A_511] : memref<108x96xi32, #tpu.memory_space<vmem>> -> memref<1x96xi32, #tpu.memory_space<vmem>>
      %dma_start3A_513 = tpu.memref_squeeze %dma_start3A_512 : memref<1x96xi32, #tpu.memory_space<vmem>> -> memref<96xi32, #tpu.memory_space<vmem>>
      %dma_start3A_514 = arith.constant 0 : i32
      %dma_start3A_515 = arith.constant 0 : i32
      %dma_start3A_516 = tpu.memref_slice %arg12[%dma_start3A_514, %dma_start3A_515] : memref<10240x48xf32, #tpu.memory_space<vmem_shared>> -> memref<10240x48xf32, #tpu.memory_space<vmem_shared>>
      tpu.enqueue_indirect_dma source(%arg11 : memref<96x48xf32, #tpu.memory_space<vmem>>) target(%dma_start3A_516 : memref<10240x48xf32, #tpu.memory_space<vmem_shared>>) offsets(%dma_start3A_513 : memref<96xi32, #tpu.memory_space<vmem>>) semaphore(%arg20 : memref<!tpu.dma_semaphore, #tpu.memory_space<semaphore_mem>>) {add = true}
      %add3A_517 = arith.constant 3 : i32
      %add3A_518 = arith.addi %add3A_496, %add3A_517 : i32
      %dma_start3A_519 = arith.constant 0 : i32
      %dma_start3A_520 = tpu.memref_slice %arg6[%add3A_518, %dma_start3A_519] : memref<108x96xi32, #tpu.memory_space<vmem>> -> memref<1x96xi32, #tpu.memory_space<vmem>>
      %dma_start3A_521 = tpu.memref_squeeze %dma_start3A_520 : memref<1x96xi32, #tpu.memory_space<vmem>> -> memref<96xi32, #tpu.memory_space<vmem>>
      %dma_start3A_522 = arith.constant 0 : i32
      %dma_start3A_523 = arith.constant 0 : i32
      %dma_start3A_524 = tpu.memref_slice %arg2[%dma_start3A_522, %dma_start3A_523] : memref<10240x48xf32, #tpu.memory_space<hbm>> -> memref<10240x48xf32, #tpu.memory_space<hbm>>
      tpu.enqueue_indirect_dma source(%dma_start3A_524 : memref<10240x48xf32, #tpu.memory_space<hbm>>) target(%arg10 : memref<96x48xf32, #tpu.memory_space<vmem>>) offsets(%dma_start3A_521 : memref<96xi32, #tpu.memory_space<vmem>>) semaphore(%arg15 : memref<!tpu.dma_semaphore, #tpu.memory_space<semaphore_mem>>)
    }
    %scan3A_163 = arith.constant 24 : i32
    %dma_wait3A_164 = arith.constant 100 : i32
    %dma_wait3A_165 = arith.constant 0 : i32
    %dma_wait3A_166 = tpu.memref_slice %arg6[%dma_wait3A_164, %dma_wait3A_165] : memref<108x96xi32, #tpu.memory_space<vmem>> -> memref<1x96xi32, #tpu.memory_space<vmem>>
    %dma_wait3A_167 = tpu.memref_squeeze %dma_wait3A_166 : memref<1x96xi32, #tpu.memory_space<vmem>> -> memref<96xi32, #tpu.memory_space<vmem>>
    %dma_wait3A_168 = arith.constant 0 : i32
    %dma_wait3A_169 = arith.constant 0 : i32
    %dma_wait3A_170 = tpu.memref_slice %arg2[%dma_wait3A_168, %dma_wait3A_169] : memref<10240x48xf32, #tpu.memory_space<hbm>> -> memref<10240x48xf32, #tpu.memory_space<hbm>>
    tpu.wait_indirect_dma semaphore(%arg13 : memref<!tpu.dma_semaphore, #tpu.memory_space<semaphore_mem>>) src(%dma_wait3A_170 : memref<10240x48xf32, #tpu.memory_space<hbm>>) dst(%arg8 : memref<96x48xf32, #tpu.memory_space<vmem>>)
    %dma_wait3A_171 = arith.constant 99 : i32
    %dma_wait3A_172 = arith.constant 0 : i32
    %dma_wait3A_173 = tpu.memref_slice %arg7[%dma_wait3A_171, %dma_wait3A_172] : memref<108x96xi32, #tpu.memory_space<vmem>> -> memref<1x96xi32, #tpu.memory_space<vmem>>
    %dma_wait3A_174 = tpu.memref_squeeze %dma_wait3A_173 : memref<1x96xi32, #tpu.memory_space<vmem>> -> memref<96xi32, #tpu.memory_space<vmem>>
    %dma_wait3A_175 = arith.constant 0 : i32
    %dma_wait3A_176 = arith.constant 0 : i32
    %dma_wait3A_177 = tpu.memref_slice %arg12[%dma_wait3A_175, %dma_wait3A_176] : memref<10240x48xf32, #tpu.memory_space<vmem_shared>> -> memref<10240x48xf32, #tpu.memory_space<vmem_shared>>
    tpu.wait_indirect_dma semaphore(%arg20 : memref<!tpu.dma_semaphore, #tpu.memory_space<semaphore_mem>>) src(%arg11 : memref<96x48xf32, #tpu.memory_space<vmem>>) dst(%dma_wait3A_177 : memref<10240x48xf32, #tpu.memory_space<vmem_shared>>)
    %dma_start3A_178 = arith.constant 100 : i32
    %dma_start3A_179 = arith.constant 0 : i32
    %dma_start3A_180 = tpu.memref_slice %arg7[%dma_start3A_178, %dma_start3A_179] : memref<108x96xi32, #tpu.memory_space<vmem>> -> memref<1x96xi32, #tpu.memory_space<vmem>>
    %dma_start3A_181 = tpu.memref_squeeze %dma_start3A_180 : memref<1x96xi32, #tpu.memory_space<vmem>> -> memref<96xi32, #tpu.memory_space<vmem>>
    %dma_start3A_182 = arith.constant 0 : i32
    %dma_start3A_183 = arith.constant 0 : i32
    %dma_start3A_184 = tpu.memref_slice %arg12[%dma_start3A_182, %dma_start3A_183] : memref<10240x48xf32, #tpu.memory_space<vmem_shared>> -> memref<10240x48xf32, #tpu.memory_space<vmem_shared>>
    tpu.enqueue_indirect_dma source(%arg8 : memref<96x48xf32, #tpu.memory_space<vmem>>) target(%dma_start3A_184 : memref<10240x48xf32, #tpu.memory_space<vmem_shared>>) offsets(%dma_start3A_181 : memref<96xi32, #tpu.memory_space<vmem>>) semaphore(%arg17 : memref<!tpu.dma_semaphore, #tpu.memory_space<semaphore_mem>>) {add = true}
    %dma_start3A_185 = arith.constant 103 : i32
    %dma_start3A_186 = arith.constant 0 : i32
    %dma_start3A_187 = tpu.memref_slice %arg6[%dma_start3A_185, %dma_start3A_186] : memref<108x96xi32, #tpu.memory_space<vmem>> -> memref<1x96xi32, #tpu.memory_space<vmem>>
    %dma_start3A_188 = tpu.memref_squeeze %dma_start3A_187 : memref<1x96xi32, #tpu.memory_space<vmem>> -> memref<96xi32, #tpu.memory_space<vmem>>
    %dma_start3A_189 = arith.constant 0 : i32
    %dma_start3A_190 = arith.constant 0 : i32
    %dma_start3A_191 = tpu.memref_slice %arg2[%dma_start3A_189, %dma_start3A_190] : memref<10240x48xf32, #tpu.memory_space<hbm>> -> memref<10240x48xf32, #tpu.memory_space<hbm>>
    tpu.enqueue_indirect_dma source(%dma_start3A_191 : memref<10240x48xf32, #tpu.memory_space<hbm>>) target(%arg11 : memref<96x48xf32, #tpu.memory_space<vmem>>) offsets(%dma_start3A_188 : memref<96xi32, #tpu.memory_space<vmem>>) semaphore(%arg16 : memref<!tpu.dma_semaphore, #tpu.memory_space<semaphore_mem>>)
    %dma_wait3A_192 = arith.constant 101 : i32
    %dma_wait3A_193 = arith.constant 0 : i32
    %dma_wait3A_194 = tpu.memref_slice %arg6[%dma_wait3A_192, %dma_wait3A_193] : memref<108x96xi32, #tpu.memory_space<vmem>> -> memref<1x96xi32, #tpu.memory_space<vmem>>
    %dma_wait3A_195 = tpu.memref_squeeze %dma_wait3A_194 : memref<1x96xi32, #tpu.memory_space<vmem>> -> memref<96xi32, #tpu.memory_space<vmem>>
    %dma_wait3A_196 = arith.constant 0 : i32
    %dma_wait3A_197 = arith.constant 0 : i32
    %dma_wait3A_198 = tpu.memref_slice %arg2[%dma_wait3A_196, %dma_wait3A_197] : memref<10240x48xf32, #tpu.memory_space<hbm>> -> memref<10240x48xf32, #tpu.memory_space<hbm>>
    tpu.wait_indirect_dma semaphore(%arg14 : memref<!tpu.dma_semaphore, #tpu.memory_space<semaphore_mem>>) src(%dma_wait3A_198 : memref<10240x48xf32, #tpu.memory_space<hbm>>) dst(%arg9 : memref<96x48xf32, #tpu.memory_space<vmem>>)
    %dma_wait3A_199 = arith.constant 100 : i32
    %dma_wait3A_200 = arith.constant 0 : i32
    %dma_wait3A_201 = tpu.memref_slice %arg7[%dma_wait3A_199, %dma_wait3A_200] : memref<108x96xi32, #tpu.memory_space<vmem>> -> memref<1x96xi32, #tpu.memory_space<vmem>>
    %dma_wait3A_202 = tpu.memref_squeeze %dma_wait3A_201 : memref<1x96xi32, #tpu.memory_space<vmem>> -> memref<96xi32, #tpu.memory_space<vmem>>
    %dma_wait3A_203 = arith.constant 0 : i32
    %dma_wait3A_204 = arith.constant 0 : i32
    %dma_wait3A_205 = tpu.memref_slice %arg12[%dma_wait3A_203, %dma_wait3A_204] : memref<10240x48xf32, #tpu.memory_space<vmem_shared>> -> memref<10240x48xf32, #tpu.memory_space<vmem_shared>>
    tpu.wait_indirect_dma semaphore(%arg17 : memref<!tpu.dma_semaphore, #tpu.memory_space<semaphore_mem>>) src(%arg8 : memref<96x48xf32, #tpu.memory_space<vmem>>) dst(%dma_wait3A_205 : memref<10240x48xf32, #tpu.memory_space<vmem_shared>>)
    %dma_start3A_206 = arith.constant 101 : i32
    %dma_start3A_207 = arith.constant 0 : i32
    %dma_start3A_208 = tpu.memref_slice %arg7[%dma_start3A_206, %dma_start3A_207] : memref<108x96xi32, #tpu.memory_space<vmem>> -> memref<1x96xi32, #tpu.memory_space<vmem>>
    %dma_start3A_209 = tpu.memref_squeeze %dma_start3A_208 : memref<1x96xi32, #tpu.memory_space<vmem>> -> memref<96xi32, #tpu.memory_space<vmem>>
    %dma_start3A_210 = arith.constant 0 : i32
    %dma_start3A_211 = arith.constant 0 : i32
    %dma_start3A_212 = tpu.memref_slice %arg12[%dma_start3A_210, %dma_start3A_211] : memref<10240x48xf32, #tpu.memory_space<vmem_shared>> -> memref<10240x48xf32, #tpu.memory_space<vmem_shared>>
    tpu.enqueue_indirect_dma source(%arg9 : memref<96x48xf32, #tpu.memory_space<vmem>>) target(%dma_start3A_212 : memref<10240x48xf32, #tpu.memory_space<vmem_shared>>) offsets(%dma_start3A_209 : memref<96xi32, #tpu.memory_space<vmem>>) semaphore(%arg18 : memref<!tpu.dma_semaphore, #tpu.memory_space<semaphore_mem>>) {add = true}
    %dma_start3A_213 = arith.constant 104 : i32
    %dma_start3A_214 = arith.constant 0 : i32
    %dma_start3A_215 = tpu.memref_slice %arg6[%dma_start3A_213, %dma_start3A_214] : memref<108x96xi32, #tpu.memory_space<vmem>> -> memref<1x96xi32, #tpu.memory_space<vmem>>
    %dma_start3A_216 = tpu.memref_squeeze %dma_start3A_215 : memref<1x96xi32, #tpu.memory_space<vmem>> -> memref<96xi32, #tpu.memory_space<vmem>>
    %dma_start3A_217 = arith.constant 0 : i32
    %dma_start3A_218 = arith.constant 0 : i32
    %dma_start3A_219 = tpu.memref_slice %arg2[%dma_start3A_217, %dma_start3A_218] : memref<10240x48xf32, #tpu.memory_space<hbm>> -> memref<10240x48xf32, #tpu.memory_space<hbm>>
    tpu.enqueue_indirect_dma source(%dma_start3A_219 : memref<10240x48xf32, #tpu.memory_space<hbm>>) target(%arg8 : memref<96x48xf32, #tpu.memory_space<vmem>>) offsets(%dma_start3A_216 : memref<96xi32, #tpu.memory_space<vmem>>) semaphore(%arg13 : memref<!tpu.dma_semaphore, #tpu.memory_space<semaphore_mem>>)
    %dma_wait3A_220 = arith.constant 102 : i32
    %dma_wait3A_221 = arith.constant 0 : i32
    %dma_wait3A_222 = tpu.memref_slice %arg6[%dma_wait3A_220, %dma_wait3A_221] : memref<108x96xi32, #tpu.memory_space<vmem>> -> memref<1x96xi32, #tpu.memory_space<vmem>>
    %dma_wait3A_223 = tpu.memref_squeeze %dma_wait3A_222 : memref<1x96xi32, #tpu.memory_space<vmem>> -> memref<96xi32, #tpu.memory_space<vmem>>
    %dma_wait3A_224 = arith.constant 0 : i32
    %dma_wait3A_225 = arith.constant 0 : i32
    %dma_wait3A_226 = tpu.memref_slice %arg2[%dma_wait3A_224, %dma_wait3A_225] : memref<10240x48xf32, #tpu.memory_space<hbm>> -> memref<10240x48xf32, #tpu.memory_space<hbm>>
    tpu.wait_indirect_dma semaphore(%arg15 : memref<!tpu.dma_semaphore, #tpu.memory_space<semaphore_mem>>) src(%dma_wait3A_226 : memref<10240x48xf32, #tpu.memory_space<hbm>>) dst(%arg10 : memref<96x48xf32, #tpu.memory_space<vmem>>)
    %dma_wait3A_227 = arith.constant 101 : i32
    %dma_wait3A_228 = arith.constant 0 : i32
    %dma_wait3A_229 = tpu.memref_slice %arg7[%dma_wait3A_227, %dma_wait3A_228] : memref<108x96xi32, #tpu.memory_space<vmem>> -> memref<1x96xi32, #tpu.memory_space<vmem>>
    %dma_wait3A_230 = tpu.memref_squeeze %dma_wait3A_229 : memref<1x96xi32, #tpu.memory_space<vmem>> -> memref<96xi32, #tpu.memory_space<vmem>>
    %dma_wait3A_231 = arith.constant 0 : i32
    %dma_wait3A_232 = arith.constant 0 : i32
    %dma_wait3A_233 = tpu.memref_slice %arg12[%dma_wait3A_231, %dma_wait3A_232] : memref<10240x48xf32, #tpu.memory_space<vmem_shared>> -> memref<10240x48xf32, #tpu.memory_space<vmem_shared>>
    tpu.wait_indirect_dma semaphore(%arg18 : memref<!tpu.dma_semaphore, #tpu.memory_space<semaphore_mem>>) src(%arg9 : memref<96x48xf32, #tpu.memory_space<vmem>>) dst(%dma_wait3A_233 : memref<10240x48xf32, #tpu.memory_space<vmem_shared>>)
    %dma_start3A_234 = arith.constant 102 : i32
    %dma_start3A_235 = arith.constant 0 : i32
    %dma_start3A_236 = tpu.memref_slice %arg7[%dma_start3A_234, %dma_start3A_235] : memref<108x96xi32, #tpu.memory_space<vmem>> -> memref<1x96xi32, #tpu.memory_space<vmem>>
    %dma_start3A_237 = tpu.memref_squeeze %dma_start3A_236 : memref<1x96xi32, #tpu.memory_space<vmem>> -> memref<96xi32, #tpu.memory_space<vmem>>
    %dma_start3A_238 = arith.constant 0 : i32
    %dma_start3A_239 = arith.constant 0 : i32
    %dma_start3A_240 = tpu.memref_slice %arg12[%dma_start3A_238, %dma_start3A_239] : memref<10240x48xf32, #tpu.memory_space<vmem_shared>> -> memref<10240x48xf32, #tpu.memory_space<vmem_shared>>
    tpu.enqueue_indirect_dma source(%arg10 : memref<96x48xf32, #tpu.memory_space<vmem>>) target(%dma_start3A_240 : memref<10240x48xf32, #tpu.memory_space<vmem_shared>>) offsets(%dma_start3A_237 : memref<96xi32, #tpu.memory_space<vmem>>) semaphore(%arg19 : memref<!tpu.dma_semaphore, #tpu.memory_space<semaphore_mem>>) {add = true}
    %dma_start3A_241 = arith.constant 105 : i32
    %dma_start3A_242 = arith.constant 0 : i32
    %dma_start3A_243 = tpu.memref_slice %arg6[%dma_start3A_241, %dma_start3A_242] : memref<108x96xi32, #tpu.memory_space<vmem>> -> memref<1x96xi32, #tpu.memory_space<vmem>>
    %dma_start3A_244 = tpu.memref_squeeze %dma_start3A_243 : memref<1x96xi32, #tpu.memory_space<vmem>> -> memref<96xi32, #tpu.memory_space<vmem>>
    %dma_start3A_245 = arith.constant 0 : i32
    %dma_start3A_246 = arith.constant 0 : i32
    %dma_start3A_247 = tpu.memref_slice %arg2[%dma_start3A_245, %dma_start3A_246] : memref<10240x48xf32, #tpu.memory_space<hbm>> -> memref<10240x48xf32, #tpu.memory_space<hbm>>
    tpu.enqueue_indirect_dma source(%dma_start3A_247 : memref<10240x48xf32, #tpu.memory_space<hbm>>) target(%arg9 : memref<96x48xf32, #tpu.memory_space<vmem>>) offsets(%dma_start3A_244 : memref<96xi32, #tpu.memory_space<vmem>>) semaphore(%arg14 : memref<!tpu.dma_semaphore, #tpu.memory_space<semaphore_mem>>)
    %dma_wait3A_248 = arith.constant 103 : i32
    %dma_wait3A_249 = arith.constant 0 : i32
    %dma_wait3A_250 = tpu.memref_slice %arg6[%dma_wait3A_248, %dma_wait3A_249] : memref<108x96xi32, #tpu.memory_space<vmem>> -> memref<1x96xi32, #tpu.memory_space<vmem>>
    %dma_wait3A_251 = tpu.memref_squeeze %dma_wait3A_250 : memref<1x96xi32, #tpu.memory_space<vmem>> -> memref<96xi32, #tpu.memory_space<vmem>>
    %dma_wait3A_252 = arith.constant 0 : i32
    %dma_wait3A_253 = arith.constant 0 : i32
    %dma_wait3A_254 = tpu.memref_slice %arg2[%dma_wait3A_252, %dma_wait3A_253] : memref<10240x48xf32, #tpu.memory_space<hbm>> -> memref<10240x48xf32, #tpu.memory_space<hbm>>
    tpu.wait_indirect_dma semaphore(%arg16 : memref<!tpu.dma_semaphore, #tpu.memory_space<semaphore_mem>>) src(%dma_wait3A_254 : memref<10240x48xf32, #tpu.memory_space<hbm>>) dst(%arg11 : memref<96x48xf32, #tpu.memory_space<vmem>>)
    %dma_wait3A_255 = arith.constant 102 : i32
    %dma_wait3A_256 = arith.constant 0 : i32
    %dma_wait3A_257 = tpu.memref_slice %arg7[%dma_wait3A_255, %dma_wait3A_256] : memref<108x96xi32, #tpu.memory_space<vmem>> -> memref<1x96xi32, #tpu.memory_space<vmem>>
    %dma_wait3A_258 = tpu.memref_squeeze %dma_wait3A_257 : memref<1x96xi32, #tpu.memory_space<vmem>> -> memref<96xi32, #tpu.memory_space<vmem>>
    %dma_wait3A_259 = arith.constant 0 : i32
    %dma_wait3A_260 = arith.constant 0 : i32
    %dma_wait3A_261 = tpu.memref_slice %arg12[%dma_wait3A_259, %dma_wait3A_260] : memref<10240x48xf32, #tpu.memory_space<vmem_shared>> -> memref<10240x48xf32, #tpu.memory_space<vmem_shared>>
    tpu.wait_indirect_dma semaphore(%arg19 : memref<!tpu.dma_semaphore, #tpu.memory_space<semaphore_mem>>) src(%arg10 : memref<96x48xf32, #tpu.memory_space<vmem>>) dst(%dma_wait3A_261 : memref<10240x48xf32, #tpu.memory_space<vmem_shared>>)
    %dma_start3A_262 = arith.constant 103 : i32
    %dma_start3A_263 = arith.constant 0 : i32
    %dma_start3A_264 = tpu.memref_slice %arg7[%dma_start3A_262, %dma_start3A_263] : memref<108x96xi32, #tpu.memory_space<vmem>> -> memref<1x96xi32, #tpu.memory_space<vmem>>
    %dma_start3A_265 = tpu.memref_squeeze %dma_start3A_264 : memref<1x96xi32, #tpu.memory_space<vmem>> -> memref<96xi32, #tpu.memory_space<vmem>>
    %dma_start3A_266 = arith.constant 0 : i32
    %dma_start3A_267 = arith.constant 0 : i32
    %dma_start3A_268 = tpu.memref_slice %arg12[%dma_start3A_266, %dma_start3A_267] : memref<10240x48xf32, #tpu.memory_space<vmem_shared>> -> memref<10240x48xf32, #tpu.memory_space<vmem_shared>>
    tpu.enqueue_indirect_dma source(%arg11 : memref<96x48xf32, #tpu.memory_space<vmem>>) target(%dma_start3A_268 : memref<10240x48xf32, #tpu.memory_space<vmem_shared>>) offsets(%dma_start3A_265 : memref<96xi32, #tpu.memory_space<vmem>>) semaphore(%arg20 : memref<!tpu.dma_semaphore, #tpu.memory_space<semaphore_mem>>) {add = true}
    %dma_start3A_269 = arith.constant 106 : i32
    %dma_start3A_270 = arith.constant 0 : i32
    %dma_start3A_271 = tpu.memref_slice %arg6[%dma_start3A_269, %dma_start3A_270] : memref<108x96xi32, #tpu.memory_space<vmem>> -> memref<1x96xi32, #tpu.memory_space<vmem>>
    %dma_start3A_272 = tpu.memref_squeeze %dma_start3A_271 : memref<1x96xi32, #tpu.memory_space<vmem>> -> memref<96xi32, #tpu.memory_space<vmem>>
    %dma_start3A_273 = arith.constant 0 : i32
    %dma_start3A_274 = arith.constant 0 : i32
    %dma_start3A_275 = tpu.memref_slice %arg2[%dma_start3A_273, %dma_start3A_274] : memref<10240x48xf32, #tpu.memory_space<hbm>> -> memref<10240x48xf32, #tpu.memory_space<hbm>>
    tpu.enqueue_indirect_dma source(%dma_start3A_275 : memref<10240x48xf32, #tpu.memory_space<hbm>>) target(%arg10 : memref<96x48xf32, #tpu.memory_space<vmem>>) offsets(%dma_start3A_272 : memref<96xi32, #tpu.memory_space<vmem>>) semaphore(%arg15 : memref<!tpu.dma_semaphore, #tpu.memory_space<semaphore_mem>>)
    %dma_wait3A_276 = arith.constant 104 : i32
    %dma_wait3A_277 = arith.constant 0 : i32
    %dma_wait3A_278 = tpu.memref_slice %arg6[%dma_wait3A_276, %dma_wait3A_277] : memref<108x96xi32, #tpu.memory_space<vmem>> -> memref<1x96xi32, #tpu.memory_space<vmem>>
    %dma_wait3A_279 = tpu.memref_squeeze %dma_wait3A_278 : memref<1x96xi32, #tpu.memory_space<vmem>> -> memref<96xi32, #tpu.memory_space<vmem>>
    %dma_wait3A_280 = arith.constant 0 : i32
    %dma_wait3A_281 = arith.constant 0 : i32
    %dma_wait3A_282 = tpu.memref_slice %arg2[%dma_wait3A_280, %dma_wait3A_281] : memref<10240x48xf32, #tpu.memory_space<hbm>> -> memref<10240x48xf32, #tpu.memory_space<hbm>>
    tpu.wait_indirect_dma semaphore(%arg13 : memref<!tpu.dma_semaphore, #tpu.memory_space<semaphore_mem>>) src(%dma_wait3A_282 : memref<10240x48xf32, #tpu.memory_space<hbm>>) dst(%arg8 : memref<96x48xf32, #tpu.memory_space<vmem>>)
    %dma_wait3A_283 = arith.constant 103 : i32
    %dma_wait3A_284 = arith.constant 0 : i32
    %dma_wait3A_285 = tpu.memref_slice %arg7[%dma_wait3A_283, %dma_wait3A_284] : memref<108x96xi32, #tpu.memory_space<vmem>> -> memref<1x96xi32, #tpu.memory_space<vmem>>
    %dma_wait3A_286 = tpu.memref_squeeze %dma_wait3A_285 : memref<1x96xi32, #tpu.memory_space<vmem>> -> memref<96xi32, #tpu.memory_space<vmem>>
    %dma_wait3A_287 = arith.constant 0 : i32
    %dma_wait3A_288 = arith.constant 0 : i32
    %dma_wait3A_289 = tpu.memref_slice %arg12[%dma_wait3A_287, %dma_wait3A_288] : memref<10240x48xf32, #tpu.memory_space<vmem_shared>> -> memref<10240x48xf32, #tpu.memory_space<vmem_shared>>
    tpu.wait_indirect_dma semaphore(%arg20 : memref<!tpu.dma_semaphore, #tpu.memory_space<semaphore_mem>>) src(%arg11 : memref<96x48xf32, #tpu.memory_space<vmem>>) dst(%dma_wait3A_289 : memref<10240x48xf32, #tpu.memory_space<vmem_shared>>)
    %dma_start3A_290 = arith.constant 104 : i32
    %dma_start3A_291 = arith.constant 0 : i32
    %dma_start3A_292 = tpu.memref_slice %arg7[%dma_start3A_290, %dma_start3A_291] : memref<108x96xi32, #tpu.memory_space<vmem>> -> memref<1x96xi32, #tpu.memory_space<vmem>>
    %dma_start3A_293 = tpu.memref_squeeze %dma_start3A_292 : memref<1x96xi32, #tpu.memory_space<vmem>> -> memref<96xi32, #tpu.memory_space<vmem>>
    %dma_start3A_294 = arith.constant 0 : i32
    %dma_start3A_295 = arith.constant 0 : i32
    %dma_start3A_296 = tpu.memref_slice %arg12[%dma_start3A_294, %dma_start3A_295] : memref<10240x48xf32, #tpu.memory_space<vmem_shared>> -> memref<10240x48xf32, #tpu.memory_space<vmem_shared>>
    tpu.enqueue_indirect_dma source(%arg8 : memref<96x48xf32, #tpu.memory_space<vmem>>) target(%dma_start3A_296 : memref<10240x48xf32, #tpu.memory_space<vmem_shared>>) offsets(%dma_start3A_293 : memref<96xi32, #tpu.memory_space<vmem>>) semaphore(%arg17 : memref<!tpu.dma_semaphore, #tpu.memory_space<semaphore_mem>>) {add = true}
    %dma_start3A_297 = arith.constant 107 : i32
    %dma_start3A_298 = arith.constant 0 : i32
    %dma_start3A_299 = tpu.memref_slice %arg6[%dma_start3A_297, %dma_start3A_298] : memref<108x96xi32, #tpu.memory_space<vmem>> -> memref<1x96xi32, #tpu.memory_space<vmem>>
    %dma_start3A_300 = tpu.memref_squeeze %dma_start3A_299 : memref<1x96xi32, #tpu.memory_space<vmem>> -> memref<96xi32, #tpu.memory_space<vmem>>
    %dma_start3A_301 = arith.constant 0 : i32
    %dma_start3A_302 = arith.constant 0 : i32
    %dma_start3A_303 = tpu.memref_slice %arg2[%dma_start3A_301, %dma_start3A_302] : memref<10240x48xf32, #tpu.memory_space<hbm>> -> memref<10240x48xf32, #tpu.memory_space<hbm>>
    tpu.enqueue_indirect_dma source(%dma_start3A_303 : memref<10240x48xf32, #tpu.memory_space<hbm>>) target(%arg11 : memref<96x48xf32, #tpu.memory_space<vmem>>) offsets(%dma_start3A_300 : memref<96xi32, #tpu.memory_space<vmem>>) semaphore(%arg16 : memref<!tpu.dma_semaphore, #tpu.memory_space<semaphore_mem>>)
    %dma_wait3A_304 = arith.constant 105 : i32
    %dma_wait3A_305 = arith.constant 0 : i32
    %dma_wait3A_306 = tpu.memref_slice %arg6[%dma_wait3A_304, %dma_wait3A_305] : memref<108x96xi32, #tpu.memory_space<vmem>> -> memref<1x96xi32, #tpu.memory_space<vmem>>
    %dma_wait3A_307 = tpu.memref_squeeze %dma_wait3A_306 : memref<1x96xi32, #tpu.memory_space<vmem>> -> memref<96xi32, #tpu.memory_space<vmem>>
    %dma_wait3A_308 = arith.constant 0 : i32
    %dma_wait3A_309 = arith.constant 0 : i32
    %dma_wait3A_310 = tpu.memref_slice %arg2[%dma_wait3A_308, %dma_wait3A_309] : memref<10240x48xf32, #tpu.memory_space<hbm>> -> memref<10240x48xf32, #tpu.memory_space<hbm>>
    tpu.wait_indirect_dma semaphore(%arg14 : memref<!tpu.dma_semaphore, #tpu.memory_space<semaphore_mem>>) src(%dma_wait3A_310 : memref<10240x48xf32, #tpu.memory_space<hbm>>) dst(%arg9 : memref<96x48xf32, #tpu.memory_space<vmem>>)
    %dma_wait3A_311 = arith.constant 104 : i32
    %dma_wait3A_312 = arith.constant 0 : i32
    %dma_wait3A_313 = tpu.memref_slice %arg7[%dma_wait3A_311, %dma_wait3A_312] : memref<108x96xi32, #tpu.memory_space<vmem>> -> memref<1x96xi32, #tpu.memory_space<vmem>>
    %dma_wait3A_314 = tpu.memref_squeeze %dma_wait3A_313 : memref<1x96xi32, #tpu.memory_space<vmem>> -> memref<96xi32, #tpu.memory_space<vmem>>
    %dma_wait3A_315 = arith.constant 0 : i32
    %dma_wait3A_316 = arith.constant 0 : i32
    %dma_wait3A_317 = tpu.memref_slice %arg12[%dma_wait3A_315, %dma_wait3A_316] : memref<10240x48xf32, #tpu.memory_space<vmem_shared>> -> memref<10240x48xf32, #tpu.memory_space<vmem_shared>>
    tpu.wait_indirect_dma semaphore(%arg17 : memref<!tpu.dma_semaphore, #tpu.memory_space<semaphore_mem>>) src(%arg8 : memref<96x48xf32, #tpu.memory_space<vmem>>) dst(%dma_wait3A_317 : memref<10240x48xf32, #tpu.memory_space<vmem_shared>>)
    %dma_start3A_318 = arith.constant 105 : i32
    %dma_start3A_319 = arith.constant 0 : i32
    %dma_start3A_320 = tpu.memref_slice %arg7[%dma_start3A_318, %dma_start3A_319] : memref<108x96xi32, #tpu.memory_space<vmem>> -> memref<1x96xi32, #tpu.memory_space<vmem>>
    %dma_start3A_321 = tpu.memref_squeeze %dma_start3A_320 : memref<1x96xi32, #tpu.memory_space<vmem>> -> memref<96xi32, #tpu.memory_space<vmem>>
    %dma_start3A_322 = arith.constant 0 : i32
    %dma_start3A_323 = arith.constant 0 : i32
    %dma_start3A_324 = tpu.memref_slice %arg12[%dma_start3A_322, %dma_start3A_323] : memref<10240x48xf32, #tpu.memory_space<vmem_shared>> -> memref<10240x48xf32, #tpu.memory_space<vmem_shared>>
    tpu.enqueue_indirect_dma source(%arg9 : memref<96x48xf32, #tpu.memory_space<vmem>>) target(%dma_start3A_324 : memref<10240x48xf32, #tpu.memory_space<vmem_shared>>) offsets(%dma_start3A_321 : memref<96xi32, #tpu.memory_space<vmem>>) semaphore(%arg18 : memref<!tpu.dma_semaphore, #tpu.memory_space<semaphore_mem>>) {add = true}
    %dma_wait3A_325 = arith.constant 106 : i32
    %dma_wait3A_326 = arith.constant 0 : i32
    %dma_wait3A_327 = tpu.memref_slice %arg6[%dma_wait3A_325, %dma_wait3A_326] : memref<108x96xi32, #tpu.memory_space<vmem>> -> memref<1x96xi32, #tpu.memory_space<vmem>>
    %dma_wait3A_328 = tpu.memref_squeeze %dma_wait3A_327 : memref<1x96xi32, #tpu.memory_space<vmem>> -> memref<96xi32, #tpu.memory_space<vmem>>
    %dma_wait3A_329 = arith.constant 0 : i32
    %dma_wait3A_330 = arith.constant 0 : i32
    %dma_wait3A_331 = tpu.memref_slice %arg2[%dma_wait3A_329, %dma_wait3A_330] : memref<10240x48xf32, #tpu.memory_space<hbm>> -> memref<10240x48xf32, #tpu.memory_space<hbm>>
    tpu.wait_indirect_dma semaphore(%arg15 : memref<!tpu.dma_semaphore, #tpu.memory_space<semaphore_mem>>) src(%dma_wait3A_331 : memref<10240x48xf32, #tpu.memory_space<hbm>>) dst(%arg10 : memref<96x48xf32, #tpu.memory_space<vmem>>)
    %dma_wait3A_332 = arith.constant 105 : i32
    %dma_wait3A_333 = arith.constant 0 : i32
    %dma_wait3A_334 = tpu.memref_slice %arg7[%dma_wait3A_332, %dma_wait3A_333] : memref<108x96xi32, #tpu.memory_space<vmem>> -> memref<1x96xi32, #tpu.memory_space<vmem>>
    %dma_wait3A_335 = tpu.memref_squeeze %dma_wait3A_334 : memref<1x96xi32, #tpu.memory_space<vmem>> -> memref<96xi32, #tpu.memory_space<vmem>>
    %dma_wait3A_336 = arith.constant 0 : i32
    %dma_wait3A_337 = arith.constant 0 : i32
    %dma_wait3A_338 = tpu.memref_slice %arg12[%dma_wait3A_336, %dma_wait3A_337] : memref<10240x48xf32, #tpu.memory_space<vmem_shared>> -> memref<10240x48xf32, #tpu.memory_space<vmem_shared>>
    tpu.wait_indirect_dma semaphore(%arg18 : memref<!tpu.dma_semaphore, #tpu.memory_space<semaphore_mem>>) src(%arg9 : memref<96x48xf32, #tpu.memory_space<vmem>>) dst(%dma_wait3A_338 : memref<10240x48xf32, #tpu.memory_space<vmem_shared>>)
    %dma_start3A_339 = arith.constant 106 : i32
    %dma_start3A_340 = arith.constant 0 : i32
    %dma_start3A_341 = tpu.memref_slice %arg7[%dma_start3A_339, %dma_start3A_340] : memref<108x96xi32, #tpu.memory_space<vmem>> -> memref<1x96xi32, #tpu.memory_space<vmem>>
    %dma_start3A_342 = tpu.memref_squeeze %dma_start3A_341 : memref<1x96xi32, #tpu.memory_space<vmem>> -> memref<96xi32, #tpu.memory_space<vmem>>
    %dma_start3A_343 = arith.constant 0 : i32
    %dma_start3A_344 = arith.constant 0 : i32
    %dma_start3A_345 = tpu.memref_slice %arg12[%dma_start3A_343, %dma_start3A_344] : memref<10240x48xf32, #tpu.memory_space<vmem_shared>> -> memref<10240x48xf32, #tpu.memory_space<vmem_shared>>
    tpu.enqueue_indirect_dma source(%arg10 : memref<96x48xf32, #tpu.memory_space<vmem>>) target(%dma_start3A_345 : memref<10240x48xf32, #tpu.memory_space<vmem_shared>>) offsets(%dma_start3A_342 : memref<96xi32, #tpu.memory_space<vmem>>) semaphore(%arg19 : memref<!tpu.dma_semaphore, #tpu.memory_space<semaphore_mem>>) {add = true}
    %dma_wait3A_346 = arith.constant 107 : i32
    %dma_wait3A_347 = arith.constant 0 : i32
    %dma_wait3A_348 = tpu.memref_slice %arg6[%dma_wait3A_346, %dma_wait3A_347] : memref<108x96xi32, #tpu.memory_space<vmem>> -> memref<1x96xi32, #tpu.memory_space<vmem>>
    %dma_wait3A_349 = tpu.memref_squeeze %dma_wait3A_348 : memref<1x96xi32, #tpu.memory_space<vmem>> -> memref<96xi32, #tpu.memory_space<vmem>>
    %dma_wait3A_350 = arith.constant 0 : i32
    %dma_wait3A_351 = arith.constant 0 : i32
    %dma_wait3A_352 = tpu.memref_slice %arg2[%dma_wait3A_350, %dma_wait3A_351] : memref<10240x48xf32, #tpu.memory_space<hbm>> -> memref<10240x48xf32, #tpu.memory_space<hbm>>
    tpu.wait_indirect_dma semaphore(%arg16 : memref<!tpu.dma_semaphore, #tpu.memory_space<semaphore_mem>>) src(%dma_wait3A_352 : memref<10240x48xf32, #tpu.memory_space<hbm>>) dst(%arg11 : memref<96x48xf32, #tpu.memory_space<vmem>>)
    %dma_wait3A_353 = arith.constant 106 : i32
    %dma_wait3A_354 = arith.constant 0 : i32
    %dma_wait3A_355 = tpu.memref_slice %arg7[%dma_wait3A_353, %dma_wait3A_354] : memref<108x96xi32, #tpu.memory_space<vmem>> -> memref<1x96xi32, #tpu.memory_space<vmem>>
    %dma_wait3A_356 = tpu.memref_squeeze %dma_wait3A_355 : memref<1x96xi32, #tpu.memory_space<vmem>> -> memref<96xi32, #tpu.memory_space<vmem>>
    %dma_wait3A_357 = arith.constant 0 : i32
    %dma_wait3A_358 = arith.constant 0 : i32
    %dma_wait3A_359 = tpu.memref_slice %arg12[%dma_wait3A_357, %dma_wait3A_358] : memref<10240x48xf32, #tpu.memory_space<vmem_shared>> -> memref<10240x48xf32, #tpu.memory_space<vmem_shared>>
    tpu.wait_indirect_dma semaphore(%arg19 : memref<!tpu.dma_semaphore, #tpu.memory_space<semaphore_mem>>) src(%arg10 : memref<96x48xf32, #tpu.memory_space<vmem>>) dst(%dma_wait3A_359 : memref<10240x48xf32, #tpu.memory_space<vmem_shared>>)
    %dma_start3A_360 = arith.constant 107 : i32
    %dma_start3A_361 = arith.constant 0 : i32
    %dma_start3A_362 = tpu.memref_slice %arg7[%dma_start3A_360, %dma_start3A_361] : memref<108x96xi32, #tpu.memory_space<vmem>> -> memref<1x96xi32, #tpu.memory_space<vmem>>
    %dma_start3A_363 = tpu.memref_squeeze %dma_start3A_362 : memref<1x96xi32, #tpu.memory_space<vmem>> -> memref<96xi32, #tpu.memory_space<vmem>>
    %dma_start3A_364 = arith.constant 0 : i32
    %dma_start3A_365 = arith.constant 0 : i32
    %dma_start3A_366 = tpu.memref_slice %arg12[%dma_start3A_364, %dma_start3A_365] : memref<10240x48xf32, #tpu.memory_space<vmem_shared>> -> memref<10240x48xf32, #tpu.memory_space<vmem_shared>>
    tpu.enqueue_indirect_dma source(%arg11 : memref<96x48xf32, #tpu.memory_space<vmem>>) target(%dma_start3A_366 : memref<10240x48xf32, #tpu.memory_space<vmem_shared>>) offsets(%dma_start3A_363 : memref<96xi32, #tpu.memory_space<vmem>>) semaphore(%arg20 : memref<!tpu.dma_semaphore, #tpu.memory_space<semaphore_mem>>) {add = true}
    %dma_wait3A_367 = arith.constant 107 : i32
    %dma_wait3A_368 = arith.constant 0 : i32
    %dma_wait3A_369 = tpu.memref_slice %arg7[%dma_wait3A_367, %dma_wait3A_368] : memref<108x96xi32, #tpu.memory_space<vmem>> -> memref<1x96xi32, #tpu.memory_space<vmem>>
    %dma_wait3A_370 = tpu.memref_squeeze %dma_wait3A_369 : memref<1x96xi32, #tpu.memory_space<vmem>> -> memref<96xi32, #tpu.memory_space<vmem>>
    %dma_wait3A_371 = arith.constant 0 : i32
    %dma_wait3A_372 = arith.constant 0 : i32
    %dma_wait3A_373 = tpu.memref_slice %arg12[%dma_wait3A_371, %dma_wait3A_372] : memref<10240x48xf32, #tpu.memory_space<vmem_shared>> -> memref<10240x48xf32, #tpu.memory_space<vmem_shared>>
    tpu.wait_indirect_dma semaphore(%arg20 : memref<!tpu.dma_semaphore, #tpu.memory_space<semaphore_mem>>) src(%arg11 : memref<96x48xf32, #tpu.memory_space<vmem>>) dst(%dma_wait3A_373 : memref<10240x48xf32, #tpu.memory_space<vmem_shared>>)
    %barrier3A_374 = arith.constant 0 : index
    tpu.barrier barrier_id(%barrier3A_374)
    %mul3A_375 = arith.constant 640 : i32
    %mul3A_376 = arith.muli %arg1, %mul3A_375 : i32
    %add3A_377 = arith.constant 0 : i32
    %add3A_378 = arith.addi %mul3A_376, %add3A_377 : i32
    "tpu.region"() ({
      %run_scoped3A = tpu.sem_alloc : memref<!tpu.dma_semaphore, #tpu.memory_space<semaphore_mem>>
      %dma_start3A_403 = arith.constant 0 : i32
      %dma_start3A_404 = arith.constant 0 : i32
      %dma_start3A_405 = tpu.memref_slice %arg8[%dma_start3A_403, %dma_start3A_404] : memref<96x48xf32, #tpu.memory_space<vmem>> -> memref<96x48xf32, #tpu.memory_space<vmem>>
      %dma_start3A_406 = arith.constant 0 : i32
      %dma_start3A_407 = tpu.memref_slice %arg12[%add3A_378, %dma_start3A_406] : memref<10240x48xf32, #tpu.memory_space<vmem_shared>> -> memref<96x48xf32, #tpu.memory_space<vmem_shared>>
      %dma_start3A_408 = arith.constant 0 : i32
      %dma_start3A_409 = arith.constant 0 : i32
      %dma_start3A_410 = tpu.memref_slice %arg8[%dma_start3A_408, %dma_start3A_409] : memref<96x48xf32, #tpu.memory_space<vmem>> -> memref<96x48xf32, #tpu.memory_space<vmem>>
      %dma_start3A_411 = arith.constant 0 : i32
      %dma_start3A_412 = tpu.memref_slice %arg12[%add3A_378, %dma_start3A_411] : memref<10240x48xf32, #tpu.memory_space<vmem_shared>> -> memref<96x48xf32, #tpu.memory_space<vmem_shared>>
      tpu.enqueue_dma source(%dma_start3A_412 : memref<96x48xf32, #tpu.memory_space<vmem_shared>>) target(%dma_start3A_410 : memref<96x48xf32, #tpu.memory_space<vmem>>) target_semaphore(%run_scoped3A : memref<!tpu.dma_semaphore, #tpu.memory_space<semaphore_mem>>)
      %dma_wait3A_413 = arith.constant 0 : i32
      %dma_wait3A_414 = arith.constant 0 : i32
      %dma_wait3A_415 = tpu.memref_slice %arg8[%dma_wait3A_413, %dma_wait3A_414] : memref<96x48xf32, #tpu.memory_space<vmem>> -> memref<96x48xf32, #tpu.memory_space<vmem>>
      %dma_wait3A_416 = arith.constant 0 : i32
      %dma_wait3A_417 = tpu.memref_slice %arg12[%add3A_378, %dma_wait3A_416] : memref<10240x48xf32, #tpu.memory_space<vmem_shared>> -> memref<96x48xf32, #tpu.memory_space<vmem_shared>>
      %dma_wait3A_418 = arith.constant 0 : i32
      %dma_wait3A_419 = arith.constant 0 : i32
      %dma_wait3A_420 = tpu.memref_slice %arg8[%dma_wait3A_418, %dma_wait3A_419] : memref<96x48xf32, #tpu.memory_space<vmem>> -> memref<96x48xf32, #tpu.memory_space<vmem>>
      %dma_wait3A_421 = arith.constant 0 : i32
      %dma_wait3A_422 = tpu.memref_slice %arg12[%add3A_378, %dma_wait3A_421] : memref<10240x48xf32, #tpu.memory_space<vmem_shared>> -> memref<96x48xf32, #tpu.memory_space<vmem_shared>>
      tpu.wait_dma2 semaphore(%run_scoped3A : memref<!tpu.dma_semaphore, #tpu.memory_space<semaphore_mem>>) src(%dma_wait3A_422 : memref<96x48xf32, #tpu.memory_space<vmem_shared>>) dst(%dma_wait3A_420 : memref<96x48xf32, #tpu.memory_space<vmem>>)
      tpu.yield
    }) : () -> ()
    "tpu.region"() ({
      %run_scoped3A = tpu.sem_alloc : memref<!tpu.dma_semaphore, #tpu.memory_space<semaphore_mem>>
      %dma_start3A_403 = arith.constant 0 : i32
      %dma_start3A_404 = arith.constant 0 : i32
      %dma_start3A_405 = tpu.memref_slice %arg8[%dma_start3A_403, %dma_start3A_404] : memref<96x48xf32, #tpu.memory_space<vmem>> -> memref<96x48xf32, #tpu.memory_space<vmem>>
      %dma_start3A_406 = arith.constant 0 : i32
      %dma_start3A_407 = tpu.memref_slice %arg5[%arg0, %add3A_378, %dma_start3A_406] : memref<2x10240x48xf32, #tpu.memory_space<hbm>> -> memref<1x96x48xf32, #tpu.memory_space<hbm>>
      %dma_start3A_408 = tpu.memref_squeeze %dma_start3A_407 : memref<1x96x48xf32, #tpu.memory_space<hbm>> -> memref<96x48xf32, #tpu.memory_space<hbm>>
      %dma_start3A_409 = arith.constant 0 : i32
      %dma_start3A_410 = tpu.memref_slice %arg5[%arg0, %add3A_378, %dma_start3A_409] : memref<2x10240x48xf32, #tpu.memory_space<hbm>> -> memref<1x96x48xf32, #tpu.memory_space<hbm>>
      %dma_start3A_411 = tpu.memref_squeeze %dma_start3A_410 : memref<1x96x48xf32, #tpu.memory_space<hbm>> -> memref<96x48xf32, #tpu.memory_space<hbm>>
      %dma_start3A_412 = arith.constant 0 : i32
      %dma_start3A_413 = arith.constant 0 : i32
      %dma_start3A_414 = tpu.memref_slice %arg8[%dma_start3A_412, %dma_start3A_413] : memref<96x48xf32, #tpu.memory_space<vmem>> -> memref<96x48xf32, #tpu.memory_space<vmem>>
      tpu.enqueue_dma source(%dma_start3A_414 : memref<96x48xf32, #tpu.memory_space<vmem>>) target(%dma_start3A_411 : memref<96x48xf32, #tpu.memory_space<hbm>>) target_semaphore(%run_scoped3A : memref<!tpu.dma_semaphore, #tpu.memory_space<semaphore_mem>>)
      %dma_wait3A_415 = arith.constant 0 : i32
      %dma_wait3A_416 = arith.constant 0 : i32
      %dma_wait3A_417 = tpu.memref_slice %arg8[%dma_wait3A_415, %dma_wait3A_416] : memref<96x48xf32, #tpu.memory_space<vmem>> -> memref<96x48xf32, #tpu.memory_space<vmem>>
      %dma_wait3A_418 = arith.constant 0 : i32
      %dma_wait3A_419 = tpu.memref_slice %arg5[%arg0, %add3A_378, %dma_wait3A_418] : memref<2x10240x48xf32, #tpu.memory_space<hbm>> -> memref<1x96x48xf32, #tpu.memory_space<hbm>>
      %dma_wait3A_420 = tpu.memref_squeeze %dma_wait3A_419 : memref<1x96x48xf32, #tpu.memory_space<hbm>> -> memref<96x48xf32, #tpu.memory_space<hbm>>
      %dma_wait3A_421 = arith.constant 0 : i32
      %dma_wait3A_422 = tpu.memref_slice %arg5[%arg0, %add3A_378, %dma_wait3A_421] : memref<2x10240x48xf32, #tpu.memory_space<hbm>> -> memref<1x96x48xf32, #tpu.memory_space<hbm>>
      %dma_wait3A_423 = tpu.memref_squeeze %dma_wait3A_422 : memref<1x96x48xf32, #tpu.memory_space<hbm>> -> memref<96x48xf32, #tpu.memory_space<hbm>>
      %dma_wait3A_424 = arith.constant 0 : i32
      %dma_wait3A_425 = arith.constant 0 : i32
      %dma_wait3A_426 = tpu.memref_slice %arg8[%dma_wait3A_424, %dma_wait3A_425] : memref<96x48xf32, #tpu.memory_space<vmem>> -> memref<96x48xf32, #tpu.memory_space<vmem>>
      tpu.wait_dma2 semaphore(%run_scoped3A : memref<!tpu.dma_semaphore, #tpu.memory_space<semaphore_mem>>) src(%dma_wait3A_426 : memref<96x48xf32, #tpu.memory_space<vmem>>) dst(%dma_wait3A_423 : memref<96x48xf32, #tpu.memory_space<hbm>>)
      tpu.yield
    }) : () -> ()
    %mul3A_379 = arith.constant 640 : i32
    %mul3A_380 = arith.muli %arg1, %mul3A_379 : i32
    %add3A_381 = arith.constant 96 : i32
    %add3A_382 = arith.addi %mul3A_380, %add3A_381 : i32
    "tpu.region"() ({
      %run_scoped3A = tpu.sem_alloc : memref<!tpu.dma_semaphore, #tpu.memory_space<semaphore_mem>>
      %dma_start3A_403 = arith.constant 0 : i32
      %dma_start3A_404 = arith.constant 0 : i32
      %dma_start3A_405 = tpu.memref_slice %arg8[%dma_start3A_403, %dma_start3A_404] : memref<96x48xf32, #tpu.memory_space<vmem>> -> memref<96x48xf32, #tpu.memory_space<vmem>>
      %dma_start3A_406 = arith.constant 0 : i32
      %dma_start3A_407 = tpu.memref_slice %arg12[%add3A_382, %dma_start3A_406] : memref<10240x48xf32, #tpu.memory_space<vmem_shared>> -> memref<96x48xf32, #tpu.memory_space<vmem_shared>>
      %dma_start3A_408 = arith.constant 0 : i32
      %dma_start3A_409 = arith.constant 0 : i32
      %dma_start3A_410 = tpu.memref_slice %arg8[%dma_start3A_408, %dma_start3A_409] : memref<96x48xf32, #tpu.memory_space<vmem>> -> memref<96x48xf32, #tpu.memory_space<vmem>>
      %dma_start3A_411 = arith.constant 0 : i32
      %dma_start3A_412 = tpu.memref_slice %arg12[%add3A_382, %dma_start3A_411] : memref<10240x48xf32, #tpu.memory_space<vmem_shared>> -> memref<96x48xf32, #tpu.memory_space<vmem_shared>>
      tpu.enqueue_dma source(%dma_start3A_412 : memref<96x48xf32, #tpu.memory_space<vmem_shared>>) target(%dma_start3A_410 : memref<96x48xf32, #tpu.memory_space<vmem>>) target_semaphore(%run_scoped3A : memref<!tpu.dma_semaphore, #tpu.memory_space<semaphore_mem>>)
      %dma_wait3A_413 = arith.constant 0 : i32
      %dma_wait3A_414 = arith.constant 0 : i32
      %dma_wait3A_415 = tpu.memref_slice %arg8[%dma_wait3A_413, %dma_wait3A_414] : memref<96x48xf32, #tpu.memory_space<vmem>> -> memref<96x48xf32, #tpu.memory_space<vmem>>
      %dma_wait3A_416 = arith.constant 0 : i32
      %dma_wait3A_417 = tpu.memref_slice %arg12[%add3A_382, %dma_wait3A_416] : memref<10240x48xf32, #tpu.memory_space<vmem_shared>> -> memref<96x48xf32, #tpu.memory_space<vmem_shared>>
      %dma_wait3A_418 = arith.constant 0 : i32
      %dma_wait3A_419 = arith.constant 0 : i32
      %dma_wait3A_420 = tpu.memref_slice %arg8[%dma_wait3A_418, %dma_wait3A_419] : memref<96x48xf32, #tpu.memory_space<vmem>> -> memref<96x48xf32, #tpu.memory_space<vmem>>
      %dma_wait3A_421 = arith.constant 0 : i32
      %dma_wait3A_422 = tpu.memref_slice %arg12[%add3A_382, %dma_wait3A_421] : memref<10240x48xf32, #tpu.memory_space<vmem_shared>> -> memref<96x48xf32, #tpu.memory_space<vmem_shared>>
      tpu.wait_dma2 semaphore(%run_scoped3A : memref<!tpu.dma_semaphore, #tpu.memory_space<semaphore_mem>>) src(%dma_wait3A_422 : memref<96x48xf32, #tpu.memory_space<vmem_shared>>) dst(%dma_wait3A_420 : memref<96x48xf32, #tpu.memory_space<vmem>>)
      tpu.yield
    }) : () -> ()
    "tpu.region"() ({
      %run_scoped3A = tpu.sem_alloc : memref<!tpu.dma_semaphore, #tpu.memory_space<semaphore_mem>>
      %dma_start3A_403 = arith.constant 0 : i32
      %dma_start3A_404 = arith.constant 0 : i32
      %dma_start3A_405 = tpu.memref_slice %arg8[%dma_start3A_403, %dma_start3A_404] : memref<96x48xf32, #tpu.memory_space<vmem>> -> memref<96x48xf32, #tpu.memory_space<vmem>>
      %dma_start3A_406 = arith.constant 0 : i32
      %dma_start3A_407 = tpu.memref_slice %arg5[%arg0, %add3A_382, %dma_start3A_406] : memref<2x10240x48xf32, #tpu.memory_space<hbm>> -> memref<1x96x48xf32, #tpu.memory_space<hbm>>
      %dma_start3A_408 = tpu.memref_squeeze %dma_start3A_407 : memref<1x96x48xf32, #tpu.memory_space<hbm>> -> memref<96x48xf32, #tpu.memory_space<hbm>>
      %dma_start3A_409 = arith.constant 0 : i32
      %dma_start3A_410 = tpu.memref_slice %arg5[%arg0, %add3A_382, %dma_start3A_409] : memref<2x10240x48xf32, #tpu.memory_space<hbm>> -> memref<1x96x48xf32, #tpu.memory_space<hbm>>
      %dma_start3A_411 = tpu.memref_squeeze %dma_start3A_410 : memref<1x96x48xf32, #tpu.memory_space<hbm>> -> memref<96x48xf32, #tpu.memory_space<hbm>>
      %dma_start3A_412 = arith.constant 0 : i32
      %dma_start3A_413 = arith.constant 0 : i32
      %dma_start3A_414 = tpu.memref_slice %arg8[%dma_start3A_412, %dma_start3A_413] : memref<96x48xf32, #tpu.memory_space<vmem>> -> memref<96x48xf32, #tpu.memory_space<vmem>>
      tpu.enqueue_dma source(%dma_start3A_414 : memref<96x48xf32, #tpu.memory_space<vmem>>) target(%dma_start3A_411 : memref<96x48xf32, #tpu.memory_space<hbm>>) target_semaphore(%run_scoped3A : memref<!tpu.dma_semaphore, #tpu.memory_space<semaphore_mem>>)
      %dma_wait3A_415 = arith.constant 0 : i32
      %dma_wait3A_416 = arith.constant 0 : i32
      %dma_wait3A_417 = tpu.memref_slice %arg8[%dma_wait3A_415, %dma_wait3A_416] : memref<96x48xf32, #tpu.memory_space<vmem>> -> memref<96x48xf32, #tpu.memory_space<vmem>>
      %dma_wait3A_418 = arith.constant 0 : i32
      %dma_wait3A_419 = tpu.memref_slice %arg5[%arg0, %add3A_382, %dma_wait3A_418] : memref<2x10240x48xf32, #tpu.memory_space<hbm>> -> memref<1x96x48xf32, #tpu.memory_space<hbm>>
      %dma_wait3A_420 = tpu.memref_squeeze %dma_wait3A_419 : memref<1x96x48xf32, #tpu.memory_space<hbm>> -> memref<96x48xf32, #tpu.memory_space<hbm>>
      %dma_wait3A_421 = arith.constant 0 : i32
      %dma_wait3A_422 = tpu.memref_slice %arg5[%arg0, %add3A_382, %dma_wait3A_421] : memref<2x10240x48xf32, #tpu.memory_space<hbm>> -> memref<1x96x48xf32, #tpu.memory_space<hbm>>
      %dma_wait3A_423 = tpu.memref_squeeze %dma_wait3A_422 : memref<1x96x48xf32, #tpu.memory_space<hbm>> -> memref<96x48xf32, #tpu.memory_space<hbm>>
      %dma_wait3A_424 = arith.constant 0 : i32
      %dma_wait3A_425 = arith.constant 0 : i32
      %dma_wait3A_426 = tpu.memref_slice %arg8[%dma_wait3A_424, %dma_wait3A_425] : memref<96x48xf32, #tpu.memory_space<vmem>> -> memref<96x48xf32, #tpu.memory_space<vmem>>
      tpu.wait_dma2 semaphore(%run_scoped3A : memref<!tpu.dma_semaphore, #tpu.memory_space<semaphore_mem>>) src(%dma_wait3A_426 : memref<96x48xf32, #tpu.memory_space<vmem>>) dst(%dma_wait3A_423 : memref<96x48xf32, #tpu.memory_space<hbm>>)
      tpu.yield
    }) : () -> ()
    %mul3A_383 = arith.constant 640 : i32
    %mul3A_384 = arith.muli %arg1, %mul3A_383 : i32
    %add3A_385 = arith.constant 192 : i32
    %add3A_386 = arith.addi %mul3A_384, %add3A_385 : i32
    "tpu.region"() ({
      %run_scoped3A = tpu.sem_alloc : memref<!tpu.dma_semaphore, #tpu.memory_space<semaphore_mem>>
      %dma_start3A_403 = arith.constant 0 : i32
      %dma_start3A_404 = arith.constant 0 : i32
      %dma_start3A_405 = tpu.memref_slice %arg8[%dma_start3A_403, %dma_start3A_404] : memref<96x48xf32, #tpu.memory_space<vmem>> -> memref<96x48xf32, #tpu.memory_space<vmem>>
      %dma_start3A_406 = arith.constant 0 : i32
      %dma_start3A_407 = tpu.memref_slice %arg12[%add3A_386, %dma_start3A_406] : memref<10240x48xf32, #tpu.memory_space<vmem_shared>> -> memref<96x48xf32, #tpu.memory_space<vmem_shared>>
      %dma_start3A_408 = arith.constant 0 : i32
      %dma_start3A_409 = arith.constant 0 : i32
      %dma_start3A_410 = tpu.memref_slice %arg8[%dma_start3A_408, %dma_start3A_409] : memref<96x48xf32, #tpu.memory_space<vmem>> -> memref<96x48xf32, #tpu.memory_space<vmem>>
      %dma_start3A_411 = arith.constant 0 : i32
      %dma_start3A_412 = tpu.memref_slice %arg12[%add3A_386, %dma_start3A_411] : memref<10240x48xf32, #tpu.memory_space<vmem_shared>> -> memref<96x48xf32, #tpu.memory_space<vmem_shared>>
      tpu.enqueue_dma source(%dma_start3A_412 : memref<96x48xf32, #tpu.memory_space<vmem_shared>>) target(%dma_start3A_410 : memref<96x48xf32, #tpu.memory_space<vmem>>) target_semaphore(%run_scoped3A : memref<!tpu.dma_semaphore, #tpu.memory_space<semaphore_mem>>)
      %dma_wait3A_413 = arith.constant 0 : i32
      %dma_wait3A_414 = arith.constant 0 : i32
      %dma_wait3A_415 = tpu.memref_slice %arg8[%dma_wait3A_413, %dma_wait3A_414] : memref<96x48xf32, #tpu.memory_space<vmem>> -> memref<96x48xf32, #tpu.memory_space<vmem>>
      %dma_wait3A_416 = arith.constant 0 : i32
      %dma_wait3A_417 = tpu.memref_slice %arg12[%add3A_386, %dma_wait3A_416] : memref<10240x48xf32, #tpu.memory_space<vmem_shared>> -> memref<96x48xf32, #tpu.memory_space<vmem_shared>>
      %dma_wait3A_418 = arith.constant 0 : i32
      %dma_wait3A_419 = arith.constant 0 : i32
      %dma_wait3A_420 = tpu.memref_slice %arg8[%dma_wait3A_418, %dma_wait3A_419] : memref<96x48xf32, #tpu.memory_space<vmem>> -> memref<96x48xf32, #tpu.memory_space<vmem>>
      %dma_wait3A_421 = arith.constant 0 : i32
      %dma_wait3A_422 = tpu.memref_slice %arg12[%add3A_386, %dma_wait3A_421] : memref<10240x48xf32, #tpu.memory_space<vmem_shared>> -> memref<96x48xf32, #tpu.memory_space<vmem_shared>>
      tpu.wait_dma2 semaphore(%run_scoped3A : memref<!tpu.dma_semaphore, #tpu.memory_space<semaphore_mem>>) src(%dma_wait3A_422 : memref<96x48xf32, #tpu.memory_space<vmem_shared>>) dst(%dma_wait3A_420 : memref<96x48xf32, #tpu.memory_space<vmem>>)
      tpu.yield
    }) : () -> ()
    "tpu.region"() ({
      %run_scoped3A = tpu.sem_alloc : memref<!tpu.dma_semaphore, #tpu.memory_space<semaphore_mem>>
      %dma_start3A_403 = arith.constant 0 : i32
      %dma_start3A_404 = arith.constant 0 : i32
      %dma_start3A_405 = tpu.memref_slice %arg8[%dma_start3A_403, %dma_start3A_404] : memref<96x48xf32, #tpu.memory_space<vmem>> -> memref<96x48xf32, #tpu.memory_space<vmem>>
      %dma_start3A_406 = arith.constant 0 : i32
      %dma_start3A_407 = tpu.memref_slice %arg5[%arg0, %add3A_386, %dma_start3A_406] : memref<2x10240x48xf32, #tpu.memory_space<hbm>> -> memref<1x96x48xf32, #tpu.memory_space<hbm>>
      %dma_start3A_408 = tpu.memref_squeeze %dma_start3A_407 : memref<1x96x48xf32, #tpu.memory_space<hbm>> -> memref<96x48xf32, #tpu.memory_space<hbm>>
      %dma_start3A_409 = arith.constant 0 : i32
      %dma_start3A_410 = tpu.memref_slice %arg5[%arg0, %add3A_386, %dma_start3A_409] : memref<2x10240x48xf32, #tpu.memory_space<hbm>> -> memref<1x96x48xf32, #tpu.memory_space<hbm>>
      %dma_start3A_411 = tpu.memref_squeeze %dma_start3A_410 : memref<1x96x48xf32, #tpu.memory_space<hbm>> -> memref<96x48xf32, #tpu.memory_space<hbm>>
      %dma_start3A_412 = arith.constant 0 : i32
      %dma_start3A_413 = arith.constant 0 : i32
      %dma_start3A_414 = tpu.memref_slice %arg8[%dma_start3A_412, %dma_start3A_413] : memref<96x48xf32, #tpu.memory_space<vmem>> -> memref<96x48xf32, #tpu.memory_space<vmem>>
      tpu.enqueue_dma source(%dma_start3A_414 : memref<96x48xf32, #tpu.memory_space<vmem>>) target(%dma_start3A_411 : memref<96x48xf32, #tpu.memory_space<hbm>>) target_semaphore(%run_scoped3A : memref<!tpu.dma_semaphore, #tpu.memory_space<semaphore_mem>>)
      %dma_wait3A_415 = arith.constant 0 : i32
      %dma_wait3A_416 = arith.constant 0 : i32
      %dma_wait3A_417 = tpu.memref_slice %arg8[%dma_wait3A_415, %dma_wait3A_416] : memref<96x48xf32, #tpu.memory_space<vmem>> -> memref<96x48xf32, #tpu.memory_space<vmem>>
      %dma_wait3A_418 = arith.constant 0 : i32
      %dma_wait3A_419 = tpu.memref_slice %arg5[%arg0, %add3A_386, %dma_wait3A_418] : memref<2x10240x48xf32, #tpu.memory_space<hbm>> -> memref<1x96x48xf32, #tpu.memory_space<hbm>>
      %dma_wait3A_420 = tpu.memref_squeeze %dma_wait3A_419 : memref<1x96x48xf32, #tpu.memory_space<hbm>> -> memref<96x48xf32, #tpu.memory_space<hbm>>
      %dma_wait3A_421 = arith.constant 0 : i32
      %dma_wait3A_422 = tpu.memref_slice %arg5[%arg0, %add3A_386, %dma_wait3A_421] : memref<2x10240x48xf32, #tpu.memory_space<hbm>> -> memref<1x96x48xf32, #tpu.memory_space<hbm>>
      %dma_wait3A_423 = tpu.memref_squeeze %dma_wait3A_422 : memref<1x96x48xf32, #tpu.memory_space<hbm>> -> memref<96x48xf32, #tpu.memory_space<hbm>>
      %dma_wait3A_424 = arith.constant 0 : i32
      %dma_wait3A_425 = arith.constant 0 : i32
      %dma_wait3A_426 = tpu.memref_slice %arg8[%dma_wait3A_424, %dma_wait3A_425] : memref<96x48xf32, #tpu.memory_space<vmem>> -> memref<96x48xf32, #tpu.memory_space<vmem>>
      tpu.wait_dma2 semaphore(%run_scoped3A : memref<!tpu.dma_semaphore, #tpu.memory_space<semaphore_mem>>) src(%dma_wait3A_426 : memref<96x48xf32, #tpu.memory_space<vmem>>) dst(%dma_wait3A_423 : memref<96x48xf32, #tpu.memory_space<hbm>>)
      tpu.yield
    }) : () -> ()
    %mul3A_387 = arith.constant 640 : i32
    %mul3A_388 = arith.muli %arg1, %mul3A_387 : i32
    %add3A_389 = arith.constant 288 : i32
    %add3A_390 = arith.addi %mul3A_388, %add3A_389 : i32
    "tpu.region"() ({
      %run_scoped3A = tpu.sem_alloc : memref<!tpu.dma_semaphore, #tpu.memory_space<semaphore_mem>>
      %dma_start3A_403 = arith.constant 0 : i32
      %dma_start3A_404 = arith.constant 0 : i32
      %dma_start3A_405 = tpu.memref_slice %arg8[%dma_start3A_403, %dma_start3A_404] : memref<96x48xf32, #tpu.memory_space<vmem>> -> memref<96x48xf32, #tpu.memory_space<vmem>>
      %dma_start3A_406 = arith.constant 0 : i32
      %dma_start3A_407 = tpu.memref_slice %arg12[%add3A_390, %dma_start3A_406] : memref<10240x48xf32, #tpu.memory_space<vmem_shared>> -> memref<96x48xf32, #tpu.memory_space<vmem_shared>>
      %dma_start3A_408 = arith.constant 0 : i32
      %dma_start3A_409 = arith.constant 0 : i32
      %dma_start3A_410 = tpu.memref_slice %arg8[%dma_start3A_408, %dma_start3A_409] : memref<96x48xf32, #tpu.memory_space<vmem>> -> memref<96x48xf32, #tpu.memory_space<vmem>>
      %dma_start3A_411 = arith.constant 0 : i32
      %dma_start3A_412 = tpu.memref_slice %arg12[%add3A_390, %dma_start3A_411] : memref<10240x48xf32, #tpu.memory_space<vmem_shared>> -> memref<96x48xf32, #tpu.memory_space<vmem_shared>>
      tpu.enqueue_dma source(%dma_start3A_412 : memref<96x48xf32, #tpu.memory_space<vmem_shared>>) target(%dma_start3A_410 : memref<96x48xf32, #tpu.memory_space<vmem>>) target_semaphore(%run_scoped3A : memref<!tpu.dma_semaphore, #tpu.memory_space<semaphore_mem>>)
      %dma_wait3A_413 = arith.constant 0 : i32
      %dma_wait3A_414 = arith.constant 0 : i32
      %dma_wait3A_415 = tpu.memref_slice %arg8[%dma_wait3A_413, %dma_wait3A_414] : memref<96x48xf32, #tpu.memory_space<vmem>> -> memref<96x48xf32, #tpu.memory_space<vmem>>
      %dma_wait3A_416 = arith.constant 0 : i32
      %dma_wait3A_417 = tpu.memref_slice %arg12[%add3A_390, %dma_wait3A_416] : memref<10240x48xf32, #tpu.memory_space<vmem_shared>> -> memref<96x48xf32, #tpu.memory_space<vmem_shared>>
      %dma_wait3A_418 = arith.constant 0 : i32
      %dma_wait3A_419 = arith.constant 0 : i32
      %dma_wait3A_420 = tpu.memref_slice %arg8[%dma_wait3A_418, %dma_wait3A_419] : memref<96x48xf32, #tpu.memory_space<vmem>> -> memref<96x48xf32, #tpu.memory_space<vmem>>
      %dma_wait3A_421 = arith.constant 0 : i32
      %dma_wait3A_422 = tpu.memref_slice %arg12[%add3A_390, %dma_wait3A_421] : memref<10240x48xf32, #tpu.memory_space<vmem_shared>> -> memref<96x48xf32, #tpu.memory_space<vmem_shared>>
      tpu.wait_dma2 semaphore(%run_scoped3A : memref<!tpu.dma_semaphore, #tpu.memory_space<semaphore_mem>>) src(%dma_wait3A_422 : memref<96x48xf32, #tpu.memory_space<vmem_shared>>) dst(%dma_wait3A_420 : memref<96x48xf32, #tpu.memory_space<vmem>>)
      tpu.yield
    }) : () -> ()
    "tpu.region"() ({
      %run_scoped3A = tpu.sem_alloc : memref<!tpu.dma_semaphore, #tpu.memory_space<semaphore_mem>>
      %dma_start3A_403 = arith.constant 0 : i32
      %dma_start3A_404 = arith.constant 0 : i32
      %dma_start3A_405 = tpu.memref_slice %arg8[%dma_start3A_403, %dma_start3A_404] : memref<96x48xf32, #tpu.memory_space<vmem>> -> memref<96x48xf32, #tpu.memory_space<vmem>>
      %dma_start3A_406 = arith.constant 0 : i32
      %dma_start3A_407 = tpu.memref_slice %arg5[%arg0, %add3A_390, %dma_start3A_406] : memref<2x10240x48xf32, #tpu.memory_space<hbm>> -> memref<1x96x48xf32, #tpu.memory_space<hbm>>
      %dma_start3A_408 = tpu.memref_squeeze %dma_start3A_407 : memref<1x96x48xf32, #tpu.memory_space<hbm>> -> memref<96x48xf32, #tpu.memory_space<hbm>>
      %dma_start3A_409 = arith.constant 0 : i32
      %dma_start3A_410 = tpu.memref_slice %arg5[%arg0, %add3A_390, %dma_start3A_409] : memref<2x10240x48xf32, #tpu.memory_space<hbm>> -> memref<1x96x48xf32, #tpu.memory_space<hbm>>
      %dma_start3A_411 = tpu.memref_squeeze %dma_start3A_410 : memref<1x96x48xf32, #tpu.memory_space<hbm>> -> memref<96x48xf32, #tpu.memory_space<hbm>>
      %dma_start3A_412 = arith.constant 0 : i32
      %dma_start3A_413 = arith.constant 0 : i32
      %dma_start3A_414 = tpu.memref_slice %arg8[%dma_start3A_412, %dma_start3A_413] : memref<96x48xf32, #tpu.memory_space<vmem>> -> memref<96x48xf32, #tpu.memory_space<vmem>>
      tpu.enqueue_dma source(%dma_start3A_414 : memref<96x48xf32, #tpu.memory_space<vmem>>) target(%dma_start3A_411 : memref<96x48xf32, #tpu.memory_space<hbm>>) target_semaphore(%run_scoped3A : memref<!tpu.dma_semaphore, #tpu.memory_space<semaphore_mem>>)
      %dma_wait3A_415 = arith.constant 0 : i32
      %dma_wait3A_416 = arith.constant 0 : i32
      %dma_wait3A_417 = tpu.memref_slice %arg8[%dma_wait3A_415, %dma_wait3A_416] : memref<96x48xf32, #tpu.memory_space<vmem>> -> memref<96x48xf32, #tpu.memory_space<vmem>>
      %dma_wait3A_418 = arith.constant 0 : i32
      %dma_wait3A_419 = tpu.memref_slice %arg5[%arg0, %add3A_390, %dma_wait3A_418] : memref<2x10240x48xf32, #tpu.memory_space<hbm>> -> memref<1x96x48xf32, #tpu.memory_space<hbm>>
      %dma_wait3A_420 = tpu.memref_squeeze %dma_wait3A_419 : memref<1x96x48xf32, #tpu.memory_space<hbm>> -> memref<96x48xf32, #tpu.memory_space<hbm>>
      %dma_wait3A_421 = arith.constant 0 : i32
      %dma_wait3A_422 = tpu.memref_slice %arg5[%arg0, %add3A_390, %dma_wait3A_421] : memref<2x10240x48xf32, #tpu.memory_space<hbm>> -> memref<1x96x48xf32, #tpu.memory_space<hbm>>
      %dma_wait3A_423 = tpu.memref_squeeze %dma_wait3A_422 : memref<1x96x48xf32, #tpu.memory_space<hbm>> -> memref<96x48xf32, #tpu.memory_space<hbm>>
      %dma_wait3A_424 = arith.constant 0 : i32
      %dma_wait3A_425 = arith.constant 0 : i32
      %dma_wait3A_426 = tpu.memref_slice %arg8[%dma_wait3A_424, %dma_wait3A_425] : memref<96x48xf32, #tpu.memory_space<vmem>> -> memref<96x48xf32, #tpu.memory_space<vmem>>
      tpu.wait_dma2 semaphore(%run_scoped3A : memref<!tpu.dma_semaphore, #tpu.memory_space<semaphore_mem>>) src(%dma_wait3A_426 : memref<96x48xf32, #tpu.memory_space<vmem>>) dst(%dma_wait3A_423 : memref<96x48xf32, #tpu.memory_space<hbm>>)
      tpu.yield
    }) : () -> ()
    %mul3A_391 = arith.constant 640 : i32
    %mul3A_392 = arith.muli %arg1, %mul3A_391 : i32
    %add3A_393 = arith.constant 384 : i32
    %add3A_394 = arith.addi %mul3A_392, %add3A_393 : i32
    "tpu.region"() ({
      %run_scoped3A = tpu.sem_alloc : memref<!tpu.dma_semaphore, #tpu.memory_space<semaphore_mem>>
      %dma_start3A_403 = arith.constant 0 : i32
      %dma_start3A_404 = arith.constant 0 : i32
      %dma_start3A_405 = tpu.memref_slice %arg8[%dma_start3A_403, %dma_start3A_404] : memref<96x48xf32, #tpu.memory_space<vmem>> -> memref<96x48xf32, #tpu.memory_space<vmem>>
      %dma_start3A_406 = arith.constant 0 : i32
      %dma_start3A_407 = tpu.memref_slice %arg12[%add3A_394, %dma_start3A_406] : memref<10240x48xf32, #tpu.memory_space<vmem_shared>> -> memref<96x48xf32, #tpu.memory_space<vmem_shared>>
      %dma_start3A_408 = arith.constant 0 : i32
      %dma_start3A_409 = arith.constant 0 : i32
      %dma_start3A_410 = tpu.memref_slice %arg8[%dma_start3A_408, %dma_start3A_409] : memref<96x48xf32, #tpu.memory_space<vmem>> -> memref<96x48xf32, #tpu.memory_space<vmem>>
      %dma_start3A_411 = arith.constant 0 : i32
      %dma_start3A_412 = tpu.memref_slice %arg12[%add3A_394, %dma_start3A_411] : memref<10240x48xf32, #tpu.memory_space<vmem_shared>> -> memref<96x48xf32, #tpu.memory_space<vmem_shared>>
      tpu.enqueue_dma source(%dma_start3A_412 : memref<96x48xf32, #tpu.memory_space<vmem_shared>>) target(%dma_start3A_410 : memref<96x48xf32, #tpu.memory_space<vmem>>) target_semaphore(%run_scoped3A : memref<!tpu.dma_semaphore, #tpu.memory_space<semaphore_mem>>)
      %dma_wait3A_413 = arith.constant 0 : i32
      %dma_wait3A_414 = arith.constant 0 : i32
      %dma_wait3A_415 = tpu.memref_slice %arg8[%dma_wait3A_413, %dma_wait3A_414] : memref<96x48xf32, #tpu.memory_space<vmem>> -> memref<96x48xf32, #tpu.memory_space<vmem>>
      %dma_wait3A_416 = arith.constant 0 : i32
      %dma_wait3A_417 = tpu.memref_slice %arg12[%add3A_394, %dma_wait3A_416] : memref<10240x48xf32, #tpu.memory_space<vmem_shared>> -> memref<96x48xf32, #tpu.memory_space<vmem_shared>>
      %dma_wait3A_418 = arith.constant 0 : i32
      %dma_wait3A_419 = arith.constant 0 : i32
      %dma_wait3A_420 = tpu.memref_slice %arg8[%dma_wait3A_418, %dma_wait3A_419] : memref<96x48xf32, #tpu.memory_space<vmem>> -> memref<96x48xf32, #tpu.memory_space<vmem>>
      %dma_wait3A_421 = arith.constant 0 : i32
      %dma_wait3A_422 = tpu.memref_slice %arg12[%add3A_394, %dma_wait3A_421] : memref<10240x48xf32, #tpu.memory_space<vmem_shared>> -> memref<96x48xf32, #tpu.memory_space<vmem_shared>>
      tpu.wait_dma2 semaphore(%run_scoped3A : memref<!tpu.dma_semaphore, #tpu.memory_space<semaphore_mem>>) src(%dma_wait3A_422 : memref<96x48xf32, #tpu.memory_space<vmem_shared>>) dst(%dma_wait3A_420 : memref<96x48xf32, #tpu.memory_space<vmem>>)
      tpu.yield
    }) : () -> ()
    "tpu.region"() ({
      %run_scoped3A = tpu.sem_alloc : memref<!tpu.dma_semaphore, #tpu.memory_space<semaphore_mem>>
      %dma_start3A_403 = arith.constant 0 : i32
      %dma_start3A_404 = arith.constant 0 : i32
      %dma_start3A_405 = tpu.memref_slice %arg8[%dma_start3A_403, %dma_start3A_404] : memref<96x48xf32, #tpu.memory_space<vmem>> -> memref<96x48xf32, #tpu.memory_space<vmem>>
      %dma_start3A_406 = arith.constant 0 : i32
      %dma_start3A_407 = tpu.memref_slice %arg5[%arg0, %add3A_394, %dma_start3A_406] : memref<2x10240x48xf32, #tpu.memory_space<hbm>> -> memref<1x96x48xf32, #tpu.memory_space<hbm>>
      %dma_start3A_408 = tpu.memref_squeeze %dma_start3A_407 : memref<1x96x48xf32, #tpu.memory_space<hbm>> -> memref<96x48xf32, #tpu.memory_space<hbm>>
      %dma_start3A_409 = arith.constant 0 : i32
      %dma_start3A_410 = tpu.memref_slice %arg5[%arg0, %add3A_394, %dma_start3A_409] : memref<2x10240x48xf32, #tpu.memory_space<hbm>> -> memref<1x96x48xf32, #tpu.memory_space<hbm>>
      %dma_start3A_411 = tpu.memref_squeeze %dma_start3A_410 : memref<1x96x48xf32, #tpu.memory_space<hbm>> -> memref<96x48xf32, #tpu.memory_space<hbm>>
      %dma_start3A_412 = arith.constant 0 : i32
      %dma_start3A_413 = arith.constant 0 : i32
      %dma_start3A_414 = tpu.memref_slice %arg8[%dma_start3A_412, %dma_start3A_413] : memref<96x48xf32, #tpu.memory_space<vmem>> -> memref<96x48xf32, #tpu.memory_space<vmem>>
      tpu.enqueue_dma source(%dma_start3A_414 : memref<96x48xf32, #tpu.memory_space<vmem>>) target(%dma_start3A_411 : memref<96x48xf32, #tpu.memory_space<hbm>>) target_semaphore(%run_scoped3A : memref<!tpu.dma_semaphore, #tpu.memory_space<semaphore_mem>>)
      %dma_wait3A_415 = arith.constant 0 : i32
      %dma_wait3A_416 = arith.constant 0 : i32
      %dma_wait3A_417 = tpu.memref_slice %arg8[%dma_wait3A_415, %dma_wait3A_416] : memref<96x48xf32, #tpu.memory_space<vmem>> -> memref<96x48xf32, #tpu.memory_space<vmem>>
      %dma_wait3A_418 = arith.constant 0 : i32
      %dma_wait3A_419 = tpu.memref_slice %arg5[%arg0, %add3A_394, %dma_wait3A_418] : memref<2x10240x48xf32, #tpu.memory_space<hbm>> -> memref<1x96x48xf32, #tpu.memory_space<hbm>>
      %dma_wait3A_420 = tpu.memref_squeeze %dma_wait3A_419 : memref<1x96x48xf32, #tpu.memory_space<hbm>> -> memref<96x48xf32, #tpu.memory_space<hbm>>
      %dma_wait3A_421 = arith.constant 0 : i32
      %dma_wait3A_422 = tpu.memref_slice %arg5[%arg0, %add3A_394, %dma_wait3A_421] : memref<2x10240x48xf32, #tpu.memory_space<hbm>> -> memref<1x96x48xf32, #tpu.memory_space<hbm>>
      %dma_wait3A_423 = tpu.memref_squeeze %dma_wait3A_422 : memref<1x96x48xf32, #tpu.memory_space<hbm>> -> memref<96x48xf32, #tpu.memory_space<hbm>>
      %dma_wait3A_424 = arith.constant 0 : i32
      %dma_wait3A_425 = arith.constant 0 : i32
      %dma_wait3A_426 = tpu.memref_slice %arg8[%dma_wait3A_424, %dma_wait3A_425] : memref<96x48xf32, #tpu.memory_space<vmem>> -> memref<96x48xf32, #tpu.memory_space<vmem>>
      tpu.wait_dma2 semaphore(%run_scoped3A : memref<!tpu.dma_semaphore, #tpu.memory_space<semaphore_mem>>) src(%dma_wait3A_426 : memref<96x48xf32, #tpu.memory_space<vmem>>) dst(%dma_wait3A_423 : memref<96x48xf32, #tpu.memory_space<hbm>>)
      tpu.yield
    }) : () -> ()
    %mul3A_395 = arith.constant 640 : i32
    %mul3A_396 = arith.muli %arg1, %mul3A_395 : i32
    %add3A_397 = arith.constant 480 : i32
    %add3A_398 = arith.addi %mul3A_396, %add3A_397 : i32
    "tpu.region"() ({
      %run_scoped3A = tpu.sem_alloc : memref<!tpu.dma_semaphore, #tpu.memory_space<semaphore_mem>>
      %dma_start3A_403 = arith.constant 0 : i32
      %dma_start3A_404 = arith.constant 0 : i32
      %dma_start3A_405 = tpu.memref_slice %arg8[%dma_start3A_403, %dma_start3A_404] : memref<96x48xf32, #tpu.memory_space<vmem>> -> memref<96x48xf32, #tpu.memory_space<vmem>>
      %dma_start3A_406 = arith.constant 0 : i32
      %dma_start3A_407 = tpu.memref_slice %arg12[%add3A_398, %dma_start3A_406] : memref<10240x48xf32, #tpu.memory_space<vmem_shared>> -> memref<96x48xf32, #tpu.memory_space<vmem_shared>>
      %dma_start3A_408 = arith.constant 0 : i32
      %dma_start3A_409 = arith.constant 0 : i32
      %dma_start3A_410 = tpu.memref_slice %arg8[%dma_start3A_408, %dma_start3A_409] : memref<96x48xf32, #tpu.memory_space<vmem>> -> memref<96x48xf32, #tpu.memory_space<vmem>>
      %dma_start3A_411 = arith.constant 0 : i32
      %dma_start3A_412 = tpu.memref_slice %arg12[%add3A_398, %dma_start3A_411] : memref<10240x48xf32, #tpu.memory_space<vmem_shared>> -> memref<96x48xf32, #tpu.memory_space<vmem_shared>>
      tpu.enqueue_dma source(%dma_start3A_412 : memref<96x48xf32, #tpu.memory_space<vmem_shared>>) target(%dma_start3A_410 : memref<96x48xf32, #tpu.memory_space<vmem>>) target_semaphore(%run_scoped3A : memref<!tpu.dma_semaphore, #tpu.memory_space<semaphore_mem>>)
      %dma_wait3A_413 = arith.constant 0 : i32
      %dma_wait3A_414 = arith.constant 0 : i32
      %dma_wait3A_415 = tpu.memref_slice %arg8[%dma_wait3A_413, %dma_wait3A_414] : memref<96x48xf32, #tpu.memory_space<vmem>> -> memref<96x48xf32, #tpu.memory_space<vmem>>
      %dma_wait3A_416 = arith.constant 0 : i32
      %dma_wait3A_417 = tpu.memref_slice %arg12[%add3A_398, %dma_wait3A_416] : memref<10240x48xf32, #tpu.memory_space<vmem_shared>> -> memref<96x48xf32, #tpu.memory_space<vmem_shared>>
      %dma_wait3A_418 = arith.constant 0 : i32
      %dma_wait3A_419 = arith.constant 0 : i32
      %dma_wait3A_420 = tpu.memref_slice %arg8[%dma_wait3A_418, %dma_wait3A_419] : memref<96x48xf32, #tpu.memory_space<vmem>> -> memref<96x48xf32, #tpu.memory_space<vmem>>
      %dma_wait3A_421 = arith.constant 0 : i32
      %dma_wait3A_422 = tpu.memref_slice %arg12[%add3A_398, %dma_wait3A_421] : memref<10240x48xf32, #tpu.memory_space<vmem_shared>> -> memref<96x48xf32, #tpu.memory_space<vmem_shared>>
      tpu.wait_dma2 semaphore(%run_scoped3A : memref<!tpu.dma_semaphore, #tpu.memory_space<semaphore_mem>>) src(%dma_wait3A_422 : memref<96x48xf32, #tpu.memory_space<vmem_shared>>) dst(%dma_wait3A_420 : memref<96x48xf32, #tpu.memory_space<vmem>>)
      tpu.yield
    }) : () -> ()
    "tpu.region"() ({
      %run_scoped3A = tpu.sem_alloc : memref<!tpu.dma_semaphore, #tpu.memory_space<semaphore_mem>>
      %dma_start3A_403 = arith.constant 0 : i32
      %dma_start3A_404 = arith.constant 0 : i32
      %dma_start3A_405 = tpu.memref_slice %arg8[%dma_start3A_403, %dma_start3A_404] : memref<96x48xf32, #tpu.memory_space<vmem>> -> memref<96x48xf32, #tpu.memory_space<vmem>>
      %dma_start3A_406 = arith.constant 0 : i32
      %dma_start3A_407 = tpu.memref_slice %arg5[%arg0, %add3A_398, %dma_start3A_406] : memref<2x10240x48xf32, #tpu.memory_space<hbm>> -> memref<1x96x48xf32, #tpu.memory_space<hbm>>
      %dma_start3A_408 = tpu.memref_squeeze %dma_start3A_407 : memref<1x96x48xf32, #tpu.memory_space<hbm>> -> memref<96x48xf32, #tpu.memory_space<hbm>>
      %dma_start3A_409 = arith.constant 0 : i32
      %dma_start3A_410 = tpu.memref_slice %arg5[%arg0, %add3A_398, %dma_start3A_409] : memref<2x10240x48xf32, #tpu.memory_space<hbm>> -> memref<1x96x48xf32, #tpu.memory_space<hbm>>
      %dma_start3A_411 = tpu.memref_squeeze %dma_start3A_410 : memref<1x96x48xf32, #tpu.memory_space<hbm>> -> memref<96x48xf32, #tpu.memory_space<hbm>>
      %dma_start3A_412 = arith.constant 0 : i32
      %dma_start3A_413 = arith.constant 0 : i32
      %dma_start3A_414 = tpu.memref_slice %arg8[%dma_start3A_412, %dma_start3A_413] : memref<96x48xf32, #tpu.memory_space<vmem>> -> memref<96x48xf32, #tpu.memory_space<vmem>>
      tpu.enqueue_dma source(%dma_start3A_414 : memref<96x48xf32, #tpu.memory_space<vmem>>) target(%dma_start3A_411 : memref<96x48xf32, #tpu.memory_space<hbm>>) target_semaphore(%run_scoped3A : memref<!tpu.dma_semaphore, #tpu.memory_space<semaphore_mem>>)
      %dma_wait3A_415 = arith.constant 0 : i32
      %dma_wait3A_416 = arith.constant 0 : i32
      %dma_wait3A_417 = tpu.memref_slice %arg8[%dma_wait3A_415, %dma_wait3A_416] : memref<96x48xf32, #tpu.memory_space<vmem>> -> memref<96x48xf32, #tpu.memory_space<vmem>>
      %dma_wait3A_418 = arith.constant 0 : i32
      %dma_wait3A_419 = tpu.memref_slice %arg5[%arg0, %add3A_398, %dma_wait3A_418] : memref<2x10240x48xf32, #tpu.memory_space<hbm>> -> memref<1x96x48xf32, #tpu.memory_space<hbm>>
      %dma_wait3A_420 = tpu.memref_squeeze %dma_wait3A_419 : memref<1x96x48xf32, #tpu.memory_space<hbm>> -> memref<96x48xf32, #tpu.memory_space<hbm>>
      %dma_wait3A_421 = arith.constant 0 : i32
      %dma_wait3A_422 = tpu.memref_slice %arg5[%arg0, %add3A_398, %dma_wait3A_421] : memref<2x10240x48xf32, #tpu.memory_space<hbm>> -> memref<1x96x48xf32, #tpu.memory_space<hbm>>
      %dma_wait3A_423 = tpu.memref_squeeze %dma_wait3A_422 : memref<1x96x48xf32, #tpu.memory_space<hbm>> -> memref<96x48xf32, #tpu.memory_space<hbm>>
      %dma_wait3A_424 = arith.constant 0 : i32
      %dma_wait3A_425 = arith.constant 0 : i32
      %dma_wait3A_426 = tpu.memref_slice %arg8[%dma_wait3A_424, %dma_wait3A_425] : memref<96x48xf32, #tpu.memory_space<vmem>> -> memref<96x48xf32, #tpu.memory_space<vmem>>
      tpu.wait_dma2 semaphore(%run_scoped3A : memref<!tpu.dma_semaphore, #tpu.memory_space<semaphore_mem>>) src(%dma_wait3A_426 : memref<96x48xf32, #tpu.memory_space<vmem>>) dst(%dma_wait3A_423 : memref<96x48xf32, #tpu.memory_space<hbm>>)
      tpu.yield
    }) : () -> ()
    %mul3A_399 = arith.constant 640 : i32
    %mul3A_400 = arith.muli %arg1, %mul3A_399 : i32
    %add3A_401 = arith.constant 576 : i32
    %add3A_402 = arith.addi %mul3A_400, %add3A_401 : i32
    "tpu.region"() ({
      %run_scoped3A = tpu.sem_alloc : memref<!tpu.dma_semaphore, #tpu.memory_space<semaphore_mem>>
      %dma_start3A_403 = arith.constant 0 : i32
      %dma_start3A_404 = arith.constant 0 : i32
      %dma_start3A_405 = tpu.memref_slice %arg8[%dma_start3A_403, %dma_start3A_404] : memref<96x48xf32, #tpu.memory_space<vmem>> -> memref<64x48xf32, #tpu.memory_space<vmem>>
      %dma_start3A_406 = arith.constant 0 : i32
      %dma_start3A_407 = tpu.memref_slice %arg12[%add3A_402, %dma_start3A_406] : memref<10240x48xf32, #tpu.memory_space<vmem_shared>> -> memref<64x48xf32, #tpu.memory_space<vmem_shared>>
      %dma_start3A_408 = arith.constant 0 : i32
      %dma_start3A_409 = arith.constant 0 : i32
      %dma_start3A_410 = tpu.memref_slice %arg8[%dma_start3A_408, %dma_start3A_409] : memref<96x48xf32, #tpu.memory_space<vmem>> -> memref<64x48xf32, #tpu.memory_space<vmem>>
      %dma_start3A_411 = arith.constant 0 : i32
      %dma_start3A_412 = tpu.memref_slice %arg12[%add3A_402, %dma_start3A_411] : memref<10240x48xf32, #tpu.memory_space<vmem_shared>> -> memref<64x48xf32, #tpu.memory_space<vmem_shared>>
      tpu.enqueue_dma source(%dma_start3A_412 : memref<64x48xf32, #tpu.memory_space<vmem_shared>>) target(%dma_start3A_410 : memref<64x48xf32, #tpu.memory_space<vmem>>) target_semaphore(%run_scoped3A : memref<!tpu.dma_semaphore, #tpu.memory_space<semaphore_mem>>)
      %dma_wait3A_413 = arith.constant 0 : i32
      %dma_wait3A_414 = arith.constant 0 : i32
      %dma_wait3A_415 = tpu.memref_slice %arg8[%dma_wait3A_413, %dma_wait3A_414] : memref<96x48xf32, #tpu.memory_space<vmem>> -> memref<64x48xf32, #tpu.memory_space<vmem>>
      %dma_wait3A_416 = arith.constant 0 : i32
      %dma_wait3A_417 = tpu.memref_slice %arg12[%add3A_402, %dma_wait3A_416] : memref<10240x48xf32, #tpu.memory_space<vmem_shared>> -> memref<64x48xf32, #tpu.memory_space<vmem_shared>>
      %dma_wait3A_418 = arith.constant 0 : i32
      %dma_wait3A_419 = arith.constant 0 : i32
      %dma_wait3A_420 = tpu.memref_slice %arg8[%dma_wait3A_418, %dma_wait3A_419] : memref<96x48xf32, #tpu.memory_space<vmem>> -> memref<64x48xf32, #tpu.memory_space<vmem>>
      %dma_wait3A_421 = arith.constant 0 : i32
      %dma_wait3A_422 = tpu.memref_slice %arg12[%add3A_402, %dma_wait3A_421] : memref<10240x48xf32, #tpu.memory_space<vmem_shared>> -> memref<64x48xf32, #tpu.memory_space<vmem_shared>>
      tpu.wait_dma2 semaphore(%run_scoped3A : memref<!tpu.dma_semaphore, #tpu.memory_space<semaphore_mem>>) src(%dma_wait3A_422 : memref<64x48xf32, #tpu.memory_space<vmem_shared>>) dst(%dma_wait3A_420 : memref<64x48xf32, #tpu.memory_space<vmem>>)
      tpu.yield
    }) : () -> ()
    "tpu.region"() ({
      %run_scoped3A = tpu.sem_alloc : memref<!tpu.dma_semaphore, #tpu.memory_space<semaphore_mem>>
      %dma_start3A_403 = arith.constant 0 : i32
      %dma_start3A_404 = arith.constant 0 : i32
      %dma_start3A_405 = tpu.memref_slice %arg8[%dma_start3A_403, %dma_start3A_404] : memref<96x48xf32, #tpu.memory_space<vmem>> -> memref<64x48xf32, #tpu.memory_space<vmem>>
      %dma_start3A_406 = arith.constant 0 : i32
      %dma_start3A_407 = tpu.memref_slice %arg5[%arg0, %add3A_402, %dma_start3A_406] : memref<2x10240x48xf32, #tpu.memory_space<hbm>> -> memref<1x64x48xf32, #tpu.memory_space<hbm>>
      %dma_start3A_408 = tpu.memref_squeeze %dma_start3A_407 : memref<1x64x48xf32, #tpu.memory_space<hbm>> -> memref<64x48xf32, #tpu.memory_space<hbm>>
      %dma_start3A_409 = arith.constant 0 : i32
      %dma_start3A_410 = tpu.memref_slice %arg5[%arg0, %add3A_402, %dma_start3A_409] : memref<2x10240x48xf32, #tpu.memory_space<hbm>> -> memref<1x64x48xf32, #tpu.memory_space<hbm>>
      %dma_start3A_411 = tpu.memref_squeeze %dma_start3A_410 : memref<1x64x48xf32, #tpu.memory_space<hbm>> -> memref<64x48xf32, #tpu.memory_space<hbm>>
      %dma_start3A_412 = arith.constant 0 : i32
      %dma_start3A_413 = arith.constant 0 : i32
      %dma_start3A_414 = tpu.memref_slice %arg8[%dma_start3A_412, %dma_start3A_413] : memref<96x48xf32, #tpu.memory_space<vmem>> -> memref<64x48xf32, #tpu.memory_space<vmem>>
      tpu.enqueue_dma source(%dma_start3A_414 : memref<64x48xf32, #tpu.memory_space<vmem>>) target(%dma_start3A_411 : memref<64x48xf32, #tpu.memory_space<hbm>>) target_semaphore(%run_scoped3A : memref<!tpu.dma_semaphore, #tpu.memory_space<semaphore_mem>>)
      %dma_wait3A_415 = arith.constant 0 : i32
      %dma_wait3A_416 = arith.constant 0 : i32
      %dma_wait3A_417 = tpu.memref_slice %arg8[%dma_wait3A_415, %dma_wait3A_416] : memref<96x48xf32, #tpu.memory_space<vmem>> -> memref<64x48xf32, #tpu.memory_space<vmem>>
      %dma_wait3A_418 = arith.constant 0 : i32
      %dma_wait3A_419 = tpu.memref_slice %arg5[%arg0, %add3A_402, %dma_wait3A_418] : memref<2x10240x48xf32, #tpu.memory_space<hbm>> -> memref<1x64x48xf32, #tpu.memory_space<hbm>>
      %dma_wait3A_420 = tpu.memref_squeeze %dma_wait3A_419 : memref<1x64x48xf32, #tpu.memory_space<hbm>> -> memref<64x48xf32, #tpu.memory_space<hbm>>
      %dma_wait3A_421 = arith.constant 0 : i32
      %dma_wait3A_422 = tpu.memref_slice %arg5[%arg0, %add3A_402, %dma_wait3A_421] : memref<2x10240x48xf32, #tpu.memory_space<hbm>> -> memref<1x64x48xf32, #tpu.memory_space<hbm>>
      %dma_wait3A_423 = tpu.memref_squeeze %dma_wait3A_422 : memref<1x64x48xf32, #tpu.memory_space<hbm>> -> memref<64x48xf32, #tpu.memory_space<hbm>>
      %dma_wait3A_424 = arith.constant 0 : i32
      %dma_wait3A_425 = arith.constant 0 : i32
      %dma_wait3A_426 = tpu.memref_slice %arg8[%dma_wait3A_424, %dma_wait3A_425] : memref<96x48xf32, #tpu.memory_space<vmem>> -> memref<64x48xf32, #tpu.memory_space<vmem>>
      tpu.wait_dma2 semaphore(%run_scoped3A : memref<!tpu.dma_semaphore, #tpu.memory_space<semaphore_mem>>) src(%dma_wait3A_426 : memref<64x48xf32, #tpu.memory_space<vmem>>) dst(%dma_wait3A_423 : memref<64x48xf32, #tpu.memory_space<hbm>>)
      tpu.yield
    }) : () -> ()
    return
  }
}

module attributes {stable_mosaic.version = 14 : i64} {
  func.func @body(%arg0: i32, %arg1: memref<1024x128xf32, #tpu.memory_space<vmem>>, %arg2: memref<128x128xf32, #tpu.memory_space<vmem>>, %arg3: memref<1024x1xf32, #tpu.memory_space<vmem>>, %arg4: memref<1024x1xf32, #tpu.memory_space<vmem>>, %arg5: memref<1024x128xf32, #tpu.memory_space<vmem>>) attributes {dimension_semantics = [#tpu.dimension_semantics<arbitrary>], iteration_bounds = array<i64: 10>, scalar_prefetch = 0 : i64, scratch_operands = 0 : i64, tpu.core_type = #tpu.core_type<tc>, window_params = [{transform_indices = @transform_0, window_bounds = array<i64: 1024, 128>}, {pipeline_mode = #tpu.pipeline_mode<synchronous>, transform_indices = @transform_1, window_bounds = array<i64: 128, 128>}, {transform_indices = @transform_2, window_bounds = array<i64: 1024, 1>}, {transform_indices = @transform_3, window_bounds = array<i64: 1024, 1>}, {transform_indices = @transform_4, window_bounds = array<i64: 1024, 128>}]} {
    %get3A = arith.constant 0 : index
    %get3A_0 = arith.constant 0 : index
    %get3A_1 = vector.load %arg3[%get3A, %get3A_0] : memref<1024x1xf32, #tpu.memory_space<vmem>>, vector<1024x1xf32>
    %get3A_2 = arith.constant 0 : index
    %get3A_3 = arith.constant 0 : index
    %get3A_4 = vector.load %arg4[%get3A_2, %get3A_3] : memref<1024x1xf32, #tpu.memory_space<vmem>>, vector<1024x1xf32>
    %add3A = arith.addf %get3A_1, %get3A_4 : vector<1024x1xf32>
    %add3A_5 = arith.constant 1.000000e+00 : f32
    %add3A_6 = vector.broadcast %add3A_5 : f32 to vector<1024x1xf32>
    %add3A_7 = arith.addf %add3A, %add3A_6 : vector<1024x1xf32>
    %rsqrt3A = math.rsqrt %add3A_7 : vector<1024x1xf32>
    %get3A_8 = arith.constant 0 : index
    %get3A_9 = arith.constant 0 : index
    %get3A_10 = vector.load %arg1[%get3A_8, %get3A_9] : memref<1024x128xf32, #tpu.memory_space<vmem>>, vector<1024x128xf32>
    %get3A_11 = arith.constant 0 : index
    %get3A_12 = arith.constant 0 : index
    %get3A_13 = vector.load %arg2[%get3A_11, %get3A_12] : memref<128x128xf32, #tpu.memory_space<vmem>>, vector<128x128xf32>
    %dot_general3A = arith.constant dense<0.000000e+00> : vector<1024x128xf32>
    %dot_general3A_14 = tpu.matmul %get3A_10, %get3A_13, %dot_general3A {dimension_numbers = #tpu.dot_dimension_numbers<[1], [0], [0], [1], [0, 0, 1, 1], [], []>, transpose_lhs_hint = false} : vector<1024x128xf32>, vector<128x128xf32>, vector<1024x128xf32> -> vector<1024x128xf32>
    %mul3A = vector.broadcast %rsqrt3A : vector<1024x1xf32> to vector<1024x128xf32>
    %mul3A_15 = arith.mulf %dot_general3A_14, %mul3A : vector<1024x128xf32>
    %swap3A = arith.constant 0 : index
    %swap3A_16 = arith.constant 0 : index
    %swap3A_17 = vector.load %arg5[%swap3A, %swap3A_16] : memref<1024x128xf32, #tpu.memory_space<vmem>>, vector<1024x128xf32>
    tpu.vector_store %arg5[%swap3A, %swap3A_16], %mul3A_15 {strides = array<i32>} : memref<1024x128xf32, #tpu.memory_space<vmem>>, vector<1024x128xf32>,
    return
  }
  func.func @transform_0(%arg0: i32) -> (i32, i32) {
    %c0_i32 = arith.constant 0 : i32
    %c0_i32_0 = arith.constant 0 : i32
    return %arg0, %c0_i32 : i32, i32
  }
  func.func @transform_1(%arg0: i32) -> (i32, i32) {
    %c0_i32 = arith.constant 0 : i32
    %c0_i32_0 = arith.constant 0 : i32
    %c0_i32_1 = arith.constant 0 : i32
    return %c0_i32, %c0_i32_0 : i32, i32
  }
  func.func @transform_2(%arg0: i32) -> (i32, i32) {
    %c0_i32 = arith.constant 0 : i32
    %c0_i32_0 = arith.constant 0 : i32
    return %arg0, %c0_i32 : i32, i32
  }
  func.func @transform_3(%arg0: i32) -> (i32, i32) {
    %c0_i32 = arith.constant 0 : i32
    %c0_i32_0 = arith.constant 0 : i32
    return %arg0, %c0_i32 : i32, i32
  }
  func.func @transform_4(%arg0: i32) -> (i32, i32) {
    %c0_i32 = arith.constant 0 : i32
    %c0_i32_0 = arith.constant 0 : i32
    return %arg0, %c0_i32 : i32, i32
  }
}

module attributes {stable_mosaic.version = 14 : i64} {
  func.func @body(%arg0: i32, %arg1: memref<1024x128xf32, #tpu.memory_space<vmem>>, %arg2: memref<1024x128xf32, #tpu.memory_space<vmem>>, %arg3: memref<1024x1xf32, #tpu.memory_space<vmem>>, %arg4: memref<1024x1xf32, #tpu.memory_space<vmem>>, %arg5: memref<1024x1xf32, #tpu.memory_space<vmem>>, %arg6: memref<1024x1xf32, #tpu.memory_space<vmem>>, %arg7: memref<1x128xf32, #tpu.memory_space<vmem>>, %arg8: memref<128x48xf32, #tpu.memory_space<vmem>>, %arg9: memref<1024x48xf32, #tpu.memory_space<vmem>>) attributes {dimension_semantics = [#tpu.dimension_semantics<arbitrary>], iteration_bounds = array<i64: 10>, scalar_prefetch = 0 : i64, scratch_operands = 0 : i64, tpu.core_type = #tpu.core_type<tc>, window_params = [{transform_indices = @transform_0, window_bounds = array<i64: 1024, 128>}, {transform_indices = @transform_1, window_bounds = array<i64: 1024, 128>}, {transform_indices = @transform_2, window_bounds = array<i64: 1024, 1>}, {transform_indices = @transform_3, window_bounds = array<i64: 1024, 1>}, {transform_indices = @transform_4, window_bounds = array<i64: 1024, 1>}, {transform_indices = @transform_5, window_bounds = array<i64: 1024, 1>}, {pipeline_mode = #tpu.pipeline_mode<synchronous>, transform_indices = @transform_6, window_bounds = array<i64: 1, 128>}, {pipeline_mode = #tpu.pipeline_mode<synchronous>, transform_indices = @transform_7, window_bounds = array<i64: 128, 48>}, {transform_indices = @transform_8, window_bounds = array<i64: 1024, 48>}]} {
    %get3A = arith.constant 0 : index
    %get3A_0 = arith.constant 0 : index
    %get3A_1 = vector.load %arg3[%get3A, %get3A_0] : memref<1024x1xf32, #tpu.memory_space<vmem>>, vector<1024x1xf32>
    %get3A_2 = arith.constant 0 : index
    %get3A_3 = arith.constant 0 : index
    %get3A_4 = vector.load %arg4[%get3A_2, %get3A_3] : memref<1024x1xf32, #tpu.memory_space<vmem>>, vector<1024x1xf32>
    %add3A = arith.addf %get3A_1, %get3A_4 : vector<1024x1xf32>
    %add3A_5 = arith.constant 1.000000e+00 : f32
    %add3A_6 = vector.broadcast %add3A_5 : f32 to vector<1024x1xf32>
    %add3A_7 = arith.addf %add3A, %add3A_6 : vector<1024x1xf32>
    %rsqrt3A = math.rsqrt %add3A_7 : vector<1024x1xf32>
    %get3A_8 = arith.constant 0 : index
    %get3A_9 = arith.constant 0 : index
    %get3A_10 = vector.load %arg1[%get3A_8, %get3A_9] : memref<1024x128xf32, #tpu.memory_space<vmem>>, vector<1024x128xf32>
    %get3A_11 = arith.constant 0 : index
    %get3A_12 = arith.constant 0 : index
    %get3A_13 = vector.load %arg2[%get3A_11, %get3A_12] : memref<1024x128xf32, #tpu.memory_space<vmem>>, vector<1024x128xf32>
    %add3A_14 = arith.addf %get3A_10, %get3A_13 : vector<1024x128xf32>
    %mul3A = vector.broadcast %rsqrt3A : vector<1024x1xf32> to vector<1024x128xf32>
    %mul3A_15 = arith.mulf %add3A_14, %mul3A : vector<1024x128xf32>
    %get3A_16 = arith.constant 0 : index
    %get3A_17 = arith.constant 0 : index
    %get3A_18 = vector.load %arg7[%get3A_16, %get3A_17] : memref<1x128xf32, #tpu.memory_space<vmem>>, vector<1x128xf32>
    %add3A_19 = vector.broadcast %get3A_18 : vector<1x128xf32> to vector<1024x128xf32>
    %add3A_20 = arith.addf %mul3A_15, %add3A_19 : vector<1024x128xf32>
    %max3A = arith.constant 0.000000e+00 : f32
    %max3A_21 = vector.broadcast %max3A : f32 to vector<1024x128xf32>
    %max3A_22 = arith.maximumf %add3A_20, %max3A_21 : vector<1024x128xf32>
    %get3A_23 = arith.constant 0 : index
    %get3A_24 = arith.constant 0 : index
    %get3A_25 = vector.load %arg5[%get3A_23, %get3A_24] : memref<1024x1xf32, #tpu.memory_space<vmem>>, vector<1024x1xf32>
    %get3A_26 = arith.constant 0 : index
    %get3A_27 = arith.constant 0 : index
    %get3A_28 = vector.load %arg6[%get3A_26, %get3A_27] : memref<1024x1xf32, #tpu.memory_space<vmem>>, vector<1024x1xf32>
    %add3A_29 = arith.addf %get3A_25, %get3A_28 : vector<1024x1xf32>
    %add3A_30 = arith.constant 1.000000e+00 : f32
    %add3A_31 = vector.broadcast %add3A_30 : f32 to vector<1024x1xf32>
    %add3A_32 = arith.addf %add3A_29, %add3A_31 : vector<1024x1xf32>
    %rsqrt3A_33 = math.rsqrt %add3A_32 : vector<1024x1xf32>
    %get3A_34 = arith.constant 0 : index
    %get3A_35 = arith.constant 0 : index
    %get3A_36 = vector.load %arg8[%get3A_34, %get3A_35] : memref<128x48xf32, #tpu.memory_space<vmem>>, vector<128x48xf32>
    %dot_general3A = arith.constant dense<0.000000e+00> : vector<1024x48xf32>
    %dot_general3A_37 = tpu.matmul %max3A_22, %get3A_36, %dot_general3A {dimension_numbers = #tpu.dot_dimension_numbers<[1], [0], [0], [1], [0, 0, 1, 1], [], []>, transpose_lhs_hint = false} : vector<1024x128xf32>, vector<128x48xf32>, vector<1024x48xf32> -> vector<1024x48xf32>
    %mul3A_38 = vector.broadcast %rsqrt3A_33 : vector<1024x1xf32> to vector<1024x48xf32>
    %mul3A_39 = arith.mulf %dot_general3A_37, %mul3A_38 : vector<1024x48xf32>
    %swap3A = arith.constant 0 : index
    %swap3A_40 = arith.constant 0 : index
    %swap3A_41 = vector.load %arg9[%swap3A, %swap3A_40] : memref<1024x48xf32, #tpu.memory_space<vmem>>, vector<1024x48xf32>
    tpu.vector_store %arg9[%swap3A, %swap3A_40], %mul3A_39 {strides = array<i32>} : memref<1024x48xf32, #tpu.memory_space<vmem>>, vector<1024x48xf32>,
    return
  }
  func.func @transform_0(%arg0: i32) -> (i32, i32) {
    %c0_i32 = arith.constant 0 : i32
    %c0_i32_0 = arith.constant 0 : i32
    return %arg0, %c0_i32 : i32, i32
  }
  func.func @transform_1(%arg0: i32) -> (i32, i32) {
    %c0_i32 = arith.constant 0 : i32
    %c0_i32_0 = arith.constant 0 : i32
    return %arg0, %c0_i32 : i32, i32
  }
  func.func @transform_2(%arg0: i32) -> (i32, i32) {
    %c0_i32 = arith.constant 0 : i32
    %c0_i32_0 = arith.constant 0 : i32
    return %arg0, %c0_i32 : i32, i32
  }
  func.func @transform_3(%arg0: i32) -> (i32, i32) {
    %c0_i32 = arith.constant 0 : i32
    %c0_i32_0 = arith.constant 0 : i32
    return %arg0, %c0_i32 : i32, i32
  }
  func.func @transform_4(%arg0: i32) -> (i32, i32) {
    %c0_i32 = arith.constant 0 : i32
    %c0_i32_0 = arith.constant 0 : i32
    return %arg0, %c0_i32 : i32, i32
  }
  func.func @transform_5(%arg0: i32) -> (i32, i32) {
    %c0_i32 = arith.constant 0 : i32
    %c0_i32_0 = arith.constant 0 : i32
    return %arg0, %c0_i32 : i32, i32
  }
  func.func @transform_6(%arg0: i32) -> (i32, i32) {
    %c0_i32 = arith.constant 0 : i32
    %c0_i32_0 = arith.constant 0 : i32
    %c0_i32_1 = arith.constant 0 : i32
    return %c0_i32, %c0_i32_0 : i32, i32
  }
  func.func @transform_7(%arg0: i32) -> (i32, i32) {
    %c0_i32 = arith.constant 0 : i32
    %c0_i32_0 = arith.constant 0 : i32
    %c0_i32_1 = arith.constant 0 : i32
    return %c0_i32, %c0_i32_0 : i32, i32
  }
  func.func @transform_8(%arg0: i32) -> (i32, i32) {
    %c0_i32 = arith.constant 0 : i32
    %c0_i32_0 = arith.constant 0 : i32
    return %arg0, %c0_i32 : i32, i32
  }
}

module attributes {stable_mosaic.version = 14 : i64} {
  func.func @body(%arg0: i32, %arg1: memref<1000x48xf32, #tpu.memory_space<vmem>>, %arg2: memref<1000x48xf32, #tpu.memory_space<vmem>>, %arg3: memref<1000x1xf32, #tpu.memory_space<vmem>>, %arg4: memref<1000x1xf32, #tpu.memory_space<vmem>>, %arg5: memref<1x40xf32, #tpu.memory_space<vmem>>, %arg6: memref<1000x40xf32, #tpu.memory_space<vmem>>) attributes {dimension_semantics = [#tpu.dimension_semantics<arbitrary>], iteration_bounds = array<i64: 10>, scalar_prefetch = 0 : i64, scratch_operands = 0 : i64, tpu.core_type = #tpu.core_type<tc>, window_params = [{transform_indices = @transform_0, window_bounds = array<i64: 1000, 48>}, {transform_indices = @transform_1, window_bounds = array<i64: 1000, 48>}, {transform_indices = @transform_2, window_bounds = array<i64: 1000, 1>}, {transform_indices = @transform_3, window_bounds = array<i64: 1000, 1>}, {pipeline_mode = #tpu.pipeline_mode<synchronous>, transform_indices = @transform_4, window_bounds = array<i64: 1, 40>}, {transform_indices = @transform_5, window_bounds = array<i64: 1000, 40>}]} {
    %get3A = arith.constant 0 : index
    %get3A_0 = arith.constant 0 : index
    %get3A_1 = vector.load %arg3[%get3A, %get3A_0] : memref<1000x1xf32, #tpu.memory_space<vmem>>, vector<1000x1xf32>
    %get3A_2 = arith.constant 0 : index
    %get3A_3 = arith.constant 0 : index
    %get3A_4 = vector.load %arg4[%get3A_2, %get3A_3] : memref<1000x1xf32, #tpu.memory_space<vmem>>, vector<1000x1xf32>
    %add3A = arith.addf %get3A_1, %get3A_4 : vector<1000x1xf32>
    %add3A_5 = arith.constant 1.000000e+00 : f32
    %add3A_6 = vector.broadcast %add3A_5 : f32 to vector<1000x1xf32>
    %add3A_7 = arith.addf %add3A, %add3A_6 : vector<1000x1xf32>
    %rsqrt3A = math.rsqrt %add3A_7 : vector<1000x1xf32>
    %get3A_8 = arith.constant 0 : index
    %get3A_9 = arith.constant 0 : index
    %get3A_10 = vector.load %arg1[%get3A_8, %get3A_9] : memref<1000x48xf32, #tpu.memory_space<vmem>>, vector<1000x48xf32>
    %get3A_11 = arith.constant 0 : index
    %get3A_12 = arith.constant 0 : index
    %get3A_13 = vector.load %arg2[%get3A_11, %get3A_12] : memref<1000x48xf32, #tpu.memory_space<vmem>>, vector<1000x48xf32>
    %add3A_14 = arith.addf %get3A_10, %get3A_13 : vector<1000x48xf32>
    %slice3A = vector.extract_strided_slice %add3A_14 {offsets = [0, 0], sizes = [1000, 40], strides = [1, 1]} : vector<1000x48xf32> to vector<1000x40xf32>
    %mul3A = vector.broadcast %rsqrt3A : vector<1000x1xf32> to vector<1000x40xf32>
    %mul3A_15 = arith.mulf %slice3A, %mul3A : vector<1000x40xf32>
    %get3A_16 = arith.constant 0 : index
    %get3A_17 = arith.constant 0 : index
    %get3A_18 = vector.load %arg5[%get3A_16, %get3A_17] : memref<1x40xf32, #tpu.memory_space<vmem>>, vector<1x40xf32>
    %add3A_19 = vector.broadcast %get3A_18 : vector<1x40xf32> to vector<1000x40xf32>
    %add3A_20 = arith.addf %mul3A_15, %add3A_19 : vector<1000x40xf32>
    %reduce_max3A = arith.constant dense<0xFF800000> : vector<1000xf32>
    %reduce_max3A_21 = vector.multi_reduction <maximumf>, %add3A_20, %reduce_max3A [1] : vector<1000x40xf32> to vector<1000xf32>
    %broadcast_in_dim3A = vector.shape_cast %reduce_max3A_21 : vector<1000xf32> to vector<1000x1xf32>
    %sub3A = vector.broadcast %broadcast_in_dim3A : vector<1000x1xf32> to vector<1000x40xf32>
    %sub3A_22 = arith.subf %add3A_20, %sub3A : vector<1000x40xf32>
    %exp3A = math.exp %sub3A_22 : vector<1000x40xf32>
    %reduce_sum3A = arith.constant dense<0.000000e+00> : vector<1000xf32>
    %reduce_sum3A_23 = vector.multi_reduction <add>, %exp3A, %reduce_sum3A [1] : vector<1000x40xf32> to vector<1000xf32>
    %broadcast_in_dim3A_24 = vector.shape_cast %reduce_sum3A_23 : vector<1000xf32> to vector<1000x1xf32>
    %sub3A_25 = vector.broadcast %broadcast_in_dim3A : vector<1000x1xf32> to vector<1000x40xf32>
    %sub3A_26 = arith.subf %add3A_20, %sub3A_25 : vector<1000x40xf32>
    %log3A = math.log %broadcast_in_dim3A_24 : vector<1000x1xf32>
    %sub3A_27 = vector.broadcast %log3A : vector<1000x1xf32> to vector<1000x40xf32>
    %sub3A_28 = arith.subf %sub3A_26, %sub3A_27 : vector<1000x40xf32>
    %swap3A = arith.constant 0 : index
    %swap3A_29 = arith.constant 0 : index
    %swap3A_30 = vector.load %arg6[%swap3A, %swap3A_29] : memref<1000x40xf32, #tpu.memory_space<vmem>>, vector<1000x40xf32>
    tpu.vector_store %arg6[%swap3A, %swap3A_29], %sub3A_28 {strides = array<i32>} : memref<1000x40xf32, #tpu.memory_space<vmem>>, vector<1000x40xf32>,
    return
  }
  func.func @transform_0(%arg0: i32) -> (i32, i32) {
    %c0_i32 = arith.constant 0 : i32
    %c0_i32_0 = arith.constant 0 : i32
    return %arg0, %c0_i32 : i32, i32
  }
  func.func @transform_1(%arg0: i32) -> (i32, i32) {
    %c0_i32 = arith.constant 0 : i32
    %c0_i32_0 = arith.constant 0 : i32
    return %arg0, %c0_i32 : i32, i32
  }
  func.func @transform_2(%arg0: i32) -> (i32, i32) {
    %c0_i32 = arith.constant 0 : i32
    %c0_i32_0 = arith.constant 0 : i32
    return %arg0, %c0_i32 : i32, i32
  }
  func.func @transform_3(%arg0: i32) -> (i32, i32) {
    %c0_i32 = arith.constant 0 : i32
    %c0_i32_0 = arith.constant 0 : i32
    return %arg0, %c0_i32 : i32, i32
  }
  func.func @transform_4(%arg0: i32) -> (i32, i32) {
    %c0_i32 = arith.constant 0 : i32
    %c0_i32_0 = arith.constant 0 : i32
    %c0_i32_1 = arith.constant 0 : i32
    return %c0_i32, %c0_i32_0 : i32, i32
  }
  func.func @transform_5(%arg0: i32) -> (i32, i32) {
    %c0_i32 = arith.constant 0 : i32
    %c0_i32_0 = arith.constant 0 : i32
    return %arg0, %c0_i32 : i32, i32
  }
}

</mosaic_0001>

<sc_bundles>
// kernel: kernel.11.cloned.1.call-start
scs
__scs_entry_jumppad:
0x0: {  	(pc) =	sbr.rel $0x88, $3  }
0x1: {  	(tag) =	ssettag $0x0;
	lr =	simm.s32 $0x1  }
0x2: {  	[smem:$0x3F9B] =	sst lr;
	_ =	strace $0xD0000000  }
0x3: {  	_ = 	snop  }
0x4: {  	_ = 	snop  }
0x5: {  	_ = 	snop  }
0x6: {  	_ = 	snop  }
0x7: {  	_ = 	snop  }
__scs_overlays_trampoline_lowered:
0x8: {  	[smem:$0x3FAA] =	sst s0  }
0x9: {  	[smem:$0x3FAB] =	sst s1  }
0xa: {  	[smem:$0x3FAC] =	sst s2  }
0xb: {  	[smem:$0x3FAD] =	sst s3  }
0xc: {  	[smem:$0x3FAE] =	sst s4  }
0xd: {  	[smem:$0x3FAF] =	sst s5  }
0xe: {  	[smem:$0x3FB0] =	sst s6  }
0xf: {  	[smem:$0x3FB1] =	sst s7  }
0x10: {  	[smem:$0x3FB2] =	sst s8  }
0x11: {  	[smem:$0x3FB3] =	sst s9;
	s0 =	simm.s32 @!p0 $0x0  }
0x12: {  	s1 =	sld [smem:$0x3F99];
	s0 =	simm.s32 @p0 $0x1  }
0x13: {  	[smem:$0x3FB4] =	sst s0;
	s0 =	simm.s32 @!p1 $0x0  }
0x14: {  	s2 =	sld [smem:$0x3F98];
	s0 =	simm.s32 @p1 $0x1  }
0x15: {  	[smem:$0x3FB5] =	sst s0;
	s0 =	simm.s32 @!p2 $0x0  }
0x16: {  	s3 =	sld [smem:$0x3FDB];
	s0 =	simm.s32 @p2 $0x1  }
0x17: {  	s4 =	simm.s32 $0x1BF5;
	[smem:$0x3FB7] =	sst s0  }
0x18: {  	s0 =	sld [smem:$0x3F9A];
	_ =	swait.ge [sflag:s4], $0x0  }
0x19: {  	s7 =	sld [smem:$0x3F9B]  }
0x1a: {  	s8 =	sadd.s32 $0xFFFFE003, lr  }
0x1b: {  	s9 =	sadd.s32 $0xFFFFFEF7, lr;
	s5 =	simm.s32 $0xFFFFFFFF;
	p2 =	slt.u32 s8, $0xFFFFF086  }
0x1c: {  	p1 =	slt.u32 s9, $0xF7A;
	s5 =	simm.s32 @!p2 $0x0  }
0x1d: {  	s5 =	simm.s32 @p1 $0x1;
	p0 =	seq.s32 s7, s2  }
0x1e: {  	s7 =	smul.u32 @!p0 $0xF7A, s2;
	p2 =	seq.s32 @!p0 s5, $0x0  }
0x1f: {  	s9 =	smul.u32 $0xF7A, s1;
	s8 =	simm.s32 @!p0 $0x1BF5;
	p2 =	por !p2, p0  }
0x20: {  	[sflag:s8] =	ssyncset.s32 @!p0 $0xFFFFF086;
	s6 =	sadd.s32 @!p0 s3, s7;
	s7 =	simm.s32 @!p0 $0x108  }
0x21: {  	s3 =	sadd.s32 s3, s9;
	s6 =	sadd.s32 @!p0 $0x88, s6;
	s7 =	simm.s32 @p2 $0x1082  }
0x22: {  	[simem:s7], [sflag:s8] =	dma.local @!p0 [hbm:s6], $0xF7A  }
0x23: {  	s9 =	sor.u32 $0xD0000000, s2;
	s6 =	simm.s32 $0x108;
	_ =	swait.ge @!p0 [sflag:s8], $0x0  }
0x24: {  	s3 =	sadd.s32 $0x88, s3;
	s6 =	simm.s32 @!p1 $0x1082;
	[sflag:s4] =	ssyncset.s32 $0xFFFFF086  }
0x25: {  	[simem:s6], [sflag:s4] =	dma.local [hbm:s3], $0xF7A  }
0x26: {  	[smem:$0x3F9B] =	sst s1;
	(tag) =	ssettag s2;
	_ =	strace s9  }
0x27: {  	s1 =	sld [smem:$0x3FAB]  }
0x28: {  	s2 =	sld [smem:$0x3FAC]  }
0x29: {  	s4 =	sld [smem:$0x3FAE]  }
0x2a: {  	p0 =	seq.s32 s5, $0x0;
	s5 =	sld [smem:$0x3FAF]  }
0x2b: {  	s6 =	sld [smem:$0x3FB0]  }
0x2c: {  	s7 =	sld [smem:$0x3FB1]  }
0x2d: {  	s3 =	simm.s32 $0x108;
	s8 =	sld [smem:$0x3FB2]  }
0x2e: {  	s3 =	simm.s32 @!p0 $0x1082;
	s9 =	sld [smem:$0x3FB3]  }
0x2f: {  	lr =	sadd.s32 s0, s3;
	s0 =	sld [smem:$0x3FAA]  }
0x30: {  	s3 =	sld [smem:$0x3FAD]  }
0x31: {  	[smem:$0x3FB6] =	sst s10  }
0x32: {  	s10 =	sld [smem:$0x3FB4];
	_ =	sdelay $0x3  }
0x33: {  	p0 =	seq.s32 s10, $0x1;
	s10 =	sld [smem:$0x3FB6];
	_ =	sdelay $0x3  }
0x34: {  	[smem:$0x3FB6] =	sst s10  }
0x35: {  	s10 =	sld [smem:$0x3FB5];
	_ =	sdelay $0x3  }
0x36: {  	p1 =	seq.s32 s10, $0x1;
	s10 =	sld [smem:$0x3FB6];
	_ =	sdelay $0x3  }
0x37: {  	[smem:$0x3FB6] =	sst s10  }
0x38: {  	s10 =	sld [smem:$0x3FB7]  }
0x39: {  	_ = 	snop;
	(pc) =	sbr.ind lr, $3  }
0x3a: {  	_ = 	snop  }
0x3b: {  	_ = 	snop  }
0x3c: {  	p2 =	seq.s32 s10, $0x1;
	s10 =	sld [smem:$0x3FB6]  }
0x3d: {  	_ =	shalt  }
0x3e: {  	_ =	shalt  }
0x3f: {  	_ =	shalt  }
0x40: {  	_ =	shalt  }
0x41: {  	_ =	shalt  }
0x42: {  	_ =	shalt  }
0x43: {  	_ =	shalt  }
0x44: {  	_ =	shalt  }
0x45: {  	_ =	shalt  }
0x46: {  	_ =	shalt  }
0x47: {  	_ =	shalt  }
0x48: {  	_ =	shalt  }
0x49: {  	_ =	shalt  }
0x4a: {  	_ =	shalt  }
0x4b: {  	_ =	shalt  }
0x4c: {  	_ =	shalt  }
0x4d: {  	_ =	shalt  }
0x4e: {  	_ =	shalt  }
0x4f: {  	_ =	shalt  }
0x50: {  	_ =	shalt  }
0x51: {  	_ =	shalt  }
0x52: {  	_ =	shalt  }
0x53: {  	_ =	shalt  }
0x54: {  	_ =	shalt  }
0x55: {  	_ =	shalt  }
0x56: {  	_ =	shalt  }
0x57: {  	_ =	shalt  }
0x58: {  	_ =	shalt  }
0x59: {  	_ =	shalt  }
0x5a: {  	_ =	shalt  }
0x5b: {  	_ =	shalt  }
0x5c: {  	_ =	shalt  }
0x5d: {  	_ =	shalt  }
0x5e: {  	_ =	shalt  }
0x5f: {  	_ =	shalt  }
0x60: {  	_ =	shalt  }
0x61: {  	_ =	shalt  }
0x62: {  	_ =	shalt  }
0x63: {  	_ =	shalt  }
0x64: {  	_ =	shalt  }
0x65: {  	_ =	shalt  }
0x66: {  	_ =	shalt  }
0x67: {  	_ =	shalt  }
0x68: {  	_ =	shalt  }
0x69: {  	_ =	shalt  }
0x6a: {  	_ =	shalt  }
0x6b: {  	_ =	shalt  }
0x6c: {  	_ =	shalt  }
0x6d: {  	_ =	shalt  }
0x6e: {  	_ =	shalt  }
0x6f: {  	_ =	shalt  }
0x70: {  	_ =	shalt  }
0x71: {  	_ =	shalt  }
0x72: {  	_ =	shalt  }
0x73: {  	_ =	shalt  }
0x74: {  	_ =	shalt  }
0x75: {  	_ =	shalt  }
0x76: {  	_ =	shalt  }
0x77: {  	_ =	shalt  }
0x78: {  	_ =	shalt  }
0x79: {  	_ =	shalt  }
0x7a: {  	_ =	shalt  }
0x7b: {  	_ =	shalt  }
0x7c: {  	_ =	shalt  }
0x7d: {  	_ =	shalt  }
0x7e: {  	_ =	shalt  }
0x7f: {  	_ =	shalt  }
0x80: {  	_ =	shalt  }
0x81: {  	_ =	shalt  }
0x82: {  	_ =	shalt  }
0x83: {  	_ =	shalt  }
0x84: {  	_ =	shalt  }
0x85: {  	_ =	shalt  }
0x86: {  	_ =	shalt  }
0x87: {  	_ =	shalt  }
.Lfunc_end0:
.L_simem_size_0:
called_computation.1_lowered:
.L_overlay_start_0:
0x88: {  	s2 =	sld [smem:$0x3FD9]  }
0x89: {  	s3 =	sld [smem:$0x3FFE];
	_ =	sdelay $0x1  }
0x8a: {  	s1 =	srdreg.scid  }
0x8b: {  	s0 =	sand.u32 $0x1, s1  }
0x8c: {  	s17 =	sshll.u32 s0, $0xA;
	s2 =	sadd.s32 s3, s2  }
0x8d: {  	s2 =	sadd.s32 s2, s17  }
0x8e: {  	[smem:$0x3FC2] =	sst s2  }
0x8f: {  	_ = 	snop  }
0x90: {  	s2 =	sld [smem:$0x3FD0];
	(tm) =	ssettm $0x1  }
0x91: {  	s18 =	sld [smem:$0x3FFB];
	_ =	sdelay $0x3  }
0x92: {  	_ =	strace s18  }
0x93: {  	s3 =	sld [smem:$0x3FFC];
	_ =	sdelay $0x3  }
0x94: {  	_ =	strace s3  }
0x95: {  	s3 =	sld [smem:$0x3FFD];
	_ =	sdelay $0x3  }
0x96: {  	_ =	strace s3  }
0x97: {  	_ =	strace $0x8FFFFFFF  }
0x98: {  	s19 =	sld [smem:$0x3FDB];
	_ =	sdelay $0x1  }
0x99: {  	s4 =	simm.s32 $_scs_section_size  }
0x9a: {  	s5 =	simm.s32 $_size__tile_overlayer_lowered;
	s6 =	simm.s32 $_tile_overlayer_lowered  }
0x9b: {  	s22 =	simm.s32 $0x1BFF;
	s21 =	sshll.u32 s6, $0x1;
	s3 =	sadd.s32 s4, s19  }
0x9c: {  	s7 =	simm.s32 $0x0;
	s20 =	sshll.u32 s5, $0x1;
	s5 =	sadd.s32 s21, s3  }
0x9d: {  	[timem:s7], [sflag:s22] =	dma.local [hbm:s5], s20  }
0x9e: {  	_ =	swait.ge [sflag:s22], s20  }
0x9f: {  	s4 =	ssub.s32 $0x0, s20;
	[sflag:s22] =	ssyncset.done $0x0  }
0xa0: {  	[sflag:s22] =	ssyncadd.s32 s4;
	_ =	sdelay $0x1  }
0xa1: {  	s23 =	simm.s32 $0x1B8B  }
0xa2: {  	_ =	swait.ge [sflag:s23], $0x1  }
0xa3: {  	[sflag:s23] =	ssyncset.done $0x0  }
0xa4: {  	s25 =	simm.s32 $0x1B8E;
	s24 =	sld [smem:$0x3FFE];
	[sflag:s23] =	ssyncadd.s32 $0xFFFFFFFF  }
0xa5: {  	s26 =	simm.s32 $execute0_lowered;
	[smem:$0x3FD2] =	sst s25  }
0xa6: {  	s5 =	sshll.u32 s26, $0x1;
	_ =	strace $0x80000049;
	[dreg:$0x1] =	wrdreg $0xFFFFFFFF  }
0xa7: {  	s28 =	simm.s32 $_size_execute0_lowered;
	s3 =	sadd.s32 s3, s5;
	[dreg:$0x0] =	wrdreg $0x0  }
0xa8: {  	s5 =	sshll.u32 s28, $0x1;
	[dreg:$0x2] =	wrdreg s3  }
0xa9: {  	[dreg:$0x3] =	wrdreg s5  }
0xaa: {  	[dreg:$0x4] =	wrdreg $0xC0  }
0xab: {  	_ =	task [dreg:s7], $0x5FFFF  }
0xac: {  	[dreg:$0x1] =	wrdreg $0xFFFFFFFF  }
0xad: {  	[dreg:$0x0] =	wrdreg $0x60  }
0xae: {  	[dreg:$0x2] =	wrdreg s24  }
0xaf: {  	[dreg:$0x3] =	wrdreg s2  }
0xb0: {  	[dreg:$0x4] =	wrdreg $0xB1000  }
0xb1: {  	[dreg:$0x5] =	wrdreg $0x9  }
0xb2: {  	_ =	task.clear_ibuf [dreg:s7], $0x6FFFF;
	_ =	strace $0x90000049  }
0xb3: {  	s29 =	simm.s32 $0x9;
	_ =	strace $0x8000004B  }
0xb4: {  	_ =	swait.ge [sflag:s29], $0x1  }
0xb5: {  	[sflag:s29] =	ssyncadd.s32 $0xFFFFFFFF  }
0xb6: {  	_ =	strace $0x9000004B  }
0xb7: {  	_ =	sfence  }
0xb8: {  	s30 =	sld [smem:$0x0];
	_ =	sdelay $0x2  }
0xb9: {  	s31 =	sshll.u32 s1, $0xD;
	s1 =	sshrl.u32 s1, $0x2  }
0xba: {  	s3 =	sand.u32 $0x4000, s31;
	s1 =	sadd.s32 s1, s30  }
0xbb: {  	s0 =	sor.u32 s3, s0;
	s1 =	sshll.u32 s1, $0x11  }
0xbc: {  	s0 =	sor.u32 s1, s0  }
0xbd: {  	s0 =	sadd.s32 $0x8F2B, s0  }
0xbe: {  	[sflag:s0] =	ssyncadd.remote.s32 $0x1  }
0xbf: {  	_ =	sfence.sel $0xFFFF  }
0xc0: {  	[dreg:$0x0] =	wrdreg $0xFFFFFFFF;
	(pc) =	sbr.abs _section_cstart, $3  }
0xc1: {  	[dreg:$0x1] =	wrdreg $0xFFFFFFFF  }
0xc2: {  	_ =	task.clear_ibuf [dreg:s7], $0x2FFFF;
	_ =	strace $0x9FFFFFFF  }
0xc3: {  	(tm) =	ssettm $0x7FFFFFFF  }
tec
execute0_lowered:
.L_overlay_start_1:
0x0: {  	(tag) =	ssettag $0x1  }
0x1: {  	s2 =	srdreg.scid;
	s0 =	rddreg [dreg:$0x0]  }
0x2: {  	s1 =	simm.s32 $0x0;
	s5 =	stileid.u32;
	s9 =	sand.u32 $0x1, s2  }
0x3: {  	[smem:$0x7FF] =	sst s1;
	s2 =	sshll.u32 s9, $0x4;
	s15 =	smul.u32 $0x140000, s9  }
0x4: {  	s4 =	ssub.s32 $0x2, s9;
	s3 =	sor.u32 s5, s2;
	s2 =	smul.u32 $0x14000, s5  }
0x5: {  	s14 =	sadd.s32 $0x99E00, s0;
	s16 =	sshrl.u32 s4, $0x1;
	s3 =	smul.u32 $0x510, s3  }
0x6: {  	s4 =	ssub.s32 s4, s16;
	s5 =	sor.u32 $0x1800, s2;
	s6 =	sor.u32 $0x3000, s2  }
0x7: {  	s7 =	sadd.s32 $0x4800, s2;
	s8 =	sadd.s32 $0x6000, s2;
	s9 =	sadd.s32 $0x7800, s2  }
0x8: {  	s10 =	sadd.s32 $0x9000, s2;
	s11 =	sadd.s32 $0xA800, s2;
	s12 =	sadd.s32 $0xC000, s2  }
0x9: {  	s13 =	sadd.s32 $0xD800, s2;
	s16 =	sadd.s32 s2, s15;
	s4 =	smax.u32 s4, $0x1  }
0xa: {  	s16 =	sshrl.u32 s16, $0x3;
	s17 =	sadd.s32 s15, s5;
	s18 =	sadd.s32 s15, s6  }
0xb: {  	s21 =	sadd.s32 s15, s7;
	s22 =	sadd.s32 s15, s8;
	s23 =	sadd.s32 s15, s9  }
0xc: {  	s16 =	sadd.s32 s14, s16;
	s17 =	sshrl.u32 s17, $0x3;
	s19 =	sshrl.u32 s18, $0x3  }
0xd: {  	s24 =	sshrl.u32 s22, $0x3;
	s25 =	sshrl.u32 s23, $0x3;
	s18 =	sadd.s32 s15, s11  }
0xe: {  	s23 =	sadd.s32 s15, s13;
	[dreg:$0x4] =	wrdreg s16;
	s16 =	sadd.s32 s14, s17  }
0xf: {  	s20 =	sadd.s32 s14, s19;
	s26 =	sadd.s32 s14, s25;
	[dreg:$0x5] =	wrdreg s16  }
0x10: {  	s17 =	sadd.s32 s15, s10;
	s19 =	sadd.s32 s15, s12;
	[dreg:$0x6] =	wrdreg s20  }
0x11: {  	s16 =	sshrl.u32 s21, $0x3;
	[dreg:$0x9] =	wrdreg s26;
	s21 =	sshrl.u32 s19, $0x3  }
0x12: {  	s16 =	sadd.s32 s14, s16;
	s22 =	sadd.s32 s14, s21;
	s21 =	rddreg [dreg:$0x1]  }
0x13: {  	s20 =	sshrl.u32 s18, $0x3;
	[dreg:$0x7] =	wrdreg s16;
	s16 =	sadd.s32 s14, s24  }
0x14: {  	s18 =	sshrl.u32 s23, $0x3;
	[dreg:$0x8] =	wrdreg s16;
	s16 =	sshrl.u32 s17, $0x3  }
0x15: {  	s18 =	sadd.s32 s14, s18;
	[dreg:$0xc] =	wrdreg s22;
	s16 =	sadd.s32 s14, s16  }
0x16: {  	s17 =	sadd.s32 $0x10800, s2;
	[dreg:$0xa] =	wrdreg s16;
	s16 =	sadd.s32 s14, s20  }
0x17: {  	s20 =	sadd.s32 s15, s17;
	[dreg:$0xb] =	wrdreg s16;
	s16 =	sadd.s32 $0xF000, s2  }
0x18: {  	[dreg:$0xd] =	wrdreg s18;
	s25 =	sshrl.u32 s20, $0x3;
	s19 =	sadd.s32 s15, s16  }
0x19: {  	s20 =	sadd.s32 $0x13800, s2;
	s18 =	sadd.s32 s14, s25;
	s19 =	sshrl.u32 s19, $0x3  }
0x1a: {  	[dreg:$0xf] =	wrdreg s18;
	s18 =	sadd.s32 $0x12000, s2;
	s24 =	sadd.s32 s14, s19  }
0x1b: {  	s26 =	sadd.s32 s15, s18;
	s15 =	sadd.s32 s15, s20;
	[dreg:$0xe] =	wrdreg s24  }
0x1c: {  	s19 =	sshrl.u32 s26, $0x3;
	s22 =	sshrl.u32 s15, $0x3;
	s15 =	rddreg [dreg:$0x2]  }
0x1d: {  	s19 =	sadd.s32 s14, s19;
	s14 =	sadd.s32 s14, s22;
	s24 =	sadd.s32 s2, s15  }
0x1e: {  	s22 =	sadd.s32 s5, s15;
	s23 =	sadd.s32 s6, s15;
	s25 =	sadd.s32 s7, s15  }
0x1f: {  	s26 =	sadd.s32 s8, s15;
	s28 =	sadd.s32 s10, s15;
	s29 =	sadd.s32 s11, s15  }
0x20: {  	s30 =	sadd.s32 s12, s15;
	s31 =	sadd.s32 s13, s15;
	s2 =	sadd.s32 s18, s15  }
0x21: {  	s5 =	simm.s32 $0x9;
	s7 =	simm.s32 $0x5100;
	s8 =	simm.s32 $0x30  }
0x22: {  	s10 =	simm.s32 $0x8100;
	s11 =	simm.s32 $0x1;
	[dreg:$0x10] =	wrdreg s19  }
0x23: {  	s12 =	simm.s32 $0x9900;
	[dreg:$0x11] =	wrdreg s14;
	s19 =	sadd.s32 s21, s3  }
0x24: {  	s13 =	simm.s32 $0x2;
	_ =	strace $0x8000004A;
	[dreg:$0x12] =	wrdreg s19  }
0x25: {  	s18 =	simm.s32 $0x6;
	s6 =	simm.s32 $0x7;
	[dreg:$0x14] =	wrdreg s22  }
0x26: {  	s3 =	sadd.s32 s3, s0;
	s14 =	sadd.s32 s16, s15;
	[dreg:$0x15] =	wrdreg s23  }
0x27: {  	s16 =	simm.s32 $0x5;
	s19 =	sadd.s32 $0x71E00, s0;
	[dreg:$0x16] =	wrdreg s25  }
0x28: {  	s21 =	sadd.s32 $0x17C00, s3;
	[dreg:$0x17] =	wrdreg s26;
	s26 =	sadd.s32 s9, s15  }
0x29: {  	s0 =	sadd.s32 s17, s15;
	s3 =	sadd.s32 s20, s15;
	[dreg:$0x18] =	wrdreg s4  }
0x2a: {  	s9 =	simm.s32 $0x6900;
	s17 =	simm.s32 $0x3;
	s20 =	simm.s32 $0x4  }
0x2b: {  	v0 =	vimm.f32 $0.0e+00;
	s4 =	simm.s32 $0x8;
	[dreg:$0x13] =	wrdreg s21;
	s21 =	simm.s32 $0x0  }
.LBB2_1:
0x2c: {  	s22 =	rddreg [dreg:$0x12]  }
0x2d: {  	[tilespmem:s1], [sflag:$0x9] =	stream.linear.gather [hbm4b:s22+s1], $0x2880, $0x38;
	[tilespmem:$0x1F100] =	vst v63  }
0x2e: {  	_ =	swait.ge [sflag:s5], $0x2880  }
0x2f: {  	[sflag:s5] =	ssyncset.done $0x0  }
0x30: {  	s23 =	simm.s32 $0x2880;
	s25 =	rddreg [dreg:$0x13];
	[sflag:s5] =	ssyncadd.s32 $0xFFFFD780  }
0x31: {  	[tilespmem:s23], [sflag:$0x9] =	stream.linear.gather [hbm4b:s25+s1], $0x2880, $0x38;
	[tilespmem:$0x1F100] =	vst v63  }
0x32: {  	_ =	swait.ge [sflag:s5], $0x2880  }
0x33: {  	[sflag:s5] =	ssyncset.done $0x0  }
0x34: {  	s22 =	simm.s32 $0x0;
	s23 =	simm.s32 $0x200;
	[sflag:s5] =	ssyncadd.s32 $0xFFFFD780  }
.LBB2_2:
0x35: {  	p0 =	sne.s32 s23, $0x5E00;
	[tilespmem:s22+$0x5170] =	vst v0  }
0x36: {  	[tilespmem:s22+$0x5100] =	vst v0  }
0x37: {  	[tilespmem:s22+$0x5110] =	vst v0  }
.Ltmp0:
0x38: {  	[tilespmem:s22+$0x5120] =	vst v0;
	(pc) =	sbr.rel @p0 .LBB2_2-.Ltmp0, $4  }
0x39: {  	[tilespmem:s22+$0x5130] =	vst v0  }
0x3a: {  	[tilespmem:s22+$0x5140] =	vst v0  }
0x3b: {  	[tilespmem:s22+$0x5150] =	vst v0  }
0x3c: {  	[tilespmem:s22+$0x5160] =	vst v0;
	s22 =	sshra.s32 s23, $0x2;
	s23 =	sadd.s32 $0x200, s23  }
0x3d: {  	[tilespmem:s22+$0x5170] =	vst v0  }
0x3e: {  	[tilespmem:s22+$0x5100] =	vst v0  }
0x3f: {  	[tilespmem:s22+$0x5110] =	vst v0  }
0x40: {  	[tilespmem:s22+$0x5120] =	vst v0  }
0x41: {  	[tilespmem:s22+$0x5130] =	vst v0  }
0x42: {  	[tilespmem:s22+$0x5140] =	vst v0  }
0x43: {  	[tilespmem:s22+$0x5150] =	vst v0  }
0x44: {  	[tilespmem:s22+$0x5160] =	vst v0  }
0x45: {  	[spmem:s24] =	stream.linear.scatter [tilespmem:s7], [sflag:$0x9], $0x1800, $0x38;
	[tilespmem:$0x1F100] =	vst v63  }
0x46: {  	_ =	swait.ge [sflag:s5], $0x1800  }
0x47: {  	[sflag:s5] =	ssyncset.done $0x0  }
0x48: {  	s25 =	smov.u32 s24;
	s24 =	rddreg [dreg:$0x14];
	[sflag:s5] =	ssyncadd.s32 $0xFFFFE800  }
0x49: {  	[spmem:s24] =	stream.linear.scatter [tilespmem:s7], [sflag:$0x9], $0x1800, $0x38;
	[tilespmem:$0x1F100] =	vst v63  }
0x4a: {  	_ =	swait.ge [sflag:s5], $0x1800  }
0x4b: {  	[sflag:s5] =	ssyncset.done $0x0  }
0x4c: {  	s23 =	rddreg [dreg:$0x15];
	[sflag:s5] =	ssyncadd.s32 $0xFFFFE800  }
0x4d: {  	[spmem:s23] =	stream.linear.scatter [tilespmem:s7], [sflag:$0x9], $0x1800, $0x38;
	[tilespmem:$0x1F100] =	vst v63  }
0x4e: {  	_ =	swait.ge [sflag:s5], $0x1800  }
0x4f: {  	[sflag:s5] =	ssyncset.done $0x0  }
0x50: {  	s24 =	rddreg [dreg:$0x16];
	[sflag:s5] =	ssyncadd.s32 $0xFFFFE800  }
0x51: {  	[spmem:s24] =	stream.linear.scatter [tilespmem:s7], [sflag:$0x9], $0x1800, $0x38;
	[tilespmem:$0x1F100] =	vst v63  }
0x52: {  	_ =	swait.ge [sflag:s5], $0x1800  }
0x53: {  	[sflag:s5] =	ssyncset.done $0x0  }
0x54: {  	s23 =	rddreg [dreg:$0x17];
	[sflag:s5] =	ssyncadd.s32 $0xFFFFE800  }
0x55: {  	[spmem:s23] =	stream.linear.scatter [tilespmem:s7], [sflag:$0x9], $0x1800, $0x38;
	[tilespmem:$0x1F100] =	vst v63  }
0x56: {  	_ =	swait.ge [sflag:s5], $0x1800  }
0x57: {  	[sflag:s5] =	ssyncset.done $0x0  }
0x58: {  	[sflag:s5] =	ssyncadd.s32 $0xFFFFE800  }
0x59: {  	[spmem:s26] =	stream.linear.scatter [tilespmem:s7], [sflag:$0x9], $0x1800, $0x38;
	[tilespmem:$0x1F100] =	vst v63  }
0x5a: {  	_ =	swait.ge [sflag:s5], $0x1800  }
0x5b: {  	[sflag:s5] =	ssyncset.done $0x0  }
0x5c: {  	[sflag:s5] =	ssyncadd.s32 $0xFFFFE800  }
0x5d: {  	[spmem:s28] =	stream.linear.scatter [tilespmem:s7], [sflag:$0x9], $0x1800, $0x38;
	[tilespmem:$0x1F100] =	vst v63  }
0x5e: {  	_ =	swait.ge [sflag:s5], $0x1800  }
0x5f: {  	[sflag:s5] =	ssyncset.done $0x0  }
0x60: {  	[sflag:s5] =	ssyncadd.s32 $0xFFFFE800  }
0x61: {  	[spmem:s29] =	stream.linear.scatter [tilespmem:s7], [sflag:$0x9], $0x1800, $0x38;
	[tilespmem:$0x1F100] =	vst v63  }
0x62: {  	_ =	swait.ge [sflag:s5], $0x1800  }
0x63: {  	[sflag:s5] =	ssyncset.done $0x0  }
0x64: {  	[sflag:s5] =	ssyncadd.s32 $0xFFFFE800  }
0x65: {  	[spmem:s30] =	stream.linear.scatter [tilespmem:s7], [sflag:$0x9], $0x1800, $0x38;
	[tilespmem:$0x1F100] =	vst v63  }
0x66: {  	_ =	swait.ge [sflag:s5], $0x1800  }
0x67: {  	[sflag:s5] =	ssyncset.done $0x0  }
0x68: {  	[sflag:s5] =	ssyncadd.s32 $0xFFFFE800  }
0x69: {  	[spmem:s31] =	stream.linear.scatter [tilespmem:s7], [sflag:$0x9], $0x1800, $0x38;
	[tilespmem:$0x1F100] =	vst v63  }
0x6a: {  	_ =	swait.ge [sflag:s5], $0x1800  }
0x6b: {  	[sflag:s5] =	ssyncset.done $0x0  }
0x6c: {  	[sflag:s5] =	ssyncadd.s32 $0xFFFFE800  }
0x6d: {  	[spmem:s14] =	stream.linear.scatter [tilespmem:s7], [sflag:$0x9], $0x1800, $0x38;
	[tilespmem:$0x1F100] =	vst v63  }
0x6e: {  	_ =	swait.ge [sflag:s5], $0x1800  }
0x6f: {  	[sflag:s5] =	ssyncset.done $0x0  }
0x70: {  	[sflag:s5] =	ssyncadd.s32 $0xFFFFE800  }
0x71: {  	[spmem:s0] =	stream.linear.scatter [tilespmem:s7], [sflag:$0x9], $0x1800, $0x38;
	[tilespmem:$0x1F100] =	vst v63  }
0x72: {  	_ =	swait.ge [sflag:s5], $0x1800  }
0x73: {  	[sflag:s5] =	ssyncset.done $0x0  }
0x74: {  	[sflag:s5] =	ssyncadd.s32 $0xFFFFE800  }
0x75: {  	[spmem:s2] =	stream.linear.scatter [tilespmem:s7], [sflag:$0x9], $0x1800, $0x38;
	[tilespmem:$0x1F100] =	vst v63  }
0x76: {  	_ =	swait.ge [sflag:s5], $0x1800  }
0x77: {  	[sflag:s5] =	ssyncset.done $0x0  }
0x78: {  	[sflag:s5] =	ssyncadd.s32 $0xFFFFE800  }
0x79: {  	[spmem:s3] =	stream.linear.scatter [tilespmem:s7], [sflag:$0x9], $0x800, $0x38;
	[tilespmem:$0x1F100] =	vst v63  }
0x7a: {  	_ =	swait.ge [sflag:s5], $0x800  }
0x7b: {  	[sflag:s5] =	ssyncset.done $0x0  }
0x7c: {  	[sflag:s5] =	ssyncadd.s32 $0xFFFFF800  }
0x7d: {  	s24 =	simm.s32 $0x0;
	[bflag:$0x0] =	sbarrier.arrive $0xFFFF  }
0x7e: {  	[tilespmem:s7], [sflag:$0x1] =	stream.indirect.gather [hbm4b:s19+s8], $0x80, s24, s8, $0xb8;
	[tilespmem:$0x1F100] =	vst v63  }
0x7f: {  	_ = 	snop  }
0x80: {  	[tilespmem:s9], [sflag:$0x2] =	stream.indirect.gather [hbm4b:s19+s8], $0x80, s8, s8, $0xb8;
	[tilespmem:$0x1F100] =	vst v63  }
0x81: {  	s23 =	simm.s32 $0x60  }
0x82: {  	[tilespmem:s10], [sflag:$0x3] =	stream.indirect.gather [hbm4b:s19+s8], $0x80, s23, s8, $0xb8;
	[tilespmem:$0x1F100] =	vst v63  }
0x83: {  	_ =	swait.ge [sflag:s11], $0x1800  }
0x84: {  	[sflag:s11] =	ssyncset.done $0x0  }
0x85: {  	s24 =	simm.s32 $0x2880;
	[sflag:s11] =	ssyncadd.s32 $0xFFFFE800  }
0x86: {  	[spmem:s15] =	stream.indirect.scatter.add.f32 [tilespmem:s7], [sflag:$0x5], $0x80, s24, s8, $0xb8;
	[tilespmem:$0x1F100] =	vst v63  }
0x87: {  	s23 =	simm.s32 $0x90  }
0x88: {  	[tilespmem:s12], [sflag:$0x4] =	stream.indirect.gather [hbm4b:s19+s8], $0x80, s23, s8, $0xb8;
	[tilespmem:$0x1F100] =	vst v63  }
0x89: {  	_ =	swait.ge [sflag:s13], $0x1800  }
0x8a: {  	[sflag:s13] =	ssyncset.done $0x0  }
0x8b: {  	[sflag:s13] =	ssyncadd.s32 $0xFFFFE800  }
0x8c: {  	_ =	swait.ge [sflag:s16], $0x1800  }
0x8d: {  	[sflag:s16] =	ssyncset.done $0x0  }
0x8e: {  	s24 =	simm.s32 $0x28B0;
	[sflag:s16] =	ssyncadd.s32 $0xFFFFE800  }
0x8f: {  	[spmem:s15] =	stream.indirect.scatter.add.f32 [tilespmem:s9], [sflag:$0x6], $0x80, s24, s8, $0xb8;
	[tilespmem:$0x1F100] =	vst v63  }
0x90: {  	s23 =	simm.s32 $0xC0  }
0x91: {  	[tilespmem:s7], [sflag:$0x1] =	stream.indirect.gather [hbm4b:s19+s8], $0x80, s23, s8, $0xb8;
	[tilespmem:$0x1F100] =	vst v63  }
0x92: {  	_ =	swait.ge [sflag:s17], $0x1800  }
0x93: {  	[sflag:s17] =	ssyncset.done $0x0  }
0x94: {  	[sflag:s17] =	ssyncadd.s32 $0xFFFFE800  }
0x95: {  	_ =	swait.ge [sflag:s18], $0x1800  }
0x96: {  	[sflag:s18] =	ssyncset.done $0x0  }
0x97: {  	s24 =	simm.s32 $0x28E0;
	[sflag:s18] =	ssyncadd.s32 $0xFFFFE800  }
0x98: {  	[spmem:s15] =	stream.indirect.scatter.add.f32 [tilespmem:s10], [sflag:$0x7], $0x80, s24, s8, $0xb8;
	[tilespmem:$0x1F100] =	vst v63  }
0x99: {  	s23 =	simm.s32 $0xF0  }
0x9a: {  	[tilespmem:s9], [sflag:$0x2] =	stream.indirect.gather [hbm4b:s19+s8], $0x80, s23, s8, $0xb8;
	[tilespmem:$0x1F100] =	vst v63  }
0x9b: {  	_ =	swait.ge [sflag:s20], $0x1800  }
0x9c: {  	[sflag:s20] =	ssyncset.done $0x0  }
0x9d: {  	[sflag:s20] =	ssyncadd.s32 $0xFFFFE800  }
0x9e: {  	_ =	swait.ge [sflag:s6], $0x1800  }
0x9f: {  	[sflag:s6] =	ssyncset.done $0x0  }
0xa0: {  	s24 =	simm.s32 $0x2910;
	[sflag:s6] =	ssyncadd.s32 $0xFFFFE800  }
0xa1: {  	[spmem:s15] =	stream.indirect.scatter.add.f32 [tilespmem:s12], [sflag:$0x8], $0x80, s24, s8, $0xb8;
	[tilespmem:$0x1F100] =	vst v63  }
0xa2: {  	s23 =	simm.s32 $0x120  }
0xa3: {  	[tilespmem:s10], [sflag:$0x3] =	stream.indirect.gather [hbm4b:s19+s8], $0x80, s23, s8, $0xb8;
	[tilespmem:$0x1F100] =	vst v63  }
0xa4: {  	_ =	swait.ge [sflag:s11], $0x1800  }
0xa5: {  	[sflag:s11] =	ssyncset.done $0x0  }
0xa6: {  	[sflag:s11] =	ssyncadd.s32 $0xFFFFE800  }
0xa7: {  	_ =	swait.ge [sflag:s4], $0x1800  }
0xa8: {  	[sflag:s4] =	ssyncset.done $0x0  }
0xa9: {  	s24 =	simm.s32 $0x2940;
	[sflag:s4] =	ssyncadd.s32 $0xFFFFE800  }
0xaa: {  	[spmem:s15] =	stream.indirect.scatter.add.f32 [tilespmem:s7], [sflag:$0x5], $0x80, s24, s8, $0xb8;
	[tilespmem:$0x1F100] =	vst v63  }
0xab: {  	s23 =	simm.s32 $0x150  }
0xac: {  	[tilespmem:s12], [sflag:$0x4] =	stream.indirect.gather [hbm4b:s19+s8], $0x80, s23, s8, $0xb8;
	[tilespmem:$0x1F100] =	vst v63  }
0xad: {  	_ =	swait.ge [sflag:s13], $0x1800  }
0xae: {  	[sflag:s13] =	ssyncset.done $0x0  }
0xaf: {  	[sflag:s13] =	ssyncadd.s32 $0xFFFFE800  }
0xb0: {  	_ =	swait.ge [sflag:s16], $0x1800  }
0xb1: {  	[sflag:s16] =	ssyncset.done $0x0  }
0xb2: {  	s24 =	simm.s32 $0x2970;
	[sflag:s16] =	ssyncadd.s32 $0xFFFFE800  }
0xb3: {  	[spmem:s15] =	stream.indirect.scatter.add.f32 [tilespmem:s9], [sflag:$0x6], $0x80, s24, s8, $0xb8;
	[tilespmem:$0x1F100] =	vst v63  }
0xb4: {  	s23 =	simm.s32 $0x180  }
0xb5: {  	[tilespmem:s7], [sflag:$0x1] =	stream.indirect.gather [hbm4b:s19+s8], $0x80, s23, s8, $0xb8;
	[tilespmem:$0x1F100] =	vst v63  }
0xb6: {  	_ =	swait.ge [sflag:s17], $0x1800  }
0xb7: {  	[sflag:s17] =	ssyncset.done $0x0  }
0xb8: {  	[sflag:s17] =	ssyncadd.s32 $0xFFFFE800  }
0xb9: {  	_ =	swait.ge [sflag:s18], $0x1800  }
0xba: {  	[sflag:s18] =	ssyncset.done $0x0  }
0xbb: {  	s24 =	simm.s32 $0x29A0;
	[sflag:s18] =	ssyncadd.s32 $0xFFFFE800  }
0xbc: {  	[spmem:s15] =	stream.indirect.scatter.add.f32 [tilespmem:s10], [sflag:$0x7], $0x80, s24, s8, $0xb8;
	[tilespmem:$0x1F100] =	vst v63  }
0xbd: {  	s23 =	simm.s32 $0x1B0  }
0xbe: {  	[tilespmem:s9], [sflag:$0x2] =	stream.indirect.gather [hbm4b:s19+s8], $0x80, s23, s8, $0xb8;
	[tilespmem:$0x1F100] =	vst v63  }
0xbf: {  	_ =	swait.ge [sflag:s20], $0x1800  }
0xc0: {  	[sflag:s20] =	ssyncset.done $0x0  }
0xc1: {  	[sflag:s20] =	ssyncadd.s32 $0xFFFFE800  }
0xc2: {  	_ =	swait.ge [sflag:s6], $0x1800  }
0xc3: {  	s22 =	simm.s32 $0x300;
	[sflag:s6] =	ssyncset.done $0x0  }
0xc4: {  	s24 =	simm.s32 $0x29D0;
	s23 =	simm.s32 $0x1E0;
	[sflag:s6] =	ssyncadd.s32 $0xFFFFE800  }
0xc5: {  	[spmem:s15] =	stream.indirect.scatter.add.f32 [tilespmem:s12], [sflag:$0x8], $0x80, s24, s8, $0xb8;
	[tilespmem:$0x1F100] =	vst v63  }
.LBB2_4:
0xc6: {  	[tilespmem:s10], [sflag:$0x3] =	stream.indirect.gather [hbm4b:s19+s8], $0x80, s23, s8, $0xb8;
	[tilespmem:$0x1F100] =	vst v63  }
0xc7: {  	s23 =	smov.u32 s22  }
0xc8: {  	p0 =	sne.s32 s22, $0x9600;
	s22 =	sadd.s32 $0x300, s22;
	_ =	swait.ge [sflag:s11], $0x1800  }
0xc9: {  	[sflag:s11] =	ssyncset.done $0x0  }
0xca: {  	[sflag:s11] =	ssyncadd.s32 $0xFFFFE800  }
0xcb: {  	_ =	swait.ge [sflag:s4], $0x1800  }
0xcc: {  	s23 =	sshra.s32 s23, $0x2;
	[sflag:s4] =	ssyncset.done $0x0  }
0xcd: {  	s24 =	sadd.s32 $0x2940, s23;
	[sflag:s4] =	ssyncadd.s32 $0xFFFFE800  }
0xce: {  	[spmem:s15] =	stream.indirect.scatter.add.f32 [tilespmem:s7], [sflag:$0x5], $0x80, s24, s8, $0xb8;
	[tilespmem:$0x1F100] =	vst v63  }
0xcf: {  	s24 =	sadd.s32 $0x150, s23  }
0xd0: {  	[tilespmem:s12], [sflag:$0x4] =	stream.indirect.gather [hbm4b:s19+s8], $0x80, s24, s8, $0xb8;
	[tilespmem:$0x1F100] =	vst v63  }
0xd1: {  	_ =	swait.ge [sflag:s13], $0x1800  }
0xd2: {  	[sflag:s13] =	ssyncset.done $0x0  }
0xd3: {  	[sflag:s13] =	ssyncadd.s32 $0xFFFFE800  }
0xd4: {  	_ =	swait.ge [sflag:s16], $0x1800  }
0xd5: {  	[sflag:s16] =	ssyncset.done $0x0  }
0xd6: {  	s24 =	sadd.s32 $0x2970, s23;
	[sflag:s16] =	ssyncadd.s32 $0xFFFFE800  }
0xd7: {  	[spmem:s15] =	stream.indirect.scatter.add.f32 [tilespmem:s9], [sflag:$0x6], $0x80, s24, s8, $0xb8;
	[tilespmem:$0x1F100] =	vst v63  }
0xd8: {  	s24 =	sadd.s32 $0x180, s23  }
0xd9: {  	[tilespmem:s7], [sflag:$0x1] =	stream.indirect.gather [hbm4b:s19+s8], $0x80, s24, s8, $0xb8;
	[tilespmem:$0x1F100] =	vst v63  }
0xda: {  	_ =	swait.ge [sflag:s17], $0x1800  }
0xdb: {  	[sflag:s17] =	ssyncset.done $0x0  }
0xdc: {  	[sflag:s17] =	ssyncadd.s32 $0xFFFFE800  }
0xdd: {  	_ =	swait.ge [sflag:s18], $0x1800  }
0xde: {  	[sflag:s18] =	ssyncset.done $0x0  }
0xdf: {  	s24 =	sadd.s32 $0x29A0, s23;
	[sflag:s18] =	ssyncadd.s32 $0xFFFFE800  }
0xe0: {  	[spmem:s15] =	stream.indirect.scatter.add.f32 [tilespmem:s10], [sflag:$0x7], $0x80, s24, s8, $0xb8;
	[tilespmem:$0x1F100] =	vst v63  }
0xe1: {  	s24 =	sadd.s32 $0x1B0, s23  }
0xe2: {  	[tilespmem:s9], [sflag:$0x2] =	stream.indirect.gather [hbm4b:s19+s8], $0x80, s24, s8, $0xb8;
	[tilespmem:$0x1F100] =	vst v63  }
0xe3: {  	_ =	swait.ge [sflag:s20], $0x1800  }
0xe4: {  	[sflag:s20] =	ssyncset.done $0x0  }
0xe5: {  	[sflag:s20] =	ssyncadd.s32 $0xFFFFE800  }
.Ltmp1:
0xe6: {  	_ =	swait.ge [sflag:s6], $0x1800;
	(pc) =	sbr.rel @p0 .LBB2_4-.Ltmp1, $4  }
0xe7: {  	[sflag:s6] =	ssyncset.done $0x0  }
0xe8: {  	s24 =	sadd.s32 $0x29D0, s23;
	[sflag:s6] =	ssyncadd.s32 $0xFFFFE800  }
0xe9: {  	[spmem:s15] =	stream.indirect.scatter.add.f32 [tilespmem:s12], [sflag:$0x8], $0x80, s24, s8, $0xb8;
	[tilespmem:$0x1F100] =	vst v63  }
0xea: {  	s23 =	sadd.s32 $0x1E0, s23  }
0xeb: {  	[tilespmem:s10], [sflag:$0x3] =	stream.indirect.gather [hbm4b:s19+s8], $0x80, s23, s8, $0xb8;
	[tilespmem:$0x1F100] =	vst v63  }
0xec: {  	_ =	swait.ge [sflag:s11], $0x1800  }
0xed: {  	[sflag:s11] =	ssyncset.done $0x0  }
0xee: {  	[sflag:s11] =	ssyncadd.s32 $0xFFFFE800  }
0xef: {  	_ =	swait.ge [sflag:s4], $0x1800  }
0xf0: {  	[sflag:s4] =	ssyncset.done $0x0  }
0xf1: {  	s22 =	simm.s32 $0x4F80;
	[sflag:s4] =	ssyncadd.s32 $0xFFFFE800  }
0xf2: {  	[spmem:s15] =	stream.indirect.scatter.add.f32 [tilespmem:s7], [sflag:$0x5], $0x80, s22, s8, $0xb8;
	[tilespmem:$0x1F100] =	vst v63  }
0xf3: {  	s23 =	simm.s32 $0x2790  }
0xf4: {  	[tilespmem:s12], [sflag:$0x4] =	stream.indirect.gather [hbm4b:s19+s8], $0x80, s23, s8, $0xb8;
	[tilespmem:$0x1F100] =	vst v63  }
0xf5: {  	_ =	swait.ge [sflag:s13], $0x1800  }
0xf6: {  	[sflag:s13] =	ssyncset.done $0x0  }
0xf7: {  	[sflag:s13] =	ssyncadd.s32 $0xFFFFE800  }
0xf8: {  	_ =	swait.ge [sflag:s16], $0x1800  }
0xf9: {  	[sflag:s16] =	ssyncset.done $0x0  }
0xfa: {  	s24 =	simm.s32 $0x4FB0;
	[sflag:s16] =	ssyncadd.s32 $0xFFFFE800  }
0xfb: {  	[spmem:s15] =	stream.indirect.scatter.add.f32 [tilespmem:s9], [sflag:$0x6], $0x80, s24, s8, $0xb8;
	[tilespmem:$0x1F100] =	vst v63  }
0xfc: {  	s23 =	simm.s32 $0x27C0  }
0xfd: {  	[tilespmem:s7], [sflag:$0x1] =	stream.indirect.gather [hbm4b:s19+s8], $0x80, s23, s8, $0xb8;
	[tilespmem:$0x1F100] =	vst v63  }
0xfe: {  	_ =	swait.ge [sflag:s17], $0x1800  }
0xff: {  	[sflag:s17] =	ssyncset.done $0x0  }
0x100: {  	[sflag:s17] =	ssyncadd.s32 $0xFFFFE800  }
0x101: {  	_ =	swait.ge [sflag:s18], $0x1800  }
0x102: {  	[sflag:s18] =	ssyncset.done $0x0  }
0x103: {  	s24 =	simm.s32 $0x4FE0;
	[sflag:s18] =	ssyncadd.s32 $0xFFFFE800  }
0x104: {  	[spmem:s15] =	stream.indirect.scatter.add.f32 [tilespmem:s10], [sflag:$0x7], $0x80, s24, s8, $0xb8;
	[tilespmem:$0x1F100] =	vst v63  }
0x105: {  	s23 =	simm.s32 $0x27F0  }
0x106: {  	[tilespmem:s9], [sflag:$0x2] =	stream.indirect.gather [hbm4b:s19+s8], $0x80, s23, s8, $0xb8;
	[tilespmem:$0x1F100] =	vst v63  }
0x107: {  	_ =	swait.ge [sflag:s20], $0x1800  }
0x108: {  	[sflag:s20] =	ssyncset.done $0x0  }
0x109: {  	[sflag:s20] =	ssyncadd.s32 $0xFFFFE800  }
0x10a: {  	_ =	swait.ge [sflag:s6], $0x1800  }
0x10b: {  	[sflag:s6] =	ssyncset.done $0x0  }
0x10c: {  	s24 =	simm.s32 $0x5010;
	[sflag:s6] =	ssyncadd.s32 $0xFFFFE800  }
0x10d: {  	[spmem:s15] =	stream.indirect.scatter.add.f32 [tilespmem:s12], [sflag:$0x8], $0x80, s24, s8, $0xb8;
	[tilespmem:$0x1F100] =	vst v63  }
0x10e: {  	s23 =	simm.s32 $0x2820  }
0x10f: {  	[tilespmem:s10], [sflag:$0x3] =	stream.indirect.gather [hbm4b:s19+s8], $0x80, s23, s8, $0xb8;
	[tilespmem:$0x1F100] =	vst v63  }
0x110: {  	_ =	swait.ge [sflag:s11], $0x1800  }
0x111: {  	[sflag:s11] =	ssyncset.done $0x0  }
0x112: {  	[sflag:s11] =	ssyncadd.s32 $0xFFFFE800  }
0x113: {  	_ =	swait.ge [sflag:s4], $0x1800  }
0x114: {  	[sflag:s4] =	ssyncset.done $0x0  }
0x115: {  	s24 =	simm.s32 $0x5040;
	[sflag:s4] =	ssyncadd.s32 $0xFFFFE800  }
0x116: {  	[spmem:s15] =	stream.indirect.scatter.add.f32 [tilespmem:s7], [sflag:$0x5], $0x80, s24, s8, $0xb8;
	[tilespmem:$0x1F100] =	vst v63  }
0x117: {  	s23 =	simm.s32 $0x2850  }
0x118: {  	[tilespmem:s12], [sflag:$0x4] =	stream.indirect.gather [hbm4b:s19+s8], $0x80, s23, s8, $0xb8;
	[tilespmem:$0x1F100] =	vst v63  }
0x119: {  	_ =	swait.ge [sflag:s13], $0x1800  }
0x11a: {  	[sflag:s13] =	ssyncset.done $0x0  }
0x11b: {  	[sflag:s13] =	ssyncadd.s32 $0xFFFFE800  }
0x11c: {  	_ =	swait.ge [sflag:s16], $0x1800  }
0x11d: {  	[sflag:s16] =	ssyncset.done $0x0  }
0x11e: {  	s24 =	simm.s32 $0x5070;
	[sflag:s16] =	ssyncadd.s32 $0xFFFFE800  }
0x11f: {  	[spmem:s15] =	stream.indirect.scatter.add.f32 [tilespmem:s9], [sflag:$0x6], $0x80, s24, s8, $0xb8;
	[tilespmem:$0x1F100] =	vst v63  }
0x120: {  	_ =	swait.ge [sflag:s17], $0x1800  }
0x121: {  	[sflag:s17] =	ssyncset.done $0x0  }
0x122: {  	[sflag:s17] =	ssyncadd.s32 $0xFFFFE800  }
0x123: {  	_ =	swait.ge [sflag:s18], $0x1800  }
0x124: {  	[sflag:s18] =	ssyncset.done $0x0  }
0x125: {  	s23 =	simm.s32 $0x50A0;
	[sflag:s18] =	ssyncadd.s32 $0xFFFFE800  }
0x126: {  	[spmem:s15] =	stream.indirect.scatter.add.f32 [tilespmem:s10], [sflag:$0x7], $0x80, s23, s8, $0xb8;
	[tilespmem:$0x1F100] =	vst v63  }
0x127: {  	_ =	swait.ge [sflag:s20], $0x1800  }
0x128: {  	[sflag:s20] =	ssyncset.done $0x0  }
0x129: {  	[sflag:s20] =	ssyncadd.s32 $0xFFFFE800  }
0x12a: {  	_ =	swait.ge [sflag:s6], $0x1800  }
0x12b: {  	[sflag:s6] =	ssyncset.done $0x0  }
0x12c: {  	s24 =	simm.s32 $0x50D0;
	[sflag:s6] =	ssyncadd.s32 $0xFFFFE800  }
0x12d: {  	[spmem:s15] =	stream.indirect.scatter.add.f32 [tilespmem:s12], [sflag:$0x8], $0x80, s24, s8, $0xb8;
	[tilespmem:$0x1F100] =	vst v63  }
0x12e: {  	_ =	swait.ge [sflag:s4], $0x1800  }
0x12f: {  	[sflag:s4] =	ssyncset.done $0x0  }
0x130: {  	[sflag:s4] =	ssyncadd.s32 $0xFFFFE800  }
0x131: {  	[bflag:$0x0] =	sbarrier.arrive $0xFFFF  }
0x132: {  	[tilespmem:s7], [sflag:$0x9] =	stream.linear.gather [spmem:s25], $0x1800, $0x38;
	[tilespmem:$0x1F100] =	vst v63  }
0x133: {  	_ =	swait.ge [sflag:s5], $0x1800  }
0x134: {  	[sflag:s5] =	ssyncset.done $0x0  }
0x135: {  	s24 =	smov.u32 s25;
	s25 =	rddreg [dreg:$0x4];
	[sflag:s5] =	ssyncadd.s32 $0xFFFFE800  }
0x136: {  	[hbm4b:s25+s1] =	stream.linear.scatter [tilespmem:s7], [sflag:$0x9], $0x1800, $0x38;
	[tilespmem:$0x1F100] =	vst v63  }
0x137: {  	_ =	swait.ge [sflag:s5], $0x1800  }
0x138: {  	[sflag:s5] =	ssyncset.done $0x0  }
0x139: {  	s23 =	rddreg [dreg:$0x14];
	[sflag:s5] =	ssyncadd.s32 $0xFFFFE800  }
0x13a: {  	[tilespmem:s7], [sflag:$0x9] =	stream.linear.gather [spmem:s23], $0x1800, $0x38;
	[tilespmem:$0x1F100] =	vst v63  }
0x13b: {  	_ =	swait.ge [sflag:s5], $0x1800  }
0x13c: {  	[sflag:s5] =	ssyncset.done $0x0  }
0x13d: {  	s25 =	rddreg [dreg:$0x5];
	[sflag:s5] =	ssyncadd.s32 $0xFFFFE800  }
0x13e: {  	[hbm4b:s25+s1] =	stream.linear.scatter [tilespmem:s7], [sflag:$0x9], $0x1800, $0x38;
	[tilespmem:$0x1F100] =	vst v63  }
0x13f: {  	_ =	swait.ge [sflag:s5], $0x1800  }
0x140: {  	[sflag:s5] =	ssyncset.done $0x0  }
0x141: {  	s23 =	rddreg [dreg:$0x15];
	[sflag:s5] =	ssyncadd.s32 $0xFFFFE800  }
0x142: {  	[tilespmem:s7], [sflag:$0x9] =	stream.linear.gather [spmem:s23], $0x1800, $0x38;
	[tilespmem:$0x1F100] =	vst v63  }
0x143: {  	_ =	swait.ge [sflag:s5], $0x1800  }
0x144: {  	[sflag:s5] =	ssyncset.done $0x0  }
0x145: {  	s25 =	rddreg [dreg:$0x6];
	[sflag:s5] =	ssyncadd.s32 $0xFFFFE800  }
0x146: {  	[hbm4b:s25+s1] =	stream.linear.scatter [tilespmem:s7], [sflag:$0x9], $0x1800, $0x38;
	[tilespmem:$0x1F100] =	vst v63  }
0x147: {  	_ =	swait.ge [sflag:s5], $0x1800  }
0x148: {  	[sflag:s5] =	ssyncset.done $0x0  }
0x149: {  	s23 =	rddreg [dreg:$0x16];
	[sflag:s5] =	ssyncadd.s32 $0xFFFFE800  }
0x14a: {  	[tilespmem:s7], [sflag:$0x9] =	stream.linear.gather [spmem:s23], $0x1800, $0x38;
	[tilespmem:$0x1F100] =	vst v63  }
0x14b: {  	_ =	swait.ge [sflag:s5], $0x1800  }
0x14c: {  	[sflag:s5] =	ssyncset.done $0x0  }
0x14d: {  	s25 =	rddreg [dreg:$0x7];
	[sflag:s5] =	ssyncadd.s32 $0xFFFFE800  }
0x14e: {  	[hbm4b:s25+s1] =	stream.linear.scatter [tilespmem:s7], [sflag:$0x9], $0x1800, $0x38;
	[tilespmem:$0x1F100] =	vst v63  }
0x14f: {  	_ =	swait.ge [sflag:s5], $0x1800  }
0x150: {  	[sflag:s5] =	ssyncset.done $0x0  }
0x151: {  	s23 =	rddreg [dreg:$0x17];
	[sflag:s5] =	ssyncadd.s32 $0xFFFFE800  }
0x152: {  	[tilespmem:s7], [sflag:$0x9] =	stream.linear.gather [spmem:s23], $0x1800, $0x38;
	[tilespmem:$0x1F100] =	vst v63  }
0x153: {  	_ =	swait.ge [sflag:s5], $0x1800  }
0x154: {  	[sflag:s5] =	ssyncset.done $0x0  }
0x155: {  	s25 =	rddreg [dreg:$0x8];
	[sflag:s5] =	ssyncadd.s32 $0xFFFFE800  }
0x156: {  	[hbm4b:s25+s1] =	stream.linear.scatter [tilespmem:s7], [sflag:$0x9], $0x1800, $0x38;
	[tilespmem:$0x1F100] =	vst v63  }
0x157: {  	_ =	swait.ge [sflag:s5], $0x1800  }
0x158: {  	[sflag:s5] =	ssyncset.done $0x0  }
0x159: {  	[sflag:s5] =	ssyncadd.s32 $0xFFFFE800  }
0x15a: {  	[tilespmem:s7], [sflag:$0x9] =	stream.linear.gather [spmem:s26], $0x1800, $0x38;
	[tilespmem:$0x1F100] =	vst v63  }
0x15b: {  	_ =	swait.ge [sflag:s5], $0x1800  }
0x15c: {  	[sflag:s5] =	ssyncset.done $0x0  }
0x15d: {  	s23 =	rddreg [dreg:$0x9];
	[sflag:s5] =	ssyncadd.s32 $0xFFFFE800  }
0x15e: {  	[hbm4b:s23+s1] =	stream.linear.scatter [tilespmem:s7], [sflag:$0x9], $0x1800, $0x38;
	[tilespmem:$0x1F100] =	vst v63  }
0x15f: {  	_ =	swait.ge [sflag:s5], $0x1800  }
0x160: {  	[sflag:s5] =	ssyncset.done $0x0  }
0x161: {  	[sflag:s5] =	ssyncadd.s32 $0xFFFFE800  }
0x162: {  	[tilespmem:s7], [sflag:$0x9] =	stream.linear.gather [spmem:s28], $0x1800, $0x38;
	[tilespmem:$0x1F100] =	vst v63  }
0x163: {  	_ =	swait.ge [sflag:s5], $0x1800  }
0x164: {  	[sflag:s5] =	ssyncset.done $0x0  }
0x165: {  	s25 =	rddreg [dreg:$0xa];
	[sflag:s5] =	ssyncadd.s32 $0xFFFFE800  }
0x166: {  	[hbm4b:s25+s1] =	stream.linear.scatter [tilespmem:s7], [sflag:$0x9], $0x1800, $0x38;
	[tilespmem:$0x1F100] =	vst v63  }
0x167: {  	_ =	swait.ge [sflag:s5], $0x1800  }
0x168: {  	[sflag:s5] =	ssyncset.done $0x0  }
0x169: {  	[sflag:s5] =	ssyncadd.s32 $0xFFFFE800  }
0x16a: {  	[tilespmem:s7], [sflag:$0x9] =	stream.linear.gather [spmem:s29], $0x1800, $0x38;
	[tilespmem:$0x1F100] =	vst v63  }
0x16b: {  	_ =	swait.ge [sflag:s5], $0x1800  }
0x16c: {  	[sflag:s5] =	ssyncset.done $0x0  }
0x16d: {  	s23 =	rddreg [dreg:$0xb];
	[sflag:s5] =	ssyncadd.s32 $0xFFFFE800  }
0x16e: {  	[hbm4b:s23+s1] =	stream.linear.scatter [tilespmem:s7], [sflag:$0x9], $0x1800, $0x38;
	[tilespmem:$0x1F100] =	vst v63  }
0x16f: {  	_ =	swait.ge [sflag:s5], $0x1800  }
0x170: {  	[sflag:s5] =	ssyncset.done $0x0  }
0x171: {  	[sflag:s5] =	ssyncadd.s32 $0xFFFFE800  }
0x172: {  	[tilespmem:s7], [sflag:$0x9] =	stream.linear.gather [spmem:s30], $0x1800, $0x38;
	[tilespmem:$0x1F100] =	vst v63  }
0x173: {  	_ =	swait.ge [sflag:s5], $0x1800  }
0x174: {  	[sflag:s5] =	ssyncset.done $0x0  }
0x175: {  	s25 =	rddreg [dreg:$0xc];
	[sflag:s5] =	ssyncadd.s32 $0xFFFFE800  }
0x176: {  	[hbm4b:s25+s1] =	stream.linear.scatter [tilespmem:s7], [sflag:$0x9], $0x1800, $0x38;
	[tilespmem:$0x1F100] =	vst v63  }
0x177: {  	_ =	swait.ge [sflag:s5], $0x1800  }
0x178: {  	[sflag:s5] =	ssyncset.done $0x0  }
0x179: {  	[sflag:s5] =	ssyncadd.s32 $0xFFFFE800  }
0x17a: {  	[tilespmem:s7], [sflag:$0x9] =	stream.linear.gather [spmem:s31], $0x1800, $0x38;
	[tilespmem:$0x1F100] =	vst v63  }
0x17b: {  	_ =	swait.ge [sflag:s5], $0x1800  }
0x17c: {  	[sflag:s5] =	ssyncset.done $0x0  }
0x17d: {  	s23 =	rddreg [dreg:$0xd];
	[sflag:s5] =	ssyncadd.s32 $0xFFFFE800  }
0x17e: {  	[hbm4b:s23+s1] =	stream.linear.scatter [tilespmem:s7], [sflag:$0x9], $0x1800, $0x38;
	[tilespmem:$0x1F100] =	vst v63  }
0x17f: {  	_ =	swait.ge [sflag:s5], $0x1800  }
0x180: {  	[sflag:s5] =	ssyncset.done $0x0  }
0x181: {  	[sflag:s5] =	ssyncadd.s32 $0xFFFFE800  }
0x182: {  	[tilespmem:s7], [sflag:$0x9] =	stream.linear.gather [spmem:s14], $0x1800, $0x38;
	[tilespmem:$0x1F100] =	vst v63  }
0x183: {  	_ =	swait.ge [sflag:s5], $0x1800  }
0x184: {  	[sflag:s5] =	ssyncset.done $0x0  }
0x185: {  	s25 =	rddreg [dreg:$0xe];
	[sflag:s5] =	ssyncadd.s32 $0xFFFFE800  }
0x186: {  	[hbm4b:s25+s1] =	stream.linear.scatter [tilespmem:s7], [sflag:$0x9], $0x1800, $0x38;
	[tilespmem:$0x1F100] =	vst v63  }
0x187: {  	_ =	swait.ge [sflag:s5], $0x1800  }
0x188: {  	[sflag:s5] =	ssyncset.done $0x0  }
0x189: {  	[sflag:s5] =	ssyncadd.s32 $0xFFFFE800  }
0x18a: {  	[tilespmem:s7], [sflag:$0x9] =	stream.linear.gather [spmem:s0], $0x1800, $0x38;
	[tilespmem:$0x1F100] =	vst v63  }
0x18b: {  	_ =	swait.ge [sflag:s5], $0x1800  }
0x18c: {  	[sflag:s5] =	ssyncset.done $0x0  }
0x18d: {  	s23 =	rddreg [dreg:$0xf];
	[sflag:s5] =	ssyncadd.s32 $0xFFFFE800  }
0x18e: {  	[hbm4b:s23+s1] =	stream.linear.scatter [tilespmem:s7], [sflag:$0x9], $0x1800, $0x38;
	[tilespmem:$0x1F100] =	vst v63  }
0x18f: {  	_ =	swait.ge [sflag:s5], $0x1800  }
0x190: {  	[sflag:s5] =	ssyncset.done $0x0  }
0x191: {  	[sflag:s5] =	ssyncadd.s32 $0xFFFFE800  }
0x192: {  	[tilespmem:s7], [sflag:$0x9] =	stream.linear.gather [spmem:s2], $0x1800, $0x38;
	[tilespmem:$0x1F100] =	vst v63  }
0x193: {  	_ =	swait.ge [sflag:s5], $0x1800  }
0x194: {  	[sflag:s5] =	ssyncset.done $0x0  }
0x195: {  	s25 =	rddreg [dreg:$0x10];
	[sflag:s5] =	ssyncadd.s32 $0xFFFFE800  }
0x196: {  	[hbm4b:s25+s1] =	stream.linear.scatter [tilespmem:s7], [sflag:$0x9], $0x1800, $0x38;
	[tilespmem:$0x1F100] =	vst v63  }
0x197: {  	_ =	swait.ge [sflag:s5], $0x1800  }
0x198: {  	[sflag:s5] =	ssyncset.done $0x0  }
0x199: {  	[sflag:s5] =	ssyncadd.s32 $0xFFFFE800  }
0x19a: {  	[tilespmem:s7], [sflag:$0x9] =	stream.linear.gather [spmem:s3], $0x800, $0x38;
	[tilespmem:$0x1F100] =	vst v63  }
0x19b: {  	_ =	swait.ge [sflag:s5], $0x800  }
0x19c: {  	[sflag:s5] =	ssyncset.done $0x0  }
0x19d: {  	s23 =	rddreg [dreg:$0x11];
	[sflag:s5] =	ssyncadd.s32 $0xFFFFF800  }
0x19e: {  	[hbm4b:s23+s1] =	stream.linear.scatter [tilespmem:s7], [sflag:$0x9], $0x800, $0x38;
	[tilespmem:$0x1F100] =	vst v63  }
0x19f: {  	_ =	swait.ge [sflag:s5], $0x800  }
0x1a0: {  	s21 =	sadd.s32 $0x1, s21;
	s25 =	rddreg [dreg:$0x18]  }
0x1a1: {  	p0 =	sne.s32 s21, s25  }
.Ltmp2:
0x1a2: {  	_ = 	snop;
	(pc) =	sbr.rel @p0 .LBB2_1-.Ltmp2, $3  }
0x1a3: {  	_ =	sdelay $0x1  }
0x1a4: {  	[sflag:s5] =	ssyncset.done $0x0  }
0x1a5: {  	[sflag:s5] =	ssyncadd.s32 $0xFFFFF800  }
0x1a6: {  	_ =	sfence.sel $0x180000  }
0x1a7: {  	[bflag:$0x0] =	sbarrier.arrive $0xFFFF  }
0x1a8: {  	_ =	strace $0x9000004A  }
0x1a9: {  	s0 =	stileid.u32;
	[bflag:$0x2] =	sbarrier.arrive $0xFFFF  }
0x1aa: {  	p0 =	sne.s32 s0, $0x0;
	s0 =	rddreg [dreg:$0x3]  }
0x1ab: {  	s0 =	sadd.s32 @!p0 $0x100000, s0  }
0x1ac: {  	[sflag:s0] =	ssyncadd.tile.s32 @!p0 $0x1;
	_ =	shalt  }
.Lfunc_end2:
_tile_overlayer_lowered:
.L_overlay_start_2:
0x1ad: {  	(tag) =	ssettag $0x2  }
0x1ae: {  	s0 =	rddreg [dreg:$0x0];
	s2 =	stileid.u32  }
0x1af: {  	s1 =	rddreg [dreg:$0x1];
	p0 =	sne.s32 s2, $0x0  }
0x1b0: {  	s3 =	rddreg [dreg:$0x2];
	[bflag:$0x3] =	sbarrier.arrive $0xFFFF;
	s2 =	simm.s32 @!p0 $0x1C09  }
0x1b1: {  	[timem:s3], [sflag:s2] =	dma.local @!p0 [hbm:s0], s1  }
0x1b2: {  	s0 =	simm.s32 @!p0 $0x9  }
0x1b3: {  	_ =	swait.ge @!p0 [sflag:s0], s1  }
0x1b4: {  	s1 =	ssub.s32 @!p0 $0x0, s1;
	[sflag:s0] =	ssyncset.done @!p0 $0x0  }
0x1b5: {  	[sflag:s0] =	ssyncadd.s32 @!p0 s1  }
0x1b6: {  	[bflag:$0x3] =	sbarrier.arrive $0xFFFF  }
0x1b7: {  	_ =	shalt  }

// kernel: kernel.14.cloned.1.call-start
scs
__scs_entry_jumppad:
0x0: {  	(pc) =	sbr.rel $0x88, $3  }
0x1: {  	(tag) =	ssettag $0x0;
	lr =	simm.s32 $0x1  }
0x2: {  	[smem:$0x3F9B] =	sst lr;
	_ =	strace $0xD0000000  }
0x3: {  	_ = 	snop  }
0x4: {  	_ = 	snop  }
0x5: {  	_ = 	snop  }
0x6: {  	_ = 	snop  }
0x7: {  	_ = 	snop  }
__scs_overlays_trampoline_lowered:
0x8: {  	[smem:$0x3FAA] =	sst s0  }
0x9: {  	[smem:$0x3FAB] =	sst s1  }
0xa: {  	[smem:$0x3FAC] =	sst s2  }
0xb: {  	[smem:$0x3FAD] =	sst s3  }
0xc: {  	[smem:$0x3FAE] =	sst s4  }
0xd: {  	[smem:$0x3FAF] =	sst s5  }
0xe: {  	[smem:$0x3FB0] =	sst s6  }
0xf: {  	[smem:$0x3FB1] =	sst s7  }
0x10: {  	[smem:$0x3FB2] =	sst s8  }
0x11: {  	[smem:$0x3FB3] =	sst s9;
	s0 =	simm.s32 @!p0 $0x0  }
0x12: {  	s1 =	sld [smem:$0x3F99];
	s0 =	simm.s32 @p0 $0x1  }
0x13: {  	[smem:$0x3FB4] =	sst s0;
	s0 =	simm.s32 @!p1 $0x0  }
0x14: {  	s2 =	sld [smem:$0x3F98];
	s0 =	simm.s32 @p1 $0x1  }
0x15: {  	[smem:$0x3FB5] =	sst s0;
	s0 =	simm.s32 @!p2 $0x0  }
0x16: {  	s3 =	sld [smem:$0x3FDB];
	s0 =	simm.s32 @p2 $0x1  }
0x17: {  	s4 =	simm.s32 $0x1BF5;
	[smem:$0x3FB7] =	sst s0  }
0x18: {  	s0 =	sld [smem:$0x3F9A];
	_ =	swait.ge [sflag:s4], $0x0  }
0x19: {  	s7 =	sld [smem:$0x3F9B]  }
0x1a: {  	s8 =	sadd.s32 $0xFFFFE003, lr  }
0x1b: {  	s9 =	sadd.s32 $0xFFFFFEF7, lr;
	s5 =	simm.s32 $0xFFFFFFFF;
	p2 =	slt.u32 s8, $0xFFFFF086  }
0x1c: {  	p1 =	slt.u32 s9, $0xF7A;
	s5 =	simm.s32 @!p2 $0x0  }
0x1d: {  	s5 =	simm.s32 @p1 $0x1;
	p0 =	seq.s32 s7, s2  }
0x1e: {  	s7 =	smul.u32 @!p0 $0xF7A, s2;
	p2 =	seq.s32 @!p0 s5, $0x0  }
0x1f: {  	s9 =	smul.u32 $0xF7A, s1;
	s8 =	simm.s32 @!p0 $0x1BF5;
	p2 =	por !p2, p0  }
0x20: {  	[sflag:s8] =	ssyncset.s32 @!p0 $0xFFFFF086;
	s6 =	sadd.s32 @!p0 s3, s7;
	s7 =	simm.s32 @!p0 $0x108  }
0x21: {  	s3 =	sadd.s32 s3, s9;
	s6 =	sadd.s32 @!p0 $0x88, s6;
	s7 =	simm.s32 @p2 $0x1082  }
0x22: {  	[simem:s7], [sflag:s8] =	dma.local @!p0 [hbm:s6], $0xF7A  }
0x23: {  	s9 =	sor.u32 $0xD0000000, s2;
	s6 =	simm.s32 $0x108;
	_ =	swait.ge @!p0 [sflag:s8], $0x0  }
0x24: {  	s3 =	sadd.s32 $0x88, s3;
	s6 =	simm.s32 @!p1 $0x1082;
	[sflag:s4] =	ssyncset.s32 $0xFFFFF086  }
0x25: {  	[simem:s6], [sflag:s4] =	dma.local [hbm:s3], $0xF7A  }
0x26: {  	[smem:$0x3F9B] =	sst s1;
	(tag) =	ssettag s2;
	_ =	strace s9  }
0x27: {  	s1 =	sld [smem:$0x3FAB]  }
0x28: {  	s2 =	sld [smem:$0x3FAC]  }
0x29: {  	s4 =	sld [smem:$0x3FAE]  }
0x2a: {  	p0 =	seq.s32 s5, $0x0;
	s5 =	sld [smem:$0x3FAF]  }
0x2b: {  	s6 =	sld [smem:$0x3FB0]  }
0x2c: {  	s7 =	sld [smem:$0x3FB1]  }
0x2d: {  	s3 =	simm.s32 $0x108;
	s8 =	sld [smem:$0x3FB2]  }
0x2e: {  	s3 =	simm.s32 @!p0 $0x1082;
	s9 =	sld [smem:$0x3FB3]  }
0x2f: {  	lr =	sadd.s32 s0, s3;
	s0 =	sld [smem:$0x3FAA]  }
0x30: {  	s3 =	sld [smem:$0x3FAD]  }
0x31: {  	[smem:$0x3FB6] =	sst s10  }
0x32: {  	s10 =	sld [smem:$0x3FB4];
	_ =	sdelay $0x3  }
0x33: {  	p0 =	seq.s32 s10, $0x1;
	s10 =	sld [smem:$0x3FB6];
	_ =	sdelay $0x3  }
0x34: {  	[smem:$0x3FB6] =	sst s10  }
0x35: {  	s10 =	sld [smem:$0x3FB5];
	_ =	sdelay $0x3  }
0x36: {  	p1 =	seq.s32 s10, $0x1;
	s10 =	sld [smem:$0x3FB6];
	_ =	sdelay $0x3  }
0x37: {  	[smem:$0x3FB6] =	sst s10  }
0x38: {  	s10 =	sld [smem:$0x3FB7]  }
0x39: {  	_ = 	snop;
	(pc) =	sbr.ind lr, $3  }
0x3a: {  	_ = 	snop  }
0x3b: {  	_ = 	snop  }
0x3c: {  	p2 =	seq.s32 s10, $0x1;
	s10 =	sld [smem:$0x3FB6]  }
0x3d: {  	_ =	shalt  }
0x3e: {  	_ =	shalt  }
0x3f: {  	_ =	shalt  }
0x40: {  	_ =	shalt  }
0x41: {  	_ =	shalt  }
0x42: {  	_ =	shalt  }
0x43: {  	_ =	shalt  }
0x44: {  	_ =	shalt  }
0x45: {  	_ =	shalt  }
0x46: {  	_ =	shalt  }
0x47: {  	_ =	shalt  }
0x48: {  	_ =	shalt  }
0x49: {  	_ =	shalt  }
0x4a: {  	_ =	shalt  }
0x4b: {  	_ =	shalt  }
0x4c: {  	_ =	shalt  }
0x4d: {  	_ =	shalt  }
0x4e: {  	_ =	shalt  }
0x4f: {  	_ =	shalt  }
0x50: {  	_ =	shalt  }
0x51: {  	_ =	shalt  }
0x52: {  	_ =	shalt  }
0x53: {  	_ =	shalt  }
0x54: {  	_ =	shalt  }
0x55: {  	_ =	shalt  }
0x56: {  	_ =	shalt  }
0x57: {  	_ =	shalt  }
0x58: {  	_ =	shalt  }
0x59: {  	_ =	shalt  }
0x5a: {  	_ =	shalt  }
0x5b: {  	_ =	shalt  }
0x5c: {  	_ =	shalt  }
0x5d: {  	_ =	shalt  }
0x5e: {  	_ =	shalt  }
0x5f: {  	_ =	shalt  }
0x60: {  	_ =	shalt  }
0x61: {  	_ =	shalt  }
0x62: {  	_ =	shalt  }
0x63: {  	_ =	shalt  }
0x64: {  	_ =	shalt  }
0x65: {  	_ =	shalt  }
0x66: {  	_ =	shalt  }
0x67: {  	_ =	shalt  }
0x68: {  	_ =	shalt  }
0x69: {  	_ =	shalt  }
0x6a: {  	_ =	shalt  }
0x6b: {  	_ =	shalt  }
0x6c: {  	_ =	shalt  }
0x6d: {  	_ =	shalt  }
0x6e: {  	_ =	shalt  }
0x6f: {  	_ =	shalt  }
0x70: {  	_ =	shalt  }
0x71: {  	_ =	shalt  }
0x72: {  	_ =	shalt  }
0x73: {  	_ =	shalt  }
0x74: {  	_ =	shalt  }
0x75: {  	_ =	shalt  }
0x76: {  	_ =	shalt  }
0x77: {  	_ =	shalt  }
0x78: {  	_ =	shalt  }
0x79: {  	_ =	shalt  }
0x7a: {  	_ =	shalt  }
0x7b: {  	_ =	shalt  }
0x7c: {  	_ =	shalt  }
0x7d: {  	_ =	shalt  }
0x7e: {  	_ =	shalt  }
0x7f: {  	_ =	shalt  }
0x80: {  	_ =	shalt  }
0x81: {  	_ =	shalt  }
0x82: {  	_ =	shalt  }
0x83: {  	_ =	shalt  }
0x84: {  	_ =	shalt  }
0x85: {  	_ =	shalt  }
0x86: {  	_ =	shalt  }
0x87: {  	_ =	shalt  }
.Lfunc_end0:
.L_simem_size_0:
called_computation.2_lowered:
.L_overlay_start_0:
0x88: {  	s2 =	sld [smem:$0x3FD9]  }
0x89: {  	s3 =	sld [smem:$0x3FFE];
	_ =	sdelay $0x1  }
0x8a: {  	s1 =	srdreg.scid  }
0x8b: {  	s0 =	sand.u32 $0x1, s1  }
0x8c: {  	s17 =	sshll.u32 s0, $0xA;
	s2 =	sadd.s32 s3, s2  }
0x8d: {  	s2 =	sadd.s32 s2, s17  }
0x8e: {  	[smem:$0x3FC2] =	sst s2  }
0x8f: {  	_ = 	snop  }
0x90: {  	s2 =	sld [smem:$0x3FD0];
	(tm) =	ssettm $0x1  }
0x91: {  	s18 =	sld [smem:$0x3FFB];
	_ =	sdelay $0x3  }
0x92: {  	_ =	strace s18  }
0x93: {  	s3 =	sld [smem:$0x3FFC];
	_ =	sdelay $0x3  }
0x94: {  	_ =	strace s3  }
0x95: {  	s3 =	sld [smem:$0x3FFD];
	_ =	sdelay $0x3  }
0x96: {  	_ =	strace s3  }
0x97: {  	_ =	strace $0x8FFFFFFF  }
0x98: {  	s19 =	sld [smem:$0x3FDB];
	_ =	sdelay $0x1  }
0x99: {  	s4 =	simm.s32 $_scs_section_size  }
0x9a: {  	s5 =	simm.s32 $_size__tile_overlayer_lowered;
	s6 =	simm.s32 $_tile_overlayer_lowered  }
0x9b: {  	s22 =	simm.s32 $0x1BFF;
	s21 =	sshll.u32 s6, $0x1;
	s3 =	sadd.s32 s4, s19  }
0x9c: {  	s7 =	simm.s32 $0x0;
	s20 =	sshll.u32 s5, $0x1;
	s5 =	sadd.s32 s21, s3  }
0x9d: {  	[timem:s7], [sflag:s22] =	dma.local [hbm:s5], s20  }
0x9e: {  	_ =	swait.ge [sflag:s22], s20  }
0x9f: {  	s4 =	ssub.s32 $0x0, s20;
	[sflag:s22] =	ssyncset.done $0x0  }
0xa0: {  	[sflag:s22] =	ssyncadd.s32 s4;
	_ =	sdelay $0x1  }
0xa1: {  	s23 =	simm.s32 $0x1B8B  }
0xa2: {  	_ =	swait.ge [sflag:s23], $0x1  }
0xa3: {  	[sflag:s23] =	ssyncset.done $0x0  }
0xa4: {  	s25 =	simm.s32 $0x1B8E;
	s24 =	sld [smem:$0x3FFE];
	[sflag:s23] =	ssyncadd.s32 $0xFFFFFFFF  }
0xa5: {  	s26 =	simm.s32 $execute0_lowered;
	[smem:$0x3FD2] =	sst s25  }
0xa6: {  	s5 =	sshll.u32 s26, $0x1;
	_ =	strace $0x8000004C;
	[dreg:$0x1] =	wrdreg $0xFFFFFFFF  }
0xa7: {  	s28 =	simm.s32 $_size_execute0_lowered;
	s3 =	sadd.s32 s3, s5;
	[dreg:$0x0] =	wrdreg $0x0  }
0xa8: {  	s5 =	sshll.u32 s28, $0x1;
	[dreg:$0x2] =	wrdreg s3  }
0xa9: {  	[dreg:$0x3] =	wrdreg s5  }
0xaa: {  	[dreg:$0x4] =	wrdreg $0xC0  }
0xab: {  	_ =	task [dreg:s7], $0x5FFFF  }
0xac: {  	[dreg:$0x1] =	wrdreg $0xFFFFFFFF  }
0xad: {  	[dreg:$0x0] =	wrdreg $0x60  }
0xae: {  	[dreg:$0x2] =	wrdreg s24  }
0xaf: {  	[dreg:$0x3] =	wrdreg s2  }
0xb0: {  	[dreg:$0x4] =	wrdreg $0x99000  }
0xb1: {  	[dreg:$0x5] =	wrdreg $0x9  }
0xb2: {  	_ =	task.clear_ibuf [dreg:s7], $0x6FFFF;
	_ =	strace $0x9000004C  }
0xb3: {  	s29 =	simm.s32 $0x9;
	_ =	strace $0x8000004E  }
0xb4: {  	_ =	swait.ge [sflag:s29], $0x1  }
0xb5: {  	[sflag:s29] =	ssyncadd.s32 $0xFFFFFFFF  }
0xb6: {  	_ =	strace $0x9000004E  }
0xb7: {  	_ =	sfence  }
0xb8: {  	s30 =	sld [smem:$0x0];
	_ =	sdelay $0x2  }
0xb9: {  	s31 =	sshll.u32 s1, $0xD;
	s1 =	sshrl.u32 s1, $0x2  }
0xba: {  	s3 =	sand.u32 $0x4000, s31;
	s1 =	sadd.s32 s1, s30  }
0xbb: {  	s0 =	sor.u32 s3, s0;
	s1 =	sshll.u32 s1, $0x11  }
0xbc: {  	s0 =	sor.u32 s1, s0  }
0xbd: {  	s0 =	sadd.s32 $0x8F2B, s0  }
0xbe: {  	[sflag:s0] =	ssyncadd.remote.s32 $0x1  }
0xbf: {  	_ =	sfence.sel $0xFFFF  }
0xc0: {  	[dreg:$0x0] =	wrdreg $0xFFFFFFFF;
	(pc) =	sbr.abs _section_cstart, $3  }
0xc1: {  	[dreg:$0x1] =	wrdreg $0xFFFFFFFF  }
0xc2: {  	_ =	task.clear_ibuf [dreg:s7], $0x2FFFF;
	_ =	strace $0x9FFFFFFF  }
0xc3: {  	(tm) =	ssettm $0x7FFFFFFF  }
tec
execute0_lowered:
.L_overlay_start_1:
0x0: {  	(tag) =	ssettag $0x1  }
0x1: {  	s0 =	rddreg [dreg:$0x0]  }
0x2: {  	s2 =	rddreg [dreg:$0x1]  }
0x3: {  	s1 =	rddreg [dreg:$0x2];
	s3 =	srdreg.scid  }
0x4: {  	s9 =	stileid.u32;
	s29 =	simm.s32 $0x7500;
	s30 =	simm.s32 $0x1  }
0x5: {  	s28 =	simm.s32 $0x5;
	s31 =	simm.s32 $0x3;
	s5 =	sand.u32 $0x1, s3  }
0x6: {  	s3 =	simm.s32 $0x0;
	s12 =	smul.u32 $0x7800, s9;
	s4 =	sshll.u32 s5, $0x4  }
0x7: {  	[smem:$0x7FF] =	sst s3;
	s7 =	ssub.s32 $0x2, s5;
	s5 =	smul.u32 $0x78000, s5  }
0x8: {  	s4 =	sor.u32 s9, s4;
	_ =	strace $0x8000004D;
	s8 =	sshrl.u32 s7, $0x1  }
0x9: {  	s20 =	sadd.s32 $0x1200, s12;
	s21 =	sadd.s32 $0x2400, s12;
	s15 =	sadd.s32 $0x3600, s12  }
0xa: {  	s16 =	sadd.s32 $0x4800, s12;
	s17 =	sadd.s32 $0x5A00, s12;
	s6 =	smul.u32 $0x510, s4  }
0xb: {  	s4 =	sadd.s32 $0x2800, s0;
	s14 =	ssub.s32 s7, s8;
	s7 =	sadd.s32 s12, s1  }
0xc: {  	s8 =	sadd.s32 s20, s1;
	s9 =	sadd.s32 s21, s1;
	s10 =	sadd.s32 s15, s1  }
0xd: {  	s11 =	sadd.s32 s16, s1;
	s15 =	sadd.s32 s5, s15;
	s24 =	sadd.s32 s5, s16  }
0xe: {  	s25 =	sadd.s32 s5, s17;
	s16 =	simm.s32 $0x0;
	s23 =	sshrl.u32 s15, $0x3  }
0xf: {  	s15 =	simm.s32 $0x8;
	s18 =	sadd.s32 s6, s0;
	s0 =	sadd.s32 $0x21E00, s0  }
0x10: {  	s2 =	sadd.s32 s2, s6;
	s6 =	sadd.s32 s5, s21;
	s21 =	smax.u32 s14, $0x1  }
0x11: {  	s14 =	simm.s32 $0x7;
	[dreg:$0x4] =	wrdreg s2;
	s19 =	sadd.s32 $0x17C00, s18  }
0x12: {  	s18 =	sadd.s32 $0x6C00, s12;
	s2 =	sadd.s32 s5, s20;
	s6 =	sshrl.u32 s6, $0x3  }
0x13: {  	[dreg:$0x5] =	wrdreg s19;
	s19 =	sadd.s32 s12, s5;
	s12 =	sadd.s32 s17, s1  }
0x14: {  	s13 =	sadd.s32 s18, s1;
	s2 =	sshrl.u32 s2, $0x3;
	s22 =	sadd.s32 s0, s6  }
0x15: {  	s6 =	sshrl.u32 s25, $0x3;
	s5 =	sadd.s32 s5, s18;
	s25 =	simm.s32 $0x60  }
0x16: {  	s19 =	sshrl.u32 s19, $0x3;
	s2 =	sadd.s32 s0, s2;
	[dreg:$0x8] =	wrdreg s22  }
0x17: {  	s26 =	sshrl.u32 s5, $0x3;
	s22 =	simm.s32 $0x9;
	s5 =	simm.s32 $0x6  }
0x18: {  	s19 =	sadd.s32 s0, s19;
	[dreg:$0x7] =	wrdreg s2;
	s2 =	sadd.s32 s0, s23  }
0x19: {  	s20 =	sadd.s32 s0, s26;
	s26 =	simm.s32 $0x6300;
	[dreg:$0x6] =	wrdreg s19  }
0x1a: {  	[dreg:$0x9] =	wrdreg s2;
	s2 =	sshrl.u32 s24, $0x3;
	s19 =	sadd.s32 s0, s6  }
0x1b: {  	s24 =	simm.s32 $0x5100;
	s6 =	simm.s32 $0x4;
	s2 =	sadd.s32 s0, s2  }
0x1c: {  	v0 =	vimm.f32 $0.0e+00;
	s0 =	simm.s32 $0x8700;
	[dreg:$0xa] =	wrdreg s2;
	s2 =	simm.s32 $0x2  }
.LBB2_1:
0x1d: {  	s17 =	rddreg [dreg:$0x4]  }
0x1e: {  	[tilespmem:s3], [sflag:$0x9] =	stream.linear.gather [hbm4b:s17+s3], $0x2880, $0x38;
	[tilespmem:$0x11100] =	vst v63  }
0x1f: {  	_ =	swait.ge [sflag:s22], $0x2880  }
0x20: {  	[sflag:s22] =	ssyncset.done $0x0  }
0x21: {  	s18 =	simm.s32 $0x2880;
	s23 =	rddreg [dreg:$0x5];
	[sflag:s22] =	ssyncadd.s32 $0xFFFFD780  }
0x22: {  	[tilespmem:s18], [sflag:$0x9] =	stream.linear.gather [hbm4b:s23+s3], $0x2880, $0x38;
	[tilespmem:$0x11100] =	vst v63  }
0x23: {  	_ =	swait.ge [sflag:s22], $0x2880  }
0x24: {  	[sflag:s22] =	ssyncset.done $0x0  }
0x25: {  	s17 =	simm.s32 $0xC0;
	s23 =	simm.s32 $0x0;
	[sflag:s22] =	ssyncadd.s32 $0xFFFFD780  }
.LBB2_2:
0x26: {  	p0 =	sne.s32 s17, $0x4740;
	[tilespmem:s23+$0x5120] =	vst v0;
	s18 =	smov.u32 s17;
	s17 =	sadd.s32 $0xC0, s17  }
.Ltmp0:
0x27: {  	[tilespmem:s23+$0x5100] =	vst v0;
	(pc) =	sbr.rel @p0 .LBB2_2-.Ltmp0, $2  }
0x28: {  	[tilespmem:s23+$0x5110] =	vst v0;
	_ =	sdelay $0x2  }
0x29: {  	s23 =	sshra.s32 s18, $0x2  }
0x2a: {  	[tilespmem:s23+$0x5120] =	vst v0  }
0x2b: {  	[tilespmem:s23+$0x5100] =	vst v0  }
0x2c: {  	[tilespmem:s23+$0x5110] =	vst v0  }
0x2d: {  	[spmem:s7] =	stream.linear.scatter [tilespmem:s24], [sflag:$0x9], $0x1200, $0x38;
	[tilespmem:$0x11100] =	vst v63  }
0x2e: {  	_ =	swait.ge [sflag:s22], $0x1200  }
0x2f: {  	[sflag:s22] =	ssyncset.done $0x0  }
0x30: {  	[sflag:s22] =	ssyncadd.s32 $0xFFFFEE00  }
0x31: {  	[spmem:s8] =	stream.linear.scatter [tilespmem:s24], [sflag:$0x9], $0x1200, $0x38;
	[tilespmem:$0x11100] =	vst v63  }
0x32: {  	_ =	swait.ge [sflag:s22], $0x1200  }
0x33: {  	[sflag:s22] =	ssyncset.done $0x0  }
0x34: {  	[sflag:s22] =	ssyncadd.s32 $0xFFFFEE00  }
0x35: {  	[spmem:s9] =	stream.linear.scatter [tilespmem:s24], [sflag:$0x9], $0x1200, $0x38;
	[tilespmem:$0x11100] =	vst v63  }
0x36: {  	_ =	swait.ge [sflag:s22], $0x1200  }
0x37: {  	[sflag:s22] =	ssyncset.done $0x0  }
0x38: {  	[sflag:s22] =	ssyncadd.s32 $0xFFFFEE00  }
0x39: {  	[spmem:s10] =	stream.linear.scatter [tilespmem:s24], [sflag:$0x9], $0x1200, $0x38;
	[tilespmem:$0x11100] =	vst v63  }
0x3a: {  	_ =	swait.ge [sflag:s22], $0x1200  }
0x3b: {  	[sflag:s22] =	ssyncset.done $0x0  }
0x3c: {  	[sflag:s22] =	ssyncadd.s32 $0xFFFFEE00  }
0x3d: {  	[spmem:s11] =	stream.linear.scatter [tilespmem:s24], [sflag:$0x9], $0x1200, $0x38;
	[tilespmem:$0x11100] =	vst v63  }
0x3e: {  	_ =	swait.ge [sflag:s22], $0x1200  }
0x3f: {  	[sflag:s22] =	ssyncset.done $0x0  }
0x40: {  	[sflag:s22] =	ssyncadd.s32 $0xFFFFEE00  }
0x41: {  	[spmem:s12] =	stream.linear.scatter [tilespmem:s24], [sflag:$0x9], $0x1200, $0x38;
	[tilespmem:$0x11100] =	vst v63  }
0x42: {  	_ =	swait.ge [sflag:s22], $0x1200  }
0x43: {  	[sflag:s22] =	ssyncset.done $0x0  }
0x44: {  	[sflag:s22] =	ssyncadd.s32 $0xFFFFEE00  }
0x45: {  	[spmem:s13] =	stream.linear.scatter [tilespmem:s24], [sflag:$0x9], $0xC00, $0x38;
	[tilespmem:$0x11100] =	vst v63  }
0x46: {  	_ =	swait.ge [sflag:s22], $0xC00  }
0x47: {  	[sflag:s22] =	ssyncset.done $0x0  }
0x48: {  	[sflag:s22] =	ssyncadd.s32 $0xFFFFF400  }
0x49: {  	s17 =	simm.s32 $0x0;
	[bflag:$0x0] =	sbarrier.arrive $0xFFFF  }
0x4a: {  	[tilespmem:s24], [sflag:$0x1] =	stream.indirect.gather [hbm4b:s4+s25], $0x30, s17, s25, $0xb8;
	[tilespmem:$0x11100] =	vst v63  }
0x4b: {  	_ = 	snop  }
0x4c: {  	[tilespmem:s26], [sflag:$0x2] =	stream.indirect.gather [hbm4b:s4+s25], $0x30, s25, s25, $0xb8;
	[tilespmem:$0x11100] =	vst v63  }
0x4d: {  	s18 =	simm.s32 $0xC0  }
0x4e: {  	[tilespmem:s29], [sflag:$0x3] =	stream.indirect.gather [hbm4b:s4+s25], $0x30, s18, s25, $0xb8;
	[tilespmem:$0x11100] =	vst v63  }
0x4f: {  	_ =	swait.ge [sflag:s30], $0x1200  }
0x50: {  	[sflag:s30] =	ssyncset.done $0x0  }
0x51: {  	s23 =	simm.s32 $0x2880;
	[sflag:s30] =	ssyncadd.s32 $0xFFFFEE00  }
0x52: {  	[spmem:s1] =	stream.indirect.scatter.add.f32 [tilespmem:s24], [sflag:$0x5], $0x30, s23, s25, $0xb8;
	[tilespmem:$0x11100] =	vst v63  }
0x53: {  	s18 =	simm.s32 $0x120  }
0x54: {  	[tilespmem:s0], [sflag:$0x4] =	stream.indirect.gather [hbm4b:s4+s25], $0x30, s18, s25, $0xb8;
	[tilespmem:$0x11100] =	vst v63  }
0x55: {  	_ =	swait.ge [sflag:s2], $0x1200  }
0x56: {  	[sflag:s2] =	ssyncset.done $0x0  }
0x57: {  	[sflag:s2] =	ssyncadd.s32 $0xFFFFEE00  }
0x58: {  	_ =	swait.ge [sflag:s28], $0x1200  }
0x59: {  	[sflag:s28] =	ssyncset.done $0x0  }
0x5a: {  	s23 =	simm.s32 $0x28E0;
	[sflag:s28] =	ssyncadd.s32 $0xFFFFEE00  }
0x5b: {  	[spmem:s1] =	stream.indirect.scatter.add.f32 [tilespmem:s26], [sflag:$0x6], $0x30, s23, s25, $0xb8;
	[tilespmem:$0x11100] =	vst v63  }
0x5c: {  	s18 =	simm.s32 $0x180  }
0x5d: {  	[tilespmem:s24], [sflag:$0x1] =	stream.indirect.gather [hbm4b:s4+s25], $0x30, s18, s25, $0xb8;
	[tilespmem:$0x11100] =	vst v63  }
0x5e: {  	_ =	swait.ge [sflag:s31], $0x1200  }
0x5f: {  	[sflag:s31] =	ssyncset.done $0x0  }
0x60: {  	[sflag:s31] =	ssyncadd.s32 $0xFFFFEE00  }
0x61: {  	_ =	swait.ge [sflag:s5], $0x1200  }
0x62: {  	[sflag:s5] =	ssyncset.done $0x0  }
0x63: {  	s23 =	simm.s32 $0x2940;
	[sflag:s5] =	ssyncadd.s32 $0xFFFFEE00  }
0x64: {  	[spmem:s1] =	stream.indirect.scatter.add.f32 [tilespmem:s29], [sflag:$0x7], $0x30, s23, s25, $0xb8;
	[tilespmem:$0x11100] =	vst v63  }
0x65: {  	s18 =	simm.s32 $0x1E0  }
0x66: {  	[tilespmem:s26], [sflag:$0x2] =	stream.indirect.gather [hbm4b:s4+s25], $0x30, s18, s25, $0xb8;
	[tilespmem:$0x11100] =	vst v63  }
0x67: {  	_ =	swait.ge [sflag:s6], $0x1200  }
0x68: {  	[sflag:s6] =	ssyncset.done $0x0  }
0x69: {  	[sflag:s6] =	ssyncadd.s32 $0xFFFFEE00  }
0x6a: {  	_ =	swait.ge [sflag:s14], $0x1200  }
0x6b: {  	[sflag:s14] =	ssyncset.done $0x0  }
0x6c: {  	s23 =	simm.s32 $0x29A0;
	[sflag:s14] =	ssyncadd.s32 $0xFFFFEE00  }
0x6d: {  	[spmem:s1] =	stream.indirect.scatter.add.f32 [tilespmem:s0], [sflag:$0x8], $0x30, s23, s25, $0xb8;
	[tilespmem:$0x11100] =	vst v63  }
0x6e: {  	s18 =	simm.s32 $0x240  }
0x6f: {  	[tilespmem:s29], [sflag:$0x3] =	stream.indirect.gather [hbm4b:s4+s25], $0x30, s18, s25, $0xb8;
	[tilespmem:$0x11100] =	vst v63  }
0x70: {  	_ =	swait.ge [sflag:s30], $0x1200  }
0x71: {  	[sflag:s30] =	ssyncset.done $0x0  }
0x72: {  	[sflag:s30] =	ssyncadd.s32 $0xFFFFEE00  }
0x73: {  	_ =	swait.ge [sflag:s15], $0x1200  }
0x74: {  	[sflag:s15] =	ssyncset.done $0x0  }
0x75: {  	s23 =	simm.s32 $0x2A00;
	[sflag:s15] =	ssyncadd.s32 $0xFFFFEE00  }
0x76: {  	[spmem:s1] =	stream.indirect.scatter.add.f32 [tilespmem:s24], [sflag:$0x5], $0x30, s23, s25, $0xb8;
	[tilespmem:$0x11100] =	vst v63  }
0x77: {  	s18 =	simm.s32 $0x2A0  }
0x78: {  	[tilespmem:s0], [sflag:$0x4] =	stream.indirect.gather [hbm4b:s4+s25], $0x30, s18, s25, $0xb8;
	[tilespmem:$0x11100] =	vst v63  }
0x79: {  	_ =	swait.ge [sflag:s2], $0x1200  }
0x7a: {  	[sflag:s2] =	ssyncset.done $0x0  }
0x7b: {  	[sflag:s2] =	ssyncadd.s32 $0xFFFFEE00  }
0x7c: {  	_ =	swait.ge [sflag:s28], $0x1200  }
0x7d: {  	[sflag:s28] =	ssyncset.done $0x0  }
0x7e: {  	s23 =	simm.s32 $0x2A60;
	[sflag:s28] =	ssyncadd.s32 $0xFFFFEE00  }
0x7f: {  	[spmem:s1] =	stream.indirect.scatter.add.f32 [tilespmem:s26], [sflag:$0x6], $0x30, s23, s25, $0xb8;
	[tilespmem:$0x11100] =	vst v63  }
0x80: {  	s18 =	simm.s32 $0x300  }
0x81: {  	[tilespmem:s24], [sflag:$0x1] =	stream.indirect.gather [hbm4b:s4+s25], $0x30, s18, s25, $0xb8;
	[tilespmem:$0x11100] =	vst v63  }
0x82: {  	_ =	swait.ge [sflag:s31], $0x1200  }
0x83: {  	[sflag:s31] =	ssyncset.done $0x0  }
0x84: {  	[sflag:s31] =	ssyncadd.s32 $0xFFFFEE00  }
0x85: {  	_ =	swait.ge [sflag:s5], $0x1200  }
0x86: {  	[sflag:s5] =	ssyncset.done $0x0  }
0x87: {  	s23 =	simm.s32 $0x2AC0;
	[sflag:s5] =	ssyncadd.s32 $0xFFFFEE00  }
0x88: {  	[spmem:s1] =	stream.indirect.scatter.add.f32 [tilespmem:s29], [sflag:$0x7], $0x30, s23, s25, $0xb8;
	[tilespmem:$0x11100] =	vst v63  }
0x89: {  	s18 =	simm.s32 $0x360  }
0x8a: {  	[tilespmem:s26], [sflag:$0x2] =	stream.indirect.gather [hbm4b:s4+s25], $0x30, s18, s25, $0xb8;
	[tilespmem:$0x11100] =	vst v63  }
0x8b: {  	_ =	swait.ge [sflag:s6], $0x1200  }
0x8c: {  	[sflag:s6] =	ssyncset.done $0x0  }
0x8d: {  	[sflag:s6] =	ssyncadd.s32 $0xFFFFEE00  }
0x8e: {  	_ =	swait.ge [sflag:s14], $0x1200  }
0x8f: {  	[sflag:s14] =	ssyncset.done $0x0  }
0x90: {  	s23 =	simm.s32 $0x2B20;
	[sflag:s14] =	ssyncadd.s32 $0xFFFFEE00  }
0x91: {  	[spmem:s1] =	stream.indirect.scatter.add.f32 [tilespmem:s0], [sflag:$0x8], $0x30, s23, s25, $0xb8;
	[tilespmem:$0x11100] =	vst v63  }
0x92: {  	s17 =	simm.s32 $0x600;
	s23 =	simm.s32 $0x3C0  }
.LBB2_4:
0x93: {  	[tilespmem:s29], [sflag:$0x3] =	stream.indirect.gather [hbm4b:s4+s25], $0x30, s23, s25, $0xb8;
	[tilespmem:$0x11100] =	vst v63  }
0x94: {  	s18 =	smov.u32 s17  }
0x95: {  	p0 =	sne.s32 s17, $0x8A00;
	s17 =	sadd.s32 $0x600, s17;
	_ =	swait.ge [sflag:s30], $0x1200  }
0x96: {  	[sflag:s30] =	ssyncset.done $0x0  }
0x97: {  	[sflag:s30] =	ssyncadd.s32 $0xFFFFEE00  }
0x98: {  	_ =	swait.ge [sflag:s15], $0x1200  }
0x99: {  	s23 =	sshra.s32 s18, $0x2;
	[sflag:s15] =	ssyncset.done $0x0  }
0x9a: {  	s18 =	sadd.s32 $0x2A00, s23;
	[sflag:s15] =	ssyncadd.s32 $0xFFFFEE00  }
0x9b: {  	[spmem:s1] =	stream.indirect.scatter.add.f32 [tilespmem:s24], [sflag:$0x5], $0x30, s18, s25, $0xb8;
	[tilespmem:$0x11100] =	vst v63  }
0x9c: {  	s18 =	sadd.s32 $0x2A0, s23  }
0x9d: {  	[tilespmem:s0], [sflag:$0x4] =	stream.indirect.gather [hbm4b:s4+s25], $0x30, s18, s25, $0xb8;
	[tilespmem:$0x11100] =	vst v63  }
0x9e: {  	_ =	swait.ge [sflag:s2], $0x1200  }
0x9f: {  	[sflag:s2] =	ssyncset.done $0x0  }
0xa0: {  	[sflag:s2] =	ssyncadd.s32 $0xFFFFEE00  }
0xa1: {  	_ =	swait.ge [sflag:s28], $0x1200  }
0xa2: {  	[sflag:s28] =	ssyncset.done $0x0  }
0xa3: {  	s18 =	sadd.s32 $0x2A60, s23;
	[sflag:s28] =	ssyncadd.s32 $0xFFFFEE00  }
0xa4: {  	[spmem:s1] =	stream.indirect.scatter.add.f32 [tilespmem:s26], [sflag:$0x6], $0x30, s18, s25, $0xb8;
	[tilespmem:$0x11100] =	vst v63  }
0xa5: {  	s18 =	sadd.s32 $0x300, s23  }
0xa6: {  	[tilespmem:s24], [sflag:$0x1] =	stream.indirect.gather [hbm4b:s4+s25], $0x30, s18, s25, $0xb8;
	[tilespmem:$0x11100] =	vst v63  }
0xa7: {  	_ =	swait.ge [sflag:s31], $0x1200  }
0xa8: {  	[sflag:s31] =	ssyncset.done $0x0  }
0xa9: {  	[sflag:s31] =	ssyncadd.s32 $0xFFFFEE00  }
0xaa: {  	_ =	swait.ge [sflag:s5], $0x1200  }
0xab: {  	[sflag:s5] =	ssyncset.done $0x0  }
0xac: {  	s18 =	sadd.s32 $0x2AC0, s23;
	[sflag:s5] =	ssyncadd.s32 $0xFFFFEE00  }
0xad: {  	[spmem:s1] =	stream.indirect.scatter.add.f32 [tilespmem:s29], [sflag:$0x7], $0x30, s18, s25, $0xb8;
	[tilespmem:$0x11100] =	vst v63  }
0xae: {  	s18 =	sadd.s32 $0x360, s23  }
0xaf: {  	[tilespmem:s26], [sflag:$0x2] =	stream.indirect.gather [hbm4b:s4+s25], $0x30, s18, s25, $0xb8;
	[tilespmem:$0x11100] =	vst v63  }
0xb0: {  	_ =	swait.ge [sflag:s6], $0x1200  }
0xb1: {  	[sflag:s6] =	ssyncset.done $0x0  }
0xb2: {  	[sflag:s6] =	ssyncadd.s32 $0xFFFFEE00  }
.Ltmp1:
0xb3: {  	_ =	swait.ge [sflag:s14], $0x1200;
	(pc) =	sbr.rel @p0 .LBB2_4-.Ltmp1, $4  }
0xb4: {  	[sflag:s14] =	ssyncset.done $0x0  }
0xb5: {  	s18 =	sadd.s32 $0x2B20, s23;
	[sflag:s14] =	ssyncadd.s32 $0xFFFFEE00  }
0xb6: {  	[spmem:s1] =	stream.indirect.scatter.add.f32 [tilespmem:s0], [sflag:$0x8], $0x30, s18, s25, $0xb8;
	[tilespmem:$0x11100] =	vst v63  }
0xb7: {  	s23 =	sadd.s32 $0x3C0, s23  }
0xb8: {  	[tilespmem:s29], [sflag:$0x3] =	stream.indirect.gather [hbm4b:s4+s25], $0x30, s23, s25, $0xb8;
	[tilespmem:$0x11100] =	vst v63  }
0xb9: {  	_ =	swait.ge [sflag:s30], $0x1200  }
0xba: {  	[sflag:s30] =	ssyncset.done $0x0  }
0xbb: {  	[sflag:s30] =	ssyncadd.s32 $0xFFFFEE00  }
0xbc: {  	_ =	swait.ge [sflag:s15], $0x1200  }
0xbd: {  	[sflag:s15] =	ssyncset.done $0x0  }
0xbe: {  	s17 =	simm.s32 $0x4E00;
	[sflag:s15] =	ssyncadd.s32 $0xFFFFEE00  }
0xbf: {  	[spmem:s1] =	stream.indirect.scatter.add.f32 [tilespmem:s24], [sflag:$0x5], $0x30, s17, s25, $0xb8;
	[tilespmem:$0x11100] =	vst v63  }
0xc0: {  	s23 =	simm.s32 $0x26A0  }
0xc1: {  	[tilespmem:s0], [sflag:$0x4] =	stream.indirect.gather [hbm4b:s4+s25], $0x30, s23, s25, $0xb8;
	[tilespmem:$0x11100] =	vst v63  }
0xc2: {  	_ =	swait.ge [sflag:s2], $0x1200  }
0xc3: {  	[sflag:s2] =	ssyncset.done $0x0  }
0xc4: {  	[sflag:s2] =	ssyncadd.s32 $0xFFFFEE00  }
0xc5: {  	_ =	swait.ge [sflag:s28], $0x1200  }
0xc6: {  	[sflag:s28] =	ssyncset.done $0x0  }
0xc7: {  	s18 =	simm.s32 $0x4E60;
	[sflag:s28] =	ssyncadd.s32 $0xFFFFEE00  }
0xc8: {  	[spmem:s1] =	stream.indirect.scatter.add.f32 [tilespmem:s26], [sflag:$0x6], $0x30, s18, s25, $0xb8;
	[tilespmem:$0x11100] =	vst v63  }
0xc9: {  	s23 =	simm.s32 $0x2700  }
0xca: {  	[tilespmem:s24], [sflag:$0x1] =	stream.indirect.gather [hbm4b:s4+s25], $0x30, s23, s25, $0xb8;
	[tilespmem:$0x11100] =	vst v63  }
0xcb: {  	_ =	swait.ge [sflag:s31], $0x1200  }
0xcc: {  	[sflag:s31] =	ssyncset.done $0x0  }
0xcd: {  	[sflag:s31] =	ssyncadd.s32 $0xFFFFEE00  }
0xce: {  	_ =	swait.ge [sflag:s5], $0x1200  }
0xcf: {  	[sflag:s5] =	ssyncset.done $0x0  }
0xd0: {  	s18 =	simm.s32 $0x4EC0;
	[sflag:s5] =	ssyncadd.s32 $0xFFFFEE00  }
0xd1: {  	[spmem:s1] =	stream.indirect.scatter.add.f32 [tilespmem:s29], [sflag:$0x7], $0x30, s18, s25, $0xb8;
	[tilespmem:$0x11100] =	vst v63  }
0xd2: {  	s23 =	simm.s32 $0x2760  }
0xd3: {  	[tilespmem:s26], [sflag:$0x2] =	stream.indirect.gather [hbm4b:s4+s25], $0x30, s23, s25, $0xb8;
	[tilespmem:$0x11100] =	vst v63  }
0xd4: {  	_ =	swait.ge [sflag:s6], $0x1200  }
0xd5: {  	[sflag:s6] =	ssyncset.done $0x0  }
0xd6: {  	[sflag:s6] =	ssyncadd.s32 $0xFFFFEE00  }
0xd7: {  	_ =	swait.ge [sflag:s14], $0x1200  }
0xd8: {  	[sflag:s14] =	ssyncset.done $0x0  }
0xd9: {  	s18 =	simm.s32 $0x4F20;
	[sflag:s14] =	ssyncadd.s32 $0xFFFFEE00  }
0xda: {  	[spmem:s1] =	stream.indirect.scatter.add.f32 [tilespmem:s0], [sflag:$0x8], $0x30, s18, s25, $0xb8;
	[tilespmem:$0x11100] =	vst v63  }
0xdb: {  	s23 =	simm.s32 $0x27C0  }
0xdc: {  	[tilespmem:s29], [sflag:$0x3] =	stream.indirect.gather [hbm4b:s4+s25], $0x30, s23, s25, $0xb8;
	[tilespmem:$0x11100] =	vst v63  }
0xdd: {  	_ =	swait.ge [sflag:s30], $0x1200  }
0xde: {  	[sflag:s30] =	ssyncset.done $0x0  }
0xdf: {  	[sflag:s30] =	ssyncadd.s32 $0xFFFFEE00  }
0xe0: {  	_ =	swait.ge [sflag:s15], $0x1200  }
0xe1: {  	[sflag:s15] =	ssyncset.done $0x0  }
0xe2: {  	s18 =	simm.s32 $0x4F80;
	[sflag:s15] =	ssyncadd.s32 $0xFFFFEE00  }
0xe3: {  	[spmem:s1] =	stream.indirect.scatter.add.f32 [tilespmem:s24], [sflag:$0x5], $0x30, s18, s25, $0xb8;
	[tilespmem:$0x11100] =	vst v63  }
0xe4: {  	s23 =	simm.s32 $0x2820  }
0xe5: {  	[tilespmem:s0], [sflag:$0x4] =	stream.indirect.gather [hbm4b:s4+s25], $0x30, s23, s25, $0xb8;
	[tilespmem:$0x11100] =	vst v63  }
0xe6: {  	_ =	swait.ge [sflag:s2], $0x1200  }
0xe7: {  	[sflag:s2] =	ssyncset.done $0x0  }
0xe8: {  	[sflag:s2] =	ssyncadd.s32 $0xFFFFEE00  }
0xe9: {  	_ =	swait.ge [sflag:s28], $0x1200  }
0xea: {  	[sflag:s28] =	ssyncset.done $0x0  }
0xeb: {  	s18 =	simm.s32 $0x4FE0;
	[sflag:s28] =	ssyncadd.s32 $0xFFFFEE00  }
0xec: {  	[spmem:s1] =	stream.indirect.scatter.add.f32 [tilespmem:s26], [sflag:$0x6], $0x30, s18, s25, $0xb8;
	[tilespmem:$0x11100] =	vst v63  }
0xed: {  	_ =	swait.ge [sflag:s31], $0x1200  }
0xee: {  	[sflag:s31] =	ssyncset.done $0x0  }
0xef: {  	[sflag:s31] =	ssyncadd.s32 $0xFFFFEE00  }
0xf0: {  	_ =	swait.ge [sflag:s5], $0x1200  }
0xf1: {  	[sflag:s5] =	ssyncset.done $0x0  }
0xf2: {  	s23 =	simm.s32 $0x5040;
	[sflag:s5] =	ssyncadd.s32 $0xFFFFEE00  }
0xf3: {  	[spmem:s1] =	stream.indirect.scatter.add.f32 [tilespmem:s29], [sflag:$0x7], $0x30, s23, s25, $0xb8;
	[tilespmem:$0x11100] =	vst v63  }
0xf4: {  	_ =	swait.ge [sflag:s6], $0x1200  }
0xf5: {  	[sflag:s6] =	ssyncset.done $0x0  }
0xf6: {  	[sflag:s6] =	ssyncadd.s32 $0xFFFFEE00  }
0xf7: {  	_ =	swait.ge [sflag:s14], $0x1200  }
0xf8: {  	[sflag:s14] =	ssyncset.done $0x0  }
0xf9: {  	s18 =	simm.s32 $0x50A0;
	[sflag:s14] =	ssyncadd.s32 $0xFFFFEE00  }
0xfa: {  	[spmem:s1] =	stream.indirect.scatter.add.f32 [tilespmem:s0], [sflag:$0x8], $0x30, s18, s25, $0xb8;
	[tilespmem:$0x11100] =	vst v63  }
0xfb: {  	_ =	swait.ge [sflag:s15], $0x1200  }
0xfc: {  	[sflag:s15] =	ssyncset.done $0x0  }
0xfd: {  	[sflag:s15] =	ssyncadd.s32 $0xFFFFEE00  }
0xfe: {  	[bflag:$0x0] =	sbarrier.arrive $0xFFFF  }
0xff: {  	[tilespmem:s24], [sflag:$0x9] =	stream.linear.gather [spmem:s7], $0x1200, $0x38;
	[tilespmem:$0x11100] =	vst v63  }
0x100: {  	_ =	swait.ge [sflag:s22], $0x1200  }
0x101: {  	[sflag:s22] =	ssyncset.done $0x0  }
0x102: {  	s23 =	rddreg [dreg:$0x6];
	[sflag:s22] =	ssyncadd.s32 $0xFFFFEE00  }
0x103: {  	[hbm4b:s23+s3] =	stream.linear.scatter [tilespmem:s24], [sflag:$0x9], $0x1200, $0x38;
	[tilespmem:$0x11100] =	vst v63  }
0x104: {  	_ =	swait.ge [sflag:s22], $0x1200  }
0x105: {  	[sflag:s22] =	ssyncset.done $0x0  }
0x106: {  	[sflag:s22] =	ssyncadd.s32 $0xFFFFEE00  }
0x107: {  	[tilespmem:s24], [sflag:$0x9] =	stream.linear.gather [spmem:s8], $0x1200, $0x38;
	[tilespmem:$0x11100] =	vst v63  }
0x108: {  	_ =	swait.ge [sflag:s22], $0x1200  }
0x109: {  	[sflag:s22] =	ssyncset.done $0x0  }
0x10a: {  	s18 =	rddreg [dreg:$0x7];
	[sflag:s22] =	ssyncadd.s32 $0xFFFFEE00  }
0x10b: {  	[hbm4b:s18+s3] =	stream.linear.scatter [tilespmem:s24], [sflag:$0x9], $0x1200, $0x38;
	[tilespmem:$0x11100] =	vst v63  }
0x10c: {  	_ =	swait.ge [sflag:s22], $0x1200  }
0x10d: {  	[sflag:s22] =	ssyncset.done $0x0  }
0x10e: {  	[sflag:s22] =	ssyncadd.s32 $0xFFFFEE00  }
0x10f: {  	[tilespmem:s24], [sflag:$0x9] =	stream.linear.gather [spmem:s9], $0x1200, $0x38;
	[tilespmem:$0x11100] =	vst v63  }
0x110: {  	_ =	swait.ge [sflag:s22], $0x1200  }
0x111: {  	[sflag:s22] =	ssyncset.done $0x0  }
0x112: {  	s23 =	rddreg [dreg:$0x8];
	[sflag:s22] =	ssyncadd.s32 $0xFFFFEE00  }
0x113: {  	[hbm4b:s23+s3] =	stream.linear.scatter [tilespmem:s24], [sflag:$0x9], $0x1200, $0x38;
	[tilespmem:$0x11100] =	vst v63  }
0x114: {  	_ =	swait.ge [sflag:s22], $0x1200  }
0x115: {  	[sflag:s22] =	ssyncset.done $0x0  }
0x116: {  	[sflag:s22] =	ssyncadd.s32 $0xFFFFEE00  }
0x117: {  	[tilespmem:s24], [sflag:$0x9] =	stream.linear.gather [spmem:s10], $0x1200, $0x38;
	[tilespmem:$0x11100] =	vst v63  }
0x118: {  	_ =	swait.ge [sflag:s22], $0x1200  }
0x119: {  	[sflag:s22] =	ssyncset.done $0x0  }
0x11a: {  	s18 =	rddreg [dreg:$0x9];
	[sflag:s22] =	ssyncadd.s32 $0xFFFFEE00  }
0x11b: {  	[hbm4b:s18+s3] =	stream.linear.scatter [tilespmem:s24], [sflag:$0x9], $0x1200, $0x38;
	[tilespmem:$0x11100] =	vst v63  }
0x11c: {  	_ =	swait.ge [sflag:s22], $0x1200  }
0x11d: {  	[sflag:s22] =	ssyncset.done $0x0  }
0x11e: {  	[sflag:s22] =	ssyncadd.s32 $0xFFFFEE00  }
0x11f: {  	[tilespmem:s24], [sflag:$0x9] =	stream.linear.gather [spmem:s11], $0x1200, $0x38;
	[tilespmem:$0x11100] =	vst v63  }
0x120: {  	_ =	swait.ge [sflag:s22], $0x1200  }
0x121: {  	[sflag:s22] =	ssyncset.done $0x0  }
0x122: {  	s23 =	rddreg [dreg:$0xa];
	[sflag:s22] =	ssyncadd.s32 $0xFFFFEE00  }
0x123: {  	[hbm4b:s23+s3] =	stream.linear.scatter [tilespmem:s24], [sflag:$0x9], $0x1200, $0x38;
	[tilespmem:$0x11100] =	vst v63  }
0x124: {  	_ =	swait.ge [sflag:s22], $0x1200  }
0x125: {  	[sflag:s22] =	ssyncset.done $0x0  }
0x126: {  	[sflag:s22] =	ssyncadd.s32 $0xFFFFEE00  }
0x127: {  	[tilespmem:s24], [sflag:$0x9] =	stream.linear.gather [spmem:s12], $0x1200, $0x38;
	[tilespmem:$0x11100] =	vst v63  }
0x128: {  	_ =	swait.ge [sflag:s22], $0x1200  }
0x129: {  	[sflag:s22] =	ssyncset.done $0x0  }
0x12a: {  	[sflag:s22] =	ssyncadd.s32 $0xFFFFEE00  }
0x12b: {  	[hbm4b:s19+s3] =	stream.linear.scatter [tilespmem:s24], [sflag:$0x9], $0x1200, $0x38;
	[tilespmem:$0x11100] =	vst v63  }
0x12c: {  	_ =	swait.ge [sflag:s22], $0x1200  }
0x12d: {  	[sflag:s22] =	ssyncset.done $0x0  }
0x12e: {  	[sflag:s22] =	ssyncadd.s32 $0xFFFFEE00  }
0x12f: {  	[tilespmem:s24], [sflag:$0x9] =	stream.linear.gather [spmem:s13], $0xC00, $0x38;
	[tilespmem:$0x11100] =	vst v63  }
0x130: {  	s16 =	sadd.s32 $0x1, s16;
	_ =	swait.ge [sflag:s22], $0xC00  }
0x131: {  	p0 =	sne.s32 s16, s21;
	[sflag:s22] =	ssyncset.done $0x0  }
.Ltmp2:
0x132: {  	[sflag:s22] =	ssyncadd.s32 $0xFFFFF400;
	(pc) =	sbr.rel @p0 .LBB2_1-.Ltmp2, $4  }
0x133: {  	[hbm4b:s20+s3] =	stream.linear.scatter [tilespmem:s24], [sflag:$0x9], $0xC00, $0x38;
	[tilespmem:$0x11100] =	vst v63  }
0x134: {  	_ =	swait.ge [sflag:s22], $0xC00  }
0x135: {  	[sflag:s22] =	ssyncset.done $0x0  }
0x136: {  	[sflag:s22] =	ssyncadd.s32 $0xFFFFF400  }
0x137: {  	_ =	sfence.sel $0x180000  }
0x138: {  	[bflag:$0x0] =	sbarrier.arrive $0xFFFF  }
0x139: {  	_ =	strace $0x9000004D  }
0x13a: {  	s0 =	stileid.u32;
	[bflag:$0x2] =	sbarrier.arrive $0xFFFF  }
0x13b: {  	p0 =	sne.s32 s0, $0x0;
	s0 =	rddreg [dreg:$0x3]  }
0x13c: {  	s0 =	sadd.s32 @!p0 $0x100000, s0  }
0x13d: {  	[sflag:s0] =	ssyncadd.tile.s32 @!p0 $0x1;
	_ =	shalt  }
.Lfunc_end2:
_tile_overlayer_lowered:
.L_overlay_start_2:
0x13e: {  	(tag) =	ssettag $0x2  }
0x13f: {  	s0 =	rddreg [dreg:$0x0];
	s2 =	stileid.u32  }
0x140: {  	s1 =	rddreg [dreg:$0x1];
	p0 =	sne.s32 s2, $0x0  }
0x141: {  	s3 =	rddreg [dreg:$0x2];
	[bflag:$0x3] =	sbarrier.arrive $0xFFFF;
	s2 =	simm.s32 @!p0 $0x1C09  }
0x142: {  	[timem:s3], [sflag:s2] =	dma.local @!p0 [hbm:s0], s1  }
0x143: {  	s0 =	simm.s32 @!p0 $0x9  }
0x144: {  	_ =	swait.ge @!p0 [sflag:s0], s1  }
0x145: {  	s1 =	ssub.s32 @!p0 $0x0, s1;
	[sflag:s0] =	ssyncset.done @!p0 $0x0  }
0x146: {  	[sflag:s0] =	ssyncadd.s32 @!p0 s1  }
0x147: {  	[bflag:$0x3] =	sbarrier.arrive $0xFFFF  }
0x148: {  	_ =	shalt  }

// kernel: kernel.8.cloned.1.call-start
scs
__scs_entry_jumppad:
0x0: {  	(pc) =	sbr.rel $0x88, $3  }
0x1: {  	(tag) =	ssettag $0x0;
	lr =	simm.s32 $0x1  }
0x2: {  	[smem:$0x3F9B] =	sst lr;
	_ =	strace $0xD0000000  }
0x3: {  	_ = 	snop  }
0x4: {  	_ = 	snop  }
0x5: {  	_ = 	snop  }
0x6: {  	_ = 	snop  }
0x7: {  	_ = 	snop  }
__scs_overlays_trampoline_lowered:
0x8: {  	[smem:$0x3FAA] =	sst s0  }
0x9: {  	[smem:$0x3FAB] =	sst s1  }
0xa: {  	[smem:$0x3FAC] =	sst s2  }
0xb: {  	[smem:$0x3FAD] =	sst s3  }
0xc: {  	[smem:$0x3FAE] =	sst s4  }
0xd: {  	[smem:$0x3FAF] =	sst s5  }
0xe: {  	[smem:$0x3FB0] =	sst s6  }
0xf: {  	[smem:$0x3FB1] =	sst s7  }
0x10: {  	[smem:$0x3FB2] =	sst s8  }
0x11: {  	[smem:$0x3FB3] =	sst s9;
	s0 =	simm.s32 @!p0 $0x0  }
0x12: {  	s1 =	sld [smem:$0x3F99];
	s0 =	simm.s32 @p0 $0x1  }
0x13: {  	[smem:$0x3FB4] =	sst s0;
	s0 =	simm.s32 @!p1 $0x0  }
0x14: {  	s2 =	sld [smem:$0x3F98];
	s0 =	simm.s32 @p1 $0x1  }
0x15: {  	[smem:$0x3FB5] =	sst s0;
	s0 =	simm.s32 @!p2 $0x0  }
0x16: {  	s3 =	sld [smem:$0x3FDB];
	s0 =	simm.s32 @p2 $0x1  }
0x17: {  	s4 =	simm.s32 $0x1BF5;
	[smem:$0x3FB7] =	sst s0  }
0x18: {  	s0 =	sld [smem:$0x3F9A];
	_ =	swait.ge [sflag:s4], $0x0  }
0x19: {  	s7 =	sld [smem:$0x3F9B]  }
0x1a: {  	s8 =	sadd.s32 $0xFFFFE003, lr  }
0x1b: {  	s9 =	sadd.s32 $0xFFFFFEF7, lr;
	s5 =	simm.s32 $0xFFFFFFFF;
	p2 =	slt.u32 s8, $0xFFFFF086  }
0x1c: {  	p1 =	slt.u32 s9, $0xF7A;
	s5 =	simm.s32 @!p2 $0x0  }
0x1d: {  	s5 =	simm.s32 @p1 $0x1;
	p0 =	seq.s32 s7, s2  }
0x1e: {  	s7 =	smul.u32 @!p0 $0xF7A, s2;
	p2 =	seq.s32 @!p0 s5, $0x0  }
0x1f: {  	s9 =	smul.u32 $0xF7A, s1;
	s8 =	simm.s32 @!p0 $0x1BF5;
	p2 =	por !p2, p0  }
0x20: {  	[sflag:s8] =	ssyncset.s32 @!p0 $0xFFFFF086;
	s6 =	sadd.s32 @!p0 s3, s7;
	s7 =	simm.s32 @!p0 $0x108  }
0x21: {  	s3 =	sadd.s32 s3, s9;
	s6 =	sadd.s32 @!p0 $0x88, s6;
	s7 =	simm.s32 @p2 $0x1082  }
0x22: {  	[simem:s7], [sflag:s8] =	dma.local @!p0 [hbm:s6], $0xF7A  }
0x23: {  	s9 =	sor.u32 $0xD0000000, s2;
	s6 =	simm.s32 $0x108;
	_ =	swait.ge @!p0 [sflag:s8], $0x0  }
0x24: {  	s3 =	sadd.s32 $0x88, s3;
	s6 =	simm.s32 @!p1 $0x1082;
	[sflag:s4] =	ssyncset.s32 $0xFFFFF086  }
0x25: {  	[simem:s6], [sflag:s4] =	dma.local [hbm:s3], $0xF7A  }
0x26: {  	[smem:$0x3F9B] =	sst s1;
	(tag) =	ssettag s2;
	_ =	strace s9  }
0x27: {  	s1 =	sld [smem:$0x3FAB]  }
0x28: {  	s2 =	sld [smem:$0x3FAC]  }
0x29: {  	s4 =	sld [smem:$0x3FAE]  }
0x2a: {  	p0 =	seq.s32 s5, $0x0;
	s5 =	sld [smem:$0x3FAF]  }
0x2b: {  	s6 =	sld [smem:$0x3FB0]  }
0x2c: {  	s7 =	sld [smem:$0x3FB1]  }
0x2d: {  	s3 =	simm.s32 $0x108;
	s8 =	sld [smem:$0x3FB2]  }
0x2e: {  	s3 =	simm.s32 @!p0 $0x1082;
	s9 =	sld [smem:$0x3FB3]  }
0x2f: {  	lr =	sadd.s32 s0, s3;
	s0 =	sld [smem:$0x3FAA]  }
0x30: {  	s3 =	sld [smem:$0x3FAD]  }
0x31: {  	[smem:$0x3FB6] =	sst s10  }
0x32: {  	s10 =	sld [smem:$0x3FB4];
	_ =	sdelay $0x3  }
0x33: {  	p0 =	seq.s32 s10, $0x1;
	s10 =	sld [smem:$0x3FB6];
	_ =	sdelay $0x3  }
0x34: {  	[smem:$0x3FB6] =	sst s10  }
0x35: {  	s10 =	sld [smem:$0x3FB5];
	_ =	sdelay $0x3  }
0x36: {  	p1 =	seq.s32 s10, $0x1;
	s10 =	sld [smem:$0x3FB6];
	_ =	sdelay $0x3  }
0x37: {  	[smem:$0x3FB6] =	sst s10  }
0x38: {  	s10 =	sld [smem:$0x3FB7]  }
0x39: {  	_ = 	snop;
	(pc) =	sbr.ind lr, $3  }
0x3a: {  	_ = 	snop  }
0x3b: {  	_ = 	snop  }
0x3c: {  	p2 =	seq.s32 s10, $0x1;
	s10 =	sld [smem:$0x3FB6]  }
0x3d: {  	_ =	shalt  }
0x3e: {  	_ =	shalt  }
0x3f: {  	_ =	shalt  }
0x40: {  	_ =	shalt  }
0x41: {  	_ =	shalt  }
0x42: {  	_ =	shalt  }
0x43: {  	_ =	shalt  }
0x44: {  	_ =	shalt  }
0x45: {  	_ =	shalt  }
0x46: {  	_ =	shalt  }
0x47: {  	_ =	shalt  }
0x48: {  	_ =	shalt  }
0x49: {  	_ =	shalt  }
0x4a: {  	_ =	shalt  }
0x4b: {  	_ =	shalt  }
0x4c: {  	_ =	shalt  }
0x4d: {  	_ =	shalt  }
0x4e: {  	_ =	shalt  }
0x4f: {  	_ =	shalt  }
0x50: {  	_ =	shalt  }
0x51: {  	_ =	shalt  }
0x52: {  	_ =	shalt  }
0x53: {  	_ =	shalt  }
0x54: {  	_ =	shalt  }
0x55: {  	_ =	shalt  }
0x56: {  	_ =	shalt  }
0x57: {  	_ =	shalt  }
0x58: {  	_ =	shalt  }
0x59: {  	_ =	shalt  }
0x5a: {  	_ =	shalt  }
0x5b: {  	_ =	shalt  }
0x5c: {  	_ =	shalt  }
0x5d: {  	_ =	shalt  }
0x5e: {  	_ =	shalt  }
0x5f: {  	_ =	shalt  }
0x60: {  	_ =	shalt  }
0x61: {  	_ =	shalt  }
0x62: {  	_ =	shalt  }
0x63: {  	_ =	shalt  }
0x64: {  	_ =	shalt  }
0x65: {  	_ =	shalt  }
0x66: {  	_ =	shalt  }
0x67: {  	_ =	shalt  }
0x68: {  	_ =	shalt  }
0x69: {  	_ =	shalt  }
0x6a: {  	_ =	shalt  }
0x6b: {  	_ =	shalt  }
0x6c: {  	_ =	shalt  }
0x6d: {  	_ =	shalt  }
0x6e: {  	_ =	shalt  }
0x6f: {  	_ =	shalt  }
0x70: {  	_ =	shalt  }
0x71: {  	_ =	shalt  }
0x72: {  	_ =	shalt  }
0x73: {  	_ =	shalt  }
0x74: {  	_ =	shalt  }
0x75: {  	_ =	shalt  }
0x76: {  	_ =	shalt  }
0x77: {  	_ =	shalt  }
0x78: {  	_ =	shalt  }
0x79: {  	_ =	shalt  }
0x7a: {  	_ =	shalt  }
0x7b: {  	_ =	shalt  }
0x7c: {  	_ =	shalt  }
0x7d: {  	_ =	shalt  }
0x7e: {  	_ =	shalt  }
0x7f: {  	_ =	shalt  }
0x80: {  	_ =	shalt  }
0x81: {  	_ =	shalt  }
0x82: {  	_ =	shalt  }
0x83: {  	_ =	shalt  }
0x84: {  	_ =	shalt  }
0x85: {  	_ =	shalt  }
0x86: {  	_ =	shalt  }
0x87: {  	_ =	shalt  }
.Lfunc_end0:
.L_simem_size_0:
called_computation_lowered:
.L_overlay_start_0:
0x88: {  	s2 =	sld [smem:$0x3FD9]  }
0x89: {  	s3 =	sld [smem:$0x3FFE];
	_ =	sdelay $0x1  }
0x8a: {  	s1 =	srdreg.scid  }
0x8b: {  	s0 =	sand.u32 $0x1, s1  }
0x8c: {  	s16 =	sshll.u32 s0, $0xA;
	s2 =	sadd.s32 s3, s2  }
0x8d: {  	s2 =	sadd.s32 s2, s16  }
0x8e: {  	[smem:$0x3FC2] =	sst s2  }
0x8f: {  	_ = 	snop  }
0x90: {  	(tm) =	ssettm $0x1  }
0x91: {  	s17 =	sld [smem:$0x3FFB];
	_ =	sdelay $0x3  }
0x92: {  	_ =	strace s17  }
0x93: {  	s2 =	sld [smem:$0x3FFC];
	_ =	sdelay $0x3  }
0x94: {  	_ =	strace s2  }
0x95: {  	s2 =	sld [smem:$0x3FFD];
	_ =	sdelay $0x3  }
0x96: {  	_ =	strace s2  }
0x97: {  	_ =	strace $0x8FFFFFFF  }
0x98: {  	s18 =	sld [smem:$0x3FDB];
	_ =	sdelay $0x1  }
0x99: {  	s19 =	simm.s32 $_scs_section_size  }
0x9a: {  	s4 =	simm.s32 $_size__tile_overlayer_lowered;
	s5 =	simm.s32 $_tile_overlayer_lowered  }
0x9b: {  	s22 =	simm.s32 $0x1BFF;
	s21 =	sshll.u32 s5, $0x1;
	s2 =	sadd.s32 s19, s18  }
0x9c: {  	s6 =	simm.s32 $0x0;
	s20 =	sshll.u32 s4, $0x1;
	s4 =	sadd.s32 s21, s2  }
0x9d: {  	[timem:s6], [sflag:s22] =	dma.local [hbm:s4], s20  }
0x9e: {  	_ =	swait.ge [sflag:s22], s20  }
0x9f: {  	s3 =	ssub.s32 $0x0, s20;
	[sflag:s22] =	ssyncset.done $0x0  }
0xa0: {  	[sflag:s22] =	ssyncadd.s32 s3;
	_ =	sdelay $0x1  }
0xa1: {  	s23 =	simm.s32 $0x1B8B  }
0xa2: {  	_ =	swait.ge [sflag:s23], $0x1  }
0xa3: {  	[sflag:s23] =	ssyncset.done $0x0  }
0xa4: {  	s25 =	simm.s32 $0x1B8E;
	s24 =	sld [smem:$0x3FFE];
	[sflag:s23] =	ssyncadd.s32 $0xFFFFFFFF  }
0xa5: {  	s26 =	simm.s32 $execute0_lowered;
	[smem:$0x3FD2] =	sst s25  }
0xa6: {  	s4 =	sshll.u32 s26, $0x1;
	_ =	strace $0x80000046;
	[dreg:$0x1] =	wrdreg $0xFFFFFFFF  }
0xa7: {  	s28 =	simm.s32 $_size_execute0_lowered;
	s2 =	sadd.s32 s2, s4;
	[dreg:$0x0] =	wrdreg $0x0  }
0xa8: {  	s4 =	sshll.u32 s28, $0x1;
	[dreg:$0x2] =	wrdreg s2  }
0xa9: {  	[dreg:$0x3] =	wrdreg s4  }
0xaa: {  	[dreg:$0x4] =	wrdreg $0xC0  }
0xab: {  	_ =	task [dreg:s6], $0x5FFFF  }
0xac: {  	[dreg:$0x1] =	wrdreg $0xFFFFFFFF  }
0xad: {  	[dreg:$0x0] =	wrdreg $0x60  }
0xae: {  	[dreg:$0x2] =	wrdreg s24  }
0xaf: {  	[dreg:$0x3] =	wrdreg $0x53000  }
0xb0: {  	[dreg:$0x4] =	wrdreg $0x55800  }
0xb1: {  	[dreg:$0x5] =	wrdreg $0x9  }
0xb2: {  	_ =	task.clear_ibuf [dreg:s6], $0x6FFFF;
	_ =	strace $0x90000046  }
0xb3: {  	s29 =	simm.s32 $0x9;
	_ =	strace $0x80000048  }
0xb4: {  	_ =	swait.ge [sflag:s29], $0x1  }
0xb5: {  	[sflag:s29] =	ssyncadd.s32 $0xFFFFFFFF  }
0xb6: {  	_ =	strace $0x90000048  }
0xb7: {  	_ =	sfence  }
0xb8: {  	s30 =	sld [smem:$0x0];
	_ =	sdelay $0x2  }
0xb9: {  	s31 =	sshll.u32 s1, $0xD;
	s1 =	sshrl.u32 s1, $0x2  }
0xba: {  	s3 =	sand.u32 $0x4000, s31;
	s1 =	sadd.s32 s1, s30  }
0xbb: {  	s0 =	sor.u32 s3, s0;
	s1 =	sshll.u32 s1, $0x11  }
0xbc: {  	s0 =	sor.u32 s1, s0  }
0xbd: {  	s0 =	sadd.s32 $0x8F2B, s0  }
0xbe: {  	[sflag:s0] =	ssyncadd.remote.s32 $0x1  }
0xbf: {  	_ =	sfence.sel $0xFFFF  }
0xc0: {  	[dreg:$0x0] =	wrdreg $0xFFFFFFFF;
	(pc) =	sbr.abs _section_cstart, $3  }
0xc1: {  	[dreg:$0x1] =	wrdreg $0xFFFFFFFF  }
0xc2: {  	_ =	task.clear_ibuf [dreg:s6], $0x2FFFF;
	_ =	strace $0x9FFFFFFF  }
0xc3: {  	(tm) =	ssettm $0x7FFFFFFF  }
tec
execute0_lowered:
.L_overlay_start_1:
0x0: {  	(tag) =	ssettag $0x1  }
0x1: {  	s0 =	rddreg [dreg:$0x0]  }
0x2: {  	s1 =	rddreg [dreg:$0x1];
	s2 =	srdreg.scid  }
0x3: {  	s3 =	rddreg [dreg:$0x2];
	s8 =	stileid.u32  }
0x4: {  	s4 =	simm.s32 $0x0;
	s12 =	simm.s32 $0x9;
	s13 =	simm.s32 $0x2800  }
0x5: {  	s14 =	simm.s32 $0x5080;
	s15 =	simm.s32 $0x80;
	s16 =	simm.s32 $0x5000  }
0x6: {  	s18 =	simm.s32 $0x2900;
	s19 =	simm.s32 $0x100;
	s20 =	simm.s32 $0x2980  }
0x7: {  	s21 =	simm.s32 $0x180;
	s22 =	simm.s32 $0x1;
	s23 =	simm.s32 $0x5  }
0x8: {  	s28 =	simm.s32 $0x7;
	s29 =	simm.s32 $0x4;
	s30 =	simm.s32 $0x8  }
0x9: {  	s31 =	simm.s32 $0x0;
	s2 =	sand.u32 $0x1, s2;
	s6 =	smul.u32 $0x500, s8  }
0xa: {  	[smem:$0x7FF] =	sst s4;
	s5 =	sshll.u32 s2, $0x4;
	s7 =	sshll.u32 s2, $0x7  }
0xb: {  	_ =	strace $0x80000047;
	s2 =	ssub.s32 $0x2, s2;
	s5 =	sor.u32 s8, s5  }
0xc: {  	s6 =	sor.u32 s7, s6;
	s26 =	sshrl.u32 s2, $0x1;
	s8 =	smul.u32 $0x280, s8  }
0xd: {  	s5 =	smul.u32 $0x500, s5;
	s25 =	sshrl.u32 s6, $0x3;
	s2 =	ssub.s32 s2, s26  }
0xe: {  	s26 =	simm.s32 $0x3;
	s7 =	sadd.s32 s8, s1;
	s8 =	sadd.s32 s8, s3  }
0xf: {  	s11 =	smax.u32 s2, $0x1;
	s24 =	sadd.s32 s5, s0;
	s0 =	sadd.s32 s25, s0  }
0x10: {  	s25 =	simm.s32 $0x6;
	s5 =	sadd.s32 $0x2800, s24;
	s6 =	sadd.s32 $0xC800, s24  }
0x11: {  	v0 =	vimm.f32 $1.000000000e+00;
	v1 =	vimm.f32 $0.0e+00;
	s9 =	sadd.s32 $0x16800, s0;
	s10 =	sadd.s32 $0x17200, s0;
	s24 =	simm.s32 $0x2  }
.LBB2_1:
0x12: {  	[tilespmem:s4], [sflag:$0x9] =	stream.linear.gather [hbm4b:s5+s4], $0x2800, $0x38;
	[tilespmem:$0x5800] =	vst v63  }
0x13: {  	_ =	swait.ge [sflag:s12], $0x2800  }
0x14: {  	[sflag:s12] =	ssyncset.done $0x0  }
0x15: {  	[sflag:s12] =	ssyncadd.s32 $0xFFFFD800  }
0x16: {  	[tilespmem:s13], [sflag:$0x9] =	stream.linear.gather [hbm4b:s6+s4], $0x2800, $0x38;
	[tilespmem:$0x5800] =	vst v63  }
0x17: {  	_ =	swait.ge [sflag:s12], $0x2800  }
0x18: {  	[sflag:s12] =	ssyncset.done $0x0  }
0x19: {  	[sflag:s12] =	ssyncadd.s32 $0xFFFFD800  }
0x1a: {  	[tilespmem:$0x5000] =	vst v0  }
0x1b: {  	[tilespmem:$0x5010] =	vst v0  }
0x1c: {  	[tilespmem:$0x5020] =	vst v0  }
0x1d: {  	[tilespmem:$0x5030] =	vst v0  }
0x1e: {  	[tilespmem:$0x5040] =	vst v0  }
0x1f: {  	[tilespmem:$0x5050] =	vst v0  }
0x20: {  	[tilespmem:$0x5060] =	vst v0  }
0x21: {  	[tilespmem:$0x5070] =	vst v0  }
0x22: {  	[tilespmem:$0x5080] =	vst v1  }
0x23: {  	[tilespmem:$0x5090] =	vst v1  }
0x24: {  	[tilespmem:$0x50A0] =	vst v1  }
0x25: {  	[tilespmem:$0x50B0] =	vst v1  }
0x26: {  	[tilespmem:$0x50C0] =	vst v1  }
0x27: {  	[tilespmem:$0x50D0] =	vst v1  }
0x28: {  	[tilespmem:$0x50E0] =	vst v1  }
0x29: {  	[tilespmem:$0x50F0] =	vst v1  }
0x2a: {  	[tilespmem:$0x5100] =	vst v1  }
0x2b: {  	[tilespmem:$0x5110] =	vst v1  }
0x2c: {  	[tilespmem:$0x5120] =	vst v1  }
0x2d: {  	[tilespmem:$0x5130] =	vst v1  }
0x2e: {  	[tilespmem:$0x5140] =	vst v1  }
0x2f: {  	[tilespmem:$0x5150] =	vst v1  }
0x30: {  	[tilespmem:$0x5160] =	vst v1  }
0x31: {  	[tilespmem:$0x5170] =	vst v1  }
0x32: {  	[tilespmem:$0x5180] =	vst v1  }
0x33: {  	[tilespmem:$0x5190] =	vst v1  }
0x34: {  	[tilespmem:$0x51A0] =	vst v1  }
0x35: {  	[tilespmem:$0x51B0] =	vst v1  }
0x36: {  	[tilespmem:$0x51C0] =	vst v1  }
0x37: {  	[tilespmem:$0x51D0] =	vst v1  }
0x38: {  	[tilespmem:$0x51E0] =	vst v1  }
0x39: {  	[tilespmem:$0x51F0] =	vst v1  }
0x3a: {  	[tilespmem:$0x5200] =	vst v1  }
0x3b: {  	[tilespmem:$0x5210] =	vst v1  }
0x3c: {  	[tilespmem:$0x5220] =	vst v1  }
0x3d: {  	[tilespmem:$0x5230] =	vst v1  }
0x3e: {  	[tilespmem:$0x5240] =	vst v1  }
0x3f: {  	[tilespmem:$0x5250] =	vst v1  }
0x40: {  	[tilespmem:$0x5260] =	vst v1  }
0x41: {  	[tilespmem:$0x5270] =	vst v1  }
0x42: {  	[tilespmem:$0x5280] =	vst v1  }
0x43: {  	[tilespmem:$0x5290] =	vst v1  }
0x44: {  	[tilespmem:$0x52A0] =	vst v1  }
0x45: {  	[tilespmem:$0x52B0] =	vst v1  }
0x46: {  	[tilespmem:$0x52C0] =	vst v1  }
0x47: {  	[tilespmem:$0x52D0] =	vst v1  }
0x48: {  	[tilespmem:$0x52E0] =	vst v1  }
0x49: {  	[tilespmem:$0x52F0] =	vst v1  }
0x4a: {  	[spmem:s7] =	stream.linear.scatter [tilespmem:s14], [sflag:$0x9], $0x280, $0x38;
	[tilespmem:$0x5800] =	vst v63  }
0x4b: {  	_ =	swait.ge [sflag:s12], $0x280  }
0x4c: {  	[sflag:s12] =	ssyncset.done $0x0  }
0x4d: {  	[sflag:s12] =	ssyncadd.s32 $0xFFFFFD80  }
0x4e: {  	[spmem:s8] =	stream.linear.scatter [tilespmem:s14], [sflag:$0x9], $0x280, $0x38;
	[tilespmem:$0x5800] =	vst v63  }
0x4f: {  	_ =	swait.ge [sflag:s12], $0x280  }
0x50: {  	[sflag:s12] =	ssyncset.done $0x0  }
0x51: {  	[sflag:s12] =	ssyncadd.s32 $0xFFFFFD80  }
0x52: {  	[bflag:$0x0] =	sbarrier.arrive $0xFFFF  }
0x53: {  	[spmem:s1] =	stream.indirect.scatter.add.f32 [tilespmem:s16], [sflag:$0x1], $0x1, s13, s15, $0xb8;
	[tilespmem:$0x5800] =	vst v63  }
0x54: {  	_ = 	snop  }
0x55: {  	[spmem:s3] =	stream.indirect.scatter.add.f32 [tilespmem:s16], [sflag:$0x5], $0x1, s4, s15, $0xb8;
	[tilespmem:$0x5800] =	vst v63  }
0x56: {  	s0 =	simm.s32 $0x2880  }
0x57: {  	[spmem:s1] =	stream.indirect.scatter.add.f32 [tilespmem:s16], [sflag:$0x2], $0x1, s0, s15, $0xb8;
	[tilespmem:$0x5800] =	vst v63  }
0x58: {  	_ = 	snop  }
0x59: {  	[spmem:s3] =	stream.indirect.scatter.add.f32 [tilespmem:s16], [sflag:$0x6], $0x1, s15, s15, $0xb8;
	[tilespmem:$0x5800] =	vst v63  }
0x5a: {  	_ = 	snop  }
0x5b: {  	[spmem:s1] =	stream.indirect.scatter.add.f32 [tilespmem:s16], [sflag:$0x3], $0x1, s18, s15, $0xb8;
	[tilespmem:$0x5800] =	vst v63  }
0x5c: {  	_ = 	snop  }
0x5d: {  	[spmem:s3] =	stream.indirect.scatter.add.f32 [tilespmem:s16], [sflag:$0x7], $0x1, s19, s15, $0xb8;
	[tilespmem:$0x5800] =	vst v63  }
0x5e: {  	_ = 	snop  }
0x5f: {  	[spmem:s1] =	stream.indirect.scatter.add.f32 [tilespmem:s16], [sflag:$0x4], $0x1, s20, s15, $0xb8;
	[tilespmem:$0x5800] =	vst v63  }
0x60: {  	_ = 	snop  }
0x61: {  	[spmem:s3] =	stream.indirect.scatter.add.f32 [tilespmem:s16], [sflag:$0x8], $0x1, s21, s15, $0xb8;
	[tilespmem:$0x5800] =	vst v63  }
0x62: {  	_ =	swait.ge [sflag:s22], $0x80  }
0x63: {  	[sflag:s22] =	ssyncset.done $0x0  }
0x64: {  	[sflag:s22] =	ssyncadd.s32 $0xFFFFFF80  }
0x65: {  	_ =	swait.ge [sflag:s23], $0x80  }
0x66: {  	[sflag:s23] =	ssyncset.done $0x0  }
0x67: {  	s17 =	simm.s32 $0x2A00;
	[sflag:s23] =	ssyncadd.s32 $0xFFFFFF80  }
0x68: {  	[spmem:s1] =	stream.indirect.scatter.add.f32 [tilespmem:s16], [sflag:$0x1], $0x1, s17, s15, $0xb8;
	[tilespmem:$0x5800] =	vst v63  }
0x69: {  	s2 =	simm.s32 $0x200  }
0x6a: {  	[spmem:s3] =	stream.indirect.scatter.add.f32 [tilespmem:s16], [sflag:$0x5], $0x1, s2, s15, $0xb8;
	[tilespmem:$0x5800] =	vst v63  }
0x6b: {  	_ =	swait.ge [sflag:s24], $0x80  }
0x6c: {  	[sflag:s24] =	ssyncset.done $0x0  }
0x6d: {  	[sflag:s24] =	ssyncadd.s32 $0xFFFFFF80  }
0x6e: {  	_ =	swait.ge [sflag:s25], $0x80  }
0x6f: {  	[sflag:s25] =	ssyncset.done $0x0  }
0x70: {  	s17 =	simm.s32 $0x2A80;
	[sflag:s25] =	ssyncadd.s32 $0xFFFFFF80  }
0x71: {  	[spmem:s1] =	stream.indirect.scatter.add.f32 [tilespmem:s16], [sflag:$0x2], $0x1, s17, s15, $0xb8;
	[tilespmem:$0x5800] =	vst v63  }
0x72: {  	s2 =	simm.s32 $0x280  }
0x73: {  	[spmem:s3] =	stream.indirect.scatter.add.f32 [tilespmem:s16], [sflag:$0x6], $0x1, s2, s15, $0xb8;
	[tilespmem:$0x5800] =	vst v63  }
0x74: {  	_ =	swait.ge [sflag:s26], $0x80  }
0x75: {  	[sflag:s26] =	ssyncset.done $0x0  }
0x76: {  	[sflag:s26] =	ssyncadd.s32 $0xFFFFFF80  }
0x77: {  	_ =	swait.ge [sflag:s28], $0x80  }
0x78: {  	[sflag:s28] =	ssyncset.done $0x0  }
0x79: {  	s17 =	simm.s32 $0x2B00;
	[sflag:s28] =	ssyncadd.s32 $0xFFFFFF80  }
0x7a: {  	[spmem:s1] =	stream.indirect.scatter.add.f32 [tilespmem:s16], [sflag:$0x3], $0x1, s17, s15, $0xb8;
	[tilespmem:$0x5800] =	vst v63  }
0x7b: {  	s2 =	simm.s32 $0x300  }
0x7c: {  	[spmem:s3] =	stream.indirect.scatter.add.f32 [tilespmem:s16], [sflag:$0x7], $0x1, s2, s15, $0xb8;
	[tilespmem:$0x5800] =	vst v63  }
0x7d: {  	_ =	swait.ge [sflag:s29], $0x80  }
0x7e: {  	[sflag:s29] =	ssyncset.done $0x0  }
0x7f: {  	[sflag:s29] =	ssyncadd.s32 $0xFFFFFF80  }
0x80: {  	_ =	swait.ge [sflag:s30], $0x80  }
0x81: {  	s0 =	simm.s32 $0x800;
	[sflag:s30] =	ssyncset.done $0x0  }
0x82: {  	s17 =	simm.s32 $0x2B80;
	s2 =	simm.s32 $0x380;
	[sflag:s30] =	ssyncadd.s32 $0xFFFFFF80  }
0x83: {  	[spmem:s1] =	stream.indirect.scatter.add.f32 [tilespmem:s16], [sflag:$0x4], $0x1, s17, s15, $0xb8;
	[tilespmem:$0x5800] =	vst v63  }
.LBB2_2:
0x84: {  	[spmem:s3] =	stream.indirect.scatter.add.f32 [tilespmem:s16], [sflag:$0x8], $0x1, s2, s15, $0xb8;
	[tilespmem:$0x5800] =	vst v63  }
0x85: {  	s2 =	smov.u32 s0  }
0x86: {  	p0 =	sne.s32 s0, $0x9000;
	s0 =	sadd.s32 $0x800, s0;
	_ =	swait.ge [sflag:s22], $0x80  }
0x87: {  	[sflag:s22] =	ssyncset.done $0x0  }
0x88: {  	[sflag:s22] =	ssyncadd.s32 $0xFFFFFF80  }
0x89: {  	_ =	swait.ge [sflag:s23], $0x80  }
0x8a: {  	s2 =	sshra.s32 s2, $0x2;
	[sflag:s23] =	ssyncset.done $0x0  }
0x8b: {  	s17 =	sadd.s32 $0x2A00, s2;
	[sflag:s23] =	ssyncadd.s32 $0xFFFFFF80  }
0x8c: {  	[spmem:s1] =	stream.indirect.scatter.add.f32 [tilespmem:s16], [sflag:$0x1], $0x1, s17, s15, $0xb8;
	[tilespmem:$0x5800] =	vst v63  }
0x8d: {  	s17 =	sadd.s32 $0x200, s2  }
0x8e: {  	[spmem:s3] =	stream.indirect.scatter.add.f32 [tilespmem:s16], [sflag:$0x5], $0x1, s17, s15, $0xb8;
	[tilespmem:$0x5800] =	vst v63  }
0x8f: {  	_ =	swait.ge [sflag:s24], $0x80  }
0x90: {  	[sflag:s24] =	ssyncset.done $0x0  }
0x91: {  	[sflag:s24] =	ssyncadd.s32 $0xFFFFFF80  }
0x92: {  	_ =	swait.ge [sflag:s25], $0x80  }
0x93: {  	[sflag:s25] =	ssyncset.done $0x0  }
0x94: {  	s17 =	sadd.s32 $0x2A80, s2;
	[sflag:s25] =	ssyncadd.s32 $0xFFFFFF80  }
0x95: {  	[spmem:s1] =	stream.indirect.scatter.add.f32 [tilespmem:s16], [sflag:$0x2], $0x1, s17, s15, $0xb8;
	[tilespmem:$0x5800] =	vst v63  }
0x96: {  	s17 =	sadd.s32 $0x280, s2  }
0x97: {  	[spmem:s3] =	stream.indirect.scatter.add.f32 [tilespmem:s16], [sflag:$0x6], $0x1, s17, s15, $0xb8;
	[tilespmem:$0x5800] =	vst v63  }
0x98: {  	_ =	swait.ge [sflag:s26], $0x80  }
0x99: {  	[sflag:s26] =	ssyncset.done $0x0  }
0x9a: {  	[sflag:s26] =	ssyncadd.s32 $0xFFFFFF80  }
0x9b: {  	_ =	swait.ge [sflag:s28], $0x80  }
0x9c: {  	[sflag:s28] =	ssyncset.done $0x0  }
0x9d: {  	s17 =	sadd.s32 $0x2B00, s2;
	[sflag:s28] =	ssyncadd.s32 $0xFFFFFF80  }
0x9e: {  	[spmem:s1] =	stream.indirect.scatter.add.f32 [tilespmem:s16], [sflag:$0x3], $0x1, s17, s15, $0xb8;
	[tilespmem:$0x5800] =	vst v63  }
0x9f: {  	s17 =	sadd.s32 $0x300, s2  }
0xa0: {  	[spmem:s3] =	stream.indirect.scatter.add.f32 [tilespmem:s16], [sflag:$0x7], $0x1, s17, s15, $0xb8;
	[tilespmem:$0x5800] =	vst v63  }
0xa1: {  	_ =	swait.ge [sflag:s29], $0x80  }
0xa2: {  	[sflag:s29] =	ssyncset.done $0x0  }
0xa3: {  	[sflag:s29] =	ssyncadd.s32 $0xFFFFFF80  }
.Ltmp0:
0xa4: {  	_ =	swait.ge [sflag:s30], $0x80;
	(pc) =	sbr.rel @p0 .LBB2_2-.Ltmp0, $4  }
0xa5: {  	[sflag:s30] =	ssyncset.done $0x0  }
0xa6: {  	s17 =	sadd.s32 $0x2B80, s2;
	[sflag:s30] =	ssyncadd.s32 $0xFFFFFF80  }
0xa7: {  	[spmem:s1] =	stream.indirect.scatter.add.f32 [tilespmem:s16], [sflag:$0x4], $0x1, s17, s15, $0xb8;
	[tilespmem:$0x5800] =	vst v63  }
0xa8: {  	s2 =	sadd.s32 $0x380, s2  }
0xa9: {  	[spmem:s3] =	stream.indirect.scatter.add.f32 [tilespmem:s16], [sflag:$0x8], $0x1, s2, s15, $0xb8;
	[tilespmem:$0x5800] =	vst v63  }
0xaa: {  	_ =	swait.ge [sflag:s22], $0x80  }
0xab: {  	[sflag:s22] =	ssyncset.done $0x0  }
0xac: {  	[sflag:s22] =	ssyncadd.s32 $0xFFFFFF80  }
0xad: {  	_ =	swait.ge [sflag:s23], $0x80  }
0xae: {  	[sflag:s23] =	ssyncset.done $0x0  }
0xaf: {  	[sflag:s23] =	ssyncadd.s32 $0xFFFFFF80  }
0xb0: {  	_ =	swait.ge [sflag:s24], $0x80  }
0xb1: {  	[sflag:s24] =	ssyncset.done $0x0  }
0xb2: {  	[sflag:s24] =	ssyncadd.s32 $0xFFFFFF80  }
0xb3: {  	_ =	swait.ge [sflag:s25], $0x80  }
0xb4: {  	[sflag:s25] =	ssyncset.done $0x0  }
0xb5: {  	[sflag:s25] =	ssyncadd.s32 $0xFFFFFF80  }
0xb6: {  	_ =	swait.ge [sflag:s26], $0x80  }
0xb7: {  	[sflag:s26] =	ssyncset.done $0x0  }
0xb8: {  	[sflag:s26] =	ssyncadd.s32 $0xFFFFFF80  }
0xb9: {  	_ =	swait.ge [sflag:s28], $0x80  }
0xba: {  	[sflag:s28] =	ssyncset.done $0x0  }
0xbb: {  	[sflag:s28] =	ssyncadd.s32 $0xFFFFFF80  }
0xbc: {  	_ =	swait.ge [sflag:s29], $0x80  }
0xbd: {  	[sflag:s29] =	ssyncset.done $0x0  }
0xbe: {  	[sflag:s29] =	ssyncadd.s32 $0xFFFFFF80  }
0xbf: {  	_ =	swait.ge [sflag:s30], $0x80  }
0xc0: {  	[sflag:s30] =	ssyncset.done $0x0  }
0xc1: {  	[sflag:s30] =	ssyncadd.s32 $0xFFFFFF80  }
0xc2: {  	[bflag:$0x0] =	sbarrier.arrive $0xFFFF  }
0xc3: {  	[tilespmem:s14], [sflag:$0x9] =	stream.linear.gather [spmem:s7], $0x280, $0x38;
	[tilespmem:$0x5800] =	vst v63  }
0xc4: {  	_ =	swait.ge [sflag:s12], $0x280  }
0xc5: {  	[sflag:s12] =	ssyncset.done $0x0  }
0xc6: {  	[sflag:s12] =	ssyncadd.s32 $0xFFFFFD80  }
0xc7: {  	[hbm4b:s9+s15] =	stream.strided.scatter [tilespmem:s14], [sflag:$0x9], $0x280, s19, s15, $0x38;
	[tilespmem:$0x5800] =	vst v63  }
0xc8: {  	_ =	swait.ge [sflag:s12], $0x280  }
0xc9: {  	[sflag:s12] =	ssyncset.done $0x0  }
0xca: {  	[sflag:s12] =	ssyncadd.s32 $0xFFFFFD80  }
0xcb: {  	[tilespmem:s14], [sflag:$0x9] =	stream.linear.gather [spmem:s8], $0x280, $0x38;
	[tilespmem:$0x5800] =	vst v63  }
0xcc: {  	s31 =	sadd.s32 $0x1, s31;
	_ =	swait.ge [sflag:s12], $0x280  }
0xcd: {  	p0 =	sne.s32 s31, s11;
	[sflag:s12] =	ssyncset.done $0x0  }
.Ltmp1:
0xce: {  	[sflag:s12] =	ssyncadd.s32 $0xFFFFFD80;
	(pc) =	sbr.rel @p0 .LBB2_1-.Ltmp1, $4  }
0xcf: {  	[hbm4b:s10+s15] =	stream.strided.scatter [tilespmem:s14], [sflag:$0x9], $0x280, s19, s15, $0x38;
	[tilespmem:$0x5800] =	vst v63  }
0xd0: {  	_ =	swait.ge [sflag:s12], $0x280  }
0xd1: {  	[sflag:s12] =	ssyncset.done $0x0  }
0xd2: {  	[sflag:s12] =	ssyncadd.s32 $0xFFFFFD80  }
0xd3: {  	_ =	sfence.sel $0x180000  }
0xd4: {  	[bflag:$0x0] =	sbarrier.arrive $0xFFFF  }
0xd5: {  	_ =	strace $0x90000047  }
0xd6: {  	s0 =	stileid.u32;
	[bflag:$0x2] =	sbarrier.arrive $0xFFFF  }
0xd7: {  	p0 =	sne.s32 s0, $0x0;
	s0 =	rddreg [dreg:$0x3]  }
0xd8: {  	s0 =	sadd.s32 @!p0 $0x100000, s0  }
0xd9: {  	[sflag:s0] =	ssyncadd.tile.s32 @!p0 $0x1;
	_ =	shalt  }
.Lfunc_end2:
_tile_overlayer_lowered:
.L_overlay_start_2:
0xda: {  	(tag) =	ssettag $0x2  }
0xdb: {  	s0 =	rddreg [dreg:$0x0];
	s2 =	stileid.u32  }
0xdc: {  	s1 =	rddreg [dreg:$0x1];
	p0 =	sne.s32 s2, $0x0  }
0xdd: {  	s3 =	rddreg [dreg:$0x2];
	[bflag:$0x3] =	sbarrier.arrive $0xFFFF;
	s2 =	simm.s32 @!p0 $0x1C09  }
0xde: {  	[timem:s3], [sflag:s2] =	dma.local @!p0 [hbm:s0], s1  }
0xdf: {  	s0 =	simm.s32 @!p0 $0x9  }
0xe0: {  	_ =	swait.ge @!p0 [sflag:s0], s1  }
0xe1: {  	s1 =	ssub.s32 @!p0 $0x0, s1;
	[sflag:s0] =	ssyncset.done @!p0 $0x0  }
0xe2: {  	[sflag:s0] =	ssyncadd.s32 @!p0 s1  }
0xe3: {  	[bflag:$0x3] =	sbarrier.arrive $0xFFFF  }
0xe4: {  	_ =	shalt  }

</sc_bundles>
